<compile_context>
chip_gen: v7x
topology: tpu7x:2x2x1
jax: 0.10.2.dev20260603
libtpu: 0.0.44.dev20260713+nightly
codegen_flags: <defaults>
</compile_context>

<pallas_src>
import functools

import jax
import jax.numpy as jnp
from jax import lax
from jax.experimental import pallas as pl
from jax.experimental.pallas import tpu as pltpu
from jax.experimental.pallas import tpu_sc as plsc

N = 10000
E = 320000
D = 128
H = 8
DK = D // H

NW = 32
EPW = E // NW
CH = 16
NCH = EPW // CH
NG = CH // 16
NP = 10240
ROWS_T = NP // 16
DENW = NP * H
DEN_T = DENW // 16

_BLK = 1000



def _proj_body(x_ref, wq_ref, bq_ref, wk_ref, bk_ref, wv_ref, bv_ref,
               ratt_ref, rmsg_ref, q_ref, kv_ref):
    xb = x_ref[...]
    q = jnp.dot(xb, wq_ref[...], preferred_element_type=jnp.float32) + bq_ref[...]
    k = jnp.dot(xb, wk_ref[...], preferred_element_type=jnp.float32) + bk_ref[...]
    v = jnp.dot(xb, wv_ref[...], preferred_element_type=jnp.float32) + bv_ref[...]
    q_ref[...] = q
    kv_ref[:, :D] = jnp.dot(k, ratt_ref[...], preferred_element_type=jnp.float32)
    kv_ref[:, D:] = jnp.dot(v, rmsg_ref[...], preferred_element_type=jnp.float32)


def _proj_call(x, wq, bq, wk, bk, wv, bv, ratt, rmsg):
    full = lambda r, c: pl.BlockSpec((r, c), lambda i: (0, 0))
    return pl.pallas_call(
        _proj_body,
        grid=(N // _BLK,),
        in_specs=[
            pl.BlockSpec((_BLK, D), lambda i: (i, 0)),
            full(D, D), full(1, D), full(D, D), full(1, D), full(D, D), full(1, D),
            full(D, D), full(D, D),
        ],
        out_specs=[
            pl.BlockSpec((_BLK, D), lambda i: (i, 0)),
            pl.BlockSpec((_BLK, 2 * D), lambda i: (i, 0)),
        ],
        out_shape=[
            jax.ShapeDtypeStruct((N, D), jnp.float32),
            jax.ShapeDtypeStruct((N, 2 * D), jnp.float32),
        ],
    )(x, wq, bq, wk, bk, wv, bv, ratt, rmsg)



def _edge_body(q_hbm, kv_hbm, src_hbm, dst_hbm, zn_hbm, zd_hbm,
               num_hbm, den_hbm,
               bufs_a, bufs_b, acc_n, acc_d, sems_a, sems_b):
    c = lax.axis_index("c")
    s = lax.axis_index("s")
    wid = c * 16 + s

    pltpu.sync_copy(zn_hbm.at[pl.ds(s * ROWS_T, ROWS_T)],
                    acc_n.at[pl.ds(s * ROWS_T, ROWS_T)])
    pltpu.sync_copy(zd_hbm.at[pl.ds(s * DEN_T, DEN_T)],
                    acc_d.at[pl.ds(s * DEN_T, DEN_T)])
    plsc.subcore_barrier()

    base0 = wid * EPW
    lane = lax.iota(jnp.int32, 16)
    lane7 = jnp.bitwise_and(lane, 7)
    _H2L = (0, 8, 4, 12, 2, 10, 6, 14)
    xorp = [lane ^ (1 << b) for b in range(4)]
    bitm = [((lane >> b) & 1) == 0 for b in range(4)]
    h2l = [jnp.full((16,), _H2L[h], jnp.int32) for h in range(H)]
    denperm = (((lane & 1) << 3) | ((lane & 2) << 1) | ((lane & 4) >> 1))

    def _merge(u, w, b):
        sel_uw = jnp.where(bitm[b], u, w)
        sel_wu = jnp.where(bitm[b], w, u)
        return sel_uw + sel_wu.at[xorp[b]].get(mode="promise_in_bounds")

    def issue_idx(ci, bufs, sems):
        src_x, dst_x = bufs[0], bufs[1]
        si = sems[0]
        pltpu.async_copy(src_hbm.at[pl.ds(base0 + ci * CH, CH)], src_x, si)
        pltpu.async_copy(dst_hbm.at[pl.ds(base0 + ci * CH, CH)], dst_x, si)

    def wait_idx(bufs, sems):
        src_x, dst_x = bufs[0], bufs[1]
        si = sems[0]
        pltpu.make_async_copy(src_hbm.at[pl.ds(base0, CH)], src_x, si).wait()
        pltpu.make_async_copy(dst_hbm.at[pl.ds(base0, CH)], dst_x, si).wait()

    def issue_gather(bufs, sems):
        src_x, dst_x, kv_x, q_x = bufs[0], bufs[1], bufs[3], bufs[4]
        sg = sems[1]
        pltpu.async_copy(kv_hbm.at[src_x], kv_x, sg)
        pltpu.async_copy(q_hbm.at[dst_x], q_x, sg)

    def wait_gather(bufs, sems):
        src_x, dst_x, kv_x, q_x = bufs[0], bufs[1], bufs[3], bufs[4]
        sg = sems[1]
        pltpu.make_async_copy(kv_hbm.at[src_x], kv_x, sg).wait()
        pltpu.make_async_copy(q_hbm.at[dst_x], q_x, sg).wait()

    def issue_scatter(bufs, sems):
        dstc_x, cv_x, dval_x, didx_x = bufs[2], bufs[5], bufs[6], bufs[7]
        ss = sems[2]
        pltpu.async_copy(cv_x, acc_n.at[dstc_x], ss, add=True)
        pltpu.async_copy(dval_x.at[0], acc_d.at[didx_x.at[0]], ss, add=True)

    def wait_scatter(bufs, sems):
        dstc_x, cv_x, dval_x, didx_x = bufs[2], bufs[5], bufs[6], bufs[7]
        ss = sems[2]
        pltpu.make_async_copy(cv_x, acc_n.at[dstc_x], ss).wait()
        pltpu.make_async_copy(dval_x.at[0], acc_d.at[didx_x.at[0]], ss).wait()

    def compute(bufs):
        dst_x, dstc_x, kv_x, q_x, cv_x, dval_x, didx_x = (
            bufs[1], bufs[2], bufs[3], bufs[4], bufs[5], bufs[6], bufs[7])
        g16 = dst_x[...]
        dstc_x[...] = g16

        @plsc.parallel_loop(0, CH // 2, unroll=8)
        def pair_body(p):
            exs = []
            for par in range(2):
                e = p * 2 + par
                ps = []
                for h in range(H):
                    qh = q_x[e, pl.ds(h * DK, DK)]
                    kh = kv_x[e, pl.ds(h * DK, DK)]
                    ps.append(qh * kh)
                aa = [_merge(ps[2 * i], ps[2 * i + 1], 3) for i in range(4)]
                bb = [_merge(aa[2 * j], aa[2 * j + 1], 2) for j in range(2)]
                cc = _merge(bb[0], bb[1], 1)
                s2 = cc + cc.at[xorp[0]].get(mode="promise_in_bounds")
                ex = jnp.exp(s2)
                for h in range(H):
                    exh = ex.at[h2l[h]].get(mode="promise_in_bounds")
                    vh = kv_x[e, pl.ds(D + h * DK, DK)]
                    cv_x[e, pl.ds(h * DK, DK)] = vh * exh
                exs.append(ex)
            ga = exs[0].at[denperm].get(mode="promise_in_bounds")
            gb = exs[1].at[denperm].get(mode="promise_in_bounds")
            den = jnp.where(lane < 8, ga, gb)
            sel = p * 2 + jnp.right_shift(lane, 3)
            dpair = g16.at[sel].get(mode="promise_in_bounds") * 8 + lane7
            didx_x[0, pl.ds(p * 16, 16)] = dpair
            dval_x[0, pl.ds(p * 16, 16)] = den

    issue_idx(0, bufs_a, sems_a)
    issue_idx(1, bufs_b, sems_b)
    wait_idx(bufs_a, sems_a)
    issue_gather(bufs_a, sems_a)

    def body(ci, cur, nxt, scur, snxt):
        @pl.when(ci <= NCH - 2)
        def _():
            wait_idx(nxt, snxt)
            issue_gather(nxt, snxt)
        wait_gather(cur, scur)
        @pl.when(ci >= 2)
        def _():
            wait_scatter(cur, scur)
        compute(cur)
        @pl.when(ci <= NCH - 3)
        def _():
            issue_idx(ci + 2, cur, scur)
        issue_scatter(cur, scur)

    def loop2(t, carry):
        body(2 * t, bufs_a, bufs_b, sems_a, sems_b)
        body(2 * t + 1, bufs_b, bufs_a, sems_b, sems_a)
        return carry

    lax.fori_loop(0, NCH // 2, loop2, 0)
    body(NCH - 1, bufs_a, bufs_b, sems_a, sems_b)
    wait_scatter(bufs_b, sems_b)
    wait_scatter(bufs_a, sems_a)
    plsc.subcore_barrier()
    pltpu.sync_copy(acc_n.at[pl.ds(s * ROWS_T, ROWS_T)],
                    num_hbm.at[pl.ds(c * NP + s * ROWS_T, ROWS_T)])
    pltpu.sync_copy(acc_d.at[pl.ds(s * DEN_T, DEN_T)],
                    den_hbm.at[pl.ds(c * DENW + s * DEN_T, DEN_T)])


_edge_call = functools.partial(
    pl.kernel,
    out_type=(jax.ShapeDtypeStruct((2 * NP, D), jnp.float32),
              jax.ShapeDtypeStruct((2 * DENW,), jnp.float32)),
    mesh=plsc.VectorSubcoreMesh(core_axis_name="c", subcore_axis_name="s"),
    compiler_params=pltpu.CompilerParams(needs_layout_passes=False),
    scratch_types=[
        (pltpu.VMEM((CH,), jnp.int32),
         pltpu.VMEM((CH,), jnp.int32),
         pltpu.VMEM((CH,), jnp.int32),
         pltpu.VMEM((CH, 2 * D), jnp.float32),
         pltpu.VMEM((CH, D), jnp.float32),
         pltpu.VMEM((CH, D), jnp.float32),
         pltpu.VMEM((NG, 128), jnp.float32),
         pltpu.VMEM((NG, 128), jnp.int32)),
        (pltpu.VMEM((CH,), jnp.int32),
         pltpu.VMEM((CH,), jnp.int32),
         pltpu.VMEM((CH,), jnp.int32),
         pltpu.VMEM((CH, 2 * D), jnp.float32),
         pltpu.VMEM((CH, D), jnp.float32),
         pltpu.VMEM((CH, D), jnp.float32),
         pltpu.VMEM((NG, 128), jnp.float32),
         pltpu.VMEM((NG, 128), jnp.int32)),
        pltpu.VMEM_SHARED((NP, D), jnp.float32),
        pltpu.VMEM_SHARED((DENW,), jnp.float32),
        (pltpu.SemaphoreType.DMA, pltpu.SemaphoreType.DMA,
         pltpu.SemaphoreType.DMA),
        (pltpu.SemaphoreType.DMA, pltpu.SemaphoreType.DMA,
         pltpu.SemaphoreType.DMA),
    ],
)(_edge_body)



def _post_body(pn_ref, pd_ref, x_ref, bsel_ref, wa_ref, ba_ref, skip_ref,
               lns_ref, lnb_ref, o_ref):
    num = pn_ref[0] + pn_ref[1]
    den8 = pd_ref[0] + pd_ref[1]
    den = jnp.dot(den8, bsel_ref[...], preferred_element_type=jnp.float32) + 1e-9
    t = num / den
    trans = jnp.dot(t, wa_ref[...], preferred_element_type=jnp.float32) + ba_ref[...]
    alpha = 1.0 / (1.0 + jnp.exp(-skip_ref[...]))
    out = trans * alpha + x_ref[...] * (1.0 - alpha)
    mu = jnp.mean(out, axis=1, keepdims=True)
    cen = out - mu
    var = jnp.mean(cen * cen, axis=1, keepdims=True)
    o_ref[...] = cen * lax.rsqrt(var + 1e-5) * lns_ref[...] + lnb_ref[...]


def _post_call(pnum, pden, x, bsel, wa, ba, skip11, lns, lnb):
    full = lambda r, c: pl.BlockSpec((r, c), lambda i: (0, 0))
    return pl.pallas_call(
        _post_body,
        grid=(N // _BLK,),
        in_specs=[
            pl.BlockSpec((2, _BLK, D), lambda i: (0, i, 0)),
            pl.BlockSpec((2, _BLK, H), lambda i: (0, i, 0)),
            pl.BlockSpec((_BLK, D), lambda i: (i, 0)),
            full(H, D), full(D, D), full(1, D), full(1, 1),
            full(1, D), full(1, D),
        ],
        out_specs=pl.BlockSpec((_BLK, D), lambda i: (i, 0)),
        out_shape=jax.ShapeDtypeStruct((N, D), jnp.float32),
    )(pnum, pden, x, bsel, wa, ba, skip11, lns, lnb)



def _block_diag8(m):
    out = jnp.zeros((D, D), dtype=m.dtype)
    for h in range(H):
        out = lax.dynamic_update_slice(out, m[h], (h * DK, h * DK))
    return out


def kernel(x, edge_index, Wk, bk, Wq, bq, Wv, bv, Wa, ba,
           rel_att, rel_msg, rel_pri, skip, ln_scale, ln_bias):
    colscale = jnp.repeat(rel_pri, DK) / jnp.sqrt(jnp.float32(DK))
    wq2 = Wq * colscale[None, :]
    bq2 = (bq * colscale).reshape(1, D)
    ratt = _block_diag8(rel_att)
    rmsg = _block_diag8(rel_msg)

    q_arr, kv_arr = _proj_call(x, wq2, bq2, Wk, bk.reshape(1, D),
                               Wv, bv.reshape(1, D), ratt, rmsg)

    src = edge_index[0]
    dst = edge_index[1]
    zn = jnp.zeros((NP, D), jnp.float32)
    zd = jnp.zeros((DENW,), jnp.float32)
    pnum, pden = _edge_call(q_arr, kv_arr, src, dst, zn, zd)
    pnum = pnum.reshape(2, NP, D)
    pden = pden.reshape(2, NP, H)

    bsel = jnp.kron(jnp.eye(H, dtype=jnp.float32), jnp.ones((1, DK), jnp.float32))

    return _post_call(pnum, pden, x, bsel, Wa, ba.reshape(1, D),
                      skip.reshape(1, 1), ln_scale.reshape(1, D),
                      ln_bias.reshape(1, D))

# --- scband reference (transcript-rebuilt; emitter-appended) ---
"""Pipeline reference for scband-hgt-67834713473480 (READ-ONLY COPY).

The authoritative reference and input builder live on the scoring server;
editing this copy changes nothing except your own understanding.
"""

import jax, jax.numpy as jnp
import numpy as np

N = 10000
E = 320000
D = 128
H = 8
DK = D // H


def setup_inputs(seed: int = 0) -> dict:
    key = jax.random.key(seed)
    ks = jax.random.split(key, 16)
    x = jax.random.normal(ks[0], (N, D), dtype=jnp.float32)
    edge_index = jax.random.randint(ks[1], (2, E), 0, N, dtype=jnp.int32)
    s_lin = float(np.sqrt(2.0 / (D + D)))
    Wk = jax.random.normal(ks[2], (D, D), dtype=jnp.float32) * s_lin
    bk = jnp.zeros((D,), dtype=jnp.float32)
    Wq = jax.random.normal(ks[3], (D, D), dtype=jnp.float32) * s_lin
    bq = jnp.zeros((D,), dtype=jnp.float32)
    Wv = jax.random.normal(ks[4], (D, D), dtype=jnp.float32) * s_lin
    bv = jnp.zeros((D,), dtype=jnp.float32)
    Wa = jax.random.normal(ks[5], (D, D), dtype=jnp.float32) * s_lin
    ba = jnp.zeros((D,), dtype=jnp.float32)
    s_rel = float(np.sqrt(2.0 / (DK + DK)))
    rel_att = jax.random.normal(ks[6], (H, DK, DK), dtype=jnp.float32) * s_rel
    rel_msg = jax.random.normal(ks[7], (H, DK, DK), dtype=jnp.float32) * s_rel
    rel_pri = jnp.ones((H,), dtype=jnp.float32)
    skip = jnp.ones((), dtype=jnp.float32)
    ln_scale = jnp.ones((D,), dtype=jnp.float32)
    ln_bias = jnp.zeros((D,), dtype=jnp.float32)
    return {"x": x, "edge_index": edge_index, "Wk": Wk, "bk": bk, "Wq": Wq, "bq": bq,
            "Wv": Wv, "bv": bv, "Wa": Wa, "ba": ba, "rel_att": rel_att, "rel_msg": rel_msg,
            "rel_pri": rel_pri, "skip": skip, "ln_scale": ln_scale, "ln_bias": ln_bias}


def reference(x, edge_index, Wk, bk, Wq, bq, Wv, bv, Wa, ba, rel_att, rel_msg, rel_pri, skip, ln_scale, ln_bias):
    src = edge_index[0]
    dst = edge_index[1]
    k = (x @ Wk + bk).reshape(N, H, DK)
    q = (x @ Wq + bq).reshape(N, H, DK)
    v = (x @ Wv + bv).reshape(N, H, DK)
    # per-relation transforms (single relation here)
    k = jnp.einsum('bij,ijk->bik', k, rel_att)
    v = jnp.einsum('bij,ijk->bik', v, rel_msg)
    # edge attention score: v_dot_u(q, k) summed over d_k, scaled
    score = (q[dst] * k[src]).sum(-1) * rel_pri[None, :] / jnp.sqrt(jnp.float32(DK))  # [E, H]
    # edge softmax normalized by dst
    smax = jax.ops.segment_max(score, dst, num_segments=N)
    smax = jnp.where(jnp.isfinite(smax), smax, 0.0)
    ex = jnp.exp(score - smax[dst])
    denom = jax.ops.segment_sum(ex, dst, num_segments=N)
    attn = ex / (denom[dst] + 1e-9)
    # message passing: u_mul_e then sum per dst
    m = v[src] * attn[:, :, None]
    t = jax.ops.segment_sum(m, dst, num_segments=N).reshape(N, D)
    # target-specific aggregation with skip gate
    trans_out = t @ Wa + ba
    alpha = jax.nn.sigmoid(skip)
    out = trans_out * alpha + x * (1.0 - alpha)
    # layer norm
    mu = out.mean(-1, keepdims=True)
    var = ((out - mu) ** 2).mean(-1, keepdims=True)
    out = (out - mu) / jnp.sqrt(var + 1e-5) * ln_scale + ln_bias
    return out

if __name__ == "__main__":
    import jax
    _d = setup_inputs()
    print(jax.jit(kernel)(*tuple(_d.values())))

</pallas_src>

<mosaic_0001>
#map = affine_map<(d0, d1) -> (0, 0)>
#map1 = affine_map<(d0, d1) -> (0)>
module attributes {stable_mosaic.version = 14 : i64} {
  func.func @_edge_body(%arg0: i32, %arg1: i32, %arg2: memref<10000x128xf32, #tpu.memory_space<hbm>>, %arg3: memref<10000x256xf32, #tpu.memory_space<hbm>>, %arg4: memref<320000xi32, #tpu.memory_space<hbm>>, %arg5: memref<320000xi32, #tpu.memory_space<hbm>>, %arg6: memref<10240x128xf32, #tpu.memory_space<hbm>>, %arg7: memref<81920xf32, #tpu.memory_space<hbm>>, %arg8: memref<20480x128xf32, #tpu.memory_space<hbm>>, %arg9: memref<163840xf32, #tpu.memory_space<hbm>>, %arg10: memref<16xi32, #tpu.memory_space<vmem>>, %arg11: memref<16xi32, #tpu.memory_space<vmem>>, %arg12: memref<16xi32, #tpu.memory_space<vmem>>, %arg13: memref<16x256xf32, #tpu.memory_space<vmem>>, %arg14: memref<16x128xf32, #tpu.memory_space<vmem>>, %arg15: memref<16x128xf32, #tpu.memory_space<vmem>>, %arg16: memref<1x128xf32, #tpu.memory_space<vmem>>, %arg17: memref<1x128xi32, #tpu.memory_space<vmem>>, %arg18: memref<16xi32, #tpu.memory_space<vmem>>, %arg19: memref<16xi32, #tpu.memory_space<vmem>>, %arg20: memref<16xi32, #tpu.memory_space<vmem>>, %arg21: memref<16x256xf32, #tpu.memory_space<vmem>>, %arg22: memref<16x128xf32, #tpu.memory_space<vmem>>, %arg23: memref<16x128xf32, #tpu.memory_space<vmem>>, %arg24: memref<1x128xf32, #tpu.memory_space<vmem>>, %arg25: memref<1x128xi32, #tpu.memory_space<vmem>>, %arg26: memref<10240x128xf32, #tpu.memory_space<vmem_shared>>, %arg27: memref<81920xf32, #tpu.memory_space<vmem_shared>>, %arg28: memref<!tpu.dma_semaphore, #tpu.memory_space<semaphore_mem>>, %arg29: memref<!tpu.dma_semaphore, #tpu.memory_space<semaphore_mem>>, %arg30: memref<!tpu.dma_semaphore, #tpu.memory_space<semaphore_mem>>, %arg31: memref<!tpu.dma_semaphore, #tpu.memory_space<semaphore_mem>>, %arg32: memref<!tpu.dma_semaphore, #tpu.memory_space<semaphore_mem>>, %arg33: memref<!tpu.dma_semaphore, #tpu.memory_space<semaphore_mem>>) attributes {dimension_semantics = [#tpu.dimension_semantics<core_parallel>, #tpu.dimension_semantics<subcore_parallel>], iteration_bounds = array<i64: 2, 16>, scalar_prefetch = 0 : i64, scratch_operands = 24 : i64, tpu.core_type = #tpu.core_type<sc_vector_subcore>, window_params = [{transform_indices = #map}, {transform_indices = #map}, {transform_indices = #map1}, {transform_indices = #map1}, {transform_indices = #map}, {transform_indices = #map1}, {transform_indices = #map}, {transform_indices = #map1}]} {
    %mul3A = arith.constant 16 : i32
    %mul3A_0 = arith.muli %arg0, %mul3A : i32
    %add3A = arith.addi %mul3A_0, %arg1 : i32
    %mul3A_1 = arith.constant 640 : i32
    %mul3A_2 = arith.muli %arg1, %mul3A_1 : i32
    %mul3A_3 = arith.constant 640 : i32
    %mul3A_4 = arith.muli %arg1, %mul3A_3 : i32
    "tpu.region"() ({
      %run_scoped3A = tpu.sem_alloc : memref<!tpu.dma_semaphore, #tpu.memory_space<semaphore_mem>>
      %dma_start3A_197 = arith.constant 0 : i32
      %dma_start3A_198 = tpu.memref_slice %arg26[%mul3A_4, %dma_start3A_197] : memref<10240x128xf32, #tpu.memory_space<vmem_shared>> -> memref<640x128xf32, #tpu.memory_space<vmem_shared>>
      %dma_start3A_199 = arith.constant 0 : i32
      %dma_start3A_200 = tpu.memref_slice %arg6[%mul3A_2, %dma_start3A_199] : memref<10240x128xf32, #tpu.memory_space<hbm>> -> memref<640x128xf32, #tpu.memory_space<hbm>>
      tpu.enqueue_dma source(%dma_start3A_200 : memref<640x128xf32, #tpu.memory_space<hbm>>) target(%dma_start3A_198 : memref<640x128xf32, #tpu.memory_space<vmem_shared>>) target_semaphore(%run_scoped3A : memref<!tpu.dma_semaphore, #tpu.memory_space<semaphore_mem>>)
      %dma_wait3A_201 = arith.constant 0 : i32
      %dma_wait3A_202 = tpu.memref_slice %arg26[%mul3A_4, %dma_wait3A_201] : memref<10240x128xf32, #tpu.memory_space<vmem_shared>> -> memref<640x128xf32, #tpu.memory_space<vmem_shared>>
      %dma_wait3A_203 = arith.constant 0 : i32
      %dma_wait3A_204 = tpu.memref_slice %arg6[%mul3A_2, %dma_wait3A_203] : memref<10240x128xf32, #tpu.memory_space<hbm>> -> memref<640x128xf32, #tpu.memory_space<hbm>>
      tpu.wait_dma2 semaphore(%run_scoped3A : memref<!tpu.dma_semaphore, #tpu.memory_space<semaphore_mem>>) src(%dma_wait3A_204 : memref<640x128xf32, #tpu.memory_space<hbm>>) dst(%dma_wait3A_202 : memref<640x128xf32, #tpu.memory_space<vmem_shared>>)
      tpu.yield
    }) : () -> ()
    %mul3A_5 = arith.constant 5120 : i32
    %mul3A_6 = arith.muli %arg1, %mul3A_5 : i32
    %mul3A_7 = arith.constant 5120 : i32
    %mul3A_8 = arith.muli %arg1, %mul3A_7 : i32
    "tpu.region"() ({
      %run_scoped3A = tpu.sem_alloc : memref<!tpu.dma_semaphore, #tpu.memory_space<semaphore_mem>>
      %dma_start3A_197 = tpu.memref_slice %arg27[%mul3A_8] : memref<81920xf32, #tpu.memory_space<vmem_shared>> -> memref<5120xf32, #tpu.memory_space<vmem_shared>>
      %dma_start3A_198 = tpu.memref_slice %arg7[%mul3A_6] : memref<81920xf32, #tpu.memory_space<hbm>> -> memref<5120xf32, #tpu.memory_space<hbm>>
      tpu.enqueue_dma source(%dma_start3A_198 : memref<5120xf32, #tpu.memory_space<hbm>>) target(%dma_start3A_197 : memref<5120xf32, #tpu.memory_space<vmem_shared>>) target_semaphore(%run_scoped3A : memref<!tpu.dma_semaphore, #tpu.memory_space<semaphore_mem>>)
      %dma_wait3A_199 = tpu.memref_slice %arg27[%mul3A_8] : memref<81920xf32, #tpu.memory_space<vmem_shared>> -> memref<5120xf32, #tpu.memory_space<vmem_shared>>
      %dma_wait3A_200 = tpu.memref_slice %arg7[%mul3A_6] : memref<81920xf32, #tpu.memory_space<hbm>> -> memref<5120xf32, #tpu.memory_space<hbm>>
      tpu.wait_dma2 semaphore(%run_scoped3A : memref<!tpu.dma_semaphore, #tpu.memory_space<semaphore_mem>>) src(%dma_wait3A_200 : memref<5120xf32, #tpu.memory_space<hbm>>) dst(%dma_wait3A_199 : memref<5120xf32, #tpu.memory_space<vmem_shared>>)
      tpu.yield
    }) : () -> ()
    %barrier3A = arith.constant 0 : index
    tpu.barrier barrier_id(%barrier3A)
    %mul3A_9 = arith.constant 10000 : i32
    %mul3A_10 = arith.muli %add3A, %mul3A_9 : i32
    %iota3A = tpu.iota {dimensions = array<i32: 0>} : vector<16xi32>
    %and3A = arith.constant 7 : i32
    %and3A_11 = vector.broadcast %and3A : i32 to vector<16xi32>
    %and3A_12 = arith.andi %iota3A, %and3A_11 : vector<16xi32>
    %xor3A = arith.constant 1 : i32
    %xor3A_13 = vector.broadcast %xor3A : i32 to vector<16xi32>
    %xor3A_14 = arith.xori %iota3A, %xor3A_13 : vector<16xi32>
    %xor3A_15 = arith.constant 2 : i32
    %xor3A_16 = vector.broadcast %xor3A_15 : i32 to vector<16xi32>
    %xor3A_17 = arith.xori %iota3A, %xor3A_16 : vector<16xi32>
    %xor3A_18 = arith.constant 4 : i32
    %xor3A_19 = vector.broadcast %xor3A_18 : i32 to vector<16xi32>
    %xor3A_20 = arith.xori %iota3A, %xor3A_19 : vector<16xi32>
    %xor3A_21 = arith.constant 8 : i32
    %xor3A_22 = vector.broadcast %xor3A_21 : i32 to vector<16xi32>
    %xor3A_23 = arith.xori %iota3A, %xor3A_22 : vector<16xi32>
    %shift_right_arithmetic3A = arith.constant 0 : i32
    %shift_right_arithmetic3A_24 = vector.broadcast %shift_right_arithmetic3A : i32 to vector<16xi32>
    %shift_right_arithmetic3A_25 = arith.shrsi %iota3A, %shift_right_arithmetic3A_24 : vector<16xi32>
    %and3A_26 = arith.constant 1 : i32
    %and3A_27 = vector.broadcast %and3A_26 : i32 to vector<16xi32>
    %and3A_28 = arith.andi %shift_right_arithmetic3A_25, %and3A_27 : vector<16xi32>
    %eq3A = arith.constant 0 : i32
    %eq3A_29 = vector.broadcast %eq3A : i32 to vector<16xi32>
    %eq3A_30 = arith.cmpi eq, %and3A_28, %eq3A_29 : vector<16xi32>
    %shift_right_arithmetic3A_31 = arith.constant 1 : i32
    %shift_right_arithmetic3A_32 = vector.broadcast %shift_right_arithmetic3A_31 : i32 to vector<16xi32>
    %shift_right_arithmetic3A_33 = arith.shrsi %iota3A, %shift_right_arithmetic3A_32 : vector<16xi32>
    %and3A_34 = arith.constant 1 : i32
    %and3A_35 = vector.broadcast %and3A_34 : i32 to vector<16xi32>
    %and3A_36 = arith.andi %shift_right_arithmetic3A_33, %and3A_35 : vector<16xi32>
    %eq3A_37 = arith.constant 0 : i32
    %eq3A_38 = vector.broadcast %eq3A_37 : i32 to vector<16xi32>
    %eq3A_39 = arith.cmpi eq, %and3A_36, %eq3A_38 : vector<16xi32>
    %shift_right_arithmetic3A_40 = arith.constant 2 : i32
    %shift_right_arithmetic3A_41 = vector.broadcast %shift_right_arithmetic3A_40 : i32 to vector<16xi32>
    %shift_right_arithmetic3A_42 = arith.shrsi %iota3A, %shift_right_arithmetic3A_41 : vector<16xi32>
    %and3A_43 = arith.constant 1 : i32
    %and3A_44 = vector.broadcast %and3A_43 : i32 to vector<16xi32>
    %and3A_45 = arith.andi %shift_right_arithmetic3A_42, %and3A_44 : vector<16xi32>
    %eq3A_46 = arith.constant 0 : i32
    %eq3A_47 = vector.broadcast %eq3A_46 : i32 to vector<16xi32>
    %eq3A_48 = arith.cmpi eq, %and3A_45, %eq3A_47 : vector<16xi32>
    %shift_right_arithmetic3A_49 = arith.constant 3 : i32
    %shift_right_arithmetic3A_50 = vector.broadcast %shift_right_arithmetic3A_49 : i32 to vector<16xi32>
    %shift_right_arithmetic3A_51 = arith.shrsi %iota3A, %shift_right_arithmetic3A_50 : vector<16xi32>
    %and3A_52 = arith.constant 1 : i32
    %and3A_53 = vector.broadcast %and3A_52 : i32 to vector<16xi32>
    %and3A_54 = arith.andi %shift_right_arithmetic3A_51, %and3A_53 : vector<16xi32>
    %eq3A_55 = arith.constant 0 : i32
    %eq3A_56 = vector.broadcast %eq3A_55 : i32 to vector<16xi32>
    %eq3A_57 = arith.cmpi eq, %and3A_54, %eq3A_56 : vector<16xi32>
    %broadcast_in_dim3A = arith.constant 0 : i32
    %broadcast_in_dim3A_58 = vector.broadcast %broadcast_in_dim3A : i32 to vector<16xi32>
    %broadcast_in_dim3A_59 = arith.constant 8 : i32
    %broadcast_in_dim3A_60 = vector.broadcast %broadcast_in_dim3A_59 : i32 to vector<16xi32>
    %broadcast_in_dim3A_61 = arith.constant 4 : i32
    %broadcast_in_dim3A_62 = vector.broadcast %broadcast_in_dim3A_61 : i32 to vector<16xi32>
    %broadcast_in_dim3A_63 = arith.constant 12 : i32
    %broadcast_in_dim3A_64 = vector.broadcast %broadcast_in_dim3A_63 : i32 to vector<16xi32>
    %broadcast_in_dim3A_65 = arith.constant 2 : i32
    %broadcast_in_dim3A_66 = vector.broadcast %broadcast_in_dim3A_65 : i32 to vector<16xi32>
    %broadcast_in_dim3A_67 = arith.constant 10 : i32
    %broadcast_in_dim3A_68 = vector.broadcast %broadcast_in_dim3A_67 : i32 to vector<16xi32>
    %broadcast_in_dim3A_69 = arith.constant 6 : i32
    %broadcast_in_dim3A_70 = vector.broadcast %broadcast_in_dim3A_69 : i32 to vector<16xi32>
    %broadcast_in_dim3A_71 = arith.constant 14 : i32
    %broadcast_in_dim3A_72 = vector.broadcast %broadcast_in_dim3A_71 : i32 to vector<16xi32>
    %and3A_73 = arith.constant 1 : i32
    %and3A_74 = vector.broadcast %and3A_73 : i32 to vector<16xi32>
    %and3A_75 = arith.andi %iota3A, %and3A_74 : vector<16xi32>
    %shift_left3A = arith.constant 3 : i32
    %shift_left3A_76 = vector.broadcast %shift_left3A : i32 to vector<16xi32>
    %shift_left3A_77 = arith.shli %and3A_75, %shift_left3A_76 : vector<16xi32>
    %and3A_78 = arith.constant 2 : i32
    %and3A_79 = vector.broadcast %and3A_78 : i32 to vector<16xi32>
    %and3A_80 = arith.andi %iota3A, %and3A_79 : vector<16xi32>
    %shift_left3A_81 = arith.constant 1 : i32
    %shift_left3A_82 = vector.broadcast %shift_left3A_81 : i32 to vector<16xi32>
    %shift_left3A_83 = arith.shli %and3A_80, %shift_left3A_82 : vector<16xi32>
    %or3A = arith.ori %shift_left3A_77, %shift_left3A_83 : vector<16xi32>
    %and3A_84 = arith.constant 4 : i32
    %and3A_85 = vector.broadcast %and3A_84 : i32 to vector<16xi32>
    %and3A_86 = arith.andi %iota3A, %and3A_85 : vector<16xi32>
    %shift_right_arithmetic3A_87 = arith.constant 1 : i32
    %shift_right_arithmetic3A_88 = vector.broadcast %shift_right_arithmetic3A_87 : i32 to vector<16xi32>
    %shift_right_arithmetic3A_89 = arith.shrsi %and3A_86, %shift_right_arithmetic3A_88 : vector<16xi32>
    %or3A_90 = arith.ori %or3A, %shift_right_arithmetic3A_89 : vector<16xi32>
    %add3A_91 = arith.constant 0 : i32
    %add3A_92 = arith.addi %mul3A_10, %add3A_91 : i32
    %dma_start3A = tpu.memref_slice %arg4[%add3A_92] : memref<320000xi32, #tpu.memory_space<hbm>> -> memref<16xi32, #tpu.memory_space<hbm>>
    %dma_start3A_93 = tpu.memref_slice %arg4[%add3A_92] : memref<320000xi32, #tpu.memory_space<hbm>> -> memref<16xi32, #tpu.memory_space<hbm>>
    tpu.enqueue_dma source(%dma_start3A_93 : memref<16xi32, #tpu.memory_space<hbm>>) target(%arg10 : memref<16xi32, #tpu.memory_space<vmem>>) target_semaphore(%arg28 : memref<!tpu.dma_semaphore, #tpu.memory_space<semaphore_mem>>)
    %add3A_94 = arith.constant 0 : i32
    %add3A_95 = arith.addi %mul3A_10, %add3A_94 : i32
    %dma_start3A_96 = tpu.memref_slice %arg5[%add3A_95] : memref<320000xi32, #tpu.memory_space<hbm>> -> memref<16xi32, #tpu.memory_space<hbm>>
    %dma_start3A_97 = tpu.memref_slice %arg5[%add3A_95] : memref<320000xi32, #tpu.memory_space<hbm>> -> memref<16xi32, #tpu.memory_space<hbm>>
    tpu.enqueue_dma source(%dma_start3A_97 : memref<16xi32, #tpu.memory_space<hbm>>) target(%arg11 : memref<16xi32, #tpu.memory_space<vmem>>) target_semaphore(%arg28 : memref<!tpu.dma_semaphore, #tpu.memory_space<semaphore_mem>>)
    %add3A_98 = arith.constant 16 : i32
    %add3A_99 = arith.addi %mul3A_10, %add3A_98 : i32
    %dma_start3A_100 = tpu.memref_slice %arg4[%add3A_99] : memref<320000xi32, #tpu.memory_space<hbm>> -> memref<16xi32, #tpu.memory_space<hbm>>
    %dma_start3A_101 = tpu.memref_slice %arg4[%add3A_99] : memref<320000xi32, #tpu.memory_space<hbm>> -> memref<16xi32, #tpu.memory_space<hbm>>
    tpu.enqueue_dma source(%dma_start3A_101 : memref<16xi32, #tpu.memory_space<hbm>>) target(%arg18 : memref<16xi32, #tpu.memory_space<vmem>>) target_semaphore(%arg31 : memref<!tpu.dma_semaphore, #tpu.memory_space<semaphore_mem>>)
    %add3A_102 = arith.constant 16 : i32
    %add3A_103 = arith.addi %mul3A_10, %add3A_102 : i32
    %dma_start3A_104 = tpu.memref_slice %arg5[%add3A_103] : memref<320000xi32, #tpu.memory_space<hbm>> -> memref<16xi32, #tpu.memory_space<hbm>>
    %dma_start3A_105 = tpu.memref_slice %arg5[%add3A_103] : memref<320000xi32, #tpu.memory_space<hbm>> -> memref<16xi32, #tpu.memory_space<hbm>>
    tpu.enqueue_dma source(%dma_start3A_105 : memref<16xi32, #tpu.memory_space<hbm>>) target(%arg19 : memref<16xi32, #tpu.memory_space<vmem>>) target_semaphore(%arg31 : memref<!tpu.dma_semaphore, #tpu.memory_space<semaphore_mem>>)
    %dma_wait3A = tpu.memref_slice %arg4[%mul3A_10] : memref<320000xi32, #tpu.memory_space<hbm>> -> memref<16xi32, #tpu.memory_space<hbm>>
    %dma_wait3A_106 = tpu.memref_slice %arg4[%mul3A_10] : memref<320000xi32, #tpu.memory_space<hbm>> -> memref<16xi32, #tpu.memory_space<hbm>>
    tpu.wait_dma2 semaphore(%arg28 : memref<!tpu.dma_semaphore, #tpu.memory_space<semaphore_mem>>) src(%dma_wait3A_106 : memref<16xi32, #tpu.memory_space<hbm>>) dst(%arg10 : memref<16xi32, #tpu.memory_space<vmem>>)
    %dma_wait3A_107 = tpu.memref_slice %arg5[%mul3A_10] : memref<320000xi32, #tpu.memory_space<hbm>> -> memref<16xi32, #tpu.memory_space<hbm>>
    %dma_wait3A_108 = tpu.memref_slice %arg5[%mul3A_10] : memref<320000xi32, #tpu.memory_space<hbm>> -> memref<16xi32, #tpu.memory_space<hbm>>
    tpu.wait_dma2 semaphore(%arg28 : memref<!tpu.dma_semaphore, #tpu.memory_space<semaphore_mem>>) src(%dma_wait3A_108 : memref<16xi32, #tpu.memory_space<hbm>>) dst(%arg11 : memref<16xi32, #tpu.memory_space<vmem>>)
    %dma_start3A_109 = arith.constant 0 : i32
    %dma_start3A_110 = arith.constant 0 : i32
    %dma_start3A_111 = tpu.memref_slice %arg3[%dma_start3A_109, %dma_start3A_110] : memref<10000x256xf32, #tpu.memory_space<hbm>> -> memref<10000x256xf32, #tpu.memory_space<hbm>>
    tpu.enqueue_indirect_dma source(%dma_start3A_111 : memref<10000x256xf32, #tpu.memory_space<hbm>>) target(%arg13 : memref<16x256xf32, #tpu.memory_space<vmem>>) offsets(%arg10 : memref<16xi32, #tpu.memory_space<vmem>>) semaphore(%arg29 : memref<!tpu.dma_semaphore, #tpu.memory_space<semaphore_mem>>)
    %dma_start3A_112 = arith.constant 0 : i32
    %dma_start3A_113 = arith.constant 0 : i32
    %dma_start3A_114 = tpu.memref_slice %arg2[%dma_start3A_112, %dma_start3A_113] : memref<10000x128xf32, #tpu.memory_space<hbm>> -> memref<10000x128xf32, #tpu.memory_space<hbm>>
    tpu.enqueue_indirect_dma source(%dma_start3A_114 : memref<10000x128xf32, #tpu.memory_space<hbm>>) target(%arg14 : memref<16x128xf32, #tpu.memory_space<vmem>>) offsets(%arg11 : memref<16xi32, #tpu.memory_space<vmem>>) semaphore(%arg29 : memref<!tpu.dma_semaphore, #tpu.memory_space<semaphore_mem>>)
    %scan3A = arith.constant 0 : i32
    %scan3A_115 = arith.constant 0 : i32
    %scan3A_116 = arith.constant 312 : i32
    %scan3A_117 = arith.addi %scan3A_115, %scan3A_116 : i32
    %scan3A_118 = arith.constant 1 : i32
    scf.for %scan3A_197 = %scan3A_115 to %scan3A_117 step %scan3A_118  : i32 {
      %mul3A_198 = arith.constant 2 : i32
      %mul3A_199 = arith.muli %mul3A_198, %scan3A_197 : i32
      %le3A = arith.constant 623 : i32
      %le3A_200 = arith.cmpi sle, %mul3A_199, %le3A : i32
      %convert_element_type3A = arith.extui %le3A_200 : i1 to i32
      %cond3A = arith.constant 0 : i32
      %cond3A_201 = arith.cmpi ne, %convert_element_type3A, %cond3A : i32
      scf.if %cond3A_201 {
        %dma_wait3A_282 = tpu.memref_slice %arg4[%mul3A_10] : memref<320000xi32, #tpu.memory_space<hbm>> -> memref<16xi32, #tpu.memory_space<hbm>>
        %dma_wait3A_283 = tpu.memref_slice %arg4[%mul3A_10] : memref<320000xi32, #tpu.memory_space<hbm>> -> memref<16xi32, #tpu.memory_space<hbm>>
        tpu.wait_dma2 semaphore(%arg31 : memref<!tpu.dma_semaphore, #tpu.memory_space<semaphore_mem>>) src(%dma_wait3A_283 : memref<16xi32, #tpu.memory_space<hbm>>) dst(%arg18 : memref<16xi32, #tpu.memory_space<vmem>>)
        %dma_wait3A_284 = tpu.memref_slice %arg5[%mul3A_10] : memref<320000xi32, #tpu.memory_space<hbm>> -> memref<16xi32, #tpu.memory_space<hbm>>
        %dma_wait3A_285 = tpu.memref_slice %arg5[%mul3A_10] : memref<320000xi32, #tpu.memory_space<hbm>> -> memref<16xi32, #tpu.memory_space<hbm>>
        tpu.wait_dma2 semaphore(%arg31 : memref<!tpu.dma_semaphore, #tpu.memory_space<semaphore_mem>>) src(%dma_wait3A_285 : memref<16xi32, #tpu.memory_space<hbm>>) dst(%arg19 : memref<16xi32, #tpu.memory_space<vmem>>)
        %dma_start3A_286 = arith.constant 0 : i32
        %dma_start3A_287 = arith.constant 0 : i32
        %dma_start3A_288 = tpu.memref_slice %arg3[%dma_start3A_286, %dma_start3A_287] : memref<10000x256xf32, #tpu.memory_space<hbm>> -> memref<10000x256xf32, #tpu.memory_space<hbm>>
        tpu.enqueue_indirect_dma source(%dma_start3A_288 : memref<10000x256xf32, #tpu.memory_space<hbm>>) target(%arg21 : memref<16x256xf32, #tpu.memory_space<vmem>>) offsets(%arg18 : memref<16xi32, #tpu.memory_space<vmem>>) semaphore(%arg32 : memref<!tpu.dma_semaphore, #tpu.memory_space<semaphore_mem>>)
        %dma_start3A_289 = arith.constant 0 : i32
        %dma_start3A_290 = arith.constant 0 : i32
        %dma_start3A_291 = tpu.memref_slice %arg2[%dma_start3A_289, %dma_start3A_290] : memref<10000x128xf32, #tpu.memory_space<hbm>> -> memref<10000x128xf32, #tpu.memory_space<hbm>>
        tpu.enqueue_indirect_dma source(%dma_start3A_291 : memref<10000x128xf32, #tpu.memory_space<hbm>>) target(%arg22 : memref<16x128xf32, #tpu.memory_space<vmem>>) offsets(%arg19 : memref<16xi32, #tpu.memory_space<vmem>>) semaphore(%arg32 : memref<!tpu.dma_semaphore, #tpu.memory_space<semaphore_mem>>)
      } else {
      }
      %dma_wait3A_202 = arith.constant 0 : i32
      %dma_wait3A_203 = arith.constant 0 : i32
      %dma_wait3A_204 = tpu.memref_slice %arg3[%dma_wait3A_202, %dma_wait3A_203] : memref<10000x256xf32, #tpu.memory_space<hbm>> -> memref<10000x256xf32, #tpu.memory_space<hbm>>
      tpu.wait_indirect_dma semaphore(%arg29 : memref<!tpu.dma_semaphore, #tpu.memory_space<semaphore_mem>>) src(%dma_wait3A_204 : memref<10000x256xf32, #tpu.memory_space<hbm>>) dst(%arg13 : memref<16x256xf32, #tpu.memory_space<vmem>>)
      %dma_wait3A_205 = arith.constant 0 : i32
      %dma_wait3A_206 = arith.constant 0 : i32
      %dma_wait3A_207 = tpu.memref_slice %arg2[%dma_wait3A_205, %dma_wait3A_206] : memref<10000x128xf32, #tpu.memory_space<hbm>> -> memref<10000x128xf32, #tpu.memory_space<hbm>>
      tpu.wait_indirect_dma semaphore(%arg29 : memref<!tpu.dma_semaphore, #tpu.memory_space<semaphore_mem>>) src(%dma_wait3A_207 : memref<10000x128xf32, #tpu.memory_space<hbm>>) dst(%arg14 : memref<16x128xf32, #tpu.memory_space<vmem>>)
      %ge3A = arith.constant 2 : i32
      %ge3A_208 = arith.cmpi sge, %mul3A_199, %ge3A : i32
      %convert_element_type3A_209 = arith.extui %ge3A_208 : i1 to i32
      %cond3A_210 = arith.constant 0 : i32
      %cond3A_211 = arith.cmpi ne, %convert_element_type3A_209, %cond3A_210 : i32
      scf.if %cond3A_211 {
        %dma_wait3A_282 = arith.constant 0 : i32
        %dma_wait3A_283 = arith.constant 0 : i32
        %dma_wait3A_284 = tpu.memref_slice %arg26[%dma_wait3A_282, %dma_wait3A_283] : memref<10240x128xf32, #tpu.memory_space<vmem_shared>> -> memref<10240x128xf32, #tpu.memory_space<vmem_shared>>
        tpu.wait_indirect_dma semaphore(%arg30 : memref<!tpu.dma_semaphore, #tpu.memory_space<semaphore_mem>>) src(%arg15 : memref<16x128xf32, #tpu.memory_space<vmem>>) dst(%dma_wait3A_284 : memref<10240x128xf32, #tpu.memory_space<vmem_shared>>)
        %dma_wait3A_285 = arith.constant 0 : i32
        %dma_wait3A_286 = arith.constant 0 : i32
        %dma_wait3A_287 = arith.constant 0 : i32
        %dma_wait3A_288 = tpu.memref_slice %arg16[%dma_wait3A_285, %dma_wait3A_287] : memref<1x128xf32, #tpu.memory_space<vmem>> -> memref<1x128xf32, #tpu.memory_space<vmem>>
        %dma_wait3A_289 = tpu.memref_squeeze %dma_wait3A_288 : memref<1x128xf32, #tpu.memory_space<vmem>> -> memref<128xf32, #tpu.memory_space<vmem>>
        %dma_wait3A_290 = arith.constant 0 : i32
        %dma_wait3A_291 = tpu.memref_slice %arg17[%dma_wait3A_286, %dma_wait3A_290] : memref<1x128xi32, #tpu.memory_space<vmem>> -> memref<1x128xi32, #tpu.memory_space<vmem>>
        %dma_wait3A_292 = tpu.memref_squeeze %dma_wait3A_291 : memref<1x128xi32, #tpu.memory_space<vmem>> -> memref<128xi32, #tpu.memory_space<vmem>>
        %dma_wait3A_293 = arith.constant 0 : i32
        %dma_wait3A_294 = tpu.memref_slice %arg27[%dma_wait3A_293] : memref<81920xf32, #tpu.memory_space<vmem_shared>> -> memref<81920xf32, #tpu.memory_space<vmem_shared>>
        tpu.wait_indirect_dma semaphore(%arg30 : memref<!tpu.dma_semaphore, #tpu.memory_space<semaphore_mem>>) src(%dma_wait3A_289 : memref<128xf32, #tpu.memory_space<vmem>>) dst(%dma_wait3A_294 : memref<81920xf32, #tpu.memory_space<vmem_shared>>)
      } else {
      }
      %get3A_212 = arith.constant 0 : index
      %get3A_213 = tpu.vector_load %arg11[%get3A_212] {strides = array<i32>} : memref<16xi32, #tpu.memory_space<vmem>>, vector<16xi32>,
      %swap3A_214 = arith.constant 0 : index
      %swap3A_215 = tpu.vector_load %arg12[%swap3A_214] {strides = array<i32>} : memref<16xi32, #tpu.memory_space<vmem>>, vector<16xi32>,
      tpu.vector_store %arg12[%swap3A_214], %get3A_213 {strides = array<i32>} : memref<16xi32, #tpu.memory_space<vmem>>, vector<16xi32>,
      %parallel_loop3A_216 = arith.constant 0 : i32
      %parallel_loop3A_217 = arith.constant 8 : i32
      %parallel_loop3A_218 = arith.constant 1 : i32
      scf.for %parallel_loop3A_282 = %parallel_loop3A_216 to %parallel_loop3A_217 step %parallel_loop3A_218  : i32 {
        %parallel_loop3A_283 = arith.constant 2 : i32
        %parallel_loop3A_284 = arith.muli %parallel_loop3A_282, %parallel_loop3A_283 : i32
        %parallel_loop3A_285 = arith.constant 0 : i32
        %parallel_loop3A_286 = arith.addi %parallel_loop3A_284, %parallel_loop3A_285 : i32
        %parallel_loop3A_287 = arith.index_cast %parallel_loop3A_286 : i32 to index
        %parallel_loop3A_288 = arith.constant 0 : index
        %parallel_loop3A_289 = tpu.vector_load %arg14[%parallel_loop3A_287, %parallel_loop3A_288] {strides = array<i32>} : memref<16x128xf32, #tpu.memory_space<vmem>>, vector<16xf32>,
        %parallel_loop3A_290 = arith.index_cast %parallel_loop3A_286 : i32 to index
        %parallel_loop3A_291 = arith.constant 0 : index
        %parallel_loop3A_292 = tpu.vector_load %arg13[%parallel_loop3A_290, %parallel_loop3A_291] {strides = array<i32>} : memref<16x256xf32, #tpu.memory_space<vmem>>, vector<16xf32>,
        %parallel_loop3A_293 = arith.mulf %parallel_loop3A_289, %parallel_loop3A_292 : vector<16xf32>
        %parallel_loop3A_294 = arith.index_cast %parallel_loop3A_286 : i32 to index
        %parallel_loop3A_295 = arith.constant 16 : index
        %parallel_loop3A_296 = tpu.vector_load %arg14[%parallel_loop3A_294, %parallel_loop3A_295] {strides = array<i32>} : memref<16x128xf32, #tpu.memory_space<vmem>>, vector<16xf32>,
        %parallel_loop3A_297 = arith.index_cast %parallel_loop3A_286 : i32 to index
        %parallel_loop3A_298 = arith.constant 16 : index
        %parallel_loop3A_299 = tpu.vector_load %arg13[%parallel_loop3A_297, %parallel_loop3A_298] {strides = array<i32>} : memref<16x256xf32, #tpu.memory_space<vmem>>, vector<16xf32>,
        %parallel_loop3A_300 = arith.mulf %parallel_loop3A_296, %parallel_loop3A_299 : vector<16xf32>
        %parallel_loop3A_301 = arith.index_cast %parallel_loop3A_286 : i32 to index
        %parallel_loop3A_302 = arith.constant 32 : index
        %parallel_loop3A_303 = tpu.vector_load %arg14[%parallel_loop3A_301, %parallel_loop3A_302] {strides = array<i32>} : memref<16x128xf32, #tpu.memory_space<vmem>>, vector<16xf32>,
        %parallel_loop3A_304 = arith.index_cast %parallel_loop3A_286 : i32 to index
        %parallel_loop3A_305 = arith.constant 32 : index
        %parallel_loop3A_306 = tpu.vector_load %arg13[%parallel_loop3A_304, %parallel_loop3A_305] {strides = array<i32>} : memref<16x256xf32, #tpu.memory_space<vmem>>, vector<16xf32>,
        %parallel_loop3A_307 = arith.mulf %parallel_loop3A_303, %parallel_loop3A_306 : vector<16xf32>
        %parallel_loop3A_308 = arith.index_cast %parallel_loop3A_286 : i32 to index
        %parallel_loop3A_309 = arith.constant 48 : index
        %parallel_loop3A_310 = tpu.vector_load %arg14[%parallel_loop3A_308, %parallel_loop3A_309] {strides = array<i32>} : memref<16x128xf32, #tpu.memory_space<vmem>>, vector<16xf32>,
        %parallel_loop3A_311 = arith.index_cast %parallel_loop3A_286 : i32 to index
        %parallel_loop3A_312 = arith.constant 48 : index
        %parallel_loop3A_313 = tpu.vector_load %arg13[%parallel_loop3A_311, %parallel_loop3A_312] {strides = array<i32>} : memref<16x256xf32, #tpu.memory_space<vmem>>, vector<16xf32>,
        %parallel_loop3A_314 = arith.mulf %parallel_loop3A_310, %parallel_loop3A_313 : vector<16xf32>
        %parallel_loop3A_315 = arith.index_cast %parallel_loop3A_286 : i32 to index
        %parallel_loop3A_316 = arith.constant 64 : index
        %parallel_loop3A_317 = tpu.vector_load %arg14[%parallel_loop3A_315, %parallel_loop3A_316] {strides = array<i32>} : memref<16x128xf32, #tpu.memory_space<vmem>>, vector<16xf32>,
        %parallel_loop3A_318 = arith.index_cast %parallel_loop3A_286 : i32 to index
        %parallel_loop3A_319 = arith.constant 64 : index
        %parallel_loop3A_320 = tpu.vector_load %arg13[%parallel_loop3A_318, %parallel_loop3A_319] {strides = array<i32>} : memref<16x256xf32, #tpu.memory_space<vmem>>, vector<16xf32>,
        %parallel_loop3A_321 = arith.mulf %parallel_loop3A_317, %parallel_loop3A_320 : vector<16xf32>
        %parallel_loop3A_322 = arith.index_cast %parallel_loop3A_286 : i32 to index
        %parallel_loop3A_323 = arith.constant 80 : index
        %parallel_loop3A_324 = tpu.vector_load %arg14[%parallel_loop3A_322, %parallel_loop3A_323] {strides = array<i32>} : memref<16x128xf32, #tpu.memory_space<vmem>>, vector<16xf32>,
        %parallel_loop3A_325 = arith.index_cast %parallel_loop3A_286 : i32 to index
        %parallel_loop3A_326 = arith.constant 80 : index
        %parallel_loop3A_327 = tpu.vector_load %arg13[%parallel_loop3A_325, %parallel_loop3A_326] {strides = array<i32>} : memref<16x256xf32, #tpu.memory_space<vmem>>, vector<16xf32>,
        %parallel_loop3A_328 = arith.mulf %parallel_loop3A_324, %parallel_loop3A_327 : vector<16xf32>
        %parallel_loop3A_329 = arith.index_cast %parallel_loop3A_286 : i32 to index
        %parallel_loop3A_330 = arith.constant 96 : index
        %parallel_loop3A_331 = tpu.vector_load %arg14[%parallel_loop3A_329, %parallel_loop3A_330] {strides = array<i32>} : memref<16x128xf32, #tpu.memory_space<vmem>>, vector<16xf32>,
        %parallel_loop3A_332 = arith.index_cast %parallel_loop3A_286 : i32 to index
        %parallel_loop3A_333 = arith.constant 96 : index
        %parallel_loop3A_334 = tpu.vector_load %arg13[%parallel_loop3A_332, %parallel_loop3A_333] {strides = array<i32>} : memref<16x256xf32, #tpu.memory_space<vmem>>, vector<16xf32>,
        %parallel_loop3A_335 = arith.mulf %parallel_loop3A_331, %parallel_loop3A_334 : vector<16xf32>
        %parallel_loop3A_336 = arith.index_cast %parallel_loop3A_286 : i32 to index
        %parallel_loop3A_337 = arith.constant 112 : index
        %parallel_loop3A_338 = tpu.vector_load %arg14[%parallel_loop3A_336, %parallel_loop3A_337] {strides = array<i32>} : memref<16x128xf32, #tpu.memory_space<vmem>>, vector<16xf32>,
        %parallel_loop3A_339 = arith.index_cast %parallel_loop3A_286 : i32 to index
        %parallel_loop3A_340 = arith.constant 112 : index
        %parallel_loop3A_341 = tpu.vector_load %arg13[%parallel_loop3A_339, %parallel_loop3A_340] {strides = array<i32>} : memref<16x256xf32, #tpu.memory_space<vmem>>, vector<16xf32>,
        %parallel_loop3A_342 = arith.mulf %parallel_loop3A_338, %parallel_loop3A_341 : vector<16xf32>
        %parallel_loop3A_343 = arith.select %eq3A_57, %parallel_loop3A_293, %parallel_loop3A_300 : vector<16xi1>, vector<16xf32>
        %parallel_loop3A_344 = arith.select %eq3A_57, %parallel_loop3A_300, %parallel_loop3A_293 : vector<16xi1>, vector<16xf32>
        %parallel_loop3A_345 = arith.constant 0 : i32
        %parallel_loop3A_346 = vector.broadcast %parallel_loop3A_345 : i32 to vector<16xi32>
        %parallel_loop3A_347 = arith.cmpi slt, %xor3A_23, %parallel_loop3A_346 : vector<16xi32>
        %parallel_loop3A_348 = arith.constant 16 : i32
        %parallel_loop3A_349 = vector.broadcast %parallel_loop3A_348 : i32 to vector<16xi32>
        %parallel_loop3A_350 = arith.addi %xor3A_23, %parallel_loop3A_349 : vector<16xi32>
        %parallel_loop3A_351 = arith.select %parallel_loop3A_347, %parallel_loop3A_350, %xor3A_23 : vector<16xi1>, vector<16xi32>
        %parallel_loop3A_352 = vector.shape_cast %parallel_loop3A_351 : vector<16xi32> to vector<16x1xi32>
        %parallel_loop3A_353 = vector.shape_cast %parallel_loop3A_352 : vector<16x1xi32> to vector<16xi32>
        %parallel_loop3A_354 = tpu.dynamic_gather %parallel_loop3A_344[%parallel_loop3A_353] in [0] : vector<16xf32>, vector<16xi32> -> vector<16xf32>
        %parallel_loop3A_355 = arith.addf %parallel_loop3A_343, %parallel_loop3A_354 : vector<16xf32>
        %parallel_loop3A_356 = arith.select %eq3A_57, %parallel_loop3A_307, %parallel_loop3A_314 : vector<16xi1>, vector<16xf32>
        %parallel_loop3A_357 = arith.select %eq3A_57, %parallel_loop3A_314, %parallel_loop3A_307 : vector<16xi1>, vector<16xf32>
        %parallel_loop3A_358 = arith.constant 0 : i32
        %parallel_loop3A_359 = vector.broadcast %parallel_loop3A_358 : i32 to vector<16xi32>
        %parallel_loop3A_360 = arith.cmpi slt, %xor3A_23, %parallel_loop3A_359 : vector<16xi32>
        %parallel_loop3A_361 = arith.constant 16 : i32
        %parallel_loop3A_362 = vector.broadcast %parallel_loop3A_361 : i32 to vector<16xi32>
        %parallel_loop3A_363 = arith.addi %xor3A_23, %parallel_loop3A_362 : vector<16xi32>
        %parallel_loop3A_364 = arith.select %parallel_loop3A_360, %parallel_loop3A_363, %xor3A_23 : vector<16xi1>, vector<16xi32>
        %parallel_loop3A_365 = vector.shape_cast %parallel_loop3A_364 : vector<16xi32> to vector<16x1xi32>
        %parallel_loop3A_366 = vector.shape_cast %parallel_loop3A_365 : vector<16x1xi32> to vector<16xi32>
        %parallel_loop3A_367 = tpu.dynamic_gather %parallel_loop3A_357[%parallel_loop3A_366] in [0] : vector<16xf32>, vector<16xi32> -> vector<16xf32>
        %parallel_loop3A_368 = arith.addf %parallel_loop3A_356, %parallel_loop3A_367 : vector<16xf32>
        %parallel_loop3A_369 = arith.select %eq3A_57, %parallel_loop3A_321, %parallel_loop3A_328 : vector<16xi1>, vector<16xf32>
        %parallel_loop3A_370 = arith.select %eq3A_57, %parallel_loop3A_328, %parallel_loop3A_321 : vector<16xi1>, vector<16xf32>
        %parallel_loop3A_371 = arith.constant 0 : i32
        %parallel_loop3A_372 = vector.broadcast %parallel_loop3A_371 : i32 to vector<16xi32>
        %parallel_loop3A_373 = arith.cmpi slt, %xor3A_23, %parallel_loop3A_372 : vector<16xi32>
        %parallel_loop3A_374 = arith.constant 16 : i32
        %parallel_loop3A_375 = vector.broadcast %parallel_loop3A_374 : i32 to vector<16xi32>
        %parallel_loop3A_376 = arith.addi %xor3A_23, %parallel_loop3A_375 : vector<16xi32>
        %parallel_loop3A_377 = arith.select %parallel_loop3A_373, %parallel_loop3A_376, %xor3A_23 : vector<16xi1>, vector<16xi32>
        %parallel_loop3A_378 = vector.shape_cast %parallel_loop3A_377 : vector<16xi32> to vector<16x1xi32>
        %parallel_loop3A_379 = vector.shape_cast %parallel_loop3A_378 : vector<16x1xi32> to vector<16xi32>
        %parallel_loop3A_380 = tpu.dynamic_gather %parallel_loop3A_370[%parallel_loop3A_379] in [0] : vector<16xf32>, vector<16xi32> -> vector<16xf32>
        %parallel_loop3A_381 = arith.addf %parallel_loop3A_369, %parallel_loop3A_380 : vector<16xf32>
        %parallel_loop3A_382 = arith.select %eq3A_57, %parallel_loop3A_335, %parallel_loop3A_342 : vector<16xi1>, vector<16xf32>
        %parallel_loop3A_383 = arith.select %eq3A_57, %parallel_loop3A_342, %parallel_loop3A_335 : vector<16xi1>, vector<16xf32>
        %parallel_loop3A_384 = arith.constant 0 : i32
        %parallel_loop3A_385 = vector.broadcast %parallel_loop3A_384 : i32 to vector<16xi32>
        %parallel_loop3A_386 = arith.cmpi slt, %xor3A_23, %parallel_loop3A_385 : vector<16xi32>
        %parallel_loop3A_387 = arith.constant 16 : i32
        %parallel_loop3A_388 = vector.broadcast %parallel_loop3A_387 : i32 to vector<16xi32>
        %parallel_loop3A_389 = arith.addi %xor3A_23, %parallel_loop3A_388 : vector<16xi32>
        %parallel_loop3A_390 = arith.select %parallel_loop3A_386, %parallel_loop3A_389, %xor3A_23 : vector<16xi1>, vector<16xi32>
        %parallel_loop3A_391 = vector.shape_cast %parallel_loop3A_390 : vector<16xi32> to vector<16x1xi32>
        %parallel_loop3A_392 = vector.shape_cast %parallel_loop3A_391 : vector<16x1xi32> to vector<16xi32>
        %parallel_loop3A_393 = tpu.dynamic_gather %parallel_loop3A_383[%parallel_loop3A_392] in [0] : vector<16xf32>, vector<16xi32> -> vector<16xf32>
        %parallel_loop3A_394 = arith.addf %parallel_loop3A_382, %parallel_loop3A_393 : vector<16xf32>
        %parallel_loop3A_395 = arith.select %eq3A_48, %parallel_loop3A_355, %parallel_loop3A_368 : vector<16xi1>, vector<16xf32>
        %parallel_loop3A_396 = arith.select %eq3A_48, %parallel_loop3A_368, %parallel_loop3A_355 : vector<16xi1>, vector<16xf32>
        %parallel_loop3A_397 = arith.constant 0 : i32
        %parallel_loop3A_398 = vector.broadcast %parallel_loop3A_397 : i32 to vector<16xi32>
        %parallel_loop3A_399 = arith.cmpi slt, %xor3A_20, %parallel_loop3A_398 : vector<16xi32>
        %parallel_loop3A_400 = arith.constant 16 : i32
        %parallel_loop3A_401 = vector.broadcast %parallel_loop3A_400 : i32 to vector<16xi32>
        %parallel_loop3A_402 = arith.addi %xor3A_20, %parallel_loop3A_401 : vector<16xi32>
        %parallel_loop3A_403 = arith.select %parallel_loop3A_399, %parallel_loop3A_402, %xor3A_20 : vector<16xi1>, vector<16xi32>
        %parallel_loop3A_404 = vector.shape_cast %parallel_loop3A_403 : vector<16xi32> to vector<16x1xi32>
        %parallel_loop3A_405 = vector.shape_cast %parallel_loop3A_404 : vector<16x1xi32> to vector<16xi32>
        %parallel_loop3A_406 = tpu.dynamic_gather %parallel_loop3A_396[%parallel_loop3A_405] in [0] : vector<16xf32>, vector<16xi32> -> vector<16xf32>
        %parallel_loop3A_407 = arith.addf %parallel_loop3A_395, %parallel_loop3A_406 : vector<16xf32>
        %parallel_loop3A_408 = arith.select %eq3A_48, %parallel_loop3A_381, %parallel_loop3A_394 : vector<16xi1>, vector<16xf32>
        %parallel_loop3A_409 = arith.select %eq3A_48, %parallel_loop3A_394, %parallel_loop3A_381 : vector<16xi1>, vector<16xf32>
        %parallel_loop3A_410 = arith.constant 0 : i32
        %parallel_loop3A_411 = vector.broadcast %parallel_loop3A_410 : i32 to vector<16xi32>
        %parallel_loop3A_412 = arith.cmpi slt, %xor3A_20, %parallel_loop3A_411 : vector<16xi32>
        %parallel_loop3A_413 = arith.constant 16 : i32
        %parallel_loop3A_414 = vector.broadcast %parallel_loop3A_413 : i32 to vector<16xi32>
        %parallel_loop3A_415 = arith.addi %xor3A_20, %parallel_loop3A_414 : vector<16xi32>
        %parallel_loop3A_416 = arith.select %parallel_loop3A_412, %parallel_loop3A_415, %xor3A_20 : vector<16xi1>, vector<16xi32>
        %parallel_loop3A_417 = vector.shape_cast %parallel_loop3A_416 : vector<16xi32> to vector<16x1xi32>
        %parallel_loop3A_418 = vector.shape_cast %parallel_loop3A_417 : vector<16x1xi32> to vector<16xi32>
        %parallel_loop3A_419 = tpu.dynamic_gather %parallel_loop3A_409[%parallel_loop3A_418] in [0] : vector<16xf32>, vector<16xi32> -> vector<16xf32>
        %parallel_loop3A_420 = arith.addf %parallel_loop3A_408, %parallel_loop3A_419 : vector<16xf32>
        %parallel_loop3A_421 = arith.select %eq3A_39, %parallel_loop3A_407, %parallel_loop3A_420 : vector<16xi1>, vector<16xf32>
        %parallel_loop3A_422 = arith.select %eq3A_39, %parallel_loop3A_420, %parallel_loop3A_407 : vector<16xi1>, vector<16xf32>
        %parallel_loop3A_423 = arith.constant 0 : i32
        %parallel_loop3A_424 = vector.broadcast %parallel_loop3A_423 : i32 to vector<16xi32>
        %parallel_loop3A_425 = arith.cmpi slt, %xor3A_17, %parallel_loop3A_424 : vector<16xi32>
        %parallel_loop3A_426 = arith.constant 16 : i32
        %parallel_loop3A_427 = vector.broadcast %parallel_loop3A_426 : i32 to vector<16xi32>
        %parallel_loop3A_428 = arith.addi %xor3A_17, %parallel_loop3A_427 : vector<16xi32>
        %parallel_loop3A_429 = arith.select %parallel_loop3A_425, %parallel_loop3A_428, %xor3A_17 : vector<16xi1>, vector<16xi32>
        %parallel_loop3A_430 = vector.shape_cast %parallel_loop3A_429 : vector<16xi32> to vector<16x1xi32>
        %parallel_loop3A_431 = vector.shape_cast %parallel_loop3A_430 : vector<16x1xi32> to vector<16xi32>
        %parallel_loop3A_432 = tpu.dynamic_gather %parallel_loop3A_422[%parallel_loop3A_431] in [0] : vector<16xf32>, vector<16xi32> -> vector<16xf32>
        %parallel_loop3A_433 = arith.addf %parallel_loop3A_421, %parallel_loop3A_432 : vector<16xf32>
        %parallel_loop3A_434 = arith.constant 0 : i32
        %parallel_loop3A_435 = vector.broadcast %parallel_loop3A_434 : i32 to vector<16xi32>
        %parallel_loop3A_436 = arith.cmpi slt, %xor3A_14, %parallel_loop3A_435 : vector<16xi32>
        %parallel_loop3A_437 = arith.constant 16 : i32
        %parallel_loop3A_438 = vector.broadcast %parallel_loop3A_437 : i32 to vector<16xi32>
        %parallel_loop3A_439 = arith.addi %xor3A_14, %parallel_loop3A_438 : vector<16xi32>
        %parallel_loop3A_440 = arith.select %parallel_loop3A_436, %parallel_loop3A_439, %xor3A_14 : vector<16xi1>, vector<16xi32>
        %parallel_loop3A_441 = vector.shape_cast %parallel_loop3A_440 : vector<16xi32> to vector<16x1xi32>
        %parallel_loop3A_442 = vector.shape_cast %parallel_loop3A_441 : vector<16x1xi32> to vector<16xi32>
        %parallel_loop3A_443 = tpu.dynamic_gather %parallel_loop3A_433[%parallel_loop3A_442] in [0] : vector<16xf32>, vector<16xi32> -> vector<16xf32>
        %parallel_loop3A_444 = arith.addf %parallel_loop3A_433, %parallel_loop3A_443 : vector<16xf32>
        %parallel_loop3A_445 = math.exp %parallel_loop3A_444 : vector<16xf32>
        %parallel_loop3A_446 = arith.constant 0 : i32
        %parallel_loop3A_447 = vector.broadcast %parallel_loop3A_446 : i32 to vector<16xi32>
        %parallel_loop3A_448 = arith.cmpi slt, %broadcast_in_dim3A_58, %parallel_loop3A_447 : vector<16xi32>
        %parallel_loop3A_449 = arith.constant 16 : i32
        %parallel_loop3A_450 = vector.broadcast %parallel_loop3A_449 : i32 to vector<16xi32>
        %parallel_loop3A_451 = arith.addi %broadcast_in_dim3A_58, %parallel_loop3A_450 : vector<16xi32>
        %parallel_loop3A_452 = arith.select %parallel_loop3A_448, %parallel_loop3A_451, %broadcast_in_dim3A_58 : vector<16xi1>, vector<16xi32>
        %parallel_loop3A_453 = vector.shape_cast %parallel_loop3A_452 : vector<16xi32> to vector<16x1xi32>
        %parallel_loop3A_454 = vector.shape_cast %parallel_loop3A_453 : vector<16x1xi32> to vector<16xi32>
        %parallel_loop3A_455 = tpu.dynamic_gather %parallel_loop3A_445[%parallel_loop3A_454] in [0] : vector<16xf32>, vector<16xi32> -> vector<16xf32>
        %parallel_loop3A_456 = arith.index_cast %parallel_loop3A_286 : i32 to index
        %parallel_loop3A_457 = arith.constant 128 : index
        %parallel_loop3A_458 = tpu.vector_load %arg13[%parallel_loop3A_456, %parallel_loop3A_457] {strides = array<i32>} : memref<16x256xf32, #tpu.memory_space<vmem>>, vector<16xf32>,
        %parallel_loop3A_459 = arith.mulf %parallel_loop3A_458, %parallel_loop3A_455 : vector<16xf32>
        %parallel_loop3A_460 = arith.index_cast %parallel_loop3A_286 : i32 to index
        %parallel_loop3A_461 = arith.constant 0 : index
        %parallel_loop3A_462 = tpu.vector_load %arg15[%parallel_loop3A_460, %parallel_loop3A_461] {strides = array<i32>} : memref<16x128xf32, #tpu.memory_space<vmem>>, vector<16xf32>,
        tpu.vector_store %arg15[%parallel_loop3A_460, %parallel_loop3A_461], %parallel_loop3A_459 {strides = array<i32>} : memref<16x128xf32, #tpu.memory_space<vmem>>, vector<16xf32>,
        %parallel_loop3A_463 = arith.constant 0 : i32
        %parallel_loop3A_464 = vector.broadcast %parallel_loop3A_463 : i32 to vector<16xi32>
        %parallel_loop3A_465 = arith.cmpi slt, %broadcast_in_dim3A_60, %parallel_loop3A_464 : vector<16xi32>
        %parallel_loop3A_466 = arith.constant 16 : i32
        %parallel_loop3A_467 = vector.broadcast %parallel_loop3A_466 : i32 to vector<16xi32>
        %parallel_loop3A_468 = arith.addi %broadcast_in_dim3A_60, %parallel_loop3A_467 : vector<16xi32>
        %parallel_loop3A_469 = arith.select %parallel_loop3A_465, %parallel_loop3A_468, %broadcast_in_dim3A_60 : vector<16xi1>, vector<16xi32>
        %parallel_loop3A_470 = vector.shape_cast %parallel_loop3A_469 : vector<16xi32> to vector<16x1xi32>
        %parallel_loop3A_471 = vector.shape_cast %parallel_loop3A_470 : vector<16x1xi32> to vector<16xi32>
        %parallel_loop3A_472 = tpu.dynamic_gather %parallel_loop3A_445[%parallel_loop3A_471] in [0] : vector<16xf32>, vector<16xi32> -> vector<16xf32>
        %parallel_loop3A_473 = arith.index_cast %parallel_loop3A_286 : i32 to index
        %parallel_loop3A_474 = arith.constant 144 : index
        %parallel_loop3A_475 = tpu.vector_load %arg13[%parallel_loop3A_473, %parallel_loop3A_474] {strides = array<i32>} : memref<16x256xf32, #tpu.memory_space<vmem>>, vector<16xf32>,
        %parallel_loop3A_476 = arith.mulf %parallel_loop3A_475, %parallel_loop3A_472 : vector<16xf32>
        %parallel_loop3A_477 = arith.index_cast %parallel_loop3A_286 : i32 to index
        %parallel_loop3A_478 = arith.constant 16 : index
        %parallel_loop3A_479 = tpu.vector_load %arg15[%parallel_loop3A_477, %parallel_loop3A_478] {strides = array<i32>} : memref<16x128xf32, #tpu.memory_space<vmem>>, vector<16xf32>,
        tpu.vector_store %arg15[%parallel_loop3A_477, %parallel_loop3A_478], %parallel_loop3A_476 {strides = array<i32>} : memref<16x128xf32, #tpu.memory_space<vmem>>, vector<16xf32>,
        %parallel_loop3A_480 = arith.constant 0 : i32
        %parallel_loop3A_481 = vector.broadcast %parallel_loop3A_480 : i32 to vector<16xi32>
        %parallel_loop3A_482 = arith.cmpi slt, %broadcast_in_dim3A_62, %parallel_loop3A_481 : vector<16xi32>
        %parallel_loop3A_483 = arith.constant 16 : i32
        %parallel_loop3A_484 = vector.broadcast %parallel_loop3A_483 : i32 to vector<16xi32>
        %parallel_loop3A_485 = arith.addi %broadcast_in_dim3A_62, %parallel_loop3A_484 : vector<16xi32>
        %parallel_loop3A_486 = arith.select %parallel_loop3A_482, %parallel_loop3A_485, %broadcast_in_dim3A_62 : vector<16xi1>, vector<16xi32>
        %parallel_loop3A_487 = vector.shape_cast %parallel_loop3A_486 : vector<16xi32> to vector<16x1xi32>
        %parallel_loop3A_488 = vector.shape_cast %parallel_loop3A_487 : vector<16x1xi32> to vector<16xi32>
        %parallel_loop3A_489 = tpu.dynamic_gather %parallel_loop3A_445[%parallel_loop3A_488] in [0] : vector<16xf32>, vector<16xi32> -> vector<16xf32>
        %parallel_loop3A_490 = arith.index_cast %parallel_loop3A_286 : i32 to index
        %parallel_loop3A_491 = arith.constant 160 : index
        %parallel_loop3A_492 = tpu.vector_load %arg13[%parallel_loop3A_490, %parallel_loop3A_491] {strides = array<i32>} : memref<16x256xf32, #tpu.memory_space<vmem>>, vector<16xf32>,
        %parallel_loop3A_493 = arith.mulf %parallel_loop3A_492, %parallel_loop3A_489 : vector<16xf32>
        %parallel_loop3A_494 = arith.index_cast %parallel_loop3A_286 : i32 to index
        %parallel_loop3A_495 = arith.constant 32 : index
        %parallel_loop3A_496 = tpu.vector_load %arg15[%parallel_loop3A_494, %parallel_loop3A_495] {strides = array<i32>} : memref<16x128xf32, #tpu.memory_space<vmem>>, vector<16xf32>,
        tpu.vector_store %arg15[%parallel_loop3A_494, %parallel_loop3A_495], %parallel_loop3A_493 {strides = array<i32>} : memref<16x128xf32, #tpu.memory_space<vmem>>, vector<16xf32>,
        %parallel_loop3A_497 = arith.constant 0 : i32
        %parallel_loop3A_498 = vector.broadcast %parallel_loop3A_497 : i32 to vector<16xi32>
        %parallel_loop3A_499 = arith.cmpi slt, %broadcast_in_dim3A_64, %parallel_loop3A_498 : vector<16xi32>
        %parallel_loop3A_500 = arith.constant 16 : i32
        %parallel_loop3A_501 = vector.broadcast %parallel_loop3A_500 : i32 to vector<16xi32>
        %parallel_loop3A_502 = arith.addi %broadcast_in_dim3A_64, %parallel_loop3A_501 : vector<16xi32>
        %parallel_loop3A_503 = arith.select %parallel_loop3A_499, %parallel_loop3A_502, %broadcast_in_dim3A_64 : vector<16xi1>, vector<16xi32>
        %parallel_loop3A_504 = vector.shape_cast %parallel_loop3A_503 : vector<16xi32> to vector<16x1xi32>
        %parallel_loop3A_505 = vector.shape_cast %parallel_loop3A_504 : vector<16x1xi32> to vector<16xi32>
        %parallel_loop3A_506 = tpu.dynamic_gather %parallel_loop3A_445[%parallel_loop3A_505] in [0] : vector<16xf32>, vector<16xi32> -> vector<16xf32>
        %parallel_loop3A_507 = arith.index_cast %parallel_loop3A_286 : i32 to index
        %parallel_loop3A_508 = arith.constant 176 : index
        %parallel_loop3A_509 = tpu.vector_load %arg13[%parallel_loop3A_507, %parallel_loop3A_508] {strides = array<i32>} : memref<16x256xf32, #tpu.memory_space<vmem>>, vector<16xf32>,
        %parallel_loop3A_510 = arith.mulf %parallel_loop3A_509, %parallel_loop3A_506 : vector<16xf32>
        %parallel_loop3A_511 = arith.index_cast %parallel_loop3A_286 : i32 to index
        %parallel_loop3A_512 = arith.constant 48 : index
        %parallel_loop3A_513 = tpu.vector_load %arg15[%parallel_loop3A_511, %parallel_loop3A_512] {strides = array<i32>} : memref<16x128xf32, #tpu.memory_space<vmem>>, vector<16xf32>,
        tpu.vector_store %arg15[%parallel_loop3A_511, %parallel_loop3A_512], %parallel_loop3A_510 {strides = array<i32>} : memref<16x128xf32, #tpu.memory_space<vmem>>, vector<16xf32>,
        %parallel_loop3A_514 = arith.constant 0 : i32
        %parallel_loop3A_515 = vector.broadcast %parallel_loop3A_514 : i32 to vector<16xi32>
        %parallel_loop3A_516 = arith.cmpi slt, %broadcast_in_dim3A_66, %parallel_loop3A_515 : vector<16xi32>
        %parallel_loop3A_517 = arith.constant 16 : i32
        %parallel_loop3A_518 = vector.broadcast %parallel_loop3A_517 : i32 to vector<16xi32>
        %parallel_loop3A_519 = arith.addi %broadcast_in_dim3A_66, %parallel_loop3A_518 : vector<16xi32>
        %parallel_loop3A_520 = arith.select %parallel_loop3A_516, %parallel_loop3A_519, %broadcast_in_dim3A_66 : vector<16xi1>, vector<16xi32>
        %parallel_loop3A_521 = vector.shape_cast %parallel_loop3A_520 : vector<16xi32> to vector<16x1xi32>
        %parallel_loop3A_522 = vector.shape_cast %parallel_loop3A_521 : vector<16x1xi32> to vector<16xi32>
        %parallel_loop3A_523 = tpu.dynamic_gather %parallel_loop3A_445[%parallel_loop3A_522] in [0] : vector<16xf32>, vector<16xi32> -> vector<16xf32>
        %parallel_loop3A_524 = arith.index_cast %parallel_loop3A_286 : i32 to index
        %parallel_loop3A_525 = arith.constant 192 : index
        %parallel_loop3A_526 = tpu.vector_load %arg13[%parallel_loop3A_524, %parallel_loop3A_525] {strides = array<i32>} : memref<16x256xf32, #tpu.memory_space<vmem>>, vector<16xf32>,
        %parallel_loop3A_527 = arith.mulf %parallel_loop3A_526, %parallel_loop3A_523 : vector<16xf32>
        %parallel_loop3A_528 = arith.index_cast %parallel_loop3A_286 : i32 to index
        %parallel_loop3A_529 = arith.constant 64 : index
        %parallel_loop3A_530 = tpu.vector_load %arg15[%parallel_loop3A_528, %parallel_loop3A_529] {strides = array<i32>} : memref<16x128xf32, #tpu.memory_space<vmem>>, vector<16xf32>,
        tpu.vector_store %arg15[%parallel_loop3A_528, %parallel_loop3A_529], %parallel_loop3A_527 {strides = array<i32>} : memref<16x128xf32, #tpu.memory_space<vmem>>, vector<16xf32>,
        %parallel_loop3A_531 = arith.constant 0 : i32
        %parallel_loop3A_532 = vector.broadcast %parallel_loop3A_531 : i32 to vector<16xi32>
        %parallel_loop3A_533 = arith.cmpi slt, %broadcast_in_dim3A_68, %parallel_loop3A_532 : vector<16xi32>
        %parallel_loop3A_534 = arith.constant 16 : i32
        %parallel_loop3A_535 = vector.broadcast %parallel_loop3A_534 : i32 to vector<16xi32>
        %parallel_loop3A_536 = arith.addi %broadcast_in_dim3A_68, %parallel_loop3A_535 : vector<16xi32>
        %parallel_loop3A_537 = arith.select %parallel_loop3A_533, %parallel_loop3A_536, %broadcast_in_dim3A_68 : vector<16xi1>, vector<16xi32>
        %parallel_loop3A_538 = vector.shape_cast %parallel_loop3A_537 : vector<16xi32> to vector<16x1xi32>
        %parallel_loop3A_539 = vector.shape_cast %parallel_loop3A_538 : vector<16x1xi32> to vector<16xi32>
        %parallel_loop3A_540 = tpu.dynamic_gather %parallel_loop3A_445[%parallel_loop3A_539] in [0] : vector<16xf32>, vector<16xi32> -> vector<16xf32>
        %parallel_loop3A_541 = arith.index_cast %parallel_loop3A_286 : i32 to index
        %parallel_loop3A_542 = arith.constant 208 : index
        %parallel_loop3A_543 = tpu.vector_load %arg13[%parallel_loop3A_541, %parallel_loop3A_542] {strides = array<i32>} : memref<16x256xf32, #tpu.memory_space<vmem>>, vector<16xf32>,
        %parallel_loop3A_544 = arith.mulf %parallel_loop3A_543, %parallel_loop3A_540 : vector<16xf32>
        %parallel_loop3A_545 = arith.index_cast %parallel_loop3A_286 : i32 to index
        %parallel_loop3A_546 = arith.constant 80 : index
        %parallel_loop3A_547 = tpu.vector_load %arg15[%parallel_loop3A_545, %parallel_loop3A_546] {strides = array<i32>} : memref<16x128xf32, #tpu.memory_space<vmem>>, vector<16xf32>,
        tpu.vector_store %arg15[%parallel_loop3A_545, %parallel_loop3A_546], %parallel_loop3A_544 {strides = array<i32>} : memref<16x128xf32, #tpu.memory_space<vmem>>, vector<16xf32>,
        %parallel_loop3A_548 = arith.constant 0 : i32
        %parallel_loop3A_549 = vector.broadcast %parallel_loop3A_548 : i32 to vector<16xi32>
        %parallel_loop3A_550 = arith.cmpi slt, %broadcast_in_dim3A_70, %parallel_loop3A_549 : vector<16xi32>
        %parallel_loop3A_551 = arith.constant 16 : i32
        %parallel_loop3A_552 = vector.broadcast %parallel_loop3A_551 : i32 to vector<16xi32>
        %parallel_loop3A_553 = arith.addi %broadcast_in_dim3A_70, %parallel_loop3A_552 : vector<16xi32>
        %parallel_loop3A_554 = arith.select %parallel_loop3A_550, %parallel_loop3A_553, %broadcast_in_dim3A_70 : vector<16xi1>, vector<16xi32>
        %parallel_loop3A_555 = vector.shape_cast %parallel_loop3A_554 : vector<16xi32> to vector<16x1xi32>
        %parallel_loop3A_556 = vector.shape_cast %parallel_loop3A_555 : vector<16x1xi32> to vector<16xi32>
        %parallel_loop3A_557 = tpu.dynamic_gather %parallel_loop3A_445[%parallel_loop3A_556] in [0] : vector<16xf32>, vector<16xi32> -> vector<16xf32>
        %parallel_loop3A_558 = arith.index_cast %parallel_loop3A_286 : i32 to index
        %parallel_loop3A_559 = arith.constant 224 : index
        %parallel_loop3A_560 = tpu.vector_load %arg13[%parallel_loop3A_558, %parallel_loop3A_559] {strides = array<i32>} : memref<16x256xf32, #tpu.memory_space<vmem>>, vector<16xf32>,
        %parallel_loop3A_561 = arith.mulf %parallel_loop3A_560, %parallel_loop3A_557 : vector<16xf32>
        %parallel_loop3A_562 = arith.index_cast %parallel_loop3A_286 : i32 to index
        %parallel_loop3A_563 = arith.constant 96 : index
        %parallel_loop3A_564 = tpu.vector_load %arg15[%parallel_loop3A_562, %parallel_loop3A_563] {strides = array<i32>} : memref<16x128xf32, #tpu.memory_space<vmem>>, vector<16xf32>,
        tpu.vector_store %arg15[%parallel_loop3A_562, %parallel_loop3A_563], %parallel_loop3A_561 {strides = array<i32>} : memref<16x128xf32, #tpu.memory_space<vmem>>, vector<16xf32>,
        %parallel_loop3A_565 = arith.constant 0 : i32
        %parallel_loop3A_566 = vector.broadcast %parallel_loop3A_565 : i32 to vector<16xi32>
        %parallel_loop3A_567 = arith.cmpi slt, %broadcast_in_dim3A_72, %parallel_loop3A_566 : vector<16xi32>
        %parallel_loop3A_568 = arith.constant 16 : i32
        %parallel_loop3A_569 = vector.broadcast %parallel_loop3A_568 : i32 to vector<16xi32>
        %parallel_loop3A_570 = arith.addi %broadcast_in_dim3A_72, %parallel_loop3A_569 : vector<16xi32>
        %parallel_loop3A_571 = arith.select %parallel_loop3A_567, %parallel_loop3A_570, %broadcast_in_dim3A_72 : vector<16xi1>, vector<16xi32>
        %parallel_loop3A_572 = vector.shape_cast %parallel_loop3A_571 : vector<16xi32> to vector<16x1xi32>
        %parallel_loop3A_573 = vector.shape_cast %parallel_loop3A_572 : vector<16x1xi32> to vector<16xi32>
        %parallel_loop3A_574 = tpu.dynamic_gather %parallel_loop3A_445[%parallel_loop3A_573] in [0] : vector<16xf32>, vector<16xi32> -> vector<16xf32>
        %parallel_loop3A_575 = arith.index_cast %parallel_loop3A_286 : i32 to index
        %parallel_loop3A_576 = arith.constant 240 : index
        %parallel_loop3A_577 = tpu.vector_load %arg13[%parallel_loop3A_575, %parallel_loop3A_576] {strides = array<i32>} : memref<16x256xf32, #tpu.memory_space<vmem>>, vector<16xf32>,
        %parallel_loop3A_578 = arith.mulf %parallel_loop3A_577, %parallel_loop3A_574 : vector<16xf32>
        %parallel_loop3A_579 = arith.index_cast %parallel_loop3A_286 : i32 to index
        %parallel_loop3A_580 = arith.constant 112 : index
        %parallel_loop3A_581 = tpu.vector_load %arg15[%parallel_loop3A_579, %parallel_loop3A_580] {strides = array<i32>} : memref<16x128xf32, #tpu.memory_space<vmem>>, vector<16xf32>,
        tpu.vector_store %arg15[%parallel_loop3A_579, %parallel_loop3A_580], %parallel_loop3A_578 {strides = array<i32>} : memref<16x128xf32, #tpu.memory_space<vmem>>, vector<16xf32>,
        %parallel_loop3A_582 = arith.constant 2 : i32
        %parallel_loop3A_583 = arith.muli %parallel_loop3A_282, %parallel_loop3A_582 : i32
        %parallel_loop3A_584 = arith.constant 1 : i32
        %parallel_loop3A_585 = arith.addi %parallel_loop3A_583, %parallel_loop3A_584 : i32
        %parallel_loop3A_586 = arith.index_cast %parallel_loop3A_585 : i32 to index
        %parallel_loop3A_587 = arith.constant 0 : index
        %parallel_loop3A_588 = tpu.vector_load %arg14[%parallel_loop3A_586, %parallel_loop3A_587] {strides = array<i32>} : memref<16x128xf32, #tpu.memory_space<vmem>>, vector<16xf32>,
        %parallel_loop3A_589 = arith.index_cast %parallel_loop3A_585 : i32 to index
        %parallel_loop3A_590 = arith.constant 0 : index
        %parallel_loop3A_591 = tpu.vector_load %arg13[%parallel_loop3A_589, %parallel_loop3A_590] {strides = array<i32>} : memref<16x256xf32, #tpu.memory_space<vmem>>, vector<16xf32>,
        %parallel_loop3A_592 = arith.mulf %parallel_loop3A_588, %parallel_loop3A_591 : vector<16xf32>
        %parallel_loop3A_593 = arith.index_cast %parallel_loop3A_585 : i32 to index
        %parallel_loop3A_594 = arith.constant 16 : index
        %parallel_loop3A_595 = tpu.vector_load %arg14[%parallel_loop3A_593, %parallel_loop3A_594] {strides = array<i32>} : memref<16x128xf32, #tpu.memory_space<vmem>>, vector<16xf32>,
        %parallel_loop3A_596 = arith.index_cast %parallel_loop3A_585 : i32 to index
        %parallel_loop3A_597 = arith.constant 16 : index
        %parallel_loop3A_598 = tpu.vector_load %arg13[%parallel_loop3A_596, %parallel_loop3A_597] {strides = array<i32>} : memref<16x256xf32, #tpu.memory_space<vmem>>, vector<16xf32>,
        %parallel_loop3A_599 = arith.mulf %parallel_loop3A_595, %parallel_loop3A_598 : vector<16xf32>
        %parallel_loop3A_600 = arith.index_cast %parallel_loop3A_585 : i32 to index
        %parallel_loop3A_601 = arith.constant 32 : index
        %parallel_loop3A_602 = tpu.vector_load %arg14[%parallel_loop3A_600, %parallel_loop3A_601] {strides = array<i32>} : memref<16x128xf32, #tpu.memory_space<vmem>>, vector<16xf32>,
        %parallel_loop3A_603 = arith.index_cast %parallel_loop3A_585 : i32 to index
        %parallel_loop3A_604 = arith.constant 32 : index
        %parallel_loop3A_605 = tpu.vector_load %arg13[%parallel_loop3A_603, %parallel_loop3A_604] {strides = array<i32>} : memref<16x256xf32, #tpu.memory_space<vmem>>, vector<16xf32>,
        %parallel_loop3A_606 = arith.mulf %parallel_loop3A_602, %parallel_loop3A_605 : vector<16xf32>
        %parallel_loop3A_607 = arith.index_cast %parallel_loop3A_585 : i32 to index
        %parallel_loop3A_608 = arith.constant 48 : index
        %parallel_loop3A_609 = tpu.vector_load %arg14[%parallel_loop3A_607, %parallel_loop3A_608] {strides = array<i32>} : memref<16x128xf32, #tpu.memory_space<vmem>>, vector<16xf32>,
        %parallel_loop3A_610 = arith.index_cast %parallel_loop3A_585 : i32 to index
        %parallel_loop3A_611 = arith.constant 48 : index
        %parallel_loop3A_612 = tpu.vector_load %arg13[%parallel_loop3A_610, %parallel_loop3A_611] {strides = array<i32>} : memref<16x256xf32, #tpu.memory_space<vmem>>, vector<16xf32>,
        %parallel_loop3A_613 = arith.mulf %parallel_loop3A_609, %parallel_loop3A_612 : vector<16xf32>
        %parallel_loop3A_614 = arith.index_cast %parallel_loop3A_585 : i32 to index
        %parallel_loop3A_615 = arith.constant 64 : index
        %parallel_loop3A_616 = tpu.vector_load %arg14[%parallel_loop3A_614, %parallel_loop3A_615] {strides = array<i32>} : memref<16x128xf32, #tpu.memory_space<vmem>>, vector<16xf32>,
        %parallel_loop3A_617 = arith.index_cast %parallel_loop3A_585 : i32 to index
        %parallel_loop3A_618 = arith.constant 64 : index
        %parallel_loop3A_619 = tpu.vector_load %arg13[%parallel_loop3A_617, %parallel_loop3A_618] {strides = array<i32>} : memref<16x256xf32, #tpu.memory_space<vmem>>, vector<16xf32>,
        %parallel_loop3A_620 = arith.mulf %parallel_loop3A_616, %parallel_loop3A_619 : vector<16xf32>
        %parallel_loop3A_621 = arith.index_cast %parallel_loop3A_585 : i32 to index
        %parallel_loop3A_622 = arith.constant 80 : index
        %parallel_loop3A_623 = tpu.vector_load %arg14[%parallel_loop3A_621, %parallel_loop3A_622] {strides = array<i32>} : memref<16x128xf32, #tpu.memory_space<vmem>>, vector<16xf32>,
        %parallel_loop3A_624 = arith.index_cast %parallel_loop3A_585 : i32 to index
        %parallel_loop3A_625 = arith.constant 80 : index
        %parallel_loop3A_626 = tpu.vector_load %arg13[%parallel_loop3A_624, %parallel_loop3A_625] {strides = array<i32>} : memref<16x256xf32, #tpu.memory_space<vmem>>, vector<16xf32>,
        %parallel_loop3A_627 = arith.mulf %parallel_loop3A_623, %parallel_loop3A_626 : vector<16xf32>
        %parallel_loop3A_628 = arith.index_cast %parallel_loop3A_585 : i32 to index
        %parallel_loop3A_629 = arith.constant 96 : index
        %parallel_loop3A_630 = tpu.vector_load %arg14[%parallel_loop3A_628, %parallel_loop3A_629] {strides = array<i32>} : memref<16x128xf32, #tpu.memory_space<vmem>>, vector<16xf32>,
        %parallel_loop3A_631 = arith.index_cast %parallel_loop3A_585 : i32 to index
        %parallel_loop3A_632 = arith.constant 96 : index
        %parallel_loop3A_633 = tpu.vector_load %arg13[%parallel_loop3A_631, %parallel_loop3A_632] {strides = array<i32>} : memref<16x256xf32, #tpu.memory_space<vmem>>, vector<16xf32>,
        %parallel_loop3A_634 = arith.mulf %parallel_loop3A_630, %parallel_loop3A_633 : vector<16xf32>
        %parallel_loop3A_635 = arith.index_cast %parallel_loop3A_585 : i32 to index
        %parallel_loop3A_636 = arith.constant 112 : index
        %parallel_loop3A_637 = tpu.vector_load %arg14[%parallel_loop3A_635, %parallel_loop3A_636] {strides = array<i32>} : memref<16x128xf32, #tpu.memory_space<vmem>>, vector<16xf32>,
        %parallel_loop3A_638 = arith.index_cast %parallel_loop3A_585 : i32 to index
        %parallel_loop3A_639 = arith.constant 112 : index
        %parallel_loop3A_640 = tpu.vector_load %arg13[%parallel_loop3A_638, %parallel_loop3A_639] {strides = array<i32>} : memref<16x256xf32, #tpu.memory_space<vmem>>, vector<16xf32>,
        %parallel_loop3A_641 = arith.mulf %parallel_loop3A_637, %parallel_loop3A_640 : vector<16xf32>
        %parallel_loop3A_642 = arith.select %eq3A_57, %parallel_loop3A_592, %parallel_loop3A_599 : vector<16xi1>, vector<16xf32>
        %parallel_loop3A_643 = arith.select %eq3A_57, %parallel_loop3A_599, %parallel_loop3A_592 : vector<16xi1>, vector<16xf32>
        %parallel_loop3A_644 = arith.constant 0 : i32
        %parallel_loop3A_645 = vector.broadcast %parallel_loop3A_644 : i32 to vector<16xi32>
        %parallel_loop3A_646 = arith.cmpi slt, %xor3A_23, %parallel_loop3A_645 : vector<16xi32>
        %parallel_loop3A_647 = arith.constant 16 : i32
        %parallel_loop3A_648 = vector.broadcast %parallel_loop3A_647 : i32 to vector<16xi32>
        %parallel_loop3A_649 = arith.addi %xor3A_23, %parallel_loop3A_648 : vector<16xi32>
        %parallel_loop3A_650 = arith.select %parallel_loop3A_646, %parallel_loop3A_649, %xor3A_23 : vector<16xi1>, vector<16xi32>
        %parallel_loop3A_651 = vector.shape_cast %parallel_loop3A_650 : vector<16xi32> to vector<16x1xi32>
        %parallel_loop3A_652 = vector.shape_cast %parallel_loop3A_651 : vector<16x1xi32> to vector<16xi32>
        %parallel_loop3A_653 = tpu.dynamic_gather %parallel_loop3A_643[%parallel_loop3A_652] in [0] : vector<16xf32>, vector<16xi32> -> vector<16xf32>
        %parallel_loop3A_654 = arith.addf %parallel_loop3A_642, %parallel_loop3A_653 : vector<16xf32>
        %parallel_loop3A_655 = arith.select %eq3A_57, %parallel_loop3A_606, %parallel_loop3A_613 : vector<16xi1>, vector<16xf32>
        %parallel_loop3A_656 = arith.select %eq3A_57, %parallel_loop3A_613, %parallel_loop3A_606 : vector<16xi1>, vector<16xf32>
        %parallel_loop3A_657 = arith.constant 0 : i32
        %parallel_loop3A_658 = vector.broadcast %parallel_loop3A_657 : i32 to vector<16xi32>
        %parallel_loop3A_659 = arith.cmpi slt, %xor3A_23, %parallel_loop3A_658 : vector<16xi32>
        %parallel_loop3A_660 = arith.constant 16 : i32
        %parallel_loop3A_661 = vector.broadcast %parallel_loop3A_660 : i32 to vector<16xi32>
        %parallel_loop3A_662 = arith.addi %xor3A_23, %parallel_loop3A_661 : vector<16xi32>
        %parallel_loop3A_663 = arith.select %parallel_loop3A_659, %parallel_loop3A_662, %xor3A_23 : vector<16xi1>, vector<16xi32>
        %parallel_loop3A_664 = vector.shape_cast %parallel_loop3A_663 : vector<16xi32> to vector<16x1xi32>
        %parallel_loop3A_665 = vector.shape_cast %parallel_loop3A_664 : vector<16x1xi32> to vector<16xi32>
        %parallel_loop3A_666 = tpu.dynamic_gather %parallel_loop3A_656[%parallel_loop3A_665] in [0] : vector<16xf32>, vector<16xi32> -> vector<16xf32>
        %parallel_loop3A_667 = arith.addf %parallel_loop3A_655, %parallel_loop3A_666 : vector<16xf32>
        %parallel_loop3A_668 = arith.select %eq3A_57, %parallel_loop3A_620, %parallel_loop3A_627 : vector<16xi1>, vector<16xf32>
        %parallel_loop3A_669 = arith.select %eq3A_57, %parallel_loop3A_627, %parallel_loop3A_620 : vector<16xi1>, vector<16xf32>
        %parallel_loop3A_670 = arith.constant 0 : i32
        %parallel_loop3A_671 = vector.broadcast %parallel_loop3A_670 : i32 to vector<16xi32>
        %parallel_loop3A_672 = arith.cmpi slt, %xor3A_23, %parallel_loop3A_671 : vector<16xi32>
        %parallel_loop3A_673 = arith.constant 16 : i32
        %parallel_loop3A_674 = vector.broadcast %parallel_loop3A_673 : i32 to vector<16xi32>
        %parallel_loop3A_675 = arith.addi %xor3A_23, %parallel_loop3A_674 : vector<16xi32>
        %parallel_loop3A_676 = arith.select %parallel_loop3A_672, %parallel_loop3A_675, %xor3A_23 : vector<16xi1>, vector<16xi32>
        %parallel_loop3A_677 = vector.shape_cast %parallel_loop3A_676 : vector<16xi32> to vector<16x1xi32>
        %parallel_loop3A_678 = vector.shape_cast %parallel_loop3A_677 : vector<16x1xi32> to vector<16xi32>
        %parallel_loop3A_679 = tpu.dynamic_gather %parallel_loop3A_669[%parallel_loop3A_678] in [0] : vector<16xf32>, vector<16xi32> -> vector<16xf32>
        %parallel_loop3A_680 = arith.addf %parallel_loop3A_668, %parallel_loop3A_679 : vector<16xf32>
        %parallel_loop3A_681 = arith.select %eq3A_57, %parallel_loop3A_634, %parallel_loop3A_641 : vector<16xi1>, vector<16xf32>
        %parallel_loop3A_682 = arith.select %eq3A_57, %parallel_loop3A_641, %parallel_loop3A_634 : vector<16xi1>, vector<16xf32>
        %parallel_loop3A_683 = arith.constant 0 : i32
        %parallel_loop3A_684 = vector.broadcast %parallel_loop3A_683 : i32 to vector<16xi32>
        %parallel_loop3A_685 = arith.cmpi slt, %xor3A_23, %parallel_loop3A_684 : vector<16xi32>
        %parallel_loop3A_686 = arith.constant 16 : i32
        %parallel_loop3A_687 = vector.broadcast %parallel_loop3A_686 : i32 to vector<16xi32>
        %parallel_loop3A_688 = arith.addi %xor3A_23, %parallel_loop3A_687 : vector<16xi32>
        %parallel_loop3A_689 = arith.select %parallel_loop3A_685, %parallel_loop3A_688, %xor3A_23 : vector<16xi1>, vector<16xi32>
        %parallel_loop3A_690 = vector.shape_cast %parallel_loop3A_689 : vector<16xi32> to vector<16x1xi32>
        %parallel_loop3A_691 = vector.shape_cast %parallel_loop3A_690 : vector<16x1xi32> to vector<16xi32>
        %parallel_loop3A_692 = tpu.dynamic_gather %parallel_loop3A_682[%parallel_loop3A_691] in [0] : vector<16xf32>, vector<16xi32> -> vector<16xf32>
        %parallel_loop3A_693 = arith.addf %parallel_loop3A_681, %parallel_loop3A_692 : vector<16xf32>
        %parallel_loop3A_694 = arith.select %eq3A_48, %parallel_loop3A_654, %parallel_loop3A_667 : vector<16xi1>, vector<16xf32>
        %parallel_loop3A_695 = arith.select %eq3A_48, %parallel_loop3A_667, %parallel_loop3A_654 : vector<16xi1>, vector<16xf32>
        %parallel_loop3A_696 = arith.constant 0 : i32
        %parallel_loop3A_697 = vector.broadcast %parallel_loop3A_696 : i32 to vector<16xi32>
        %parallel_loop3A_698 = arith.cmpi slt, %xor3A_20, %parallel_loop3A_697 : vector<16xi32>
        %parallel_loop3A_699 = arith.constant 16 : i32
        %parallel_loop3A_700 = vector.broadcast %parallel_loop3A_699 : i32 to vector<16xi32>
        %parallel_loop3A_701 = arith.addi %xor3A_20, %parallel_loop3A_700 : vector<16xi32>
        %parallel_loop3A_702 = arith.select %parallel_loop3A_698, %parallel_loop3A_701, %xor3A_20 : vector<16xi1>, vector<16xi32>
        %parallel_loop3A_703 = vector.shape_cast %parallel_loop3A_702 : vector<16xi32> to vector<16x1xi32>
        %parallel_loop3A_704 = vector.shape_cast %parallel_loop3A_703 : vector<16x1xi32> to vector<16xi32>
        %parallel_loop3A_705 = tpu.dynamic_gather %parallel_loop3A_695[%parallel_loop3A_704] in [0] : vector<16xf32>, vector<16xi32> -> vector<16xf32>
        %parallel_loop3A_706 = arith.addf %parallel_loop3A_694, %parallel_loop3A_705 : vector<16xf32>
        %parallel_loop3A_707 = arith.select %eq3A_48, %parallel_loop3A_680, %parallel_loop3A_693 : vector<16xi1>, vector<16xf32>
        %parallel_loop3A_708 = arith.select %eq3A_48, %parallel_loop3A_693, %parallel_loop3A_680 : vector<16xi1>, vector<16xf32>
        %parallel_loop3A_709 = arith.constant 0 : i32
        %parallel_loop3A_710 = vector.broadcast %parallel_loop3A_709 : i32 to vector<16xi32>
        %parallel_loop3A_711 = arith.cmpi slt, %xor3A_20, %parallel_loop3A_710 : vector<16xi32>
        %parallel_loop3A_712 = arith.constant 16 : i32
        %parallel_loop3A_713 = vector.broadcast %parallel_loop3A_712 : i32 to vector<16xi32>
        %parallel_loop3A_714 = arith.addi %xor3A_20, %parallel_loop3A_713 : vector<16xi32>
        %parallel_loop3A_715 = arith.select %parallel_loop3A_711, %parallel_loop3A_714, %xor3A_20 : vector<16xi1>, vector<16xi32>
        %parallel_loop3A_716 = vector.shape_cast %parallel_loop3A_715 : vector<16xi32> to vector<16x1xi32>
        %parallel_loop3A_717 = vector.shape_cast %parallel_loop3A_716 : vector<16x1xi32> to vector<16xi32>
        %parallel_loop3A_718 = tpu.dynamic_gather %parallel_loop3A_708[%parallel_loop3A_717] in [0] : vector<16xf32>, vector<16xi32> -> vector<16xf32>
        %parallel_loop3A_719 = arith.addf %parallel_loop3A_707, %parallel_loop3A_718 : vector<16xf32>
        %parallel_loop3A_720 = arith.select %eq3A_39, %parallel_loop3A_706, %parallel_loop3A_719 : vector<16xi1>, vector<16xf32>
        %parallel_loop3A_721 = arith.select %eq3A_39, %parallel_loop3A_719, %parallel_loop3A_706 : vector<16xi1>, vector<16xf32>
        %parallel_loop3A_722 = arith.constant 0 : i32
        %parallel_loop3A_723 = vector.broadcast %parallel_loop3A_722 : i32 to vector<16xi32>
        %parallel_loop3A_724 = arith.cmpi slt, %xor3A_17, %parallel_loop3A_723 : vector<16xi32>
        %parallel_loop3A_725 = arith.constant 16 : i32
        %parallel_loop3A_726 = vector.broadcast %parallel_loop3A_725 : i32 to vector<16xi32>
        %parallel_loop3A_727 = arith.addi %xor3A_17, %parallel_loop3A_726 : vector<16xi32>
        %parallel_loop3A_728 = arith.select %parallel_loop3A_724, %parallel_loop3A_727, %xor3A_17 : vector<16xi1>, vector<16xi32>
        %parallel_loop3A_729 = vector.shape_cast %parallel_loop3A_728 : vector<16xi32> to vector<16x1xi32>
        %parallel_loop3A_730 = vector.shape_cast %parallel_loop3A_729 : vector<16x1xi32> to vector<16xi32>
        %parallel_loop3A_731 = tpu.dynamic_gather %parallel_loop3A_721[%parallel_loop3A_730] in [0] : vector<16xf32>, vector<16xi32> -> vector<16xf32>
        %parallel_loop3A_732 = arith.addf %parallel_loop3A_720, %parallel_loop3A_731 : vector<16xf32>
        %parallel_loop3A_733 = arith.constant 0 : i32
        %parallel_loop3A_734 = vector.broadcast %parallel_loop3A_733 : i32 to vector<16xi32>
        %parallel_loop3A_735 = arith.cmpi slt, %xor3A_14, %parallel_loop3A_734 : vector<16xi32>
        %parallel_loop3A_736 = arith.constant 16 : i32
        %parallel_loop3A_737 = vector.broadcast %parallel_loop3A_736 : i32 to vector<16xi32>
        %parallel_loop3A_738 = arith.addi %xor3A_14, %parallel_loop3A_737 : vector<16xi32>
        %parallel_loop3A_739 = arith.select %parallel_loop3A_735, %parallel_loop3A_738, %xor3A_14 : vector<16xi1>, vector<16xi32>
        %parallel_loop3A_740 = vector.shape_cast %parallel_loop3A_739 : vector<16xi32> to vector<16x1xi32>
        %parallel_loop3A_741 = vector.shape_cast %parallel_loop3A_740 : vector<16x1xi32> to vector<16xi32>
        %parallel_loop3A_742 = tpu.dynamic_gather %parallel_loop3A_732[%parallel_loop3A_741] in [0] : vector<16xf32>, vector<16xi32> -> vector<16xf32>
        %parallel_loop3A_743 = arith.addf %parallel_loop3A_732, %parallel_loop3A_742 : vector<16xf32>
        %parallel_loop3A_744 = math.exp %parallel_loop3A_743 : vector<16xf32>
        %parallel_loop3A_745 = arith.constant 0 : i32
        %parallel_loop3A_746 = vector.broadcast %parallel_loop3A_745 : i32 to vector<16xi32>
        %parallel_loop3A_747 = arith.cmpi slt, %broadcast_in_dim3A_58, %parallel_loop3A_746 : vector<16xi32>
        %parallel_loop3A_748 = arith.constant 16 : i32
        %parallel_loop3A_749 = vector.broadcast %parallel_loop3A_748 : i32 to vector<16xi32>
        %parallel_loop3A_750 = arith.addi %broadcast_in_dim3A_58, %parallel_loop3A_749 : vector<16xi32>
        %parallel_loop3A_751 = arith.select %parallel_loop3A_747, %parallel_loop3A_750, %broadcast_in_dim3A_58 : vector<16xi1>, vector<16xi32>
        %parallel_loop3A_752 = vector.shape_cast %parallel_loop3A_751 : vector<16xi32> to vector<16x1xi32>
        %parallel_loop3A_753 = vector.shape_cast %parallel_loop3A_752 : vector<16x1xi32> to vector<16xi32>
        %parallel_loop3A_754 = tpu.dynamic_gather %parallel_loop3A_744[%parallel_loop3A_753] in [0] : vector<16xf32>, vector<16xi32> -> vector<16xf32>
        %parallel_loop3A_755 = arith.index_cast %parallel_loop3A_585 : i32 to index
        %parallel_loop3A_756 = arith.constant 128 : index
        %parallel_loop3A_757 = tpu.vector_load %arg13[%parallel_loop3A_755, %parallel_loop3A_756] {strides = array<i32>} : memref<16x256xf32, #tpu.memory_space<vmem>>, vector<16xf32>,
        %parallel_loop3A_758 = arith.mulf %parallel_loop3A_757, %parallel_loop3A_754 : vector<16xf32>
        %parallel_loop3A_759 = arith.index_cast %parallel_loop3A_585 : i32 to index
        %parallel_loop3A_760 = arith.constant 0 : index
        %parallel_loop3A_761 = tpu.vector_load %arg15[%parallel_loop3A_759, %parallel_loop3A_760] {strides = array<i32>} : memref<16x128xf32, #tpu.memory_space<vmem>>, vector<16xf32>,
        tpu.vector_store %arg15[%parallel_loop3A_759, %parallel_loop3A_760], %parallel_loop3A_758 {strides = array<i32>} : memref<16x128xf32, #tpu.memory_space<vmem>>, vector<16xf32>,
        %parallel_loop3A_762 = arith.constant 0 : i32
        %parallel_loop3A_763 = vector.broadcast %parallel_loop3A_762 : i32 to vector<16xi32>
        %parallel_loop3A_764 = arith.cmpi slt, %broadcast_in_dim3A_60, %parallel_loop3A_763 : vector<16xi32>
        %parallel_loop3A_765 = arith.constant 16 : i32
        %parallel_loop3A_766 = vector.broadcast %parallel_loop3A_765 : i32 to vector<16xi32>
        %parallel_loop3A_767 = arith.addi %broadcast_in_dim3A_60, %parallel_loop3A_766 : vector<16xi32>
        %parallel_loop3A_768 = arith.select %parallel_loop3A_764, %parallel_loop3A_767, %broadcast_in_dim3A_60 : vector<16xi1>, vector<16xi32>
        %parallel_loop3A_769 = vector.shape_cast %parallel_loop3A_768 : vector<16xi32> to vector<16x1xi32>
        %parallel_loop3A_770 = vector.shape_cast %parallel_loop3A_769 : vector<16x1xi32> to vector<16xi32>
        %parallel_loop3A_771 = tpu.dynamic_gather %parallel_loop3A_744[%parallel_loop3A_770] in [0] : vector<16xf32>, vector<16xi32> -> vector<16xf32>
        %parallel_loop3A_772 = arith.index_cast %parallel_loop3A_585 : i32 to index
        %parallel_loop3A_773 = arith.constant 144 : index
        %parallel_loop3A_774 = tpu.vector_load %arg13[%parallel_loop3A_772, %parallel_loop3A_773] {strides = array<i32>} : memref<16x256xf32, #tpu.memory_space<vmem>>, vector<16xf32>,
        %parallel_loop3A_775 = arith.mulf %parallel_loop3A_774, %parallel_loop3A_771 : vector<16xf32>
        %parallel_loop3A_776 = arith.index_cast %parallel_loop3A_585 : i32 to index
        %parallel_loop3A_777 = arith.constant 16 : index
        %parallel_loop3A_778 = tpu.vector_load %arg15[%parallel_loop3A_776, %parallel_loop3A_777] {strides = array<i32>} : memref<16x128xf32, #tpu.memory_space<vmem>>, vector<16xf32>,
        tpu.vector_store %arg15[%parallel_loop3A_776, %parallel_loop3A_777], %parallel_loop3A_775 {strides = array<i32>} : memref<16x128xf32, #tpu.memory_space<vmem>>, vector<16xf32>,
        %parallel_loop3A_779 = arith.constant 0 : i32
        %parallel_loop3A_780 = vector.broadcast %parallel_loop3A_779 : i32 to vector<16xi32>
        %parallel_loop3A_781 = arith.cmpi slt, %broadcast_in_dim3A_62, %parallel_loop3A_780 : vector<16xi32>
        %parallel_loop3A_782 = arith.constant 16 : i32
        %parallel_loop3A_783 = vector.broadcast %parallel_loop3A_782 : i32 to vector<16xi32>
        %parallel_loop3A_784 = arith.addi %broadcast_in_dim3A_62, %parallel_loop3A_783 : vector<16xi32>
        %parallel_loop3A_785 = arith.select %parallel_loop3A_781, %parallel_loop3A_784, %broadcast_in_dim3A_62 : vector<16xi1>, vector<16xi32>
        %parallel_loop3A_786 = vector.shape_cast %parallel_loop3A_785 : vector<16xi32> to vector<16x1xi32>
        %parallel_loop3A_787 = vector.shape_cast %parallel_loop3A_786 : vector<16x1xi32> to vector<16xi32>
        %parallel_loop3A_788 = tpu.dynamic_gather %parallel_loop3A_744[%parallel_loop3A_787] in [0] : vector<16xf32>, vector<16xi32> -> vector<16xf32>
        %parallel_loop3A_789 = arith.index_cast %parallel_loop3A_585 : i32 to index
        %parallel_loop3A_790 = arith.constant 160 : index
        %parallel_loop3A_791 = tpu.vector_load %arg13[%parallel_loop3A_789, %parallel_loop3A_790] {strides = array<i32>} : memref<16x256xf32, #tpu.memory_space<vmem>>, vector<16xf32>,
        %parallel_loop3A_792 = arith.mulf %parallel_loop3A_791, %parallel_loop3A_788 : vector<16xf32>
        %parallel_loop3A_793 = arith.index_cast %parallel_loop3A_585 : i32 to index
        %parallel_loop3A_794 = arith.constant 32 : index
        %parallel_loop3A_795 = tpu.vector_load %arg15[%parallel_loop3A_793, %parallel_loop3A_794] {strides = array<i32>} : memref<16x128xf32, #tpu.memory_space<vmem>>, vector<16xf32>,
        tpu.vector_store %arg15[%parallel_loop3A_793, %parallel_loop3A_794], %parallel_loop3A_792 {strides = array<i32>} : memref<16x128xf32, #tpu.memory_space<vmem>>, vector<16xf32>,
        %parallel_loop3A_796 = arith.constant 0 : i32
        %parallel_loop3A_797 = vector.broadcast %parallel_loop3A_796 : i32 to vector<16xi32>
        %parallel_loop3A_798 = arith.cmpi slt, %broadcast_in_dim3A_64, %parallel_loop3A_797 : vector<16xi32>
        %parallel_loop3A_799 = arith.constant 16 : i32
        %parallel_loop3A_800 = vector.broadcast %parallel_loop3A_799 : i32 to vector<16xi32>
        %parallel_loop3A_801 = arith.addi %broadcast_in_dim3A_64, %parallel_loop3A_800 : vector<16xi32>
        %parallel_loop3A_802 = arith.select %parallel_loop3A_798, %parallel_loop3A_801, %broadcast_in_dim3A_64 : vector<16xi1>, vector<16xi32>
        %parallel_loop3A_803 = vector.shape_cast %parallel_loop3A_802 : vector<16xi32> to vector<16x1xi32>
        %parallel_loop3A_804 = vector.shape_cast %parallel_loop3A_803 : vector<16x1xi32> to vector<16xi32>
        %parallel_loop3A_805 = tpu.dynamic_gather %parallel_loop3A_744[%parallel_loop3A_804] in [0] : vector<16xf32>, vector<16xi32> -> vector<16xf32>
        %parallel_loop3A_806 = arith.index_cast %parallel_loop3A_585 : i32 to index
        %parallel_loop3A_807 = arith.constant 176 : index
        %parallel_loop3A_808 = tpu.vector_load %arg13[%parallel_loop3A_806, %parallel_loop3A_807] {strides = array<i32>} : memref<16x256xf32, #tpu.memory_space<vmem>>, vector<16xf32>,
        %parallel_loop3A_809 = arith.mulf %parallel_loop3A_808, %parallel_loop3A_805 : vector<16xf32>
        %parallel_loop3A_810 = arith.index_cast %parallel_loop3A_585 : i32 to index
        %parallel_loop3A_811 = arith.constant 48 : index
        %parallel_loop3A_812 = tpu.vector_load %arg15[%parallel_loop3A_810, %parallel_loop3A_811] {strides = array<i32>} : memref<16x128xf32, #tpu.memory_space<vmem>>, vector<16xf32>,
        tpu.vector_store %arg15[%parallel_loop3A_810, %parallel_loop3A_811], %parallel_loop3A_809 {strides = array<i32>} : memref<16x128xf32, #tpu.memory_space<vmem>>, vector<16xf32>,
        %parallel_loop3A_813 = arith.constant 0 : i32
        %parallel_loop3A_814 = vector.broadcast %parallel_loop3A_813 : i32 to vector<16xi32>
        %parallel_loop3A_815 = arith.cmpi slt, %broadcast_in_dim3A_66, %parallel_loop3A_814 : vector<16xi32>
        %parallel_loop3A_816 = arith.constant 16 : i32
        %parallel_loop3A_817 = vector.broadcast %parallel_loop3A_816 : i32 to vector<16xi32>
        %parallel_loop3A_818 = arith.addi %broadcast_in_dim3A_66, %parallel_loop3A_817 : vector<16xi32>
        %parallel_loop3A_819 = arith.select %parallel_loop3A_815, %parallel_loop3A_818, %broadcast_in_dim3A_66 : vector<16xi1>, vector<16xi32>
        %parallel_loop3A_820 = vector.shape_cast %parallel_loop3A_819 : vector<16xi32> to vector<16x1xi32>
        %parallel_loop3A_821 = vector.shape_cast %parallel_loop3A_820 : vector<16x1xi32> to vector<16xi32>
        %parallel_loop3A_822 = tpu.dynamic_gather %parallel_loop3A_744[%parallel_loop3A_821] in [0] : vector<16xf32>, vector<16xi32> -> vector<16xf32>
        %parallel_loop3A_823 = arith.index_cast %parallel_loop3A_585 : i32 to index
        %parallel_loop3A_824 = arith.constant 192 : index
        %parallel_loop3A_825 = tpu.vector_load %arg13[%parallel_loop3A_823, %parallel_loop3A_824] {strides = array<i32>} : memref<16x256xf32, #tpu.memory_space<vmem>>, vector<16xf32>,
        %parallel_loop3A_826 = arith.mulf %parallel_loop3A_825, %parallel_loop3A_822 : vector<16xf32>
        %parallel_loop3A_827 = arith.index_cast %parallel_loop3A_585 : i32 to index
        %parallel_loop3A_828 = arith.constant 64 : index
        %parallel_loop3A_829 = tpu.vector_load %arg15[%parallel_loop3A_827, %parallel_loop3A_828] {strides = array<i32>} : memref<16x128xf32, #tpu.memory_space<vmem>>, vector<16xf32>,
        tpu.vector_store %arg15[%parallel_loop3A_827, %parallel_loop3A_828], %parallel_loop3A_826 {strides = array<i32>} : memref<16x128xf32, #tpu.memory_space<vmem>>, vector<16xf32>,
        %parallel_loop3A_830 = arith.constant 0 : i32
        %parallel_loop3A_831 = vector.broadcast %parallel_loop3A_830 : i32 to vector<16xi32>
        %parallel_loop3A_832 = arith.cmpi slt, %broadcast_in_dim3A_68, %parallel_loop3A_831 : vector<16xi32>
        %parallel_loop3A_833 = arith.constant 16 : i32
        %parallel_loop3A_834 = vector.broadcast %parallel_loop3A_833 : i32 to vector<16xi32>
        %parallel_loop3A_835 = arith.addi %broadcast_in_dim3A_68, %parallel_loop3A_834 : vector<16xi32>
        %parallel_loop3A_836 = arith.select %parallel_loop3A_832, %parallel_loop3A_835, %broadcast_in_dim3A_68 : vector<16xi1>, vector<16xi32>
        %parallel_loop3A_837 = vector.shape_cast %parallel_loop3A_836 : vector<16xi32> to vector<16x1xi32>
        %parallel_loop3A_838 = vector.shape_cast %parallel_loop3A_837 : vector<16x1xi32> to vector<16xi32>
        %parallel_loop3A_839 = tpu.dynamic_gather %parallel_loop3A_744[%parallel_loop3A_838] in [0] : vector<16xf32>, vector<16xi32> -> vector<16xf32>
        %parallel_loop3A_840 = arith.index_cast %parallel_loop3A_585 : i32 to index
        %parallel_loop3A_841 = arith.constant 208 : index
        %parallel_loop3A_842 = tpu.vector_load %arg13[%parallel_loop3A_840, %parallel_loop3A_841] {strides = array<i32>} : memref<16x256xf32, #tpu.memory_space<vmem>>, vector<16xf32>,
        %parallel_loop3A_843 = arith.mulf %parallel_loop3A_842, %parallel_loop3A_839 : vector<16xf32>
        %parallel_loop3A_844 = arith.index_cast %parallel_loop3A_585 : i32 to index
        %parallel_loop3A_845 = arith.constant 80 : index
        %parallel_loop3A_846 = tpu.vector_load %arg15[%parallel_loop3A_844, %parallel_loop3A_845] {strides = array<i32>} : memref<16x128xf32, #tpu.memory_space<vmem>>, vector<16xf32>,
        tpu.vector_store %arg15[%parallel_loop3A_844, %parallel_loop3A_845], %parallel_loop3A_843 {strides = array<i32>} : memref<16x128xf32, #tpu.memory_space<vmem>>, vector<16xf32>,
        %parallel_loop3A_847 = arith.constant 0 : i32
        %parallel_loop3A_848 = vector.broadcast %parallel_loop3A_847 : i32 to vector<16xi32>
        %parallel_loop3A_849 = arith.cmpi slt, %broadcast_in_dim3A_70, %parallel_loop3A_848 : vector<16xi32>
        %parallel_loop3A_850 = arith.constant 16 : i32
        %parallel_loop3A_851 = vector.broadcast %parallel_loop3A_850 : i32 to vector<16xi32>
        %parallel_loop3A_852 = arith.addi %broadcast_in_dim3A_70, %parallel_loop3A_851 : vector<16xi32>
        %parallel_loop3A_853 = arith.select %parallel_loop3A_849, %parallel_loop3A_852, %broadcast_in_dim3A_70 : vector<16xi1>, vector<16xi32>
        %parallel_loop3A_854 = vector.shape_cast %parallel_loop3A_853 : vector<16xi32> to vector<16x1xi32>
        %parallel_loop3A_855 = vector.shape_cast %parallel_loop3A_854 : vector<16x1xi32> to vector<16xi32>
        %parallel_loop3A_856 = tpu.dynamic_gather %parallel_loop3A_744[%parallel_loop3A_855] in [0] : vector<16xf32>, vector<16xi32> -> vector<16xf32>
        %parallel_loop3A_857 = arith.index_cast %parallel_loop3A_585 : i32 to index
        %parallel_loop3A_858 = arith.constant 224 : index
        %parallel_loop3A_859 = tpu.vector_load %arg13[%parallel_loop3A_857, %parallel_loop3A_858] {strides = array<i32>} : memref<16x256xf32, #tpu.memory_space<vmem>>, vector<16xf32>,
        %parallel_loop3A_860 = arith.mulf %parallel_loop3A_859, %parallel_loop3A_856 : vector<16xf32>
        %parallel_loop3A_861 = arith.index_cast %parallel_loop3A_585 : i32 to index
        %parallel_loop3A_862 = arith.constant 96 : index
        %parallel_loop3A_863 = tpu.vector_load %arg15[%parallel_loop3A_861, %parallel_loop3A_862] {strides = array<i32>} : memref<16x128xf32, #tpu.memory_space<vmem>>, vector<16xf32>,
        tpu.vector_store %arg15[%parallel_loop3A_861, %parallel_loop3A_862], %parallel_loop3A_860 {strides = array<i32>} : memref<16x128xf32, #tpu.memory_space<vmem>>, vector<16xf32>,
        %parallel_loop3A_864 = arith.constant 0 : i32
        %parallel_loop3A_865 = vector.broadcast %parallel_loop3A_864 : i32 to vector<16xi32>
        %parallel_loop3A_866 = arith.cmpi slt, %broadcast_in_dim3A_72, %parallel_loop3A_865 : vector<16xi32>
        %parallel_loop3A_867 = arith.constant 16 : i32
        %parallel_loop3A_868 = vector.broadcast %parallel_loop3A_867 : i32 to vector<16xi32>
        %parallel_loop3A_869 = arith.addi %broadcast_in_dim3A_72, %parallel_loop3A_868 : vector<16xi32>
        %parallel_loop3A_870 = arith.select %parallel_loop3A_866, %parallel_loop3A_869, %broadcast_in_dim3A_72 : vector<16xi1>, vector<16xi32>
        %parallel_loop3A_871 = vector.shape_cast %parallel_loop3A_870 : vector<16xi32> to vector<16x1xi32>
        %parallel_loop3A_872 = vector.shape_cast %parallel_loop3A_871 : vector<16x1xi32> to vector<16xi32>
        %parallel_loop3A_873 = tpu.dynamic_gather %parallel_loop3A_744[%parallel_loop3A_872] in [0] : vector<16xf32>, vector<16xi32> -> vector<16xf32>
        %parallel_loop3A_874 = arith.index_cast %parallel_loop3A_585 : i32 to index
        %parallel_loop3A_875 = arith.constant 240 : index
        %parallel_loop3A_876 = tpu.vector_load %arg13[%parallel_loop3A_874, %parallel_loop3A_875] {strides = array<i32>} : memref<16x256xf32, #tpu.memory_space<vmem>>, vector<16xf32>,
        %parallel_loop3A_877 = arith.mulf %parallel_loop3A_876, %parallel_loop3A_873 : vector<16xf32>
        %parallel_loop3A_878 = arith.index_cast %parallel_loop3A_585 : i32 to index
        %parallel_loop3A_879 = arith.constant 112 : index
        %parallel_loop3A_880 = tpu.vector_load %arg15[%parallel_loop3A_878, %parallel_loop3A_879] {strides = array<i32>} : memref<16x128xf32, #tpu.memory_space<vmem>>, vector<16xf32>,
        tpu.vector_store %arg15[%parallel_loop3A_878, %parallel_loop3A_879], %parallel_loop3A_877 {strides = array<i32>} : memref<16x128xf32, #tpu.memory_space<vmem>>, vector<16xf32>,
        %parallel_loop3A_881 = arith.constant 0 : i32
        %parallel_loop3A_882 = vector.broadcast %parallel_loop3A_881 : i32 to vector<16xi32>
        %parallel_loop3A_883 = arith.cmpi slt, %or3A_90, %parallel_loop3A_882 : vector<16xi32>
        %parallel_loop3A_884 = arith.constant 16 : i32
        %parallel_loop3A_885 = vector.broadcast %parallel_loop3A_884 : i32 to vector<16xi32>
        %parallel_loop3A_886 = arith.addi %or3A_90, %parallel_loop3A_885 : vector<16xi32>
        %parallel_loop3A_887 = arith.select %parallel_loop3A_883, %parallel_loop3A_886, %or3A_90 : vector<16xi1>, vector<16xi32>
        %parallel_loop3A_888 = vector.shape_cast %parallel_loop3A_887 : vector<16xi32> to vector<16x1xi32>
        %parallel_loop3A_889 = vector.shape_cast %parallel_loop3A_888 : vector<16x1xi32> to vector<16xi32>
        %parallel_loop3A_890 = tpu.dynamic_gather %parallel_loop3A_445[%parallel_loop3A_889] in [0] : vector<16xf32>, vector<16xi32> -> vector<16xf32>
        %parallel_loop3A_891 = arith.constant 0 : i32
        %parallel_loop3A_892 = vector.broadcast %parallel_loop3A_891 : i32 to vector<16xi32>
        %parallel_loop3A_893 = arith.cmpi slt, %or3A_90, %parallel_loop3A_892 : vector<16xi32>
        %parallel_loop3A_894 = arith.constant 16 : i32
        %parallel_loop3A_895 = vector.broadcast %parallel_loop3A_894 : i32 to vector<16xi32>
        %parallel_loop3A_896 = arith.addi %or3A_90, %parallel_loop3A_895 : vector<16xi32>
        %parallel_loop3A_897 = arith.select %parallel_loop3A_893, %parallel_loop3A_896, %or3A_90 : vector<16xi1>, vector<16xi32>
        %parallel_loop3A_898 = vector.shape_cast %parallel_loop3A_897 : vector<16xi32> to vector<16x1xi32>
        %parallel_loop3A_899 = vector.shape_cast %parallel_loop3A_898 : vector<16x1xi32> to vector<16xi32>
        %parallel_loop3A_900 = tpu.dynamic_gather %parallel_loop3A_744[%parallel_loop3A_899] in [0] : vector<16xf32>, vector<16xi32> -> vector<16xf32>
        %parallel_loop3A_901 = arith.constant 8 : i32
        %parallel_loop3A_902 = vector.broadcast %parallel_loop3A_901 : i32 to vector<16xi32>
        %parallel_loop3A_903 = arith.cmpi slt, %iota3A, %parallel_loop3A_902 : vector<16xi32>
        %parallel_loop3A_904 = arith.select %parallel_loop3A_903, %parallel_loop3A_890, %parallel_loop3A_900 : vector<16xi1>, vector<16xf32>
        %parallel_loop3A_905 = arith.constant 2 : i32
        %parallel_loop3A_906 = arith.muli %parallel_loop3A_282, %parallel_loop3A_905 : i32
        %parallel_loop3A_907 = arith.constant 3 : i32
        %parallel_loop3A_908 = vector.broadcast %parallel_loop3A_907 : i32 to vector<16xi32>
        %parallel_loop3A_909 = arith.shrsi %iota3A, %parallel_loop3A_908 : vector<16xi32>
        %parallel_loop3A_910 = vector.broadcast %parallel_loop3A_906 : i32 to vector<16xi32>
        %parallel_loop3A_911 = arith.addi %parallel_loop3A_910, %parallel_loop3A_909 : vector<16xi32>
        %parallel_loop3A_912 = arith.constant 0 : i32
        %parallel_loop3A_913 = vector.broadcast %parallel_loop3A_912 : i32 to vector<16xi32>
        %parallel_loop3A_914 = arith.cmpi slt, %parallel_loop3A_911, %parallel_loop3A_913 : vector<16xi32>
        %parallel_loop3A_915 = arith.constant 16 : i32
        %parallel_loop3A_916 = vector.broadcast %parallel_loop3A_915 : i32 to vector<16xi32>
        %parallel_loop3A_917 = arith.addi %parallel_loop3A_911, %parallel_loop3A_916 : vector<16xi32>
        %parallel_loop3A_918 = arith.select %parallel_loop3A_914, %parallel_loop3A_917, %parallel_loop3A_911 : vector<16xi1>, vector<16xi32>
        %parallel_loop3A_919 = vector.shape_cast %parallel_loop3A_918 : vector<16xi32> to vector<16x1xi32>
        %parallel_loop3A_920 = vector.shape_cast %parallel_loop3A_919 : vector<16x1xi32> to vector<16xi32>
        %parallel_loop3A_921 = tpu.dynamic_gather %get3A_213[%parallel_loop3A_920] in [0] : vector<16xi32>, vector<16xi32> -> vector<16xi32>
        %parallel_loop3A_922 = arith.constant 8 : i32
        %parallel_loop3A_923 = vector.broadcast %parallel_loop3A_922 : i32 to vector<16xi32>
        %parallel_loop3A_924 = arith.muli %parallel_loop3A_921, %parallel_loop3A_923 : vector<16xi32>
        %parallel_loop3A_925 = arith.addi %parallel_loop3A_924, %and3A_12 : vector<16xi32>
        %parallel_loop3A_926 = arith.constant 16 : i32
        %parallel_loop3A_927 = arith.muli %parallel_loop3A_282, %parallel_loop3A_926 : i32
        %parallel_loop3A_928 = arith.constant 0 : i32
        %parallel_loop3A_929 = arith.index_cast %parallel_loop3A_928 : i32 to index
        %parallel_loop3A_930 = arith.index_cast %parallel_loop3A_927 : i32 to index
        %parallel_loop3A_931 = tpu.vector_load %arg17[%parallel_loop3A_929, %parallel_loop3A_930] {strides = array<i32>} : memref<1x128xi32, #tpu.memory_space<vmem>>, vector<16xi32>,
        tpu.vector_store %arg17[%parallel_loop3A_929, %parallel_loop3A_930], %parallel_loop3A_925 {strides = array<i32>} : memref<1x128xi32, #tpu.memory_space<vmem>>, vector<16xi32>,
        %parallel_loop3A_932 = arith.constant 16 : i32
        %parallel_loop3A_933 = arith.muli %parallel_loop3A_282, %parallel_loop3A_932 : i32
        %parallel_loop3A_934 = arith.constant 0 : i32
        %parallel_loop3A_935 = arith.index_cast %parallel_loop3A_934 : i32 to index
        %parallel_loop3A_936 = arith.index_cast %parallel_loop3A_933 : i32 to index
        %parallel_loop3A_937 = tpu.vector_load %arg16[%parallel_loop3A_935, %parallel_loop3A_936] {strides = array<i32>} : memref<1x128xf32, #tpu.memory_space<vmem>>, vector<16xf32>,
        tpu.vector_store %arg16[%parallel_loop3A_935, %parallel_loop3A_936], %parallel_loop3A_904 {strides = array<i32>} : memref<1x128xf32, #tpu.memory_space<vmem>>, vector<16xf32>,
      } {sc.loop_unroll_factor = 8 : i64, sc.parallel_access}
      %le3A_219 = arith.constant 622 : i32
      %le3A_220 = arith.cmpi sle, %mul3A_199, %le3A_219 : i32
      %convert_element_type3A_221 = arith.extui %le3A_220 : i1 to i32
      %cond3A_222 = arith.constant 0 : i32
      %cond3A_223 = arith.cmpi ne, %convert_element_type3A_221, %cond3A_222 : i32
      scf.if %cond3A_223 {
        %add3A_282 = arith.constant 2 : i32
        %add3A_283 = arith.addi %mul3A_199, %add3A_282 : i32
        %mul3A_284 = arith.constant 16 : i32
        %mul3A_285 = arith.muli %add3A_283, %mul3A_284 : i32
        %add3A_286 = arith.addi %mul3A_10, %mul3A_285 : i32
        %dma_start3A_287 = tpu.memref_slice %arg4[%add3A_286] : memref<320000xi32, #tpu.memory_space<hbm>> -> memref<16xi32, #tpu.memory_space<hbm>>
        %dma_start3A_288 = tpu.memref_slice %arg4[%add3A_286] : memref<320000xi32, #tpu.memory_space<hbm>> -> memref<16xi32, #tpu.memory_space<hbm>>
        tpu.enqueue_dma source(%dma_start3A_288 : memref<16xi32, #tpu.memory_space<hbm>>) target(%arg10 : memref<16xi32, #tpu.memory_space<vmem>>) target_semaphore(%arg28 : memref<!tpu.dma_semaphore, #tpu.memory_space<semaphore_mem>>)
        %mul3A_289 = arith.constant 16 : i32
        %mul3A_290 = arith.muli %add3A_283, %mul3A_289 : i32
        %add3A_291 = arith.addi %mul3A_10, %mul3A_290 : i32
        %dma_start3A_292 = tpu.memref_slice %arg5[%add3A_291] : memref<320000xi32, #tpu.memory_space<hbm>> -> memref<16xi32, #tpu.memory_space<hbm>>
        %dma_start3A_293 = tpu.memref_slice %arg5[%add3A_291] : memref<320000xi32, #tpu.memory_space<hbm>> -> memref<16xi32, #tpu.memory_space<hbm>>
        tpu.enqueue_dma source(%dma_start3A_293 : memref<16xi32, #tpu.memory_space<hbm>>) target(%arg11 : memref<16xi32, #tpu.memory_space<vmem>>) target_semaphore(%arg28 : memref<!tpu.dma_semaphore, #tpu.memory_space<semaphore_mem>>)
      } else {
      }
      %dma_start3A_224 = arith.constant 0 : i32
      %dma_start3A_225 = arith.constant 0 : i32
      %dma_start3A_226 = tpu.memref_slice %arg26[%dma_start3A_224, %dma_start3A_225] : memref<10240x128xf32, #tpu.memory_space<vmem_shared>> -> memref<10240x128xf32, #tpu.memory_space<vmem_shared>>
      tpu.enqueue_indirect_dma source(%arg15 : memref<16x128xf32, #tpu.memory_space<vmem>>) target(%dma_start3A_226 : memref<10240x128xf32, #tpu.memory_space<vmem_shared>>) offsets(%arg12 : memref<16xi32, #tpu.memory_space<vmem>>) semaphore(%arg30 : memref<!tpu.dma_semaphore, #tpu.memory_space<semaphore_mem>>) {add = true}
      %dma_start3A_227 = arith.constant 0 : i32
      %dma_start3A_228 = arith.constant 0 : i32
      %dma_start3A_229 = arith.constant 0 : i32
      %dma_start3A_230 = tpu.memref_slice %arg16[%dma_start3A_227, %dma_start3A_229] : memref<1x128xf32, #tpu.memory_space<vmem>> -> memref<1x128xf32, #tpu.memory_space<vmem>>
      %dma_start3A_231 = tpu.memref_squeeze %dma_start3A_230 : memref<1x128xf32, #tpu.memory_space<vmem>> -> memref<128xf32, #tpu.memory_space<vmem>>
      %dma_start3A_232 = arith.constant 0 : i32
      %dma_start3A_233 = tpu.memref_slice %arg17[%dma_start3A_228, %dma_start3A_232] : memref<1x128xi32, #tpu.memory_space<vmem>> -> memref<1x128xi32, #tpu.memory_space<vmem>>
      %dma_start3A_234 = tpu.memref_squeeze %dma_start3A_233 : memref<1x128xi32, #tpu.memory_space<vmem>> -> memref<128xi32, #tpu.memory_space<vmem>>
      %dma_start3A_235 = arith.constant 0 : i32
      %dma_start3A_236 = tpu.memref_slice %arg27[%dma_start3A_235] : memref<81920xf32, #tpu.memory_space<vmem_shared>> -> memref<81920xf32, #tpu.memory_space<vmem_shared>>
      tpu.enqueue_indirect_dma source(%dma_start3A_231 : memref<128xf32, #tpu.memory_space<vmem>>) target(%dma_start3A_236 : memref<81920xf32, #tpu.memory_space<vmem_shared>>) offsets(%dma_start3A_234 : memref<128xi32, #tpu.memory_space<vmem>>) semaphore(%arg30 : memref<!tpu.dma_semaphore, #tpu.memory_space<semaphore_mem>>) {add = true}
      %mul3A_237 = arith.constant 2 : i32
      %mul3A_238 = arith.muli %mul3A_237, %scan3A_197 : i32
      %add3A_239 = arith.constant 1 : i32
      %add3A_240 = arith.addi %mul3A_238, %add3A_239 : i32
      %le3A_241 = arith.constant 623 : i32
      %le3A_242 = arith.cmpi sle, %add3A_240, %le3A_241 : i32
      %convert_element_type3A_243 = arith.extui %le3A_242 : i1 to i32
      %cond3A_244 = arith.constant 0 : i32
      %cond3A_245 = arith.cmpi ne, %convert_element_type3A_243, %cond3A_244 : i32
      scf.if %cond3A_245 {
        %dma_wait3A_282 = tpu.memref_slice %arg4[%mul3A_10] : memref<320000xi32, #tpu.memory_space<hbm>> -> memref<16xi32, #tpu.memory_space<hbm>>
        %dma_wait3A_283 = tpu.memref_slice %arg4[%mul3A_10] : memref<320000xi32, #tpu.memory_space<hbm>> -> memref<16xi32, #tpu.memory_space<hbm>>
        tpu.wait_dma2 semaphore(%arg28 : memref<!tpu.dma_semaphore, #tpu.memory_space<semaphore_mem>>) src(%dma_wait3A_283 : memref<16xi32, #tpu.memory_space<hbm>>) dst(%arg10 : memref<16xi32, #tpu.memory_space<vmem>>)
        %dma_wait3A_284 = tpu.memref_slice %arg5[%mul3A_10] : memref<320000xi32, #tpu.memory_space<hbm>> -> memref<16xi32, #tpu.memory_space<hbm>>
        %dma_wait3A_285 = tpu.memref_slice %arg5[%mul3A_10] : memref<320000xi32, #tpu.memory_space<hbm>> -> memref<16xi32, #tpu.memory_space<hbm>>
        tpu.wait_dma2 semaphore(%arg28 : memref<!tpu.dma_semaphore, #tpu.memory_space<semaphore_mem>>) src(%dma_wait3A_285 : memref<16xi32, #tpu.memory_space<hbm>>) dst(%arg11 : memref<16xi32, #tpu.memory_space<vmem>>)
        %dma_start3A_286 = arith.constant 0 : i32
        %dma_start3A_287 = arith.constant 0 : i32
        %dma_start3A_288 = tpu.memref_slice %arg3[%dma_start3A_286, %dma_start3A_287] : memref<10000x256xf32, #tpu.memory_space<hbm>> -> memref<10000x256xf32, #tpu.memory_space<hbm>>
        tpu.enqueue_indirect_dma source(%dma_start3A_288 : memref<10000x256xf32, #tpu.memory_space<hbm>>) target(%arg13 : memref<16x256xf32, #tpu.memory_space<vmem>>) offsets(%arg10 : memref<16xi32, #tpu.memory_space<vmem>>) semaphore(%arg29 : memref<!tpu.dma_semaphore, #tpu.memory_space<semaphore_mem>>)
        %dma_start3A_289 = arith.constant 0 : i32
        %dma_start3A_290 = arith.constant 0 : i32
        %dma_start3A_291 = tpu.memref_slice %arg2[%dma_start3A_289, %dma_start3A_290] : memref<10000x128xf32, #tpu.memory_space<hbm>> -> memref<10000x128xf32, #tpu.memory_space<hbm>>
        tpu.enqueue_indirect_dma source(%dma_start3A_291 : memref<10000x128xf32, #tpu.memory_space<hbm>>) target(%arg14 : memref<16x128xf32, #tpu.memory_space<vmem>>) offsets(%arg11 : memref<16xi32, #tpu.memory_space<vmem>>) semaphore(%arg29 : memref<!tpu.dma_semaphore, #tpu.memory_space<semaphore_mem>>)
      } else {
      }
      %dma_wait3A_246 = arith.constant 0 : i32
      %dma_wait3A_247 = arith.constant 0 : i32
      %dma_wait3A_248 = tpu.memref_slice %arg3[%dma_wait3A_246, %dma_wait3A_247] : memref<10000x256xf32, #tpu.memory_space<hbm>> -> memref<10000x256xf32, #tpu.memory_space<hbm>>
      tpu.wait_indirect_dma semaphore(%arg32 : memref<!tpu.dma_semaphore, #tpu.memory_space<semaphore_mem>>) src(%dma_wait3A_248 : memref<10000x256xf32, #tpu.memory_space<hbm>>) dst(%arg21 : memref<16x256xf32, #tpu.memory_space<vmem>>)
      %dma_wait3A_249 = arith.constant 0 : i32
      %dma_wait3A_250 = arith.constant 0 : i32
      %dma_wait3A_251 = tpu.memref_slice %arg2[%dma_wait3A_249, %dma_wait3A_250] : memref<10000x128xf32, #tpu.memory_space<hbm>> -> memref<10000x128xf32, #tpu.memory_space<hbm>>
      tpu.wait_indirect_dma semaphore(%arg32 : memref<!tpu.dma_semaphore, #tpu.memory_space<semaphore_mem>>) src(%dma_wait3A_251 : memref<10000x128xf32, #tpu.memory_space<hbm>>) dst(%arg22 : memref<16x128xf32, #tpu.memory_space<vmem>>)
      %ge3A_252 = arith.constant 2 : i32
      %ge3A_253 = arith.cmpi sge, %add3A_240, %ge3A_252 : i32
      %convert_element_type3A_254 = arith.extui %ge3A_253 : i1 to i32
      %cond3A_255 = arith.constant 0 : i32
      %cond3A_256 = arith.cmpi ne, %convert_element_type3A_254, %cond3A_255 : i32
      scf.if %cond3A_256 {
        %dma_wait3A_282 = arith.constant 0 : i32
        %dma_wait3A_283 = arith.constant 0 : i32
        %dma_wait3A_284 = tpu.memref_slice %arg26[%dma_wait3A_282, %dma_wait3A_283] : memref<10240x128xf32, #tpu.memory_space<vmem_shared>> -> memref<10240x128xf32, #tpu.memory_space<vmem_shared>>
        tpu.wait_indirect_dma semaphore(%arg33 : memref<!tpu.dma_semaphore, #tpu.memory_space<semaphore_mem>>) src(%arg23 : memref<16x128xf32, #tpu.memory_space<vmem>>) dst(%dma_wait3A_284 : memref<10240x128xf32, #tpu.memory_space<vmem_shared>>)
        %dma_wait3A_285 = arith.constant 0 : i32
        %dma_wait3A_286 = arith.constant 0 : i32
        %dma_wait3A_287 = arith.constant 0 : i32
        %dma_wait3A_288 = tpu.memref_slice %arg24[%dma_wait3A_285, %dma_wait3A_287] : memref<1x128xf32, #tpu.memory_space<vmem>> -> memref<1x128xf32, #tpu.memory_space<vmem>>
        %dma_wait3A_289 = tpu.memref_squeeze %dma_wait3A_288 : memref<1x128xf32, #tpu.memory_space<vmem>> -> memref<128xf32, #tpu.memory_space<vmem>>
        %dma_wait3A_290 = arith.constant 0 : i32
        %dma_wait3A_291 = tpu.memref_slice %arg25[%dma_wait3A_286, %dma_wait3A_290] : memref<1x128xi32, #tpu.memory_space<vmem>> -> memref<1x128xi32, #tpu.memory_space<vmem>>
        %dma_wait3A_292 = tpu.memref_squeeze %dma_wait3A_291 : memref<1x128xi32, #tpu.memory_space<vmem>> -> memref<128xi32, #tpu.memory_space<vmem>>
        %dma_wait3A_293 = arith.constant 0 : i32
        %dma_wait3A_294 = tpu.memref_slice %arg27[%dma_wait3A_293] : memref<81920xf32, #tpu.memory_space<vmem_shared>> -> memref<81920xf32, #tpu.memory_space<vmem_shared>>
        tpu.wait_indirect_dma semaphore(%arg33 : memref<!tpu.dma_semaphore, #tpu.memory_space<semaphore_mem>>) src(%dma_wait3A_289 : memref<128xf32, #tpu.memory_space<vmem>>) dst(%dma_wait3A_294 : memref<81920xf32, #tpu.memory_space<vmem_shared>>)
      } else {
      }
      %get3A_257 = arith.constant 0 : index
      %get3A_258 = tpu.vector_load %arg19[%get3A_257] {strides = array<i32>} : memref<16xi32, #tpu.memory_space<vmem>>, vector<16xi32>,
      %swap3A_259 = arith.constant 0 : index
      %swap3A_260 = tpu.vector_load %arg20[%swap3A_259] {strides = array<i32>} : memref<16xi32, #tpu.memory_space<vmem>>, vector<16xi32>,
      tpu.vector_store %arg20[%swap3A_259], %get3A_258 {strides = array<i32>} : memref<16xi32, #tpu.memory_space<vmem>>, vector<16xi32>,
      %parallel_loop3A_261 = arith.constant 0 : i32
      %parallel_loop3A_262 = arith.constant 8 : i32
      %parallel_loop3A_263 = arith.constant 1 : i32
      scf.for %parallel_loop3A_282 = %parallel_loop3A_261 to %parallel_loop3A_262 step %parallel_loop3A_263  : i32 {
        %parallel_loop3A_283 = arith.constant 2 : i32
        %parallel_loop3A_284 = arith.muli %parallel_loop3A_282, %parallel_loop3A_283 : i32
        %parallel_loop3A_285 = arith.constant 0 : i32
        %parallel_loop3A_286 = arith.addi %parallel_loop3A_284, %parallel_loop3A_285 : i32
        %parallel_loop3A_287 = arith.index_cast %parallel_loop3A_286 : i32 to index
        %parallel_loop3A_288 = arith.constant 0 : index
        %parallel_loop3A_289 = tpu.vector_load %arg22[%parallel_loop3A_287, %parallel_loop3A_288] {strides = array<i32>} : memref<16x128xf32, #tpu.memory_space<vmem>>, vector<16xf32>,
        %parallel_loop3A_290 = arith.index_cast %parallel_loop3A_286 : i32 to index
        %parallel_loop3A_291 = arith.constant 0 : index
        %parallel_loop3A_292 = tpu.vector_load %arg21[%parallel_loop3A_290, %parallel_loop3A_291] {strides = array<i32>} : memref<16x256xf32, #tpu.memory_space<vmem>>, vector<16xf32>,
        %parallel_loop3A_293 = arith.mulf %parallel_loop3A_289, %parallel_loop3A_292 : vector<16xf32>
        %parallel_loop3A_294 = arith.index_cast %parallel_loop3A_286 : i32 to index
        %parallel_loop3A_295 = arith.constant 16 : index
        %parallel_loop3A_296 = tpu.vector_load %arg22[%parallel_loop3A_294, %parallel_loop3A_295] {strides = array<i32>} : memref<16x128xf32, #tpu.memory_space<vmem>>, vector<16xf32>,
        %parallel_loop3A_297 = arith.index_cast %parallel_loop3A_286 : i32 to index
        %parallel_loop3A_298 = arith.constant 16 : index
        %parallel_loop3A_299 = tpu.vector_load %arg21[%parallel_loop3A_297, %parallel_loop3A_298] {strides = array<i32>} : memref<16x256xf32, #tpu.memory_space<vmem>>, vector<16xf32>,
        %parallel_loop3A_300 = arith.mulf %parallel_loop3A_296, %parallel_loop3A_299 : vector<16xf32>
        %parallel_loop3A_301 = arith.index_cast %parallel_loop3A_286 : i32 to index
        %parallel_loop3A_302 = arith.constant 32 : index
        %parallel_loop3A_303 = tpu.vector_load %arg22[%parallel_loop3A_301, %parallel_loop3A_302] {strides = array<i32>} : memref<16x128xf32, #tpu.memory_space<vmem>>, vector<16xf32>,
        %parallel_loop3A_304 = arith.index_cast %parallel_loop3A_286 : i32 to index
        %parallel_loop3A_305 = arith.constant 32 : index
        %parallel_loop3A_306 = tpu.vector_load %arg21[%parallel_loop3A_304, %parallel_loop3A_305] {strides = array<i32>} : memref<16x256xf32, #tpu.memory_space<vmem>>, vector<16xf32>,
        %parallel_loop3A_307 = arith.mulf %parallel_loop3A_303, %parallel_loop3A_306 : vector<16xf32>
        %parallel_loop3A_308 = arith.index_cast %parallel_loop3A_286 : i32 to index
        %parallel_loop3A_309 = arith.constant 48 : index
        %parallel_loop3A_310 = tpu.vector_load %arg22[%parallel_loop3A_308, %parallel_loop3A_309] {strides = array<i32>} : memref<16x128xf32, #tpu.memory_space<vmem>>, vector<16xf32>,
        %parallel_loop3A_311 = arith.index_cast %parallel_loop3A_286 : i32 to index
        %parallel_loop3A_312 = arith.constant 48 : index
        %parallel_loop3A_313 = tpu.vector_load %arg21[%parallel_loop3A_311, %parallel_loop3A_312] {strides = array<i32>} : memref<16x256xf32, #tpu.memory_space<vmem>>, vector<16xf32>,
        %parallel_loop3A_314 = arith.mulf %parallel_loop3A_310, %parallel_loop3A_313 : vector<16xf32>
        %parallel_loop3A_315 = arith.index_cast %parallel_loop3A_286 : i32 to index
        %parallel_loop3A_316 = arith.constant 64 : index
        %parallel_loop3A_317 = tpu.vector_load %arg22[%parallel_loop3A_315, %parallel_loop3A_316] {strides = array<i32>} : memref<16x128xf32, #tpu.memory_space<vmem>>, vector<16xf32>,
        %parallel_loop3A_318 = arith.index_cast %parallel_loop3A_286 : i32 to index
        %parallel_loop3A_319 = arith.constant 64 : index
        %parallel_loop3A_320 = tpu.vector_load %arg21[%parallel_loop3A_318, %parallel_loop3A_319] {strides = array<i32>} : memref<16x256xf32, #tpu.memory_space<vmem>>, vector<16xf32>,
        %parallel_loop3A_321 = arith.mulf %parallel_loop3A_317, %parallel_loop3A_320 : vector<16xf32>
        %parallel_loop3A_322 = arith.index_cast %parallel_loop3A_286 : i32 to index
        %parallel_loop3A_323 = arith.constant 80 : index
        %parallel_loop3A_324 = tpu.vector_load %arg22[%parallel_loop3A_322, %parallel_loop3A_323] {strides = array<i32>} : memref<16x128xf32, #tpu.memory_space<vmem>>, vector<16xf32>,
        %parallel_loop3A_325 = arith.index_cast %parallel_loop3A_286 : i32 to index
        %parallel_loop3A_326 = arith.constant 80 : index
        %parallel_loop3A_327 = tpu.vector_load %arg21[%parallel_loop3A_325, %parallel_loop3A_326] {strides = array<i32>} : memref<16x256xf32, #tpu.memory_space<vmem>>, vector<16xf32>,
        %parallel_loop3A_328 = arith.mulf %parallel_loop3A_324, %parallel_loop3A_327 : vector<16xf32>
        %parallel_loop3A_329 = arith.index_cast %parallel_loop3A_286 : i32 to index
        %parallel_loop3A_330 = arith.constant 96 : index
        %parallel_loop3A_331 = tpu.vector_load %arg22[%parallel_loop3A_329, %parallel_loop3A_330] {strides = array<i32>} : memref<16x128xf32, #tpu.memory_space<vmem>>, vector<16xf32>,
        %parallel_loop3A_332 = arith.index_cast %parallel_loop3A_286 : i32 to index
        %parallel_loop3A_333 = arith.constant 96 : index
        %parallel_loop3A_334 = tpu.vector_load %arg21[%parallel_loop3A_332, %parallel_loop3A_333] {strides = array<i32>} : memref<16x256xf32, #tpu.memory_space<vmem>>, vector<16xf32>,
        %parallel_loop3A_335 = arith.mulf %parallel_loop3A_331, %parallel_loop3A_334 : vector<16xf32>
        %parallel_loop3A_336 = arith.index_cast %parallel_loop3A_286 : i32 to index
        %parallel_loop3A_337 = arith.constant 112 : index
        %parallel_loop3A_338 = tpu.vector_load %arg22[%parallel_loop3A_336, %parallel_loop3A_337] {strides = array<i32>} : memref<16x128xf32, #tpu.memory_space<vmem>>, vector<16xf32>,
        %parallel_loop3A_339 = arith.index_cast %parallel_loop3A_286 : i32 to index
        %parallel_loop3A_340 = arith.constant 112 : index
        %parallel_loop3A_341 = tpu.vector_load %arg21[%parallel_loop3A_339, %parallel_loop3A_340] {strides = array<i32>} : memref<16x256xf32, #tpu.memory_space<vmem>>, vector<16xf32>,
        %parallel_loop3A_342 = arith.mulf %parallel_loop3A_338, %parallel_loop3A_341 : vector<16xf32>
        %parallel_loop3A_343 = arith.select %eq3A_57, %parallel_loop3A_293, %parallel_loop3A_300 : vector<16xi1>, vector<16xf32>
        %parallel_loop3A_344 = arith.select %eq3A_57, %parallel_loop3A_300, %parallel_loop3A_293 : vector<16xi1>, vector<16xf32>
        %parallel_loop3A_345 = arith.constant 0 : i32
        %parallel_loop3A_346 = vector.broadcast %parallel_loop3A_345 : i32 to vector<16xi32>
        %parallel_loop3A_347 = arith.cmpi slt, %xor3A_23, %parallel_loop3A_346 : vector<16xi32>
        %parallel_loop3A_348 = arith.constant 16 : i32
        %parallel_loop3A_349 = vector.broadcast %parallel_loop3A_348 : i32 to vector<16xi32>
        %parallel_loop3A_350 = arith.addi %xor3A_23, %parallel_loop3A_349 : vector<16xi32>
        %parallel_loop3A_351 = arith.select %parallel_loop3A_347, %parallel_loop3A_350, %xor3A_23 : vector<16xi1>, vector<16xi32>
        %parallel_loop3A_352 = vector.shape_cast %parallel_loop3A_351 : vector<16xi32> to vector<16x1xi32>
        %parallel_loop3A_353 = vector.shape_cast %parallel_loop3A_352 : vector<16x1xi32> to vector<16xi32>
        %parallel_loop3A_354 = tpu.dynamic_gather %parallel_loop3A_344[%parallel_loop3A_353] in [0] : vector<16xf32>, vector<16xi32> -> vector<16xf32>
        %parallel_loop3A_355 = arith.addf %parallel_loop3A_343, %parallel_loop3A_354 : vector<16xf32>
        %parallel_loop3A_356 = arith.select %eq3A_57, %parallel_loop3A_307, %parallel_loop3A_314 : vector<16xi1>, vector<16xf32>
        %parallel_loop3A_357 = arith.select %eq3A_57, %parallel_loop3A_314, %parallel_loop3A_307 : vector<16xi1>, vector<16xf32>
        %parallel_loop3A_358 = arith.constant 0 : i32
        %parallel_loop3A_359 = vector.broadcast %parallel_loop3A_358 : i32 to vector<16xi32>
        %parallel_loop3A_360 = arith.cmpi slt, %xor3A_23, %parallel_loop3A_359 : vector<16xi32>
        %parallel_loop3A_361 = arith.constant 16 : i32
        %parallel_loop3A_362 = vector.broadcast %parallel_loop3A_361 : i32 to vector<16xi32>
        %parallel_loop3A_363 = arith.addi %xor3A_23, %parallel_loop3A_362 : vector<16xi32>
        %parallel_loop3A_364 = arith.select %parallel_loop3A_360, %parallel_loop3A_363, %xor3A_23 : vector<16xi1>, vector<16xi32>
        %parallel_loop3A_365 = vector.shape_cast %parallel_loop3A_364 : vector<16xi32> to vector<16x1xi32>
        %parallel_loop3A_366 = vector.shape_cast %parallel_loop3A_365 : vector<16x1xi32> to vector<16xi32>
        %parallel_loop3A_367 = tpu.dynamic_gather %parallel_loop3A_357[%parallel_loop3A_366] in [0] : vector<16xf32>, vector<16xi32> -> vector<16xf32>
        %parallel_loop3A_368 = arith.addf %parallel_loop3A_356, %parallel_loop3A_367 : vector<16xf32>
        %parallel_loop3A_369 = arith.select %eq3A_57, %parallel_loop3A_321, %parallel_loop3A_328 : vector<16xi1>, vector<16xf32>
        %parallel_loop3A_370 = arith.select %eq3A_57, %parallel_loop3A_328, %parallel_loop3A_321 : vector<16xi1>, vector<16xf32>
        %parallel_loop3A_371 = arith.constant 0 : i32
        %parallel_loop3A_372 = vector.broadcast %parallel_loop3A_371 : i32 to vector<16xi32>
        %parallel_loop3A_373 = arith.cmpi slt, %xor3A_23, %parallel_loop3A_372 : vector<16xi32>
        %parallel_loop3A_374 = arith.constant 16 : i32
        %parallel_loop3A_375 = vector.broadcast %parallel_loop3A_374 : i32 to vector<16xi32>
        %parallel_loop3A_376 = arith.addi %xor3A_23, %parallel_loop3A_375 : vector<16xi32>
        %parallel_loop3A_377 = arith.select %parallel_loop3A_373, %parallel_loop3A_376, %xor3A_23 : vector<16xi1>, vector<16xi32>
        %parallel_loop3A_378 = vector.shape_cast %parallel_loop3A_377 : vector<16xi32> to vector<16x1xi32>
        %parallel_loop3A_379 = vector.shape_cast %parallel_loop3A_378 : vector<16x1xi32> to vector<16xi32>
        %parallel_loop3A_380 = tpu.dynamic_gather %parallel_loop3A_370[%parallel_loop3A_379] in [0] : vector<16xf32>, vector<16xi32> -> vector<16xf32>
        %parallel_loop3A_381 = arith.addf %parallel_loop3A_369, %parallel_loop3A_380 : vector<16xf32>
        %parallel_loop3A_382 = arith.select %eq3A_57, %parallel_loop3A_335, %parallel_loop3A_342 : vector<16xi1>, vector<16xf32>
        %parallel_loop3A_383 = arith.select %eq3A_57, %parallel_loop3A_342, %parallel_loop3A_335 : vector<16xi1>, vector<16xf32>
        %parallel_loop3A_384 = arith.constant 0 : i32
        %parallel_loop3A_385 = vector.broadcast %parallel_loop3A_384 : i32 to vector<16xi32>
        %parallel_loop3A_386 = arith.cmpi slt, %xor3A_23, %parallel_loop3A_385 : vector<16xi32>
        %parallel_loop3A_387 = arith.constant 16 : i32
        %parallel_loop3A_388 = vector.broadcast %parallel_loop3A_387 : i32 to vector<16xi32>
        %parallel_loop3A_389 = arith.addi %xor3A_23, %parallel_loop3A_388 : vector<16xi32>
        %parallel_loop3A_390 = arith.select %parallel_loop3A_386, %parallel_loop3A_389, %xor3A_23 : vector<16xi1>, vector<16xi32>
        %parallel_loop3A_391 = vector.shape_cast %parallel_loop3A_390 : vector<16xi32> to vector<16x1xi32>
        %parallel_loop3A_392 = vector.shape_cast %parallel_loop3A_391 : vector<16x1xi32> to vector<16xi32>
        %parallel_loop3A_393 = tpu.dynamic_gather %parallel_loop3A_383[%parallel_loop3A_392] in [0] : vector<16xf32>, vector<16xi32> -> vector<16xf32>
        %parallel_loop3A_394 = arith.addf %parallel_loop3A_382, %parallel_loop3A_393 : vector<16xf32>
        %parallel_loop3A_395 = arith.select %eq3A_48, %parallel_loop3A_355, %parallel_loop3A_368 : vector<16xi1>, vector<16xf32>
        %parallel_loop3A_396 = arith.select %eq3A_48, %parallel_loop3A_368, %parallel_loop3A_355 : vector<16xi1>, vector<16xf32>
        %parallel_loop3A_397 = arith.constant 0 : i32
        %parallel_loop3A_398 = vector.broadcast %parallel_loop3A_397 : i32 to vector<16xi32>
        %parallel_loop3A_399 = arith.cmpi slt, %xor3A_20, %parallel_loop3A_398 : vector<16xi32>
        %parallel_loop3A_400 = arith.constant 16 : i32
        %parallel_loop3A_401 = vector.broadcast %parallel_loop3A_400 : i32 to vector<16xi32>
        %parallel_loop3A_402 = arith.addi %xor3A_20, %parallel_loop3A_401 : vector<16xi32>
        %parallel_loop3A_403 = arith.select %parallel_loop3A_399, %parallel_loop3A_402, %xor3A_20 : vector<16xi1>, vector<16xi32>
        %parallel_loop3A_404 = vector.shape_cast %parallel_loop3A_403 : vector<16xi32> to vector<16x1xi32>
        %parallel_loop3A_405 = vector.shape_cast %parallel_loop3A_404 : vector<16x1xi32> to vector<16xi32>
        %parallel_loop3A_406 = tpu.dynamic_gather %parallel_loop3A_396[%parallel_loop3A_405] in [0] : vector<16xf32>, vector<16xi32> -> vector<16xf32>
        %parallel_loop3A_407 = arith.addf %parallel_loop3A_395, %parallel_loop3A_406 : vector<16xf32>
        %parallel_loop3A_408 = arith.select %eq3A_48, %parallel_loop3A_381, %parallel_loop3A_394 : vector<16xi1>, vector<16xf32>
        %parallel_loop3A_409 = arith.select %eq3A_48, %parallel_loop3A_394, %parallel_loop3A_381 : vector<16xi1>, vector<16xf32>
        %parallel_loop3A_410 = arith.constant 0 : i32
        %parallel_loop3A_411 = vector.broadcast %parallel_loop3A_410 : i32 to vector<16xi32>
        %parallel_loop3A_412 = arith.cmpi slt, %xor3A_20, %parallel_loop3A_411 : vector<16xi32>
        %parallel_loop3A_413 = arith.constant 16 : i32
        %parallel_loop3A_414 = vector.broadcast %parallel_loop3A_413 : i32 to vector<16xi32>
        %parallel_loop3A_415 = arith.addi %xor3A_20, %parallel_loop3A_414 : vector<16xi32>
        %parallel_loop3A_416 = arith.select %parallel_loop3A_412, %parallel_loop3A_415, %xor3A_20 : vector<16xi1>, vector<16xi32>
        %parallel_loop3A_417 = vector.shape_cast %parallel_loop3A_416 : vector<16xi32> to vector<16x1xi32>
        %parallel_loop3A_418 = vector.shape_cast %parallel_loop3A_417 : vector<16x1xi32> to vector<16xi32>
        %parallel_loop3A_419 = tpu.dynamic_gather %parallel_loop3A_409[%parallel_loop3A_418] in [0] : vector<16xf32>, vector<16xi32> -> vector<16xf32>
        %parallel_loop3A_420 = arith.addf %parallel_loop3A_408, %parallel_loop3A_419 : vector<16xf32>
        %parallel_loop3A_421 = arith.select %eq3A_39, %parallel_loop3A_407, %parallel_loop3A_420 : vector<16xi1>, vector<16xf32>
        %parallel_loop3A_422 = arith.select %eq3A_39, %parallel_loop3A_420, %parallel_loop3A_407 : vector<16xi1>, vector<16xf32>
        %parallel_loop3A_423 = arith.constant 0 : i32
        %parallel_loop3A_424 = vector.broadcast %parallel_loop3A_423 : i32 to vector<16xi32>
        %parallel_loop3A_425 = arith.cmpi slt, %xor3A_17, %parallel_loop3A_424 : vector<16xi32>
        %parallel_loop3A_426 = arith.constant 16 : i32
        %parallel_loop3A_427 = vector.broadcast %parallel_loop3A_426 : i32 to vector<16xi32>
        %parallel_loop3A_428 = arith.addi %xor3A_17, %parallel_loop3A_427 : vector<16xi32>
        %parallel_loop3A_429 = arith.select %parallel_loop3A_425, %parallel_loop3A_428, %xor3A_17 : vector<16xi1>, vector<16xi32>
        %parallel_loop3A_430 = vector.shape_cast %parallel_loop3A_429 : vector<16xi32> to vector<16x1xi32>
        %parallel_loop3A_431 = vector.shape_cast %parallel_loop3A_430 : vector<16x1xi32> to vector<16xi32>
        %parallel_loop3A_432 = tpu.dynamic_gather %parallel_loop3A_422[%parallel_loop3A_431] in [0] : vector<16xf32>, vector<16xi32> -> vector<16xf32>
        %parallel_loop3A_433 = arith.addf %parallel_loop3A_421, %parallel_loop3A_432 : vector<16xf32>
        %parallel_loop3A_434 = arith.constant 0 : i32
        %parallel_loop3A_435 = vector.broadcast %parallel_loop3A_434 : i32 to vector<16xi32>
        %parallel_loop3A_436 = arith.cmpi slt, %xor3A_14, %parallel_loop3A_435 : vector<16xi32>
        %parallel_loop3A_437 = arith.constant 16 : i32
        %parallel_loop3A_438 = vector.broadcast %parallel_loop3A_437 : i32 to vector<16xi32>
        %parallel_loop3A_439 = arith.addi %xor3A_14, %parallel_loop3A_438 : vector<16xi32>
        %parallel_loop3A_440 = arith.select %parallel_loop3A_436, %parallel_loop3A_439, %xor3A_14 : vector<16xi1>, vector<16xi32>
        %parallel_loop3A_441 = vector.shape_cast %parallel_loop3A_440 : vector<16xi32> to vector<16x1xi32>
        %parallel_loop3A_442 = vector.shape_cast %parallel_loop3A_441 : vector<16x1xi32> to vector<16xi32>
        %parallel_loop3A_443 = tpu.dynamic_gather %parallel_loop3A_433[%parallel_loop3A_442] in [0] : vector<16xf32>, vector<16xi32> -> vector<16xf32>
        %parallel_loop3A_444 = arith.addf %parallel_loop3A_433, %parallel_loop3A_443 : vector<16xf32>
        %parallel_loop3A_445 = math.exp %parallel_loop3A_444 : vector<16xf32>
        %parallel_loop3A_446 = arith.constant 0 : i32
        %parallel_loop3A_447 = vector.broadcast %parallel_loop3A_446 : i32 to vector<16xi32>
        %parallel_loop3A_448 = arith.cmpi slt, %broadcast_in_dim3A_58, %parallel_loop3A_447 : vector<16xi32>
        %parallel_loop3A_449 = arith.constant 16 : i32
        %parallel_loop3A_450 = vector.broadcast %parallel_loop3A_449 : i32 to vector<16xi32>
        %parallel_loop3A_451 = arith.addi %broadcast_in_dim3A_58, %parallel_loop3A_450 : vector<16xi32>
        %parallel_loop3A_452 = arith.select %parallel_loop3A_448, %parallel_loop3A_451, %broadcast_in_dim3A_58 : vector<16xi1>, vector<16xi32>
        %parallel_loop3A_453 = vector.shape_cast %parallel_loop3A_452 : vector<16xi32> to vector<16x1xi32>
        %parallel_loop3A_454 = vector.shape_cast %parallel_loop3A_453 : vector<16x1xi32> to vector<16xi32>
        %parallel_loop3A_455 = tpu.dynamic_gather %parallel_loop3A_445[%parallel_loop3A_454] in [0] : vector<16xf32>, vector<16xi32> -> vector<16xf32>
        %parallel_loop3A_456 = arith.index_cast %parallel_loop3A_286 : i32 to index
        %parallel_loop3A_457 = arith.constant 128 : index
        %parallel_loop3A_458 = tpu.vector_load %arg21[%parallel_loop3A_456, %parallel_loop3A_457] {strides = array<i32>} : memref<16x256xf32, #tpu.memory_space<vmem>>, vector<16xf32>,
        %parallel_loop3A_459 = arith.mulf %parallel_loop3A_458, %parallel_loop3A_455 : vector<16xf32>
        %parallel_loop3A_460 = arith.index_cast %parallel_loop3A_286 : i32 to index
        %parallel_loop3A_461 = arith.constant 0 : index
        %parallel_loop3A_462 = tpu.vector_load %arg23[%parallel_loop3A_460, %parallel_loop3A_461] {strides = array<i32>} : memref<16x128xf32, #tpu.memory_space<vmem>>, vector<16xf32>,
        tpu.vector_store %arg23[%parallel_loop3A_460, %parallel_loop3A_461], %parallel_loop3A_459 {strides = array<i32>} : memref<16x128xf32, #tpu.memory_space<vmem>>, vector<16xf32>,
        %parallel_loop3A_463 = arith.constant 0 : i32
        %parallel_loop3A_464 = vector.broadcast %parallel_loop3A_463 : i32 to vector<16xi32>
        %parallel_loop3A_465 = arith.cmpi slt, %broadcast_in_dim3A_60, %parallel_loop3A_464 : vector<16xi32>
        %parallel_loop3A_466 = arith.constant 16 : i32
        %parallel_loop3A_467 = vector.broadcast %parallel_loop3A_466 : i32 to vector<16xi32>
        %parallel_loop3A_468 = arith.addi %broadcast_in_dim3A_60, %parallel_loop3A_467 : vector<16xi32>
        %parallel_loop3A_469 = arith.select %parallel_loop3A_465, %parallel_loop3A_468, %broadcast_in_dim3A_60 : vector<16xi1>, vector<16xi32>
        %parallel_loop3A_470 = vector.shape_cast %parallel_loop3A_469 : vector<16xi32> to vector<16x1xi32>
        %parallel_loop3A_471 = vector.shape_cast %parallel_loop3A_470 : vector<16x1xi32> to vector<16xi32>
        %parallel_loop3A_472 = tpu.dynamic_gather %parallel_loop3A_445[%parallel_loop3A_471] in [0] : vector<16xf32>, vector<16xi32> -> vector<16xf32>
        %parallel_loop3A_473 = arith.index_cast %parallel_loop3A_286 : i32 to index
        %parallel_loop3A_474 = arith.constant 144 : index
        %parallel_loop3A_475 = tpu.vector_load %arg21[%parallel_loop3A_473, %parallel_loop3A_474] {strides = array<i32>} : memref<16x256xf32, #tpu.memory_space<vmem>>, vector<16xf32>,
        %parallel_loop3A_476 = arith.mulf %parallel_loop3A_475, %parallel_loop3A_472 : vector<16xf32>
        %parallel_loop3A_477 = arith.index_cast %parallel_loop3A_286 : i32 to index
        %parallel_loop3A_478 = arith.constant 16 : index
        %parallel_loop3A_479 = tpu.vector_load %arg23[%parallel_loop3A_477, %parallel_loop3A_478] {strides = array<i32>} : memref<16x128xf32, #tpu.memory_space<vmem>>, vector<16xf32>,
        tpu.vector_store %arg23[%parallel_loop3A_477, %parallel_loop3A_478], %parallel_loop3A_476 {strides = array<i32>} : memref<16x128xf32, #tpu.memory_space<vmem>>, vector<16xf32>,
        %parallel_loop3A_480 = arith.constant 0 : i32
        %parallel_loop3A_481 = vector.broadcast %parallel_loop3A_480 : i32 to vector<16xi32>
        %parallel_loop3A_482 = arith.cmpi slt, %broadcast_in_dim3A_62, %parallel_loop3A_481 : vector<16xi32>
        %parallel_loop3A_483 = arith.constant 16 : i32
        %parallel_loop3A_484 = vector.broadcast %parallel_loop3A_483 : i32 to vector<16xi32>
        %parallel_loop3A_485 = arith.addi %broadcast_in_dim3A_62, %parallel_loop3A_484 : vector<16xi32>
        %parallel_loop3A_486 = arith.select %parallel_loop3A_482, %parallel_loop3A_485, %broadcast_in_dim3A_62 : vector<16xi1>, vector<16xi32>
        %parallel_loop3A_487 = vector.shape_cast %parallel_loop3A_486 : vector<16xi32> to vector<16x1xi32>
        %parallel_loop3A_488 = vector.shape_cast %parallel_loop3A_487 : vector<16x1xi32> to vector<16xi32>
        %parallel_loop3A_489 = tpu.dynamic_gather %parallel_loop3A_445[%parallel_loop3A_488] in [0] : vector<16xf32>, vector<16xi32> -> vector<16xf32>
        %parallel_loop3A_490 = arith.index_cast %parallel_loop3A_286 : i32 to index
        %parallel_loop3A_491 = arith.constant 160 : index
        %parallel_loop3A_492 = tpu.vector_load %arg21[%parallel_loop3A_490, %parallel_loop3A_491] {strides = array<i32>} : memref<16x256xf32, #tpu.memory_space<vmem>>, vector<16xf32>,
        %parallel_loop3A_493 = arith.mulf %parallel_loop3A_492, %parallel_loop3A_489 : vector<16xf32>
        %parallel_loop3A_494 = arith.index_cast %parallel_loop3A_286 : i32 to index
        %parallel_loop3A_495 = arith.constant 32 : index
        %parallel_loop3A_496 = tpu.vector_load %arg23[%parallel_loop3A_494, %parallel_loop3A_495] {strides = array<i32>} : memref<16x128xf32, #tpu.memory_space<vmem>>, vector<16xf32>,
        tpu.vector_store %arg23[%parallel_loop3A_494, %parallel_loop3A_495], %parallel_loop3A_493 {strides = array<i32>} : memref<16x128xf32, #tpu.memory_space<vmem>>, vector<16xf32>,
        %parallel_loop3A_497 = arith.constant 0 : i32
        %parallel_loop3A_498 = vector.broadcast %parallel_loop3A_497 : i32 to vector<16xi32>
        %parallel_loop3A_499 = arith.cmpi slt, %broadcast_in_dim3A_64, %parallel_loop3A_498 : vector<16xi32>
        %parallel_loop3A_500 = arith.constant 16 : i32
        %parallel_loop3A_501 = vector.broadcast %parallel_loop3A_500 : i32 to vector<16xi32>
        %parallel_loop3A_502 = arith.addi %broadcast_in_dim3A_64, %parallel_loop3A_501 : vector<16xi32>
        %parallel_loop3A_503 = arith.select %parallel_loop3A_499, %parallel_loop3A_502, %broadcast_in_dim3A_64 : vector<16xi1>, vector<16xi32>
        %parallel_loop3A_504 = vector.shape_cast %parallel_loop3A_503 : vector<16xi32> to vector<16x1xi32>
        %parallel_loop3A_505 = vector.shape_cast %parallel_loop3A_504 : vector<16x1xi32> to vector<16xi32>
        %parallel_loop3A_506 = tpu.dynamic_gather %parallel_loop3A_445[%parallel_loop3A_505] in [0] : vector<16xf32>, vector<16xi32> -> vector<16xf32>
        %parallel_loop3A_507 = arith.index_cast %parallel_loop3A_286 : i32 to index
        %parallel_loop3A_508 = arith.constant 176 : index
        %parallel_loop3A_509 = tpu.vector_load %arg21[%parallel_loop3A_507, %parallel_loop3A_508] {strides = array<i32>} : memref<16x256xf32, #tpu.memory_space<vmem>>, vector<16xf32>,
        %parallel_loop3A_510 = arith.mulf %parallel_loop3A_509, %parallel_loop3A_506 : vector<16xf32>
        %parallel_loop3A_511 = arith.index_cast %parallel_loop3A_286 : i32 to index
        %parallel_loop3A_512 = arith.constant 48 : index
        %parallel_loop3A_513 = tpu.vector_load %arg23[%parallel_loop3A_511, %parallel_loop3A_512] {strides = array<i32>} : memref<16x128xf32, #tpu.memory_space<vmem>>, vector<16xf32>,
        tpu.vector_store %arg23[%parallel_loop3A_511, %parallel_loop3A_512], %parallel_loop3A_510 {strides = array<i32>} : memref<16x128xf32, #tpu.memory_space<vmem>>, vector<16xf32>,
        %parallel_loop3A_514 = arith.constant 0 : i32
        %parallel_loop3A_515 = vector.broadcast %parallel_loop3A_514 : i32 to vector<16xi32>
        %parallel_loop3A_516 = arith.cmpi slt, %broadcast_in_dim3A_66, %parallel_loop3A_515 : vector<16xi32>
        %parallel_loop3A_517 = arith.constant 16 : i32
        %parallel_loop3A_518 = vector.broadcast %parallel_loop3A_517 : i32 to vector<16xi32>
        %parallel_loop3A_519 = arith.addi %broadcast_in_dim3A_66, %parallel_loop3A_518 : vector<16xi32>
        %parallel_loop3A_520 = arith.select %parallel_loop3A_516, %parallel_loop3A_519, %broadcast_in_dim3A_66 : vector<16xi1>, vector<16xi32>
        %parallel_loop3A_521 = vector.shape_cast %parallel_loop3A_520 : vector<16xi32> to vector<16x1xi32>
        %parallel_loop3A_522 = vector.shape_cast %parallel_loop3A_521 : vector<16x1xi32> to vector<16xi32>
        %parallel_loop3A_523 = tpu.dynamic_gather %parallel_loop3A_445[%parallel_loop3A_522] in [0] : vector<16xf32>, vector<16xi32> -> vector<16xf32>
        %parallel_loop3A_524 = arith.index_cast %parallel_loop3A_286 : i32 to index
        %parallel_loop3A_525 = arith.constant 192 : index
        %parallel_loop3A_526 = tpu.vector_load %arg21[%parallel_loop3A_524, %parallel_loop3A_525] {strides = array<i32>} : memref<16x256xf32, #tpu.memory_space<vmem>>, vector<16xf32>,
        %parallel_loop3A_527 = arith.mulf %parallel_loop3A_526, %parallel_loop3A_523 : vector<16xf32>
        %parallel_loop3A_528 = arith.index_cast %parallel_loop3A_286 : i32 to index
        %parallel_loop3A_529 = arith.constant 64 : index
        %parallel_loop3A_530 = tpu.vector_load %arg23[%parallel_loop3A_528, %parallel_loop3A_529] {strides = array<i32>} : memref<16x128xf32, #tpu.memory_space<vmem>>, vector<16xf32>,
        tpu.vector_store %arg23[%parallel_loop3A_528, %parallel_loop3A_529], %parallel_loop3A_527 {strides = array<i32>} : memref<16x128xf32, #tpu.memory_space<vmem>>, vector<16xf32>,
        %parallel_loop3A_531 = arith.constant 0 : i32
        %parallel_loop3A_532 = vector.broadcast %parallel_loop3A_531 : i32 to vector<16xi32>
        %parallel_loop3A_533 = arith.cmpi slt, %broadcast_in_dim3A_68, %parallel_loop3A_532 : vector<16xi32>
        %parallel_loop3A_534 = arith.constant 16 : i32
        %parallel_loop3A_535 = vector.broadcast %parallel_loop3A_534 : i32 to vector<16xi32>
        %parallel_loop3A_536 = arith.addi %broadcast_in_dim3A_68, %parallel_loop3A_535 : vector<16xi32>
        %parallel_loop3A_537 = arith.select %parallel_loop3A_533, %parallel_loop3A_536, %broadcast_in_dim3A_68 : vector<16xi1>, vector<16xi32>
        %parallel_loop3A_538 = vector.shape_cast %parallel_loop3A_537 : vector<16xi32> to vector<16x1xi32>
        %parallel_loop3A_539 = vector.shape_cast %parallel_loop3A_538 : vector<16x1xi32> to vector<16xi32>
        %parallel_loop3A_540 = tpu.dynamic_gather %parallel_loop3A_445[%parallel_loop3A_539] in [0] : vector<16xf32>, vector<16xi32> -> vector<16xf32>
        %parallel_loop3A_541 = arith.index_cast %parallel_loop3A_286 : i32 to index
        %parallel_loop3A_542 = arith.constant 208 : index
        %parallel_loop3A_543 = tpu.vector_load %arg21[%parallel_loop3A_541, %parallel_loop3A_542] {strides = array<i32>} : memref<16x256xf32, #tpu.memory_space<vmem>>, vector<16xf32>,
        %parallel_loop3A_544 = arith.mulf %parallel_loop3A_543, %parallel_loop3A_540 : vector<16xf32>
        %parallel_loop3A_545 = arith.index_cast %parallel_loop3A_286 : i32 to index
        %parallel_loop3A_546 = arith.constant 80 : index
        %parallel_loop3A_547 = tpu.vector_load %arg23[%parallel_loop3A_545, %parallel_loop3A_546] {strides = array<i32>} : memref<16x128xf32, #tpu.memory_space<vmem>>, vector<16xf32>,
        tpu.vector_store %arg23[%parallel_loop3A_545, %parallel_loop3A_546], %parallel_loop3A_544 {strides = array<i32>} : memref<16x128xf32, #tpu.memory_space<vmem>>, vector<16xf32>,
        %parallel_loop3A_548 = arith.constant 0 : i32
        %parallel_loop3A_549 = vector.broadcast %parallel_loop3A_548 : i32 to vector<16xi32>
        %parallel_loop3A_550 = arith.cmpi slt, %broadcast_in_dim3A_70, %parallel_loop3A_549 : vector<16xi32>
        %parallel_loop3A_551 = arith.constant 16 : i32
        %parallel_loop3A_552 = vector.broadcast %parallel_loop3A_551 : i32 to vector<16xi32>
        %parallel_loop3A_553 = arith.addi %broadcast_in_dim3A_70, %parallel_loop3A_552 : vector<16xi32>
        %parallel_loop3A_554 = arith.select %parallel_loop3A_550, %parallel_loop3A_553, %broadcast_in_dim3A_70 : vector<16xi1>, vector<16xi32>
        %parallel_loop3A_555 = vector.shape_cast %parallel_loop3A_554 : vector<16xi32> to vector<16x1xi32>
        %parallel_loop3A_556 = vector.shape_cast %parallel_loop3A_555 : vector<16x1xi32> to vector<16xi32>
        %parallel_loop3A_557 = tpu.dynamic_gather %parallel_loop3A_445[%parallel_loop3A_556] in [0] : vector<16xf32>, vector<16xi32> -> vector<16xf32>
        %parallel_loop3A_558 = arith.index_cast %parallel_loop3A_286 : i32 to index
        %parallel_loop3A_559 = arith.constant 224 : index
        %parallel_loop3A_560 = tpu.vector_load %arg21[%parallel_loop3A_558, %parallel_loop3A_559] {strides = array<i32>} : memref<16x256xf32, #tpu.memory_space<vmem>>, vector<16xf32>,
        %parallel_loop3A_561 = arith.mulf %parallel_loop3A_560, %parallel_loop3A_557 : vector<16xf32>
        %parallel_loop3A_562 = arith.index_cast %parallel_loop3A_286 : i32 to index
        %parallel_loop3A_563 = arith.constant 96 : index
        %parallel_loop3A_564 = tpu.vector_load %arg23[%parallel_loop3A_562, %parallel_loop3A_563] {strides = array<i32>} : memref<16x128xf32, #tpu.memory_space<vmem>>, vector<16xf32>,
        tpu.vector_store %arg23[%parallel_loop3A_562, %parallel_loop3A_563], %parallel_loop3A_561 {strides = array<i32>} : memref<16x128xf32, #tpu.memory_space<vmem>>, vector<16xf32>,
        %parallel_loop3A_565 = arith.constant 0 : i32
        %parallel_loop3A_566 = vector.broadcast %parallel_loop3A_565 : i32 to vector<16xi32>
        %parallel_loop3A_567 = arith.cmpi slt, %broadcast_in_dim3A_72, %parallel_loop3A_566 : vector<16xi32>
        %parallel_loop3A_568 = arith.constant 16 : i32
        %parallel_loop3A_569 = vector.broadcast %parallel_loop3A_568 : i32 to vector<16xi32>
        %parallel_loop3A_570 = arith.addi %broadcast_in_dim3A_72, %parallel_loop3A_569 : vector<16xi32>
        %parallel_loop3A_571 = arith.select %parallel_loop3A_567, %parallel_loop3A_570, %broadcast_in_dim3A_72 : vector<16xi1>, vector<16xi32>
        %parallel_loop3A_572 = vector.shape_cast %parallel_loop3A_571 : vector<16xi32> to vector<16x1xi32>
        %parallel_loop3A_573 = vector.shape_cast %parallel_loop3A_572 : vector<16x1xi32> to vector<16xi32>
        %parallel_loop3A_574 = tpu.dynamic_gather %parallel_loop3A_445[%parallel_loop3A_573] in [0] : vector<16xf32>, vector<16xi32> -> vector<16xf32>
        %parallel_loop3A_575 = arith.index_cast %parallel_loop3A_286 : i32 to index
        %parallel_loop3A_576 = arith.constant 240 : index
        %parallel_loop3A_577 = tpu.vector_load %arg21[%parallel_loop3A_575, %parallel_loop3A_576] {strides = array<i32>} : memref<16x256xf32, #tpu.memory_space<vmem>>, vector<16xf32>,
        %parallel_loop3A_578 = arith.mulf %parallel_loop3A_577, %parallel_loop3A_574 : vector<16xf32>
        %parallel_loop3A_579 = arith.index_cast %parallel_loop3A_286 : i32 to index
        %parallel_loop3A_580 = arith.constant 112 : index
        %parallel_loop3A_581 = tpu.vector_load %arg23[%parallel_loop3A_579, %parallel_loop3A_580] {strides = array<i32>} : memref<16x128xf32, #tpu.memory_space<vmem>>, vector<16xf32>,
        tpu.vector_store %arg23[%parallel_loop3A_579, %parallel_loop3A_580], %parallel_loop3A_578 {strides = array<i32>} : memref<16x128xf32, #tpu.memory_space<vmem>>, vector<16xf32>,
        %parallel_loop3A_582 = arith.constant 2 : i32
        %parallel_loop3A_583 = arith.muli %parallel_loop3A_282, %parallel_loop3A_582 : i32
        %parallel_loop3A_584 = arith.constant 1 : i32
        %parallel_loop3A_585 = arith.addi %parallel_loop3A_583, %parallel_loop3A_584 : i32
        %parallel_loop3A_586 = arith.index_cast %parallel_loop3A_585 : i32 to index
        %parallel_loop3A_587 = arith.constant 0 : index
        %parallel_loop3A_588 = tpu.vector_load %arg22[%parallel_loop3A_586, %parallel_loop3A_587] {strides = array<i32>} : memref<16x128xf32, #tpu.memory_space<vmem>>, vector<16xf32>,
        %parallel_loop3A_589 = arith.index_cast %parallel_loop3A_585 : i32 to index
        %parallel_loop3A_590 = arith.constant 0 : index
        %parallel_loop3A_591 = tpu.vector_load %arg21[%parallel_loop3A_589, %parallel_loop3A_590] {strides = array<i32>} : memref<16x256xf32, #tpu.memory_space<vmem>>, vector<16xf32>,
        %parallel_loop3A_592 = arith.mulf %parallel_loop3A_588, %parallel_loop3A_591 : vector<16xf32>
        %parallel_loop3A_593 = arith.index_cast %parallel_loop3A_585 : i32 to index
        %parallel_loop3A_594 = arith.constant 16 : index
        %parallel_loop3A_595 = tpu.vector_load %arg22[%parallel_loop3A_593, %parallel_loop3A_594] {strides = array<i32>} : memref<16x128xf32, #tpu.memory_space<vmem>>, vector<16xf32>,
        %parallel_loop3A_596 = arith.index_cast %parallel_loop3A_585 : i32 to index
        %parallel_loop3A_597 = arith.constant 16 : index
        %parallel_loop3A_598 = tpu.vector_load %arg21[%parallel_loop3A_596, %parallel_loop3A_597] {strides = array<i32>} : memref<16x256xf32, #tpu.memory_space<vmem>>, vector<16xf32>,
        %parallel_loop3A_599 = arith.mulf %parallel_loop3A_595, %parallel_loop3A_598 : vector<16xf32>
        %parallel_loop3A_600 = arith.index_cast %parallel_loop3A_585 : i32 to index
        %parallel_loop3A_601 = arith.constant 32 : index
        %parallel_loop3A_602 = tpu.vector_load %arg22[%parallel_loop3A_600, %parallel_loop3A_601] {strides = array<i32>} : memref<16x128xf32, #tpu.memory_space<vmem>>, vector<16xf32>,
        %parallel_loop3A_603 = arith.index_cast %parallel_loop3A_585 : i32 to index
        %parallel_loop3A_604 = arith.constant 32 : index
        %parallel_loop3A_605 = tpu.vector_load %arg21[%parallel_loop3A_603, %parallel_loop3A_604] {strides = array<i32>} : memref<16x256xf32, #tpu.memory_space<vmem>>, vector<16xf32>,
        %parallel_loop3A_606 = arith.mulf %parallel_loop3A_602, %parallel_loop3A_605 : vector<16xf32>
        %parallel_loop3A_607 = arith.index_cast %parallel_loop3A_585 : i32 to index
        %parallel_loop3A_608 = arith.constant 48 : index
        %parallel_loop3A_609 = tpu.vector_load %arg22[%parallel_loop3A_607, %parallel_loop3A_608] {strides = array<i32>} : memref<16x128xf32, #tpu.memory_space<vmem>>, vector<16xf32>,
        %parallel_loop3A_610 = arith.index_cast %parallel_loop3A_585 : i32 to index
        %parallel_loop3A_611 = arith.constant 48 : index
        %parallel_loop3A_612 = tpu.vector_load %arg21[%parallel_loop3A_610, %parallel_loop3A_611] {strides = array<i32>} : memref<16x256xf32, #tpu.memory_space<vmem>>, vector<16xf32>,
        %parallel_loop3A_613 = arith.mulf %parallel_loop3A_609, %parallel_loop3A_612 : vector<16xf32>
        %parallel_loop3A_614 = arith.index_cast %parallel_loop3A_585 : i32 to index
        %parallel_loop3A_615 = arith.constant 64 : index
        %parallel_loop3A_616 = tpu.vector_load %arg22[%parallel_loop3A_614, %parallel_loop3A_615] {strides = array<i32>} : memref<16x128xf32, #tpu.memory_space<vmem>>, vector<16xf32>,
        %parallel_loop3A_617 = arith.index_cast %parallel_loop3A_585 : i32 to index
        %parallel_loop3A_618 = arith.constant 64 : index
        %parallel_loop3A_619 = tpu.vector_load %arg21[%parallel_loop3A_617, %parallel_loop3A_618] {strides = array<i32>} : memref<16x256xf32, #tpu.memory_space<vmem>>, vector<16xf32>,
        %parallel_loop3A_620 = arith.mulf %parallel_loop3A_616, %parallel_loop3A_619 : vector<16xf32>
        %parallel_loop3A_621 = arith.index_cast %parallel_loop3A_585 : i32 to index
        %parallel_loop3A_622 = arith.constant 80 : index
        %parallel_loop3A_623 = tpu.vector_load %arg22[%parallel_loop3A_621, %parallel_loop3A_622] {strides = array<i32>} : memref<16x128xf32, #tpu.memory_space<vmem>>, vector<16xf32>,
        %parallel_loop3A_624 = arith.index_cast %parallel_loop3A_585 : i32 to index
        %parallel_loop3A_625 = arith.constant 80 : index
        %parallel_loop3A_626 = tpu.vector_load %arg21[%parallel_loop3A_624, %parallel_loop3A_625] {strides = array<i32>} : memref<16x256xf32, #tpu.memory_space<vmem>>, vector<16xf32>,
        %parallel_loop3A_627 = arith.mulf %parallel_loop3A_623, %parallel_loop3A_626 : vector<16xf32>
        %parallel_loop3A_628 = arith.index_cast %parallel_loop3A_585 : i32 to index
        %parallel_loop3A_629 = arith.constant 96 : index
        %parallel_loop3A_630 = tpu.vector_load %arg22[%parallel_loop3A_628, %parallel_loop3A_629] {strides = array<i32>} : memref<16x128xf32, #tpu.memory_space<vmem>>, vector<16xf32>,
        %parallel_loop3A_631 = arith.index_cast %parallel_loop3A_585 : i32 to index
        %parallel_loop3A_632 = arith.constant 96 : index
        %parallel_loop3A_633 = tpu.vector_load %arg21[%parallel_loop3A_631, %parallel_loop3A_632] {strides = array<i32>} : memref<16x256xf32, #tpu.memory_space<vmem>>, vector<16xf32>,
        %parallel_loop3A_634 = arith.mulf %parallel_loop3A_630, %parallel_loop3A_633 : vector<16xf32>
        %parallel_loop3A_635 = arith.index_cast %parallel_loop3A_585 : i32 to index
        %parallel_loop3A_636 = arith.constant 112 : index
        %parallel_loop3A_637 = tpu.vector_load %arg22[%parallel_loop3A_635, %parallel_loop3A_636] {strides = array<i32>} : memref<16x128xf32, #tpu.memory_space<vmem>>, vector<16xf32>,
        %parallel_loop3A_638 = arith.index_cast %parallel_loop3A_585 : i32 to index
        %parallel_loop3A_639 = arith.constant 112 : index
        %parallel_loop3A_640 = tpu.vector_load %arg21[%parallel_loop3A_638, %parallel_loop3A_639] {strides = array<i32>} : memref<16x256xf32, #tpu.memory_space<vmem>>, vector<16xf32>,
        %parallel_loop3A_641 = arith.mulf %parallel_loop3A_637, %parallel_loop3A_640 : vector<16xf32>
        %parallel_loop3A_642 = arith.select %eq3A_57, %parallel_loop3A_592, %parallel_loop3A_599 : vector<16xi1>, vector<16xf32>
        %parallel_loop3A_643 = arith.select %eq3A_57, %parallel_loop3A_599, %parallel_loop3A_592 : vector<16xi1>, vector<16xf32>
        %parallel_loop3A_644 = arith.constant 0 : i32
        %parallel_loop3A_645 = vector.broadcast %parallel_loop3A_644 : i32 to vector<16xi32>
        %parallel_loop3A_646 = arith.cmpi slt, %xor3A_23, %parallel_loop3A_645 : vector<16xi32>
        %parallel_loop3A_647 = arith.constant 16 : i32
        %parallel_loop3A_648 = vector.broadcast %parallel_loop3A_647 : i32 to vector<16xi32>
        %parallel_loop3A_649 = arith.addi %xor3A_23, %parallel_loop3A_648 : vector<16xi32>
        %parallel_loop3A_650 = arith.select %parallel_loop3A_646, %parallel_loop3A_649, %xor3A_23 : vector<16xi1>, vector<16xi32>
        %parallel_loop3A_651 = vector.shape_cast %parallel_loop3A_650 : vector<16xi32> to vector<16x1xi32>
        %parallel_loop3A_652 = vector.shape_cast %parallel_loop3A_651 : vector<16x1xi32> to vector<16xi32>
        %parallel_loop3A_653 = tpu.dynamic_gather %parallel_loop3A_643[%parallel_loop3A_652] in [0] : vector<16xf32>, vector<16xi32> -> vector<16xf32>
        %parallel_loop3A_654 = arith.addf %parallel_loop3A_642, %parallel_loop3A_653 : vector<16xf32>
        %parallel_loop3A_655 = arith.select %eq3A_57, %parallel_loop3A_606, %parallel_loop3A_613 : vector<16xi1>, vector<16xf32>
        %parallel_loop3A_656 = arith.select %eq3A_57, %parallel_loop3A_613, %parallel_loop3A_606 : vector<16xi1>, vector<16xf32>
        %parallel_loop3A_657 = arith.constant 0 : i32
        %parallel_loop3A_658 = vector.broadcast %parallel_loop3A_657 : i32 to vector<16xi32>
        %parallel_loop3A_659 = arith.cmpi slt, %xor3A_23, %parallel_loop3A_658 : vector<16xi32>
        %parallel_loop3A_660 = arith.constant 16 : i32
        %parallel_loop3A_661 = vector.broadcast %parallel_loop3A_660 : i32 to vector<16xi32>
        %parallel_loop3A_662 = arith.addi %xor3A_23, %parallel_loop3A_661 : vector<16xi32>
        %parallel_loop3A_663 = arith.select %parallel_loop3A_659, %parallel_loop3A_662, %xor3A_23 : vector<16xi1>, vector<16xi32>
        %parallel_loop3A_664 = vector.shape_cast %parallel_loop3A_663 : vector<16xi32> to vector<16x1xi32>
        %parallel_loop3A_665 = vector.shape_cast %parallel_loop3A_664 : vector<16x1xi32> to vector<16xi32>
        %parallel_loop3A_666 = tpu.dynamic_gather %parallel_loop3A_656[%parallel_loop3A_665] in [0] : vector<16xf32>, vector<16xi32> -> vector<16xf32>
        %parallel_loop3A_667 = arith.addf %parallel_loop3A_655, %parallel_loop3A_666 : vector<16xf32>
        %parallel_loop3A_668 = arith.select %eq3A_57, %parallel_loop3A_620, %parallel_loop3A_627 : vector<16xi1>, vector<16xf32>
        %parallel_loop3A_669 = arith.select %eq3A_57, %parallel_loop3A_627, %parallel_loop3A_620 : vector<16xi1>, vector<16xf32>
        %parallel_loop3A_670 = arith.constant 0 : i32
        %parallel_loop3A_671 = vector.broadcast %parallel_loop3A_670 : i32 to vector<16xi32>
        %parallel_loop3A_672 = arith.cmpi slt, %xor3A_23, %parallel_loop3A_671 : vector<16xi32>
        %parallel_loop3A_673 = arith.constant 16 : i32
        %parallel_loop3A_674 = vector.broadcast %parallel_loop3A_673 : i32 to vector<16xi32>
        %parallel_loop3A_675 = arith.addi %xor3A_23, %parallel_loop3A_674 : vector<16xi32>
        %parallel_loop3A_676 = arith.select %parallel_loop3A_672, %parallel_loop3A_675, %xor3A_23 : vector<16xi1>, vector<16xi32>
        %parallel_loop3A_677 = vector.shape_cast %parallel_loop3A_676 : vector<16xi32> to vector<16x1xi32>
        %parallel_loop3A_678 = vector.shape_cast %parallel_loop3A_677 : vector<16x1xi32> to vector<16xi32>
        %parallel_loop3A_679 = tpu.dynamic_gather %parallel_loop3A_669[%parallel_loop3A_678] in [0] : vector<16xf32>, vector<16xi32> -> vector<16xf32>
        %parallel_loop3A_680 = arith.addf %parallel_loop3A_668, %parallel_loop3A_679 : vector<16xf32>
        %parallel_loop3A_681 = arith.select %eq3A_57, %parallel_loop3A_634, %parallel_loop3A_641 : vector<16xi1>, vector<16xf32>
        %parallel_loop3A_682 = arith.select %eq3A_57, %parallel_loop3A_641, %parallel_loop3A_634 : vector<16xi1>, vector<16xf32>
        %parallel_loop3A_683 = arith.constant 0 : i32
        %parallel_loop3A_684 = vector.broadcast %parallel_loop3A_683 : i32 to vector<16xi32>
        %parallel_loop3A_685 = arith.cmpi slt, %xor3A_23, %parallel_loop3A_684 : vector<16xi32>
        %parallel_loop3A_686 = arith.constant 16 : i32
        %parallel_loop3A_687 = vector.broadcast %parallel_loop3A_686 : i32 to vector<16xi32>
        %parallel_loop3A_688 = arith.addi %xor3A_23, %parallel_loop3A_687 : vector<16xi32>
        %parallel_loop3A_689 = arith.select %parallel_loop3A_685, %parallel_loop3A_688, %xor3A_23 : vector<16xi1>, vector<16xi32>
        %parallel_loop3A_690 = vector.shape_cast %parallel_loop3A_689 : vector<16xi32> to vector<16x1xi32>
        %parallel_loop3A_691 = vector.shape_cast %parallel_loop3A_690 : vector<16x1xi32> to vector<16xi32>
        %parallel_loop3A_692 = tpu.dynamic_gather %parallel_loop3A_682[%parallel_loop3A_691] in [0] : vector<16xf32>, vector<16xi32> -> vector<16xf32>
        %parallel_loop3A_693 = arith.addf %parallel_loop3A_681, %parallel_loop3A_692 : vector<16xf32>
        %parallel_loop3A_694 = arith.select %eq3A_48, %parallel_loop3A_654, %parallel_loop3A_667 : vector<16xi1>, vector<16xf32>
        %parallel_loop3A_695 = arith.select %eq3A_48, %parallel_loop3A_667, %parallel_loop3A_654 : vector<16xi1>, vector<16xf32>
        %parallel_loop3A_696 = arith.constant 0 : i32
        %parallel_loop3A_697 = vector.broadcast %parallel_loop3A_696 : i32 to vector<16xi32>
        %parallel_loop3A_698 = arith.cmpi slt, %xor3A_20, %parallel_loop3A_697 : vector<16xi32>
        %parallel_loop3A_699 = arith.constant 16 : i32
        %parallel_loop3A_700 = vector.broadcast %parallel_loop3A_699 : i32 to vector<16xi32>
        %parallel_loop3A_701 = arith.addi %xor3A_20, %parallel_loop3A_700 : vector<16xi32>
        %parallel_loop3A_702 = arith.select %parallel_loop3A_698, %parallel_loop3A_701, %xor3A_20 : vector<16xi1>, vector<16xi32>
        %parallel_loop3A_703 = vector.shape_cast %parallel_loop3A_702 : vector<16xi32> to vector<16x1xi32>
        %parallel_loop3A_704 = vector.shape_cast %parallel_loop3A_703 : vector<16x1xi32> to vector<16xi32>
        %parallel_loop3A_705 = tpu.dynamic_gather %parallel_loop3A_695[%parallel_loop3A_704] in [0] : vector<16xf32>, vector<16xi32> -> vector<16xf32>
        %parallel_loop3A_706 = arith.addf %parallel_loop3A_694, %parallel_loop3A_705 : vector<16xf32>
        %parallel_loop3A_707 = arith.select %eq3A_48, %parallel_loop3A_680, %parallel_loop3A_693 : vector<16xi1>, vector<16xf32>
        %parallel_loop3A_708 = arith.select %eq3A_48, %parallel_loop3A_693, %parallel_loop3A_680 : vector<16xi1>, vector<16xf32>
        %parallel_loop3A_709 = arith.constant 0 : i32
        %parallel_loop3A_710 = vector.broadcast %parallel_loop3A_709 : i32 to vector<16xi32>
        %parallel_loop3A_711 = arith.cmpi slt, %xor3A_20, %parallel_loop3A_710 : vector<16xi32>
        %parallel_loop3A_712 = arith.constant 16 : i32
        %parallel_loop3A_713 = vector.broadcast %parallel_loop3A_712 : i32 to vector<16xi32>
        %parallel_loop3A_714 = arith.addi %xor3A_20, %parallel_loop3A_713 : vector<16xi32>
        %parallel_loop3A_715 = arith.select %parallel_loop3A_711, %parallel_loop3A_714, %xor3A_20 : vector<16xi1>, vector<16xi32>
        %parallel_loop3A_716 = vector.shape_cast %parallel_loop3A_715 : vector<16xi32> to vector<16x1xi32>
        %parallel_loop3A_717 = vector.shape_cast %parallel_loop3A_716 : vector<16x1xi32> to vector<16xi32>
        %parallel_loop3A_718 = tpu.dynamic_gather %parallel_loop3A_708[%parallel_loop3A_717] in [0] : vector<16xf32>, vector<16xi32> -> vector<16xf32>
        %parallel_loop3A_719 = arith.addf %parallel_loop3A_707, %parallel_loop3A_718 : vector<16xf32>
        %parallel_loop3A_720 = arith.select %eq3A_39, %parallel_loop3A_706, %parallel_loop3A_719 : vector<16xi1>, vector<16xf32>
        %parallel_loop3A_721 = arith.select %eq3A_39, %parallel_loop3A_719, %parallel_loop3A_706 : vector<16xi1>, vector<16xf32>
        %parallel_loop3A_722 = arith.constant 0 : i32
        %parallel_loop3A_723 = vector.broadcast %parallel_loop3A_722 : i32 to vector<16xi32>
        %parallel_loop3A_724 = arith.cmpi slt, %xor3A_17, %parallel_loop3A_723 : vector<16xi32>
        %parallel_loop3A_725 = arith.constant 16 : i32
        %parallel_loop3A_726 = vector.broadcast %parallel_loop3A_725 : i32 to vector<16xi32>
        %parallel_loop3A_727 = arith.addi %xor3A_17, %parallel_loop3A_726 : vector<16xi32>
        %parallel_loop3A_728 = arith.select %parallel_loop3A_724, %parallel_loop3A_727, %xor3A_17 : vector<16xi1>, vector<16xi32>
        %parallel_loop3A_729 = vector.shape_cast %parallel_loop3A_728 : vector<16xi32> to vector<16x1xi32>
        %parallel_loop3A_730 = vector.shape_cast %parallel_loop3A_729 : vector<16x1xi32> to vector<16xi32>
        %parallel_loop3A_731 = tpu.dynamic_gather %parallel_loop3A_721[%parallel_loop3A_730] in [0] : vector<16xf32>, vector<16xi32> -> vector<16xf32>
        %parallel_loop3A_732 = arith.addf %parallel_loop3A_720, %parallel_loop3A_731 : vector<16xf32>
        %parallel_loop3A_733 = arith.constant 0 : i32
        %parallel_loop3A_734 = vector.broadcast %parallel_loop3A_733 : i32 to vector<16xi32>
        %parallel_loop3A_735 = arith.cmpi slt, %xor3A_14, %parallel_loop3A_734 : vector<16xi32>
        %parallel_loop3A_736 = arith.constant 16 : i32
        %parallel_loop3A_737 = vector.broadcast %parallel_loop3A_736 : i32 to vector<16xi32>
        %parallel_loop3A_738 = arith.addi %xor3A_14, %parallel_loop3A_737 : vector<16xi32>
        %parallel_loop3A_739 = arith.select %parallel_loop3A_735, %parallel_loop3A_738, %xor3A_14 : vector<16xi1>, vector<16xi32>
        %parallel_loop3A_740 = vector.shape_cast %parallel_loop3A_739 : vector<16xi32> to vector<16x1xi32>
        %parallel_loop3A_741 = vector.shape_cast %parallel_loop3A_740 : vector<16x1xi32> to vector<16xi32>
        %parallel_loop3A_742 = tpu.dynamic_gather %parallel_loop3A_732[%parallel_loop3A_741] in [0] : vector<16xf32>, vector<16xi32> -> vector<16xf32>
        %parallel_loop3A_743 = arith.addf %parallel_loop3A_732, %parallel_loop3A_742 : vector<16xf32>
        %parallel_loop3A_744 = math.exp %parallel_loop3A_743 : vector<16xf32>
        %parallel_loop3A_745 = arith.constant 0 : i32
        %parallel_loop3A_746 = vector.broadcast %parallel_loop3A_745 : i32 to vector<16xi32>
        %parallel_loop3A_747 = arith.cmpi slt, %broadcast_in_dim3A_58, %parallel_loop3A_746 : vector<16xi32>
        %parallel_loop3A_748 = arith.constant 16 : i32
        %parallel_loop3A_749 = vector.broadcast %parallel_loop3A_748 : i32 to vector<16xi32>
        %parallel_loop3A_750 = arith.addi %broadcast_in_dim3A_58, %parallel_loop3A_749 : vector<16xi32>
        %parallel_loop3A_751 = arith.select %parallel_loop3A_747, %parallel_loop3A_750, %broadcast_in_dim3A_58 : vector<16xi1>, vector<16xi32>
        %parallel_loop3A_752 = vector.shape_cast %parallel_loop3A_751 : vector<16xi32> to vector<16x1xi32>
        %parallel_loop3A_753 = vector.shape_cast %parallel_loop3A_752 : vector<16x1xi32> to vector<16xi32>
        %parallel_loop3A_754 = tpu.dynamic_gather %parallel_loop3A_744[%parallel_loop3A_753] in [0] : vector<16xf32>, vector<16xi32> -> vector<16xf32>
        %parallel_loop3A_755 = arith.index_cast %parallel_loop3A_585 : i32 to index
        %parallel_loop3A_756 = arith.constant 128 : index
        %parallel_loop3A_757 = tpu.vector_load %arg21[%parallel_loop3A_755, %parallel_loop3A_756] {strides = array<i32>} : memref<16x256xf32, #tpu.memory_space<vmem>>, vector<16xf32>,
        %parallel_loop3A_758 = arith.mulf %parallel_loop3A_757, %parallel_loop3A_754 : vector<16xf32>
        %parallel_loop3A_759 = arith.index_cast %parallel_loop3A_585 : i32 to index
        %parallel_loop3A_760 = arith.constant 0 : index
        %parallel_loop3A_761 = tpu.vector_load %arg23[%parallel_loop3A_759, %parallel_loop3A_760] {strides = array<i32>} : memref<16x128xf32, #tpu.memory_space<vmem>>, vector<16xf32>,
        tpu.vector_store %arg23[%parallel_loop3A_759, %parallel_loop3A_760], %parallel_loop3A_758 {strides = array<i32>} : memref<16x128xf32, #tpu.memory_space<vmem>>, vector<16xf32>,
        %parallel_loop3A_762 = arith.constant 0 : i32
        %parallel_loop3A_763 = vector.broadcast %parallel_loop3A_762 : i32 to vector<16xi32>
        %parallel_loop3A_764 = arith.cmpi slt, %broadcast_in_dim3A_60, %parallel_loop3A_763 : vector<16xi32>
        %parallel_loop3A_765 = arith.constant 16 : i32
        %parallel_loop3A_766 = vector.broadcast %parallel_loop3A_765 : i32 to vector<16xi32>
        %parallel_loop3A_767 = arith.addi %broadcast_in_dim3A_60, %parallel_loop3A_766 : vector<16xi32>
        %parallel_loop3A_768 = arith.select %parallel_loop3A_764, %parallel_loop3A_767, %broadcast_in_dim3A_60 : vector<16xi1>, vector<16xi32>
        %parallel_loop3A_769 = vector.shape_cast %parallel_loop3A_768 : vector<16xi32> to vector<16x1xi32>
        %parallel_loop3A_770 = vector.shape_cast %parallel_loop3A_769 : vector<16x1xi32> to vector<16xi32>
        %parallel_loop3A_771 = tpu.dynamic_gather %parallel_loop3A_744[%parallel_loop3A_770] in [0] : vector<16xf32>, vector<16xi32> -> vector<16xf32>
        %parallel_loop3A_772 = arith.index_cast %parallel_loop3A_585 : i32 to index
        %parallel_loop3A_773 = arith.constant 144 : index
        %parallel_loop3A_774 = tpu.vector_load %arg21[%parallel_loop3A_772, %parallel_loop3A_773] {strides = array<i32>} : memref<16x256xf32, #tpu.memory_space<vmem>>, vector<16xf32>,
        %parallel_loop3A_775 = arith.mulf %parallel_loop3A_774, %parallel_loop3A_771 : vector<16xf32>
        %parallel_loop3A_776 = arith.index_cast %parallel_loop3A_585 : i32 to index
        %parallel_loop3A_777 = arith.constant 16 : index
        %parallel_loop3A_778 = tpu.vector_load %arg23[%parallel_loop3A_776, %parallel_loop3A_777] {strides = array<i32>} : memref<16x128xf32, #tpu.memory_space<vmem>>, vector<16xf32>,
        tpu.vector_store %arg23[%parallel_loop3A_776, %parallel_loop3A_777], %parallel_loop3A_775 {strides = array<i32>} : memref<16x128xf32, #tpu.memory_space<vmem>>, vector<16xf32>,
        %parallel_loop3A_779 = arith.constant 0 : i32
        %parallel_loop3A_780 = vector.broadcast %parallel_loop3A_779 : i32 to vector<16xi32>
        %parallel_loop3A_781 = arith.cmpi slt, %broadcast_in_dim3A_62, %parallel_loop3A_780 : vector<16xi32>
        %parallel_loop3A_782 = arith.constant 16 : i32
        %parallel_loop3A_783 = vector.broadcast %parallel_loop3A_782 : i32 to vector<16xi32>
        %parallel_loop3A_784 = arith.addi %broadcast_in_dim3A_62, %parallel_loop3A_783 : vector<16xi32>
        %parallel_loop3A_785 = arith.select %parallel_loop3A_781, %parallel_loop3A_784, %broadcast_in_dim3A_62 : vector<16xi1>, vector<16xi32>
        %parallel_loop3A_786 = vector.shape_cast %parallel_loop3A_785 : vector<16xi32> to vector<16x1xi32>
        %parallel_loop3A_787 = vector.shape_cast %parallel_loop3A_786 : vector<16x1xi32> to vector<16xi32>
        %parallel_loop3A_788 = tpu.dynamic_gather %parallel_loop3A_744[%parallel_loop3A_787] in [0] : vector<16xf32>, vector<16xi32> -> vector<16xf32>
        %parallel_loop3A_789 = arith.index_cast %parallel_loop3A_585 : i32 to index
        %parallel_loop3A_790 = arith.constant 160 : index
        %parallel_loop3A_791 = tpu.vector_load %arg21[%parallel_loop3A_789, %parallel_loop3A_790] {strides = array<i32>} : memref<16x256xf32, #tpu.memory_space<vmem>>, vector<16xf32>,
        %parallel_loop3A_792 = arith.mulf %parallel_loop3A_791, %parallel_loop3A_788 : vector<16xf32>
        %parallel_loop3A_793 = arith.index_cast %parallel_loop3A_585 : i32 to index
        %parallel_loop3A_794 = arith.constant 32 : index
        %parallel_loop3A_795 = tpu.vector_load %arg23[%parallel_loop3A_793, %parallel_loop3A_794] {strides = array<i32>} : memref<16x128xf32, #tpu.memory_space<vmem>>, vector<16xf32>,
        tpu.vector_store %arg23[%parallel_loop3A_793, %parallel_loop3A_794], %parallel_loop3A_792 {strides = array<i32>} : memref<16x128xf32, #tpu.memory_space<vmem>>, vector<16xf32>,
        %parallel_loop3A_796 = arith.constant 0 : i32
        %parallel_loop3A_797 = vector.broadcast %parallel_loop3A_796 : i32 to vector<16xi32>
        %parallel_loop3A_798 = arith.cmpi slt, %broadcast_in_dim3A_64, %parallel_loop3A_797 : vector<16xi32>
        %parallel_loop3A_799 = arith.constant 16 : i32
        %parallel_loop3A_800 = vector.broadcast %parallel_loop3A_799 : i32 to vector<16xi32>
        %parallel_loop3A_801 = arith.addi %broadcast_in_dim3A_64, %parallel_loop3A_800 : vector<16xi32>
        %parallel_loop3A_802 = arith.select %parallel_loop3A_798, %parallel_loop3A_801, %broadcast_in_dim3A_64 : vector<16xi1>, vector<16xi32>
        %parallel_loop3A_803 = vector.shape_cast %parallel_loop3A_802 : vector<16xi32> to vector<16x1xi32>
        %parallel_loop3A_804 = vector.shape_cast %parallel_loop3A_803 : vector<16x1xi32> to vector<16xi32>
        %parallel_loop3A_805 = tpu.dynamic_gather %parallel_loop3A_744[%parallel_loop3A_804] in [0] : vector<16xf32>, vector<16xi32> -> vector<16xf32>
        %parallel_loop3A_806 = arith.index_cast %parallel_loop3A_585 : i32 to index
        %parallel_loop3A_807 = arith.constant 176 : index
        %parallel_loop3A_808 = tpu.vector_load %arg21[%parallel_loop3A_806, %parallel_loop3A_807] {strides = array<i32>} : memref<16x256xf32, #tpu.memory_space<vmem>>, vector<16xf32>,
        %parallel_loop3A_809 = arith.mulf %parallel_loop3A_808, %parallel_loop3A_805 : vector<16xf32>
        %parallel_loop3A_810 = arith.index_cast %parallel_loop3A_585 : i32 to index
        %parallel_loop3A_811 = arith.constant 48 : index
        %parallel_loop3A_812 = tpu.vector_load %arg23[%parallel_loop3A_810, %parallel_loop3A_811] {strides = array<i32>} : memref<16x128xf32, #tpu.memory_space<vmem>>, vector<16xf32>,
        tpu.vector_store %arg23[%parallel_loop3A_810, %parallel_loop3A_811], %parallel_loop3A_809 {strides = array<i32>} : memref<16x128xf32, #tpu.memory_space<vmem>>, vector<16xf32>,
        %parallel_loop3A_813 = arith.constant 0 : i32
        %parallel_loop3A_814 = vector.broadcast %parallel_loop3A_813 : i32 to vector<16xi32>
        %parallel_loop3A_815 = arith.cmpi slt, %broadcast_in_dim3A_66, %parallel_loop3A_814 : vector<16xi32>
        %parallel_loop3A_816 = arith.constant 16 : i32
        %parallel_loop3A_817 = vector.broadcast %parallel_loop3A_816 : i32 to vector<16xi32>
        %parallel_loop3A_818 = arith.addi %broadcast_in_dim3A_66, %parallel_loop3A_817 : vector<16xi32>
        %parallel_loop3A_819 = arith.select %parallel_loop3A_815, %parallel_loop3A_818, %broadcast_in_dim3A_66 : vector<16xi1>, vector<16xi32>
        %parallel_loop3A_820 = vector.shape_cast %parallel_loop3A_819 : vector<16xi32> to vector<16x1xi32>
        %parallel_loop3A_821 = vector.shape_cast %parallel_loop3A_820 : vector<16x1xi32> to vector<16xi32>
        %parallel_loop3A_822 = tpu.dynamic_gather %parallel_loop3A_744[%parallel_loop3A_821] in [0] : vector<16xf32>, vector<16xi32> -> vector<16xf32>
        %parallel_loop3A_823 = arith.index_cast %parallel_loop3A_585 : i32 to index
        %parallel_loop3A_824 = arith.constant 192 : index
        %parallel_loop3A_825 = tpu.vector_load %arg21[%parallel_loop3A_823, %parallel_loop3A_824] {strides = array<i32>} : memref<16x256xf32, #tpu.memory_space<vmem>>, vector<16xf32>,
        %parallel_loop3A_826 = arith.mulf %parallel_loop3A_825, %parallel_loop3A_822 : vector<16xf32>
        %parallel_loop3A_827 = arith.index_cast %parallel_loop3A_585 : i32 to index
        %parallel_loop3A_828 = arith.constant 64 : index
        %parallel_loop3A_829 = tpu.vector_load %arg23[%parallel_loop3A_827, %parallel_loop3A_828] {strides = array<i32>} : memref<16x128xf32, #tpu.memory_space<vmem>>, vector<16xf32>,
        tpu.vector_store %arg23[%parallel_loop3A_827, %parallel_loop3A_828], %parallel_loop3A_826 {strides = array<i32>} : memref<16x128xf32, #tpu.memory_space<vmem>>, vector<16xf32>,
        %parallel_loop3A_830 = arith.constant 0 : i32
        %parallel_loop3A_831 = vector.broadcast %parallel_loop3A_830 : i32 to vector<16xi32>
        %parallel_loop3A_832 = arith.cmpi slt, %broadcast_in_dim3A_68, %parallel_loop3A_831 : vector<16xi32>
        %parallel_loop3A_833 = arith.constant 16 : i32
        %parallel_loop3A_834 = vector.broadcast %parallel_loop3A_833 : i32 to vector<16xi32>
        %parallel_loop3A_835 = arith.addi %broadcast_in_dim3A_68, %parallel_loop3A_834 : vector<16xi32>
        %parallel_loop3A_836 = arith.select %parallel_loop3A_832, %parallel_loop3A_835, %broadcast_in_dim3A_68 : vector<16xi1>, vector<16xi32>
        %parallel_loop3A_837 = vector.shape_cast %parallel_loop3A_836 : vector<16xi32> to vector<16x1xi32>
        %parallel_loop3A_838 = vector.shape_cast %parallel_loop3A_837 : vector<16x1xi32> to vector<16xi32>
        %parallel_loop3A_839 = tpu.dynamic_gather %parallel_loop3A_744[%parallel_loop3A_838] in [0] : vector<16xf32>, vector<16xi32> -> vector<16xf32>
        %parallel_loop3A_840 = arith.index_cast %parallel_loop3A_585 : i32 to index
        %parallel_loop3A_841 = arith.constant 208 : index
        %parallel_loop3A_842 = tpu.vector_load %arg21[%parallel_loop3A_840, %parallel_loop3A_841] {strides = array<i32>} : memref<16x256xf32, #tpu.memory_space<vmem>>, vector<16xf32>,
        %parallel_loop3A_843 = arith.mulf %parallel_loop3A_842, %parallel_loop3A_839 : vector<16xf32>
        %parallel_loop3A_844 = arith.index_cast %parallel_loop3A_585 : i32 to index
        %parallel_loop3A_845 = arith.constant 80 : index
        %parallel_loop3A_846 = tpu.vector_load %arg23[%parallel_loop3A_844, %parallel_loop3A_845] {strides = array<i32>} : memref<16x128xf32, #tpu.memory_space<vmem>>, vector<16xf32>,
        tpu.vector_store %arg23[%parallel_loop3A_844, %parallel_loop3A_845], %parallel_loop3A_843 {strides = array<i32>} : memref<16x128xf32, #tpu.memory_space<vmem>>, vector<16xf32>,
        %parallel_loop3A_847 = arith.constant 0 : i32
        %parallel_loop3A_848 = vector.broadcast %parallel_loop3A_847 : i32 to vector<16xi32>
        %parallel_loop3A_849 = arith.cmpi slt, %broadcast_in_dim3A_70, %parallel_loop3A_848 : vector<16xi32>
        %parallel_loop3A_850 = arith.constant 16 : i32
        %parallel_loop3A_851 = vector.broadcast %parallel_loop3A_850 : i32 to vector<16xi32>
        %parallel_loop3A_852 = arith.addi %broadcast_in_dim3A_70, %parallel_loop3A_851 : vector<16xi32>
        %parallel_loop3A_853 = arith.select %parallel_loop3A_849, %parallel_loop3A_852, %broadcast_in_dim3A_70 : vector<16xi1>, vector<16xi32>
        %parallel_loop3A_854 = vector.shape_cast %parallel_loop3A_853 : vector<16xi32> to vector<16x1xi32>
        %parallel_loop3A_855 = vector.shape_cast %parallel_loop3A_854 : vector<16x1xi32> to vector<16xi32>
        %parallel_loop3A_856 = tpu.dynamic_gather %parallel_loop3A_744[%parallel_loop3A_855] in [0] : vector<16xf32>, vector<16xi32> -> vector<16xf32>
        %parallel_loop3A_857 = arith.index_cast %parallel_loop3A_585 : i32 to index
        %parallel_loop3A_858 = arith.constant 224 : index
        %parallel_loop3A_859 = tpu.vector_load %arg21[%parallel_loop3A_857, %parallel_loop3A_858] {strides = array<i32>} : memref<16x256xf32, #tpu.memory_space<vmem>>, vector<16xf32>,
        %parallel_loop3A_860 = arith.mulf %parallel_loop3A_859, %parallel_loop3A_856 : vector<16xf32>
        %parallel_loop3A_861 = arith.index_cast %parallel_loop3A_585 : i32 to index
        %parallel_loop3A_862 = arith.constant 96 : index
        %parallel_loop3A_863 = tpu.vector_load %arg23[%parallel_loop3A_861, %parallel_loop3A_862] {strides = array<i32>} : memref<16x128xf32, #tpu.memory_space<vmem>>, vector<16xf32>,
        tpu.vector_store %arg23[%parallel_loop3A_861, %parallel_loop3A_862], %parallel_loop3A_860 {strides = array<i32>} : memref<16x128xf32, #tpu.memory_space<vmem>>, vector<16xf32>,
        %parallel_loop3A_864 = arith.constant 0 : i32
        %parallel_loop3A_865 = vector.broadcast %parallel_loop3A_864 : i32 to vector<16xi32>
        %parallel_loop3A_866 = arith.cmpi slt, %broadcast_in_dim3A_72, %parallel_loop3A_865 : vector<16xi32>
        %parallel_loop3A_867 = arith.constant 16 : i32
        %parallel_loop3A_868 = vector.broadcast %parallel_loop3A_867 : i32 to vector<16xi32>
        %parallel_loop3A_869 = arith.addi %broadcast_in_dim3A_72, %parallel_loop3A_868 : vector<16xi32>
        %parallel_loop3A_870 = arith.select %parallel_loop3A_866, %parallel_loop3A_869, %broadcast_in_dim3A_72 : vector<16xi1>, vector<16xi32>
        %parallel_loop3A_871 = vector.shape_cast %parallel_loop3A_870 : vector<16xi32> to vector<16x1xi32>
        %parallel_loop3A_872 = vector.shape_cast %parallel_loop3A_871 : vector<16x1xi32> to vector<16xi32>
        %parallel_loop3A_873 = tpu.dynamic_gather %parallel_loop3A_744[%parallel_loop3A_872] in [0] : vector<16xf32>, vector<16xi32> -> vector<16xf32>
        %parallel_loop3A_874 = arith.index_cast %parallel_loop3A_585 : i32 to index
        %parallel_loop3A_875 = arith.constant 240 : index
        %parallel_loop3A_876 = tpu.vector_load %arg21[%parallel_loop3A_874, %parallel_loop3A_875] {strides = array<i32>} : memref<16x256xf32, #tpu.memory_space<vmem>>, vector<16xf32>,
        %parallel_loop3A_877 = arith.mulf %parallel_loop3A_876, %parallel_loop3A_873 : vector<16xf32>
        %parallel_loop3A_878 = arith.index_cast %parallel_loop3A_585 : i32 to index
        %parallel_loop3A_879 = arith.constant 112 : index
        %parallel_loop3A_880 = tpu.vector_load %arg23[%parallel_loop3A_878, %parallel_loop3A_879] {strides = array<i32>} : memref<16x128xf32, #tpu.memory_space<vmem>>, vector<16xf32>,
        tpu.vector_store %arg23[%parallel_loop3A_878, %parallel_loop3A_879], %parallel_loop3A_877 {strides = array<i32>} : memref<16x128xf32, #tpu.memory_space<vmem>>, vector<16xf32>,
        %parallel_loop3A_881 = arith.constant 0 : i32
        %parallel_loop3A_882 = vector.broadcast %parallel_loop3A_881 : i32 to vector<16xi32>
        %parallel_loop3A_883 = arith.cmpi slt, %or3A_90, %parallel_loop3A_882 : vector<16xi32>
        %parallel_loop3A_884 = arith.constant 16 : i32
        %parallel_loop3A_885 = vector.broadcast %parallel_loop3A_884 : i32 to vector<16xi32>
        %parallel_loop3A_886 = arith.addi %or3A_90, %parallel_loop3A_885 : vector<16xi32>
        %parallel_loop3A_887 = arith.select %parallel_loop3A_883, %parallel_loop3A_886, %or3A_90 : vector<16xi1>, vector<16xi32>
        %parallel_loop3A_888 = vector.shape_cast %parallel_loop3A_887 : vector<16xi32> to vector<16x1xi32>
        %parallel_loop3A_889 = vector.shape_cast %parallel_loop3A_888 : vector<16x1xi32> to vector<16xi32>
        %parallel_loop3A_890 = tpu.dynamic_gather %parallel_loop3A_445[%parallel_loop3A_889] in [0] : vector<16xf32>, vector<16xi32> -> vector<16xf32>
        %parallel_loop3A_891 = arith.constant 0 : i32
        %parallel_loop3A_892 = vector.broadcast %parallel_loop3A_891 : i32 to vector<16xi32>
        %parallel_loop3A_893 = arith.cmpi slt, %or3A_90, %parallel_loop3A_892 : vector<16xi32>
        %parallel_loop3A_894 = arith.constant 16 : i32
        %parallel_loop3A_895 = vector.broadcast %parallel_loop3A_894 : i32 to vector<16xi32>
        %parallel_loop3A_896 = arith.addi %or3A_90, %parallel_loop3A_895 : vector<16xi32>
        %parallel_loop3A_897 = arith.select %parallel_loop3A_893, %parallel_loop3A_896, %or3A_90 : vector<16xi1>, vector<16xi32>
        %parallel_loop3A_898 = vector.shape_cast %parallel_loop3A_897 : vector<16xi32> to vector<16x1xi32>
        %parallel_loop3A_899 = vector.shape_cast %parallel_loop3A_898 : vector<16x1xi32> to vector<16xi32>
        %parallel_loop3A_900 = tpu.dynamic_gather %parallel_loop3A_744[%parallel_loop3A_899] in [0] : vector<16xf32>, vector<16xi32> -> vector<16xf32>
        %parallel_loop3A_901 = arith.constant 8 : i32
        %parallel_loop3A_902 = vector.broadcast %parallel_loop3A_901 : i32 to vector<16xi32>
        %parallel_loop3A_903 = arith.cmpi slt, %iota3A, %parallel_loop3A_902 : vector<16xi32>
        %parallel_loop3A_904 = arith.select %parallel_loop3A_903, %parallel_loop3A_890, %parallel_loop3A_900 : vector<16xi1>, vector<16xf32>
        %parallel_loop3A_905 = arith.constant 2 : i32
        %parallel_loop3A_906 = arith.muli %parallel_loop3A_282, %parallel_loop3A_905 : i32
        %parallel_loop3A_907 = arith.constant 3 : i32
        %parallel_loop3A_908 = vector.broadcast %parallel_loop3A_907 : i32 to vector<16xi32>
        %parallel_loop3A_909 = arith.shrsi %iota3A, %parallel_loop3A_908 : vector<16xi32>
        %parallel_loop3A_910 = vector.broadcast %parallel_loop3A_906 : i32 to vector<16xi32>
        %parallel_loop3A_911 = arith.addi %parallel_loop3A_910, %parallel_loop3A_909 : vector<16xi32>
        %parallel_loop3A_912 = arith.constant 0 : i32
        %parallel_loop3A_913 = vector.broadcast %parallel_loop3A_912 : i32 to vector<16xi32>
        %parallel_loop3A_914 = arith.cmpi slt, %parallel_loop3A_911, %parallel_loop3A_913 : vector<16xi32>
        %parallel_loop3A_915 = arith.constant 16 : i32
        %parallel_loop3A_916 = vector.broadcast %parallel_loop3A_915 : i32 to vector<16xi32>
        %parallel_loop3A_917 = arith.addi %parallel_loop3A_911, %parallel_loop3A_916 : vector<16xi32>
        %parallel_loop3A_918 = arith.select %parallel_loop3A_914, %parallel_loop3A_917, %parallel_loop3A_911 : vector<16xi1>, vector<16xi32>
        %parallel_loop3A_919 = vector.shape_cast %parallel_loop3A_918 : vector<16xi32> to vector<16x1xi32>
        %parallel_loop3A_920 = vector.shape_cast %parallel_loop3A_919 : vector<16x1xi32> to vector<16xi32>
        %parallel_loop3A_921 = tpu.dynamic_gather %get3A_258[%parallel_loop3A_920] in [0] : vector<16xi32>, vector<16xi32> -> vector<16xi32>
        %parallel_loop3A_922 = arith.constant 8 : i32
        %parallel_loop3A_923 = vector.broadcast %parallel_loop3A_922 : i32 to vector<16xi32>
        %parallel_loop3A_924 = arith.muli %parallel_loop3A_921, %parallel_loop3A_923 : vector<16xi32>
        %parallel_loop3A_925 = arith.addi %parallel_loop3A_924, %and3A_12 : vector<16xi32>
        %parallel_loop3A_926 = arith.constant 16 : i32
        %parallel_loop3A_927 = arith.muli %parallel_loop3A_282, %parallel_loop3A_926 : i32
        %parallel_loop3A_928 = arith.constant 0 : i32
        %parallel_loop3A_929 = arith.index_cast %parallel_loop3A_928 : i32 to index
        %parallel_loop3A_930 = arith.index_cast %parallel_loop3A_927 : i32 to index
        %parallel_loop3A_931 = tpu.vector_load %arg25[%parallel_loop3A_929, %parallel_loop3A_930] {strides = array<i32>} : memref<1x128xi32, #tpu.memory_space<vmem>>, vector<16xi32>,
        tpu.vector_store %arg25[%parallel_loop3A_929, %parallel_loop3A_930], %parallel_loop3A_925 {strides = array<i32>} : memref<1x128xi32, #tpu.memory_space<vmem>>, vector<16xi32>,
        %parallel_loop3A_932 = arith.constant 16 : i32
        %parallel_loop3A_933 = arith.muli %parallel_loop3A_282, %parallel_loop3A_932 : i32
        %parallel_loop3A_934 = arith.constant 0 : i32
        %parallel_loop3A_935 = arith.index_cast %parallel_loop3A_934 : i32 to index
        %parallel_loop3A_936 = arith.index_cast %parallel_loop3A_933 : i32 to index
        %parallel_loop3A_937 = tpu.vector_load %arg24[%parallel_loop3A_935, %parallel_loop3A_936] {strides = array<i32>} : memref<1x128xf32, #tpu.memory_space<vmem>>, vector<16xf32>,
        tpu.vector_store %arg24[%parallel_loop3A_935, %parallel_loop3A_936], %parallel_loop3A_904 {strides = array<i32>} : memref<1x128xf32, #tpu.memory_space<vmem>>, vector<16xf32>,
      } {sc.loop_unroll_factor = 8 : i64, sc.parallel_access}
      %le3A_264 = arith.constant 622 : i32
      %le3A_265 = arith.cmpi sle, %add3A_240, %le3A_264 : i32
      %convert_element_type3A_266 = arith.extui %le3A_265 : i1 to i32
      %cond3A_267 = arith.constant 0 : i32
      %cond3A_268 = arith.cmpi ne, %convert_element_type3A_266, %cond3A_267 : i32
      scf.if %cond3A_268 {
        %add3A_282 = arith.constant 2 : i32
        %add3A_283 = arith.addi %add3A_240, %add3A_282 : i32
        %mul3A_284 = arith.constant 16 : i32
        %mul3A_285 = arith.muli %add3A_283, %mul3A_284 : i32
        %add3A_286 = arith.addi %mul3A_10, %mul3A_285 : i32
        %dma_start3A_287 = tpu.memref_slice %arg4[%add3A_286] : memref<320000xi32, #tpu.memory_space<hbm>> -> memref<16xi32, #tpu.memory_space<hbm>>
        %dma_start3A_288 = tpu.memref_slice %arg4[%add3A_286] : memref<320000xi32, #tpu.memory_space<hbm>> -> memref<16xi32, #tpu.memory_space<hbm>>
        tpu.enqueue_dma source(%dma_start3A_288 : memref<16xi32, #tpu.memory_space<hbm>>) target(%arg18 : memref<16xi32, #tpu.memory_space<vmem>>) target_semaphore(%arg31 : memref<!tpu.dma_semaphore, #tpu.memory_space<semaphore_mem>>)
        %mul3A_289 = arith.constant 16 : i32
        %mul3A_290 = arith.muli %add3A_283, %mul3A_289 : i32
        %add3A_291 = arith.addi %mul3A_10, %mul3A_290 : i32
        %dma_start3A_292 = tpu.memref_slice %arg5[%add3A_291] : memref<320000xi32, #tpu.memory_space<hbm>> -> memref<16xi32, #tpu.memory_space<hbm>>
        %dma_start3A_293 = tpu.memref_slice %arg5[%add3A_291] : memref<320000xi32, #tpu.memory_space<hbm>> -> memref<16xi32, #tpu.memory_space<hbm>>
        tpu.enqueue_dma source(%dma_start3A_293 : memref<16xi32, #tpu.memory_space<hbm>>) target(%arg19 : memref<16xi32, #tpu.memory_space<vmem>>) target_semaphore(%arg31 : memref<!tpu.dma_semaphore, #tpu.memory_space<semaphore_mem>>)
      } else {
      }
      %dma_start3A_269 = arith.constant 0 : i32
      %dma_start3A_270 = arith.constant 0 : i32
      %dma_start3A_271 = tpu.memref_slice %arg26[%dma_start3A_269, %dma_start3A_270] : memref<10240x128xf32, #tpu.memory_space<vmem_shared>> -> memref<10240x128xf32, #tpu.memory_space<vmem_shared>>
      tpu.enqueue_indirect_dma source(%arg23 : memref<16x128xf32, #tpu.memory_space<vmem>>) target(%dma_start3A_271 : memref<10240x128xf32, #tpu.memory_space<vmem_shared>>) offsets(%arg20 : memref<16xi32, #tpu.memory_space<vmem>>) semaphore(%arg33 : memref<!tpu.dma_semaphore, #tpu.memory_space<semaphore_mem>>) {add = true}
      %dma_start3A_272 = arith.constant 0 : i32
      %dma_start3A_273 = arith.constant 0 : i32
      %dma_start3A_274 = arith.constant 0 : i32
      %dma_start3A_275 = tpu.memref_slice %arg24[%dma_start3A_272, %dma_start3A_274] : memref<1x128xf32, #tpu.memory_space<vmem>> -> memref<1x128xf32, #tpu.memory_space<vmem>>
      %dma_start3A_276 = tpu.memref_squeeze %dma_start3A_275 : memref<1x128xf32, #tpu.memory_space<vmem>> -> memref<128xf32, #tpu.memory_space<vmem>>
      %dma_start3A_277 = arith.constant 0 : i32
      %dma_start3A_278 = tpu.memref_slice %arg25[%dma_start3A_273, %dma_start3A_277] : memref<1x128xi32, #tpu.memory_space<vmem>> -> memref<1x128xi32, #tpu.memory_space<vmem>>
      %dma_start3A_279 = tpu.memref_squeeze %dma_start3A_278 : memref<1x128xi32, #tpu.memory_space<vmem>> -> memref<128xi32, #tpu.memory_space<vmem>>
      %dma_start3A_280 = arith.constant 0 : i32
      %dma_start3A_281 = tpu.memref_slice %arg27[%dma_start3A_280] : memref<81920xf32, #tpu.memory_space<vmem_shared>> -> memref<81920xf32, #tpu.memory_space<vmem_shared>>
      tpu.enqueue_indirect_dma source(%dma_start3A_276 : memref<128xf32, #tpu.memory_space<vmem>>) target(%dma_start3A_281 : memref<81920xf32, #tpu.memory_space<vmem_shared>>) offsets(%dma_start3A_279 : memref<128xi32, #tpu.memory_space<vmem>>) semaphore(%arg33 : memref<!tpu.dma_semaphore, #tpu.memory_space<semaphore_mem>>) {add = true}
    }
    %scan3A_119 = arith.constant 312 : i32
    %dma_wait3A_120 = arith.constant 0 : i32
    %dma_wait3A_121 = arith.constant 0 : i32
    %dma_wait3A_122 = tpu.memref_slice %arg3[%dma_wait3A_120, %dma_wait3A_121] : memref<10000x256xf32, #tpu.memory_space<hbm>> -> memref<10000x256xf32, #tpu.memory_space<hbm>>
    tpu.wait_indirect_dma semaphore(%arg29 : memref<!tpu.dma_semaphore, #tpu.memory_space<semaphore_mem>>) src(%dma_wait3A_122 : memref<10000x256xf32, #tpu.memory_space<hbm>>) dst(%arg13 : memref<16x256xf32, #tpu.memory_space<vmem>>)
    %dma_wait3A_123 = arith.constant 0 : i32
    %dma_wait3A_124 = arith.constant 0 : i32
    %dma_wait3A_125 = tpu.memref_slice %arg2[%dma_wait3A_123, %dma_wait3A_124] : memref<10000x128xf32, #tpu.memory_space<hbm>> -> memref<10000x128xf32, #tpu.memory_space<hbm>>
    tpu.wait_indirect_dma semaphore(%arg29 : memref<!tpu.dma_semaphore, #tpu.memory_space<semaphore_mem>>) src(%dma_wait3A_125 : memref<10000x128xf32, #tpu.memory_space<hbm>>) dst(%arg14 : memref<16x128xf32, #tpu.memory_space<vmem>>)
    %dma_wait3A_126 = arith.constant 0 : i32
    %dma_wait3A_127 = arith.constant 0 : i32
    %dma_wait3A_128 = tpu.memref_slice %arg26[%dma_wait3A_126, %dma_wait3A_127] : memref<10240x128xf32, #tpu.memory_space<vmem_shared>> -> memref<10240x128xf32, #tpu.memory_space<vmem_shared>>
    tpu.wait_indirect_dma semaphore(%arg30 : memref<!tpu.dma_semaphore, #tpu.memory_space<semaphore_mem>>) src(%arg15 : memref<16x128xf32, #tpu.memory_space<vmem>>) dst(%dma_wait3A_128 : memref<10240x128xf32, #tpu.memory_space<vmem_shared>>)
    %dma_wait3A_129 = arith.constant 0 : i32
    %dma_wait3A_130 = arith.constant 0 : i32
    %dma_wait3A_131 = arith.constant 0 : i32
    %dma_wait3A_132 = tpu.memref_slice %arg16[%dma_wait3A_129, %dma_wait3A_131] : memref<1x128xf32, #tpu.memory_space<vmem>> -> memref<1x128xf32, #tpu.memory_space<vmem>>
    %dma_wait3A_133 = tpu.memref_squeeze %dma_wait3A_132 : memref<1x128xf32, #tpu.memory_space<vmem>> -> memref<128xf32, #tpu.memory_space<vmem>>
    %dma_wait3A_134 = arith.constant 0 : i32
    %dma_wait3A_135 = tpu.memref_slice %arg17[%dma_wait3A_130, %dma_wait3A_134] : memref<1x128xi32, #tpu.memory_space<vmem>> -> memref<1x128xi32, #tpu.memory_space<vmem>>
    %dma_wait3A_136 = tpu.memref_squeeze %dma_wait3A_135 : memref<1x128xi32, #tpu.memory_space<vmem>> -> memref<128xi32, #tpu.memory_space<vmem>>
    %dma_wait3A_137 = arith.constant 0 : i32
    %dma_wait3A_138 = tpu.memref_slice %arg27[%dma_wait3A_137] : memref<81920xf32, #tpu.memory_space<vmem_shared>> -> memref<81920xf32, #tpu.memory_space<vmem_shared>>
    tpu.wait_indirect_dma semaphore(%arg30 : memref<!tpu.dma_semaphore, #tpu.memory_space<semaphore_mem>>) src(%dma_wait3A_133 : memref<128xf32, #tpu.memory_space<vmem>>) dst(%dma_wait3A_138 : memref<81920xf32, #tpu.memory_space<vmem_shared>>)
    %get3A = arith.constant 0 : index
    %get3A_139 = tpu.vector_load %arg11[%get3A] {strides = array<i32>} : memref<16xi32, #tpu.memory_space<vmem>>, vector<16xi32>,
    %swap3A = arith.constant 0 : index
    %swap3A_140 = tpu.vector_load %arg12[%swap3A] {strides = array<i32>} : memref<16xi32, #tpu.memory_space<vmem>>, vector<16xi32>,
    tpu.vector_store %arg12[%swap3A], %get3A_139 {strides = array<i32>} : memref<16xi32, #tpu.memory_space<vmem>>, vector<16xi32>,
    %parallel_loop3A = arith.constant 0 : i32
    %parallel_loop3A_141 = arith.constant 8 : i32
    %parallel_loop3A_142 = arith.constant 1 : i32
    scf.for %parallel_loop3A_197 = %parallel_loop3A to %parallel_loop3A_141 step %parallel_loop3A_142  : i32 {
      %parallel_loop3A_198 = arith.constant 2 : i32
      %parallel_loop3A_199 = arith.muli %parallel_loop3A_197, %parallel_loop3A_198 : i32
      %parallel_loop3A_200 = arith.constant 0 : i32
      %parallel_loop3A_201 = arith.addi %parallel_loop3A_199, %parallel_loop3A_200 : i32
      %parallel_loop3A_202 = arith.index_cast %parallel_loop3A_201 : i32 to index
      %parallel_loop3A_203 = arith.constant 0 : index
      %parallel_loop3A_204 = tpu.vector_load %arg14[%parallel_loop3A_202, %parallel_loop3A_203] {strides = array<i32>} : memref<16x128xf32, #tpu.memory_space<vmem>>, vector<16xf32>,
      %parallel_loop3A_205 = arith.index_cast %parallel_loop3A_201 : i32 to index
      %parallel_loop3A_206 = arith.constant 0 : index
      %parallel_loop3A_207 = tpu.vector_load %arg13[%parallel_loop3A_205, %parallel_loop3A_206] {strides = array<i32>} : memref<16x256xf32, #tpu.memory_space<vmem>>, vector<16xf32>,
      %parallel_loop3A_208 = arith.mulf %parallel_loop3A_204, %parallel_loop3A_207 : vector<16xf32>
      %parallel_loop3A_209 = arith.index_cast %parallel_loop3A_201 : i32 to index
      %parallel_loop3A_210 = arith.constant 16 : index
      %parallel_loop3A_211 = tpu.vector_load %arg14[%parallel_loop3A_209, %parallel_loop3A_210] {strides = array<i32>} : memref<16x128xf32, #tpu.memory_space<vmem>>, vector<16xf32>,
      %parallel_loop3A_212 = arith.index_cast %parallel_loop3A_201 : i32 to index
      %parallel_loop3A_213 = arith.constant 16 : index
      %parallel_loop3A_214 = tpu.vector_load %arg13[%parallel_loop3A_212, %parallel_loop3A_213] {strides = array<i32>} : memref<16x256xf32, #tpu.memory_space<vmem>>, vector<16xf32>,
      %parallel_loop3A_215 = arith.mulf %parallel_loop3A_211, %parallel_loop3A_214 : vector<16xf32>
      %parallel_loop3A_216 = arith.index_cast %parallel_loop3A_201 : i32 to index
      %parallel_loop3A_217 = arith.constant 32 : index
      %parallel_loop3A_218 = tpu.vector_load %arg14[%parallel_loop3A_216, %parallel_loop3A_217] {strides = array<i32>} : memref<16x128xf32, #tpu.memory_space<vmem>>, vector<16xf32>,
      %parallel_loop3A_219 = arith.index_cast %parallel_loop3A_201 : i32 to index
      %parallel_loop3A_220 = arith.constant 32 : index
      %parallel_loop3A_221 = tpu.vector_load %arg13[%parallel_loop3A_219, %parallel_loop3A_220] {strides = array<i32>} : memref<16x256xf32, #tpu.memory_space<vmem>>, vector<16xf32>,
      %parallel_loop3A_222 = arith.mulf %parallel_loop3A_218, %parallel_loop3A_221 : vector<16xf32>
      %parallel_loop3A_223 = arith.index_cast %parallel_loop3A_201 : i32 to index
      %parallel_loop3A_224 = arith.constant 48 : index
      %parallel_loop3A_225 = tpu.vector_load %arg14[%parallel_loop3A_223, %parallel_loop3A_224] {strides = array<i32>} : memref<16x128xf32, #tpu.memory_space<vmem>>, vector<16xf32>,
      %parallel_loop3A_226 = arith.index_cast %parallel_loop3A_201 : i32 to index
      %parallel_loop3A_227 = arith.constant 48 : index
      %parallel_loop3A_228 = tpu.vector_load %arg13[%parallel_loop3A_226, %parallel_loop3A_227] {strides = array<i32>} : memref<16x256xf32, #tpu.memory_space<vmem>>, vector<16xf32>,
      %parallel_loop3A_229 = arith.mulf %parallel_loop3A_225, %parallel_loop3A_228 : vector<16xf32>
      %parallel_loop3A_230 = arith.index_cast %parallel_loop3A_201 : i32 to index
      %parallel_loop3A_231 = arith.constant 64 : index
      %parallel_loop3A_232 = tpu.vector_load %arg14[%parallel_loop3A_230, %parallel_loop3A_231] {strides = array<i32>} : memref<16x128xf32, #tpu.memory_space<vmem>>, vector<16xf32>,
      %parallel_loop3A_233 = arith.index_cast %parallel_loop3A_201 : i32 to index
      %parallel_loop3A_234 = arith.constant 64 : index
      %parallel_loop3A_235 = tpu.vector_load %arg13[%parallel_loop3A_233, %parallel_loop3A_234] {strides = array<i32>} : memref<16x256xf32, #tpu.memory_space<vmem>>, vector<16xf32>,
      %parallel_loop3A_236 = arith.mulf %parallel_loop3A_232, %parallel_loop3A_235 : vector<16xf32>
      %parallel_loop3A_237 = arith.index_cast %parallel_loop3A_201 : i32 to index
      %parallel_loop3A_238 = arith.constant 80 : index
      %parallel_loop3A_239 = tpu.vector_load %arg14[%parallel_loop3A_237, %parallel_loop3A_238] {strides = array<i32>} : memref<16x128xf32, #tpu.memory_space<vmem>>, vector<16xf32>,
      %parallel_loop3A_240 = arith.index_cast %parallel_loop3A_201 : i32 to index
      %parallel_loop3A_241 = arith.constant 80 : index
      %parallel_loop3A_242 = tpu.vector_load %arg13[%parallel_loop3A_240, %parallel_loop3A_241] {strides = array<i32>} : memref<16x256xf32, #tpu.memory_space<vmem>>, vector<16xf32>,
      %parallel_loop3A_243 = arith.mulf %parallel_loop3A_239, %parallel_loop3A_242 : vector<16xf32>
      %parallel_loop3A_244 = arith.index_cast %parallel_loop3A_201 : i32 to index
      %parallel_loop3A_245 = arith.constant 96 : index
      %parallel_loop3A_246 = tpu.vector_load %arg14[%parallel_loop3A_244, %parallel_loop3A_245] {strides = array<i32>} : memref<16x128xf32, #tpu.memory_space<vmem>>, vector<16xf32>,
      %parallel_loop3A_247 = arith.index_cast %parallel_loop3A_201 : i32 to index
      %parallel_loop3A_248 = arith.constant 96 : index
      %parallel_loop3A_249 = tpu.vector_load %arg13[%parallel_loop3A_247, %parallel_loop3A_248] {strides = array<i32>} : memref<16x256xf32, #tpu.memory_space<vmem>>, vector<16xf32>,
      %parallel_loop3A_250 = arith.mulf %parallel_loop3A_246, %parallel_loop3A_249 : vector<16xf32>
      %parallel_loop3A_251 = arith.index_cast %parallel_loop3A_201 : i32 to index
      %parallel_loop3A_252 = arith.constant 112 : index
      %parallel_loop3A_253 = tpu.vector_load %arg14[%parallel_loop3A_251, %parallel_loop3A_252] {strides = array<i32>} : memref<16x128xf32, #tpu.memory_space<vmem>>, vector<16xf32>,
      %parallel_loop3A_254 = arith.index_cast %parallel_loop3A_201 : i32 to index
      %parallel_loop3A_255 = arith.constant 112 : index
      %parallel_loop3A_256 = tpu.vector_load %arg13[%parallel_loop3A_254, %parallel_loop3A_255] {strides = array<i32>} : memref<16x256xf32, #tpu.memory_space<vmem>>, vector<16xf32>,
      %parallel_loop3A_257 = arith.mulf %parallel_loop3A_253, %parallel_loop3A_256 : vector<16xf32>
      %parallel_loop3A_258 = arith.select %eq3A_57, %parallel_loop3A_208, %parallel_loop3A_215 : vector<16xi1>, vector<16xf32>
      %parallel_loop3A_259 = arith.select %eq3A_57, %parallel_loop3A_215, %parallel_loop3A_208 : vector<16xi1>, vector<16xf32>
      %parallel_loop3A_260 = arith.constant 0 : i32
      %parallel_loop3A_261 = vector.broadcast %parallel_loop3A_260 : i32 to vector<16xi32>
      %parallel_loop3A_262 = arith.cmpi slt, %xor3A_23, %parallel_loop3A_261 : vector<16xi32>
      %parallel_loop3A_263 = arith.constant 16 : i32
      %parallel_loop3A_264 = vector.broadcast %parallel_loop3A_263 : i32 to vector<16xi32>
      %parallel_loop3A_265 = arith.addi %xor3A_23, %parallel_loop3A_264 : vector<16xi32>
      %parallel_loop3A_266 = arith.select %parallel_loop3A_262, %parallel_loop3A_265, %xor3A_23 : vector<16xi1>, vector<16xi32>
      %parallel_loop3A_267 = vector.shape_cast %parallel_loop3A_266 : vector<16xi32> to vector<16x1xi32>
      %parallel_loop3A_268 = vector.shape_cast %parallel_loop3A_267 : vector<16x1xi32> to vector<16xi32>
      %parallel_loop3A_269 = tpu.dynamic_gather %parallel_loop3A_259[%parallel_loop3A_268] in [0] : vector<16xf32>, vector<16xi32> -> vector<16xf32>
      %parallel_loop3A_270 = arith.addf %parallel_loop3A_258, %parallel_loop3A_269 : vector<16xf32>
      %parallel_loop3A_271 = arith.select %eq3A_57, %parallel_loop3A_222, %parallel_loop3A_229 : vector<16xi1>, vector<16xf32>
      %parallel_loop3A_272 = arith.select %eq3A_57, %parallel_loop3A_229, %parallel_loop3A_222 : vector<16xi1>, vector<16xf32>
      %parallel_loop3A_273 = arith.constant 0 : i32
      %parallel_loop3A_274 = vector.broadcast %parallel_loop3A_273 : i32 to vector<16xi32>
      %parallel_loop3A_275 = arith.cmpi slt, %xor3A_23, %parallel_loop3A_274 : vector<16xi32>
      %parallel_loop3A_276 = arith.constant 16 : i32
      %parallel_loop3A_277 = vector.broadcast %parallel_loop3A_276 : i32 to vector<16xi32>
      %parallel_loop3A_278 = arith.addi %xor3A_23, %parallel_loop3A_277 : vector<16xi32>
      %parallel_loop3A_279 = arith.select %parallel_loop3A_275, %parallel_loop3A_278, %xor3A_23 : vector<16xi1>, vector<16xi32>
      %parallel_loop3A_280 = vector.shape_cast %parallel_loop3A_279 : vector<16xi32> to vector<16x1xi32>
      %parallel_loop3A_281 = vector.shape_cast %parallel_loop3A_280 : vector<16x1xi32> to vector<16xi32>
      %parallel_loop3A_282 = tpu.dynamic_gather %parallel_loop3A_272[%parallel_loop3A_281] in [0] : vector<16xf32>, vector<16xi32> -> vector<16xf32>
      %parallel_loop3A_283 = arith.addf %parallel_loop3A_271, %parallel_loop3A_282 : vector<16xf32>
      %parallel_loop3A_284 = arith.select %eq3A_57, %parallel_loop3A_236, %parallel_loop3A_243 : vector<16xi1>, vector<16xf32>
      %parallel_loop3A_285 = arith.select %eq3A_57, %parallel_loop3A_243, %parallel_loop3A_236 : vector<16xi1>, vector<16xf32>
      %parallel_loop3A_286 = arith.constant 0 : i32
      %parallel_loop3A_287 = vector.broadcast %parallel_loop3A_286 : i32 to vector<16xi32>
      %parallel_loop3A_288 = arith.cmpi slt, %xor3A_23, %parallel_loop3A_287 : vector<16xi32>
      %parallel_loop3A_289 = arith.constant 16 : i32
      %parallel_loop3A_290 = vector.broadcast %parallel_loop3A_289 : i32 to vector<16xi32>
      %parallel_loop3A_291 = arith.addi %xor3A_23, %parallel_loop3A_290 : vector<16xi32>
      %parallel_loop3A_292 = arith.select %parallel_loop3A_288, %parallel_loop3A_291, %xor3A_23 : vector<16xi1>, vector<16xi32>
      %parallel_loop3A_293 = vector.shape_cast %parallel_loop3A_292 : vector<16xi32> to vector<16x1xi32>
      %parallel_loop3A_294 = vector.shape_cast %parallel_loop3A_293 : vector<16x1xi32> to vector<16xi32>
      %parallel_loop3A_295 = tpu.dynamic_gather %parallel_loop3A_285[%parallel_loop3A_294] in [0] : vector<16xf32>, vector<16xi32> -> vector<16xf32>
      %parallel_loop3A_296 = arith.addf %parallel_loop3A_284, %parallel_loop3A_295 : vector<16xf32>
      %parallel_loop3A_297 = arith.select %eq3A_57, %parallel_loop3A_250, %parallel_loop3A_257 : vector<16xi1>, vector<16xf32>
      %parallel_loop3A_298 = arith.select %eq3A_57, %parallel_loop3A_257, %parallel_loop3A_250 : vector<16xi1>, vector<16xf32>
      %parallel_loop3A_299 = arith.constant 0 : i32
      %parallel_loop3A_300 = vector.broadcast %parallel_loop3A_299 : i32 to vector<16xi32>
      %parallel_loop3A_301 = arith.cmpi slt, %xor3A_23, %parallel_loop3A_300 : vector<16xi32>
      %parallel_loop3A_302 = arith.constant 16 : i32
      %parallel_loop3A_303 = vector.broadcast %parallel_loop3A_302 : i32 to vector<16xi32>
      %parallel_loop3A_304 = arith.addi %xor3A_23, %parallel_loop3A_303 : vector<16xi32>
      %parallel_loop3A_305 = arith.select %parallel_loop3A_301, %parallel_loop3A_304, %xor3A_23 : vector<16xi1>, vector<16xi32>
      %parallel_loop3A_306 = vector.shape_cast %parallel_loop3A_305 : vector<16xi32> to vector<16x1xi32>
      %parallel_loop3A_307 = vector.shape_cast %parallel_loop3A_306 : vector<16x1xi32> to vector<16xi32>
      %parallel_loop3A_308 = tpu.dynamic_gather %parallel_loop3A_298[%parallel_loop3A_307] in [0] : vector<16xf32>, vector<16xi32> -> vector<16xf32>
      %parallel_loop3A_309 = arith.addf %parallel_loop3A_297, %parallel_loop3A_308 : vector<16xf32>
      %parallel_loop3A_310 = arith.select %eq3A_48, %parallel_loop3A_270, %parallel_loop3A_283 : vector<16xi1>, vector<16xf32>
      %parallel_loop3A_311 = arith.select %eq3A_48, %parallel_loop3A_283, %parallel_loop3A_270 : vector<16xi1>, vector<16xf32>
      %parallel_loop3A_312 = arith.constant 0 : i32
      %parallel_loop3A_313 = vector.broadcast %parallel_loop3A_312 : i32 to vector<16xi32>
      %parallel_loop3A_314 = arith.cmpi slt, %xor3A_20, %parallel_loop3A_313 : vector<16xi32>
      %parallel_loop3A_315 = arith.constant 16 : i32
      %parallel_loop3A_316 = vector.broadcast %parallel_loop3A_315 : i32 to vector<16xi32>
      %parallel_loop3A_317 = arith.addi %xor3A_20, %parallel_loop3A_316 : vector<16xi32>
      %parallel_loop3A_318 = arith.select %parallel_loop3A_314, %parallel_loop3A_317, %xor3A_20 : vector<16xi1>, vector<16xi32>
      %parallel_loop3A_319 = vector.shape_cast %parallel_loop3A_318 : vector<16xi32> to vector<16x1xi32>
      %parallel_loop3A_320 = vector.shape_cast %parallel_loop3A_319 : vector<16x1xi32> to vector<16xi32>
      %parallel_loop3A_321 = tpu.dynamic_gather %parallel_loop3A_311[%parallel_loop3A_320] in [0] : vector<16xf32>, vector<16xi32> -> vector<16xf32>
      %parallel_loop3A_322 = arith.addf %parallel_loop3A_310, %parallel_loop3A_321 : vector<16xf32>
      %parallel_loop3A_323 = arith.select %eq3A_48, %parallel_loop3A_296, %parallel_loop3A_309 : vector<16xi1>, vector<16xf32>
      %parallel_loop3A_324 = arith.select %eq3A_48, %parallel_loop3A_309, %parallel_loop3A_296 : vector<16xi1>, vector<16xf32>
      %parallel_loop3A_325 = arith.constant 0 : i32
      %parallel_loop3A_326 = vector.broadcast %parallel_loop3A_325 : i32 to vector<16xi32>
      %parallel_loop3A_327 = arith.cmpi slt, %xor3A_20, %parallel_loop3A_326 : vector<16xi32>
      %parallel_loop3A_328 = arith.constant 16 : i32
      %parallel_loop3A_329 = vector.broadcast %parallel_loop3A_328 : i32 to vector<16xi32>
      %parallel_loop3A_330 = arith.addi %xor3A_20, %parallel_loop3A_329 : vector<16xi32>
      %parallel_loop3A_331 = arith.select %parallel_loop3A_327, %parallel_loop3A_330, %xor3A_20 : vector<16xi1>, vector<16xi32>
      %parallel_loop3A_332 = vector.shape_cast %parallel_loop3A_331 : vector<16xi32> to vector<16x1xi32>
      %parallel_loop3A_333 = vector.shape_cast %parallel_loop3A_332 : vector<16x1xi32> to vector<16xi32>
      %parallel_loop3A_334 = tpu.dynamic_gather %parallel_loop3A_324[%parallel_loop3A_333] in [0] : vector<16xf32>, vector<16xi32> -> vector<16xf32>
      %parallel_loop3A_335 = arith.addf %parallel_loop3A_323, %parallel_loop3A_334 : vector<16xf32>
      %parallel_loop3A_336 = arith.select %eq3A_39, %parallel_loop3A_322, %parallel_loop3A_335 : vector<16xi1>, vector<16xf32>
      %parallel_loop3A_337 = arith.select %eq3A_39, %parallel_loop3A_335, %parallel_loop3A_322 : vector<16xi1>, vector<16xf32>
      %parallel_loop3A_338 = arith.constant 0 : i32
      %parallel_loop3A_339 = vector.broadcast %parallel_loop3A_338 : i32 to vector<16xi32>
      %parallel_loop3A_340 = arith.cmpi slt, %xor3A_17, %parallel_loop3A_339 : vector<16xi32>
      %parallel_loop3A_341 = arith.constant 16 : i32
      %parallel_loop3A_342 = vector.broadcast %parallel_loop3A_341 : i32 to vector<16xi32>
      %parallel_loop3A_343 = arith.addi %xor3A_17, %parallel_loop3A_342 : vector<16xi32>
      %parallel_loop3A_344 = arith.select %parallel_loop3A_340, %parallel_loop3A_343, %xor3A_17 : vector<16xi1>, vector<16xi32>
      %parallel_loop3A_345 = vector.shape_cast %parallel_loop3A_344 : vector<16xi32> to vector<16x1xi32>
      %parallel_loop3A_346 = vector.shape_cast %parallel_loop3A_345 : vector<16x1xi32> to vector<16xi32>
      %parallel_loop3A_347 = tpu.dynamic_gather %parallel_loop3A_337[%parallel_loop3A_346] in [0] : vector<16xf32>, vector<16xi32> -> vector<16xf32>
      %parallel_loop3A_348 = arith.addf %parallel_loop3A_336, %parallel_loop3A_347 : vector<16xf32>
      %parallel_loop3A_349 = arith.constant 0 : i32
      %parallel_loop3A_350 = vector.broadcast %parallel_loop3A_349 : i32 to vector<16xi32>
      %parallel_loop3A_351 = arith.cmpi slt, %xor3A_14, %parallel_loop3A_350 : vector<16xi32>
      %parallel_loop3A_352 = arith.constant 16 : i32
      %parallel_loop3A_353 = vector.broadcast %parallel_loop3A_352 : i32 to vector<16xi32>
      %parallel_loop3A_354 = arith.addi %xor3A_14, %parallel_loop3A_353 : vector<16xi32>
      %parallel_loop3A_355 = arith.select %parallel_loop3A_351, %parallel_loop3A_354, %xor3A_14 : vector<16xi1>, vector<16xi32>
      %parallel_loop3A_356 = vector.shape_cast %parallel_loop3A_355 : vector<16xi32> to vector<16x1xi32>
      %parallel_loop3A_357 = vector.shape_cast %parallel_loop3A_356 : vector<16x1xi32> to vector<16xi32>
      %parallel_loop3A_358 = tpu.dynamic_gather %parallel_loop3A_348[%parallel_loop3A_357] in [0] : vector<16xf32>, vector<16xi32> -> vector<16xf32>
      %parallel_loop3A_359 = arith.addf %parallel_loop3A_348, %parallel_loop3A_358 : vector<16xf32>
      %parallel_loop3A_360 = math.exp %parallel_loop3A_359 : vector<16xf32>
      %parallel_loop3A_361 = arith.constant 0 : i32
      %parallel_loop3A_362 = vector.broadcast %parallel_loop3A_361 : i32 to vector<16xi32>
      %parallel_loop3A_363 = arith.cmpi slt, %broadcast_in_dim3A_58, %parallel_loop3A_362 : vector<16xi32>
      %parallel_loop3A_364 = arith.constant 16 : i32
      %parallel_loop3A_365 = vector.broadcast %parallel_loop3A_364 : i32 to vector<16xi32>
      %parallel_loop3A_366 = arith.addi %broadcast_in_dim3A_58, %parallel_loop3A_365 : vector<16xi32>
      %parallel_loop3A_367 = arith.select %parallel_loop3A_363, %parallel_loop3A_366, %broadcast_in_dim3A_58 : vector<16xi1>, vector<16xi32>
      %parallel_loop3A_368 = vector.shape_cast %parallel_loop3A_367 : vector<16xi32> to vector<16x1xi32>
      %parallel_loop3A_369 = vector.shape_cast %parallel_loop3A_368 : vector<16x1xi32> to vector<16xi32>
      %parallel_loop3A_370 = tpu.dynamic_gather %parallel_loop3A_360[%parallel_loop3A_369] in [0] : vector<16xf32>, vector<16xi32> -> vector<16xf32>
      %parallel_loop3A_371 = arith.index_cast %parallel_loop3A_201 : i32 to index
      %parallel_loop3A_372 = arith.constant 128 : index
      %parallel_loop3A_373 = tpu.vector_load %arg13[%parallel_loop3A_371, %parallel_loop3A_372] {strides = array<i32>} : memref<16x256xf32, #tpu.memory_space<vmem>>, vector<16xf32>,
      %parallel_loop3A_374 = arith.mulf %parallel_loop3A_373, %parallel_loop3A_370 : vector<16xf32>
      %parallel_loop3A_375 = arith.index_cast %parallel_loop3A_201 : i32 to index
      %parallel_loop3A_376 = arith.constant 0 : index
      %parallel_loop3A_377 = tpu.vector_load %arg15[%parallel_loop3A_375, %parallel_loop3A_376] {strides = array<i32>} : memref<16x128xf32, #tpu.memory_space<vmem>>, vector<16xf32>,
      tpu.vector_store %arg15[%parallel_loop3A_375, %parallel_loop3A_376], %parallel_loop3A_374 {strides = array<i32>} : memref<16x128xf32, #tpu.memory_space<vmem>>, vector<16xf32>,
      %parallel_loop3A_378 = arith.constant 0 : i32
      %parallel_loop3A_379 = vector.broadcast %parallel_loop3A_378 : i32 to vector<16xi32>
      %parallel_loop3A_380 = arith.cmpi slt, %broadcast_in_dim3A_60, %parallel_loop3A_379 : vector<16xi32>
      %parallel_loop3A_381 = arith.constant 16 : i32
      %parallel_loop3A_382 = vector.broadcast %parallel_loop3A_381 : i32 to vector<16xi32>
      %parallel_loop3A_383 = arith.addi %broadcast_in_dim3A_60, %parallel_loop3A_382 : vector<16xi32>
      %parallel_loop3A_384 = arith.select %parallel_loop3A_380, %parallel_loop3A_383, %broadcast_in_dim3A_60 : vector<16xi1>, vector<16xi32>
      %parallel_loop3A_385 = vector.shape_cast %parallel_loop3A_384 : vector<16xi32> to vector<16x1xi32>
      %parallel_loop3A_386 = vector.shape_cast %parallel_loop3A_385 : vector<16x1xi32> to vector<16xi32>
      %parallel_loop3A_387 = tpu.dynamic_gather %parallel_loop3A_360[%parallel_loop3A_386] in [0] : vector<16xf32>, vector<16xi32> -> vector<16xf32>
      %parallel_loop3A_388 = arith.index_cast %parallel_loop3A_201 : i32 to index
      %parallel_loop3A_389 = arith.constant 144 : index
      %parallel_loop3A_390 = tpu.vector_load %arg13[%parallel_loop3A_388, %parallel_loop3A_389] {strides = array<i32>} : memref<16x256xf32, #tpu.memory_space<vmem>>, vector<16xf32>,
      %parallel_loop3A_391 = arith.mulf %parallel_loop3A_390, %parallel_loop3A_387 : vector<16xf32>
      %parallel_loop3A_392 = arith.index_cast %parallel_loop3A_201 : i32 to index
      %parallel_loop3A_393 = arith.constant 16 : index
      %parallel_loop3A_394 = tpu.vector_load %arg15[%parallel_loop3A_392, %parallel_loop3A_393] {strides = array<i32>} : memref<16x128xf32, #tpu.memory_space<vmem>>, vector<16xf32>,
      tpu.vector_store %arg15[%parallel_loop3A_392, %parallel_loop3A_393], %parallel_loop3A_391 {strides = array<i32>} : memref<16x128xf32, #tpu.memory_space<vmem>>, vector<16xf32>,
      %parallel_loop3A_395 = arith.constant 0 : i32
      %parallel_loop3A_396 = vector.broadcast %parallel_loop3A_395 : i32 to vector<16xi32>
      %parallel_loop3A_397 = arith.cmpi slt, %broadcast_in_dim3A_62, %parallel_loop3A_396 : vector<16xi32>
      %parallel_loop3A_398 = arith.constant 16 : i32
      %parallel_loop3A_399 = vector.broadcast %parallel_loop3A_398 : i32 to vector<16xi32>
      %parallel_loop3A_400 = arith.addi %broadcast_in_dim3A_62, %parallel_loop3A_399 : vector<16xi32>
      %parallel_loop3A_401 = arith.select %parallel_loop3A_397, %parallel_loop3A_400, %broadcast_in_dim3A_62 : vector<16xi1>, vector<16xi32>
      %parallel_loop3A_402 = vector.shape_cast %parallel_loop3A_401 : vector<16xi32> to vector<16x1xi32>
      %parallel_loop3A_403 = vector.shape_cast %parallel_loop3A_402 : vector<16x1xi32> to vector<16xi32>
      %parallel_loop3A_404 = tpu.dynamic_gather %parallel_loop3A_360[%parallel_loop3A_403] in [0] : vector<16xf32>, vector<16xi32> -> vector<16xf32>
      %parallel_loop3A_405 = arith.index_cast %parallel_loop3A_201 : i32 to index
      %parallel_loop3A_406 = arith.constant 160 : index
      %parallel_loop3A_407 = tpu.vector_load %arg13[%parallel_loop3A_405, %parallel_loop3A_406] {strides = array<i32>} : memref<16x256xf32, #tpu.memory_space<vmem>>, vector<16xf32>,
      %parallel_loop3A_408 = arith.mulf %parallel_loop3A_407, %parallel_loop3A_404 : vector<16xf32>
      %parallel_loop3A_409 = arith.index_cast %parallel_loop3A_201 : i32 to index
      %parallel_loop3A_410 = arith.constant 32 : index
      %parallel_loop3A_411 = tpu.vector_load %arg15[%parallel_loop3A_409, %parallel_loop3A_410] {strides = array<i32>} : memref<16x128xf32, #tpu.memory_space<vmem>>, vector<16xf32>,
      tpu.vector_store %arg15[%parallel_loop3A_409, %parallel_loop3A_410], %parallel_loop3A_408 {strides = array<i32>} : memref<16x128xf32, #tpu.memory_space<vmem>>, vector<16xf32>,
      %parallel_loop3A_412 = arith.constant 0 : i32
      %parallel_loop3A_413 = vector.broadcast %parallel_loop3A_412 : i32 to vector<16xi32>
      %parallel_loop3A_414 = arith.cmpi slt, %broadcast_in_dim3A_64, %parallel_loop3A_413 : vector<16xi32>
      %parallel_loop3A_415 = arith.constant 16 : i32
      %parallel_loop3A_416 = vector.broadcast %parallel_loop3A_415 : i32 to vector<16xi32>
      %parallel_loop3A_417 = arith.addi %broadcast_in_dim3A_64, %parallel_loop3A_416 : vector<16xi32>
      %parallel_loop3A_418 = arith.select %parallel_loop3A_414, %parallel_loop3A_417, %broadcast_in_dim3A_64 : vector<16xi1>, vector<16xi32>
      %parallel_loop3A_419 = vector.shape_cast %parallel_loop3A_418 : vector<16xi32> to vector<16x1xi32>
      %parallel_loop3A_420 = vector.shape_cast %parallel_loop3A_419 : vector<16x1xi32> to vector<16xi32>
      %parallel_loop3A_421 = tpu.dynamic_gather %parallel_loop3A_360[%parallel_loop3A_420] in [0] : vector<16xf32>, vector<16xi32> -> vector<16xf32>
      %parallel_loop3A_422 = arith.index_cast %parallel_loop3A_201 : i32 to index
      %parallel_loop3A_423 = arith.constant 176 : index
      %parallel_loop3A_424 = tpu.vector_load %arg13[%parallel_loop3A_422, %parallel_loop3A_423] {strides = array<i32>} : memref<16x256xf32, #tpu.memory_space<vmem>>, vector<16xf32>,
      %parallel_loop3A_425 = arith.mulf %parallel_loop3A_424, %parallel_loop3A_421 : vector<16xf32>
      %parallel_loop3A_426 = arith.index_cast %parallel_loop3A_201 : i32 to index
      %parallel_loop3A_427 = arith.constant 48 : index
      %parallel_loop3A_428 = tpu.vector_load %arg15[%parallel_loop3A_426, %parallel_loop3A_427] {strides = array<i32>} : memref<16x128xf32, #tpu.memory_space<vmem>>, vector<16xf32>,
      tpu.vector_store %arg15[%parallel_loop3A_426, %parallel_loop3A_427], %parallel_loop3A_425 {strides = array<i32>} : memref<16x128xf32, #tpu.memory_space<vmem>>, vector<16xf32>,
      %parallel_loop3A_429 = arith.constant 0 : i32
      %parallel_loop3A_430 = vector.broadcast %parallel_loop3A_429 : i32 to vector<16xi32>
      %parallel_loop3A_431 = arith.cmpi slt, %broadcast_in_dim3A_66, %parallel_loop3A_430 : vector<16xi32>
      %parallel_loop3A_432 = arith.constant 16 : i32
      %parallel_loop3A_433 = vector.broadcast %parallel_loop3A_432 : i32 to vector<16xi32>
      %parallel_loop3A_434 = arith.addi %broadcast_in_dim3A_66, %parallel_loop3A_433 : vector<16xi32>
      %parallel_loop3A_435 = arith.select %parallel_loop3A_431, %parallel_loop3A_434, %broadcast_in_dim3A_66 : vector<16xi1>, vector<16xi32>
      %parallel_loop3A_436 = vector.shape_cast %parallel_loop3A_435 : vector<16xi32> to vector<16x1xi32>
      %parallel_loop3A_437 = vector.shape_cast %parallel_loop3A_436 : vector<16x1xi32> to vector<16xi32>
      %parallel_loop3A_438 = tpu.dynamic_gather %parallel_loop3A_360[%parallel_loop3A_437] in [0] : vector<16xf32>, vector<16xi32> -> vector<16xf32>
      %parallel_loop3A_439 = arith.index_cast %parallel_loop3A_201 : i32 to index
      %parallel_loop3A_440 = arith.constant 192 : index
      %parallel_loop3A_441 = tpu.vector_load %arg13[%parallel_loop3A_439, %parallel_loop3A_440] {strides = array<i32>} : memref<16x256xf32, #tpu.memory_space<vmem>>, vector<16xf32>,
      %parallel_loop3A_442 = arith.mulf %parallel_loop3A_441, %parallel_loop3A_438 : vector<16xf32>
      %parallel_loop3A_443 = arith.index_cast %parallel_loop3A_201 : i32 to index
      %parallel_loop3A_444 = arith.constant 64 : index
      %parallel_loop3A_445 = tpu.vector_load %arg15[%parallel_loop3A_443, %parallel_loop3A_444] {strides = array<i32>} : memref<16x128xf32, #tpu.memory_space<vmem>>, vector<16xf32>,
      tpu.vector_store %arg15[%parallel_loop3A_443, %parallel_loop3A_444], %parallel_loop3A_442 {strides = array<i32>} : memref<16x128xf32, #tpu.memory_space<vmem>>, vector<16xf32>,
      %parallel_loop3A_446 = arith.constant 0 : i32
      %parallel_loop3A_447 = vector.broadcast %parallel_loop3A_446 : i32 to vector<16xi32>
      %parallel_loop3A_448 = arith.cmpi slt, %broadcast_in_dim3A_68, %parallel_loop3A_447 : vector<16xi32>
      %parallel_loop3A_449 = arith.constant 16 : i32
      %parallel_loop3A_450 = vector.broadcast %parallel_loop3A_449 : i32 to vector<16xi32>
      %parallel_loop3A_451 = arith.addi %broadcast_in_dim3A_68, %parallel_loop3A_450 : vector<16xi32>
      %parallel_loop3A_452 = arith.select %parallel_loop3A_448, %parallel_loop3A_451, %broadcast_in_dim3A_68 : vector<16xi1>, vector<16xi32>
      %parallel_loop3A_453 = vector.shape_cast %parallel_loop3A_452 : vector<16xi32> to vector<16x1xi32>
      %parallel_loop3A_454 = vector.shape_cast %parallel_loop3A_453 : vector<16x1xi32> to vector<16xi32>
      %parallel_loop3A_455 = tpu.dynamic_gather %parallel_loop3A_360[%parallel_loop3A_454] in [0] : vector<16xf32>, vector<16xi32> -> vector<16xf32>
      %parallel_loop3A_456 = arith.index_cast %parallel_loop3A_201 : i32 to index
      %parallel_loop3A_457 = arith.constant 208 : index
      %parallel_loop3A_458 = tpu.vector_load %arg13[%parallel_loop3A_456, %parallel_loop3A_457] {strides = array<i32>} : memref<16x256xf32, #tpu.memory_space<vmem>>, vector<16xf32>,
      %parallel_loop3A_459 = arith.mulf %parallel_loop3A_458, %parallel_loop3A_455 : vector<16xf32>
      %parallel_loop3A_460 = arith.index_cast %parallel_loop3A_201 : i32 to index
      %parallel_loop3A_461 = arith.constant 80 : index
      %parallel_loop3A_462 = tpu.vector_load %arg15[%parallel_loop3A_460, %parallel_loop3A_461] {strides = array<i32>} : memref<16x128xf32, #tpu.memory_space<vmem>>, vector<16xf32>,
      tpu.vector_store %arg15[%parallel_loop3A_460, %parallel_loop3A_461], %parallel_loop3A_459 {strides = array<i32>} : memref<16x128xf32, #tpu.memory_space<vmem>>, vector<16xf32>,
      %parallel_loop3A_463 = arith.constant 0 : i32
      %parallel_loop3A_464 = vector.broadcast %parallel_loop3A_463 : i32 to vector<16xi32>
      %parallel_loop3A_465 = arith.cmpi slt, %broadcast_in_dim3A_70, %parallel_loop3A_464 : vector<16xi32>
      %parallel_loop3A_466 = arith.constant 16 : i32
      %parallel_loop3A_467 = vector.broadcast %parallel_loop3A_466 : i32 to vector<16xi32>
      %parallel_loop3A_468 = arith.addi %broadcast_in_dim3A_70, %parallel_loop3A_467 : vector<16xi32>
      %parallel_loop3A_469 = arith.select %parallel_loop3A_465, %parallel_loop3A_468, %broadcast_in_dim3A_70 : vector<16xi1>, vector<16xi32>
      %parallel_loop3A_470 = vector.shape_cast %parallel_loop3A_469 : vector<16xi32> to vector<16x1xi32>
      %parallel_loop3A_471 = vector.shape_cast %parallel_loop3A_470 : vector<16x1xi32> to vector<16xi32>
      %parallel_loop3A_472 = tpu.dynamic_gather %parallel_loop3A_360[%parallel_loop3A_471] in [0] : vector<16xf32>, vector<16xi32> -> vector<16xf32>
      %parallel_loop3A_473 = arith.index_cast %parallel_loop3A_201 : i32 to index
      %parallel_loop3A_474 = arith.constant 224 : index
      %parallel_loop3A_475 = tpu.vector_load %arg13[%parallel_loop3A_473, %parallel_loop3A_474] {strides = array<i32>} : memref<16x256xf32, #tpu.memory_space<vmem>>, vector<16xf32>,
      %parallel_loop3A_476 = arith.mulf %parallel_loop3A_475, %parallel_loop3A_472 : vector<16xf32>
      %parallel_loop3A_477 = arith.index_cast %parallel_loop3A_201 : i32 to index
      %parallel_loop3A_478 = arith.constant 96 : index
      %parallel_loop3A_479 = tpu.vector_load %arg15[%parallel_loop3A_477, %parallel_loop3A_478] {strides = array<i32>} : memref<16x128xf32, #tpu.memory_space<vmem>>, vector<16xf32>,
      tpu.vector_store %arg15[%parallel_loop3A_477, %parallel_loop3A_478], %parallel_loop3A_476 {strides = array<i32>} : memref<16x128xf32, #tpu.memory_space<vmem>>, vector<16xf32>,
      %parallel_loop3A_480 = arith.constant 0 : i32
      %parallel_loop3A_481 = vector.broadcast %parallel_loop3A_480 : i32 to vector<16xi32>
      %parallel_loop3A_482 = arith.cmpi slt, %broadcast_in_dim3A_72, %parallel_loop3A_481 : vector<16xi32>
      %parallel_loop3A_483 = arith.constant 16 : i32
      %parallel_loop3A_484 = vector.broadcast %parallel_loop3A_483 : i32 to vector<16xi32>
      %parallel_loop3A_485 = arith.addi %broadcast_in_dim3A_72, %parallel_loop3A_484 : vector<16xi32>
      %parallel_loop3A_486 = arith.select %parallel_loop3A_482, %parallel_loop3A_485, %broadcast_in_dim3A_72 : vector<16xi1>, vector<16xi32>
      %parallel_loop3A_487 = vector.shape_cast %parallel_loop3A_486 : vector<16xi32> to vector<16x1xi32>
      %parallel_loop3A_488 = vector.shape_cast %parallel_loop3A_487 : vector<16x1xi32> to vector<16xi32>
      %parallel_loop3A_489 = tpu.dynamic_gather %parallel_loop3A_360[%parallel_loop3A_488] in [0] : vector<16xf32>, vector<16xi32> -> vector<16xf32>
      %parallel_loop3A_490 = arith.index_cast %parallel_loop3A_201 : i32 to index
      %parallel_loop3A_491 = arith.constant 240 : index
      %parallel_loop3A_492 = tpu.vector_load %arg13[%parallel_loop3A_490, %parallel_loop3A_491] {strides = array<i32>} : memref<16x256xf32, #tpu.memory_space<vmem>>, vector<16xf32>,
      %parallel_loop3A_493 = arith.mulf %parallel_loop3A_492, %parallel_loop3A_489 : vector<16xf32>
      %parallel_loop3A_494 = arith.index_cast %parallel_loop3A_201 : i32 to index
      %parallel_loop3A_495 = arith.constant 112 : index
      %parallel_loop3A_496 = tpu.vector_load %arg15[%parallel_loop3A_494, %parallel_loop3A_495] {strides = array<i32>} : memref<16x128xf32, #tpu.memory_space<vmem>>, vector<16xf32>,
      tpu.vector_store %arg15[%parallel_loop3A_494, %parallel_loop3A_495], %parallel_loop3A_493 {strides = array<i32>} : memref<16x128xf32, #tpu.memory_space<vmem>>, vector<16xf32>,
      %parallel_loop3A_497 = arith.constant 2 : i32
      %parallel_loop3A_498 = arith.muli %parallel_loop3A_197, %parallel_loop3A_497 : i32
      %parallel_loop3A_499 = arith.constant 1 : i32
      %parallel_loop3A_500 = arith.addi %parallel_loop3A_498, %parallel_loop3A_499 : i32
      %parallel_loop3A_501 = arith.index_cast %parallel_loop3A_500 : i32 to index
      %parallel_loop3A_502 = arith.constant 0 : index
      %parallel_loop3A_503 = tpu.vector_load %arg14[%parallel_loop3A_501, %parallel_loop3A_502] {strides = array<i32>} : memref<16x128xf32, #tpu.memory_space<vmem>>, vector<16xf32>,
      %parallel_loop3A_504 = arith.index_cast %parallel_loop3A_500 : i32 to index
      %parallel_loop3A_505 = arith.constant 0 : index
      %parallel_loop3A_506 = tpu.vector_load %arg13[%parallel_loop3A_504, %parallel_loop3A_505] {strides = array<i32>} : memref<16x256xf32, #tpu.memory_space<vmem>>, vector<16xf32>,
      %parallel_loop3A_507 = arith.mulf %parallel_loop3A_503, %parallel_loop3A_506 : vector<16xf32>
      %parallel_loop3A_508 = arith.index_cast %parallel_loop3A_500 : i32 to index
      %parallel_loop3A_509 = arith.constant 16 : index
      %parallel_loop3A_510 = tpu.vector_load %arg14[%parallel_loop3A_508, %parallel_loop3A_509] {strides = array<i32>} : memref<16x128xf32, #tpu.memory_space<vmem>>, vector<16xf32>,
      %parallel_loop3A_511 = arith.index_cast %parallel_loop3A_500 : i32 to index
      %parallel_loop3A_512 = arith.constant 16 : index
      %parallel_loop3A_513 = tpu.vector_load %arg13[%parallel_loop3A_511, %parallel_loop3A_512] {strides = array<i32>} : memref<16x256xf32, #tpu.memory_space<vmem>>, vector<16xf32>,
      %parallel_loop3A_514 = arith.mulf %parallel_loop3A_510, %parallel_loop3A_513 : vector<16xf32>
      %parallel_loop3A_515 = arith.index_cast %parallel_loop3A_500 : i32 to index
      %parallel_loop3A_516 = arith.constant 32 : index
      %parallel_loop3A_517 = tpu.vector_load %arg14[%parallel_loop3A_515, %parallel_loop3A_516] {strides = array<i32>} : memref<16x128xf32, #tpu.memory_space<vmem>>, vector<16xf32>,
      %parallel_loop3A_518 = arith.index_cast %parallel_loop3A_500 : i32 to index
      %parallel_loop3A_519 = arith.constant 32 : index
      %parallel_loop3A_520 = tpu.vector_load %arg13[%parallel_loop3A_518, %parallel_loop3A_519] {strides = array<i32>} : memref<16x256xf32, #tpu.memory_space<vmem>>, vector<16xf32>,
      %parallel_loop3A_521 = arith.mulf %parallel_loop3A_517, %parallel_loop3A_520 : vector<16xf32>
      %parallel_loop3A_522 = arith.index_cast %parallel_loop3A_500 : i32 to index
      %parallel_loop3A_523 = arith.constant 48 : index
      %parallel_loop3A_524 = tpu.vector_load %arg14[%parallel_loop3A_522, %parallel_loop3A_523] {strides = array<i32>} : memref<16x128xf32, #tpu.memory_space<vmem>>, vector<16xf32>,
      %parallel_loop3A_525 = arith.index_cast %parallel_loop3A_500 : i32 to index
      %parallel_loop3A_526 = arith.constant 48 : index
      %parallel_loop3A_527 = tpu.vector_load %arg13[%parallel_loop3A_525, %parallel_loop3A_526] {strides = array<i32>} : memref<16x256xf32, #tpu.memory_space<vmem>>, vector<16xf32>,
      %parallel_loop3A_528 = arith.mulf %parallel_loop3A_524, %parallel_loop3A_527 : vector<16xf32>
      %parallel_loop3A_529 = arith.index_cast %parallel_loop3A_500 : i32 to index
      %parallel_loop3A_530 = arith.constant 64 : index
      %parallel_loop3A_531 = tpu.vector_load %arg14[%parallel_loop3A_529, %parallel_loop3A_530] {strides = array<i32>} : memref<16x128xf32, #tpu.memory_space<vmem>>, vector<16xf32>,
      %parallel_loop3A_532 = arith.index_cast %parallel_loop3A_500 : i32 to index
      %parallel_loop3A_533 = arith.constant 64 : index
      %parallel_loop3A_534 = tpu.vector_load %arg13[%parallel_loop3A_532, %parallel_loop3A_533] {strides = array<i32>} : memref<16x256xf32, #tpu.memory_space<vmem>>, vector<16xf32>,
      %parallel_loop3A_535 = arith.mulf %parallel_loop3A_531, %parallel_loop3A_534 : vector<16xf32>
      %parallel_loop3A_536 = arith.index_cast %parallel_loop3A_500 : i32 to index
      %parallel_loop3A_537 = arith.constant 80 : index
      %parallel_loop3A_538 = tpu.vector_load %arg14[%parallel_loop3A_536, %parallel_loop3A_537] {strides = array<i32>} : memref<16x128xf32, #tpu.memory_space<vmem>>, vector<16xf32>,
      %parallel_loop3A_539 = arith.index_cast %parallel_loop3A_500 : i32 to index
      %parallel_loop3A_540 = arith.constant 80 : index
      %parallel_loop3A_541 = tpu.vector_load %arg13[%parallel_loop3A_539, %parallel_loop3A_540] {strides = array<i32>} : memref<16x256xf32, #tpu.memory_space<vmem>>, vector<16xf32>,
      %parallel_loop3A_542 = arith.mulf %parallel_loop3A_538, %parallel_loop3A_541 : vector<16xf32>
      %parallel_loop3A_543 = arith.index_cast %parallel_loop3A_500 : i32 to index
      %parallel_loop3A_544 = arith.constant 96 : index
      %parallel_loop3A_545 = tpu.vector_load %arg14[%parallel_loop3A_543, %parallel_loop3A_544] {strides = array<i32>} : memref<16x128xf32, #tpu.memory_space<vmem>>, vector<16xf32>,
      %parallel_loop3A_546 = arith.index_cast %parallel_loop3A_500 : i32 to index
      %parallel_loop3A_547 = arith.constant 96 : index
      %parallel_loop3A_548 = tpu.vector_load %arg13[%parallel_loop3A_546, %parallel_loop3A_547] {strides = array<i32>} : memref<16x256xf32, #tpu.memory_space<vmem>>, vector<16xf32>,
      %parallel_loop3A_549 = arith.mulf %parallel_loop3A_545, %parallel_loop3A_548 : vector<16xf32>
      %parallel_loop3A_550 = arith.index_cast %parallel_loop3A_500 : i32 to index
      %parallel_loop3A_551 = arith.constant 112 : index
      %parallel_loop3A_552 = tpu.vector_load %arg14[%parallel_loop3A_550, %parallel_loop3A_551] {strides = array<i32>} : memref<16x128xf32, #tpu.memory_space<vmem>>, vector<16xf32>,
      %parallel_loop3A_553 = arith.index_cast %parallel_loop3A_500 : i32 to index
      %parallel_loop3A_554 = arith.constant 112 : index
      %parallel_loop3A_555 = tpu.vector_load %arg13[%parallel_loop3A_553, %parallel_loop3A_554] {strides = array<i32>} : memref<16x256xf32, #tpu.memory_space<vmem>>, vector<16xf32>,
      %parallel_loop3A_556 = arith.mulf %parallel_loop3A_552, %parallel_loop3A_555 : vector<16xf32>
      %parallel_loop3A_557 = arith.select %eq3A_57, %parallel_loop3A_507, %parallel_loop3A_514 : vector<16xi1>, vector<16xf32>
      %parallel_loop3A_558 = arith.select %eq3A_57, %parallel_loop3A_514, %parallel_loop3A_507 : vector<16xi1>, vector<16xf32>
      %parallel_loop3A_559 = arith.constant 0 : i32
      %parallel_loop3A_560 = vector.broadcast %parallel_loop3A_559 : i32 to vector<16xi32>
      %parallel_loop3A_561 = arith.cmpi slt, %xor3A_23, %parallel_loop3A_560 : vector<16xi32>
      %parallel_loop3A_562 = arith.constant 16 : i32
      %parallel_loop3A_563 = vector.broadcast %parallel_loop3A_562 : i32 to vector<16xi32>
      %parallel_loop3A_564 = arith.addi %xor3A_23, %parallel_loop3A_563 : vector<16xi32>
      %parallel_loop3A_565 = arith.select %parallel_loop3A_561, %parallel_loop3A_564, %xor3A_23 : vector<16xi1>, vector<16xi32>
      %parallel_loop3A_566 = vector.shape_cast %parallel_loop3A_565 : vector<16xi32> to vector<16x1xi32>
      %parallel_loop3A_567 = vector.shape_cast %parallel_loop3A_566 : vector<16x1xi32> to vector<16xi32>
      %parallel_loop3A_568 = tpu.dynamic_gather %parallel_loop3A_558[%parallel_loop3A_567] in [0] : vector<16xf32>, vector<16xi32> -> vector<16xf32>
      %parallel_loop3A_569 = arith.addf %parallel_loop3A_557, %parallel_loop3A_568 : vector<16xf32>
      %parallel_loop3A_570 = arith.select %eq3A_57, %parallel_loop3A_521, %parallel_loop3A_528 : vector<16xi1>, vector<16xf32>
      %parallel_loop3A_571 = arith.select %eq3A_57, %parallel_loop3A_528, %parallel_loop3A_521 : vector<16xi1>, vector<16xf32>
      %parallel_loop3A_572 = arith.constant 0 : i32
      %parallel_loop3A_573 = vector.broadcast %parallel_loop3A_572 : i32 to vector<16xi32>
      %parallel_loop3A_574 = arith.cmpi slt, %xor3A_23, %parallel_loop3A_573 : vector<16xi32>
      %parallel_loop3A_575 = arith.constant 16 : i32
      %parallel_loop3A_576 = vector.broadcast %parallel_loop3A_575 : i32 to vector<16xi32>
      %parallel_loop3A_577 = arith.addi %xor3A_23, %parallel_loop3A_576 : vector<16xi32>
      %parallel_loop3A_578 = arith.select %parallel_loop3A_574, %parallel_loop3A_577, %xor3A_23 : vector<16xi1>, vector<16xi32>
      %parallel_loop3A_579 = vector.shape_cast %parallel_loop3A_578 : vector<16xi32> to vector<16x1xi32>
      %parallel_loop3A_580 = vector.shape_cast %parallel_loop3A_579 : vector<16x1xi32> to vector<16xi32>
      %parallel_loop3A_581 = tpu.dynamic_gather %parallel_loop3A_571[%parallel_loop3A_580] in [0] : vector<16xf32>, vector<16xi32> -> vector<16xf32>
      %parallel_loop3A_582 = arith.addf %parallel_loop3A_570, %parallel_loop3A_581 : vector<16xf32>
      %parallel_loop3A_583 = arith.select %eq3A_57, %parallel_loop3A_535, %parallel_loop3A_542 : vector<16xi1>, vector<16xf32>
      %parallel_loop3A_584 = arith.select %eq3A_57, %parallel_loop3A_542, %parallel_loop3A_535 : vector<16xi1>, vector<16xf32>
      %parallel_loop3A_585 = arith.constant 0 : i32
      %parallel_loop3A_586 = vector.broadcast %parallel_loop3A_585 : i32 to vector<16xi32>
      %parallel_loop3A_587 = arith.cmpi slt, %xor3A_23, %parallel_loop3A_586 : vector<16xi32>
      %parallel_loop3A_588 = arith.constant 16 : i32
      %parallel_loop3A_589 = vector.broadcast %parallel_loop3A_588 : i32 to vector<16xi32>
      %parallel_loop3A_590 = arith.addi %xor3A_23, %parallel_loop3A_589 : vector<16xi32>
      %parallel_loop3A_591 = arith.select %parallel_loop3A_587, %parallel_loop3A_590, %xor3A_23 : vector<16xi1>, vector<16xi32>
      %parallel_loop3A_592 = vector.shape_cast %parallel_loop3A_591 : vector<16xi32> to vector<16x1xi32>
      %parallel_loop3A_593 = vector.shape_cast %parallel_loop3A_592 : vector<16x1xi32> to vector<16xi32>
      %parallel_loop3A_594 = tpu.dynamic_gather %parallel_loop3A_584[%parallel_loop3A_593] in [0] : vector<16xf32>, vector<16xi32> -> vector<16xf32>
      %parallel_loop3A_595 = arith.addf %parallel_loop3A_583, %parallel_loop3A_594 : vector<16xf32>
      %parallel_loop3A_596 = arith.select %eq3A_57, %parallel_loop3A_549, %parallel_loop3A_556 : vector<16xi1>, vector<16xf32>
      %parallel_loop3A_597 = arith.select %eq3A_57, %parallel_loop3A_556, %parallel_loop3A_549 : vector<16xi1>, vector<16xf32>
      %parallel_loop3A_598 = arith.constant 0 : i32
      %parallel_loop3A_599 = vector.broadcast %parallel_loop3A_598 : i32 to vector<16xi32>
      %parallel_loop3A_600 = arith.cmpi slt, %xor3A_23, %parallel_loop3A_599 : vector<16xi32>
      %parallel_loop3A_601 = arith.constant 16 : i32
      %parallel_loop3A_602 = vector.broadcast %parallel_loop3A_601 : i32 to vector<16xi32>
      %parallel_loop3A_603 = arith.addi %xor3A_23, %parallel_loop3A_602 : vector<16xi32>
      %parallel_loop3A_604 = arith.select %parallel_loop3A_600, %parallel_loop3A_603, %xor3A_23 : vector<16xi1>, vector<16xi32>
      %parallel_loop3A_605 = vector.shape_cast %parallel_loop3A_604 : vector<16xi32> to vector<16x1xi32>
      %parallel_loop3A_606 = vector.shape_cast %parallel_loop3A_605 : vector<16x1xi32> to vector<16xi32>
      %parallel_loop3A_607 = tpu.dynamic_gather %parallel_loop3A_597[%parallel_loop3A_606] in [0] : vector<16xf32>, vector<16xi32> -> vector<16xf32>
      %parallel_loop3A_608 = arith.addf %parallel_loop3A_596, %parallel_loop3A_607 : vector<16xf32>
      %parallel_loop3A_609 = arith.select %eq3A_48, %parallel_loop3A_569, %parallel_loop3A_582 : vector<16xi1>, vector<16xf32>
      %parallel_loop3A_610 = arith.select %eq3A_48, %parallel_loop3A_582, %parallel_loop3A_569 : vector<16xi1>, vector<16xf32>
      %parallel_loop3A_611 = arith.constant 0 : i32
      %parallel_loop3A_612 = vector.broadcast %parallel_loop3A_611 : i32 to vector<16xi32>
      %parallel_loop3A_613 = arith.cmpi slt, %xor3A_20, %parallel_loop3A_612 : vector<16xi32>
      %parallel_loop3A_614 = arith.constant 16 : i32
      %parallel_loop3A_615 = vector.broadcast %parallel_loop3A_614 : i32 to vector<16xi32>
      %parallel_loop3A_616 = arith.addi %xor3A_20, %parallel_loop3A_615 : vector<16xi32>
      %parallel_loop3A_617 = arith.select %parallel_loop3A_613, %parallel_loop3A_616, %xor3A_20 : vector<16xi1>, vector<16xi32>
      %parallel_loop3A_618 = vector.shape_cast %parallel_loop3A_617 : vector<16xi32> to vector<16x1xi32>
      %parallel_loop3A_619 = vector.shape_cast %parallel_loop3A_618 : vector<16x1xi32> to vector<16xi32>
      %parallel_loop3A_620 = tpu.dynamic_gather %parallel_loop3A_610[%parallel_loop3A_619] in [0] : vector<16xf32>, vector<16xi32> -> vector<16xf32>
      %parallel_loop3A_621 = arith.addf %parallel_loop3A_609, %parallel_loop3A_620 : vector<16xf32>
      %parallel_loop3A_622 = arith.select %eq3A_48, %parallel_loop3A_595, %parallel_loop3A_608 : vector<16xi1>, vector<16xf32>
      %parallel_loop3A_623 = arith.select %eq3A_48, %parallel_loop3A_608, %parallel_loop3A_595 : vector<16xi1>, vector<16xf32>
      %parallel_loop3A_624 = arith.constant 0 : i32
      %parallel_loop3A_625 = vector.broadcast %parallel_loop3A_624 : i32 to vector<16xi32>
      %parallel_loop3A_626 = arith.cmpi slt, %xor3A_20, %parallel_loop3A_625 : vector<16xi32>
      %parallel_loop3A_627 = arith.constant 16 : i32
      %parallel_loop3A_628 = vector.broadcast %parallel_loop3A_627 : i32 to vector<16xi32>
      %parallel_loop3A_629 = arith.addi %xor3A_20, %parallel_loop3A_628 : vector<16xi32>
      %parallel_loop3A_630 = arith.select %parallel_loop3A_626, %parallel_loop3A_629, %xor3A_20 : vector<16xi1>, vector<16xi32>
      %parallel_loop3A_631 = vector.shape_cast %parallel_loop3A_630 : vector<16xi32> to vector<16x1xi32>
      %parallel_loop3A_632 = vector.shape_cast %parallel_loop3A_631 : vector<16x1xi32> to vector<16xi32>
      %parallel_loop3A_633 = tpu.dynamic_gather %parallel_loop3A_623[%parallel_loop3A_632] in [0] : vector<16xf32>, vector<16xi32> -> vector<16xf32>
      %parallel_loop3A_634 = arith.addf %parallel_loop3A_622, %parallel_loop3A_633 : vector<16xf32>
      %parallel_loop3A_635 = arith.select %eq3A_39, %parallel_loop3A_621, %parallel_loop3A_634 : vector<16xi1>, vector<16xf32>
      %parallel_loop3A_636 = arith.select %eq3A_39, %parallel_loop3A_634, %parallel_loop3A_621 : vector<16xi1>, vector<16xf32>
      %parallel_loop3A_637 = arith.constant 0 : i32
      %parallel_loop3A_638 = vector.broadcast %parallel_loop3A_637 : i32 to vector<16xi32>
      %parallel_loop3A_639 = arith.cmpi slt, %xor3A_17, %parallel_loop3A_638 : vector<16xi32>
      %parallel_loop3A_640 = arith.constant 16 : i32
      %parallel_loop3A_641 = vector.broadcast %parallel_loop3A_640 : i32 to vector<16xi32>
      %parallel_loop3A_642 = arith.addi %xor3A_17, %parallel_loop3A_641 : vector<16xi32>
      %parallel_loop3A_643 = arith.select %parallel_loop3A_639, %parallel_loop3A_642, %xor3A_17 : vector<16xi1>, vector<16xi32>
      %parallel_loop3A_644 = vector.shape_cast %parallel_loop3A_643 : vector<16xi32> to vector<16x1xi32>
      %parallel_loop3A_645 = vector.shape_cast %parallel_loop3A_644 : vector<16x1xi32> to vector<16xi32>
      %parallel_loop3A_646 = tpu.dynamic_gather %parallel_loop3A_636[%parallel_loop3A_645] in [0] : vector<16xf32>, vector<16xi32> -> vector<16xf32>
      %parallel_loop3A_647 = arith.addf %parallel_loop3A_635, %parallel_loop3A_646 : vector<16xf32>
      %parallel_loop3A_648 = arith.constant 0 : i32
      %parallel_loop3A_649 = vector.broadcast %parallel_loop3A_648 : i32 to vector<16xi32>
      %parallel_loop3A_650 = arith.cmpi slt, %xor3A_14, %parallel_loop3A_649 : vector<16xi32>
      %parallel_loop3A_651 = arith.constant 16 : i32
      %parallel_loop3A_652 = vector.broadcast %parallel_loop3A_651 : i32 to vector<16xi32>
      %parallel_loop3A_653 = arith.addi %xor3A_14, %parallel_loop3A_652 : vector<16xi32>
      %parallel_loop3A_654 = arith.select %parallel_loop3A_650, %parallel_loop3A_653, %xor3A_14 : vector<16xi1>, vector<16xi32>
      %parallel_loop3A_655 = vector.shape_cast %parallel_loop3A_654 : vector<16xi32> to vector<16x1xi32>
      %parallel_loop3A_656 = vector.shape_cast %parallel_loop3A_655 : vector<16x1xi32> to vector<16xi32>
      %parallel_loop3A_657 = tpu.dynamic_gather %parallel_loop3A_647[%parallel_loop3A_656] in [0] : vector<16xf32>, vector<16xi32> -> vector<16xf32>
      %parallel_loop3A_658 = arith.addf %parallel_loop3A_647, %parallel_loop3A_657 : vector<16xf32>
      %parallel_loop3A_659 = math.exp %parallel_loop3A_658 : vector<16xf32>
      %parallel_loop3A_660 = arith.constant 0 : i32
      %parallel_loop3A_661 = vector.broadcast %parallel_loop3A_660 : i32 to vector<16xi32>
      %parallel_loop3A_662 = arith.cmpi slt, %broadcast_in_dim3A_58, %parallel_loop3A_661 : vector<16xi32>
      %parallel_loop3A_663 = arith.constant 16 : i32
      %parallel_loop3A_664 = vector.broadcast %parallel_loop3A_663 : i32 to vector<16xi32>
      %parallel_loop3A_665 = arith.addi %broadcast_in_dim3A_58, %parallel_loop3A_664 : vector<16xi32>
      %parallel_loop3A_666 = arith.select %parallel_loop3A_662, %parallel_loop3A_665, %broadcast_in_dim3A_58 : vector<16xi1>, vector<16xi32>
      %parallel_loop3A_667 = vector.shape_cast %parallel_loop3A_666 : vector<16xi32> to vector<16x1xi32>
      %parallel_loop3A_668 = vector.shape_cast %parallel_loop3A_667 : vector<16x1xi32> to vector<16xi32>
      %parallel_loop3A_669 = tpu.dynamic_gather %parallel_loop3A_659[%parallel_loop3A_668] in [0] : vector<16xf32>, vector<16xi32> -> vector<16xf32>
      %parallel_loop3A_670 = arith.index_cast %parallel_loop3A_500 : i32 to index
      %parallel_loop3A_671 = arith.constant 128 : index
      %parallel_loop3A_672 = tpu.vector_load %arg13[%parallel_loop3A_670, %parallel_loop3A_671] {strides = array<i32>} : memref<16x256xf32, #tpu.memory_space<vmem>>, vector<16xf32>,
      %parallel_loop3A_673 = arith.mulf %parallel_loop3A_672, %parallel_loop3A_669 : vector<16xf32>
      %parallel_loop3A_674 = arith.index_cast %parallel_loop3A_500 : i32 to index
      %parallel_loop3A_675 = arith.constant 0 : index
      %parallel_loop3A_676 = tpu.vector_load %arg15[%parallel_loop3A_674, %parallel_loop3A_675] {strides = array<i32>} : memref<16x128xf32, #tpu.memory_space<vmem>>, vector<16xf32>,
      tpu.vector_store %arg15[%parallel_loop3A_674, %parallel_loop3A_675], %parallel_loop3A_673 {strides = array<i32>} : memref<16x128xf32, #tpu.memory_space<vmem>>, vector<16xf32>,
      %parallel_loop3A_677 = arith.constant 0 : i32
      %parallel_loop3A_678 = vector.broadcast %parallel_loop3A_677 : i32 to vector<16xi32>
      %parallel_loop3A_679 = arith.cmpi slt, %broadcast_in_dim3A_60, %parallel_loop3A_678 : vector<16xi32>
      %parallel_loop3A_680 = arith.constant 16 : i32
      %parallel_loop3A_681 = vector.broadcast %parallel_loop3A_680 : i32 to vector<16xi32>
      %parallel_loop3A_682 = arith.addi %broadcast_in_dim3A_60, %parallel_loop3A_681 : vector<16xi32>
      %parallel_loop3A_683 = arith.select %parallel_loop3A_679, %parallel_loop3A_682, %broadcast_in_dim3A_60 : vector<16xi1>, vector<16xi32>
      %parallel_loop3A_684 = vector.shape_cast %parallel_loop3A_683 : vector<16xi32> to vector<16x1xi32>
      %parallel_loop3A_685 = vector.shape_cast %parallel_loop3A_684 : vector<16x1xi32> to vector<16xi32>
      %parallel_loop3A_686 = tpu.dynamic_gather %parallel_loop3A_659[%parallel_loop3A_685] in [0] : vector<16xf32>, vector<16xi32> -> vector<16xf32>
      %parallel_loop3A_687 = arith.index_cast %parallel_loop3A_500 : i32 to index
      %parallel_loop3A_688 = arith.constant 144 : index
      %parallel_loop3A_689 = tpu.vector_load %arg13[%parallel_loop3A_687, %parallel_loop3A_688] {strides = array<i32>} : memref<16x256xf32, #tpu.memory_space<vmem>>, vector<16xf32>,
      %parallel_loop3A_690 = arith.mulf %parallel_loop3A_689, %parallel_loop3A_686 : vector<16xf32>
      %parallel_loop3A_691 = arith.index_cast %parallel_loop3A_500 : i32 to index
      %parallel_loop3A_692 = arith.constant 16 : index
      %parallel_loop3A_693 = tpu.vector_load %arg15[%parallel_loop3A_691, %parallel_loop3A_692] {strides = array<i32>} : memref<16x128xf32, #tpu.memory_space<vmem>>, vector<16xf32>,
      tpu.vector_store %arg15[%parallel_loop3A_691, %parallel_loop3A_692], %parallel_loop3A_690 {strides = array<i32>} : memref<16x128xf32, #tpu.memory_space<vmem>>, vector<16xf32>,
      %parallel_loop3A_694 = arith.constant 0 : i32
      %parallel_loop3A_695 = vector.broadcast %parallel_loop3A_694 : i32 to vector<16xi32>
      %parallel_loop3A_696 = arith.cmpi slt, %broadcast_in_dim3A_62, %parallel_loop3A_695 : vector<16xi32>
      %parallel_loop3A_697 = arith.constant 16 : i32
      %parallel_loop3A_698 = vector.broadcast %parallel_loop3A_697 : i32 to vector<16xi32>
      %parallel_loop3A_699 = arith.addi %broadcast_in_dim3A_62, %parallel_loop3A_698 : vector<16xi32>
      %parallel_loop3A_700 = arith.select %parallel_loop3A_696, %parallel_loop3A_699, %broadcast_in_dim3A_62 : vector<16xi1>, vector<16xi32>
      %parallel_loop3A_701 = vector.shape_cast %parallel_loop3A_700 : vector<16xi32> to vector<16x1xi32>
      %parallel_loop3A_702 = vector.shape_cast %parallel_loop3A_701 : vector<16x1xi32> to vector<16xi32>
      %parallel_loop3A_703 = tpu.dynamic_gather %parallel_loop3A_659[%parallel_loop3A_702] in [0] : vector<16xf32>, vector<16xi32> -> vector<16xf32>
      %parallel_loop3A_704 = arith.index_cast %parallel_loop3A_500 : i32 to index
      %parallel_loop3A_705 = arith.constant 160 : index
      %parallel_loop3A_706 = tpu.vector_load %arg13[%parallel_loop3A_704, %parallel_loop3A_705] {strides = array<i32>} : memref<16x256xf32, #tpu.memory_space<vmem>>, vector<16xf32>,
      %parallel_loop3A_707 = arith.mulf %parallel_loop3A_706, %parallel_loop3A_703 : vector<16xf32>
      %parallel_loop3A_708 = arith.index_cast %parallel_loop3A_500 : i32 to index
      %parallel_loop3A_709 = arith.constant 32 : index
      %parallel_loop3A_710 = tpu.vector_load %arg15[%parallel_loop3A_708, %parallel_loop3A_709] {strides = array<i32>} : memref<16x128xf32, #tpu.memory_space<vmem>>, vector<16xf32>,
      tpu.vector_store %arg15[%parallel_loop3A_708, %parallel_loop3A_709], %parallel_loop3A_707 {strides = array<i32>} : memref<16x128xf32, #tpu.memory_space<vmem>>, vector<16xf32>,
      %parallel_loop3A_711 = arith.constant 0 : i32
      %parallel_loop3A_712 = vector.broadcast %parallel_loop3A_711 : i32 to vector<16xi32>
      %parallel_loop3A_713 = arith.cmpi slt, %broadcast_in_dim3A_64, %parallel_loop3A_712 : vector<16xi32>
      %parallel_loop3A_714 = arith.constant 16 : i32
      %parallel_loop3A_715 = vector.broadcast %parallel_loop3A_714 : i32 to vector<16xi32>
      %parallel_loop3A_716 = arith.addi %broadcast_in_dim3A_64, %parallel_loop3A_715 : vector<16xi32>
      %parallel_loop3A_717 = arith.select %parallel_loop3A_713, %parallel_loop3A_716, %broadcast_in_dim3A_64 : vector<16xi1>, vector<16xi32>
      %parallel_loop3A_718 = vector.shape_cast %parallel_loop3A_717 : vector<16xi32> to vector<16x1xi32>
      %parallel_loop3A_719 = vector.shape_cast %parallel_loop3A_718 : vector<16x1xi32> to vector<16xi32>
      %parallel_loop3A_720 = tpu.dynamic_gather %parallel_loop3A_659[%parallel_loop3A_719] in [0] : vector<16xf32>, vector<16xi32> -> vector<16xf32>
      %parallel_loop3A_721 = arith.index_cast %parallel_loop3A_500 : i32 to index
      %parallel_loop3A_722 = arith.constant 176 : index
      %parallel_loop3A_723 = tpu.vector_load %arg13[%parallel_loop3A_721, %parallel_loop3A_722] {strides = array<i32>} : memref<16x256xf32, #tpu.memory_space<vmem>>, vector<16xf32>,
      %parallel_loop3A_724 = arith.mulf %parallel_loop3A_723, %parallel_loop3A_720 : vector<16xf32>
      %parallel_loop3A_725 = arith.index_cast %parallel_loop3A_500 : i32 to index
      %parallel_loop3A_726 = arith.constant 48 : index
      %parallel_loop3A_727 = tpu.vector_load %arg15[%parallel_loop3A_725, %parallel_loop3A_726] {strides = array<i32>} : memref<16x128xf32, #tpu.memory_space<vmem>>, vector<16xf32>,
      tpu.vector_store %arg15[%parallel_loop3A_725, %parallel_loop3A_726], %parallel_loop3A_724 {strides = array<i32>} : memref<16x128xf32, #tpu.memory_space<vmem>>, vector<16xf32>,
      %parallel_loop3A_728 = arith.constant 0 : i32
      %parallel_loop3A_729 = vector.broadcast %parallel_loop3A_728 : i32 to vector<16xi32>
      %parallel_loop3A_730 = arith.cmpi slt, %broadcast_in_dim3A_66, %parallel_loop3A_729 : vector<16xi32>
      %parallel_loop3A_731 = arith.constant 16 : i32
      %parallel_loop3A_732 = vector.broadcast %parallel_loop3A_731 : i32 to vector<16xi32>
      %parallel_loop3A_733 = arith.addi %broadcast_in_dim3A_66, %parallel_loop3A_732 : vector<16xi32>
      %parallel_loop3A_734 = arith.select %parallel_loop3A_730, %parallel_loop3A_733, %broadcast_in_dim3A_66 : vector<16xi1>, vector<16xi32>
      %parallel_loop3A_735 = vector.shape_cast %parallel_loop3A_734 : vector<16xi32> to vector<16x1xi32>
      %parallel_loop3A_736 = vector.shape_cast %parallel_loop3A_735 : vector<16x1xi32> to vector<16xi32>
      %parallel_loop3A_737 = tpu.dynamic_gather %parallel_loop3A_659[%parallel_loop3A_736] in [0] : vector<16xf32>, vector<16xi32> -> vector<16xf32>
      %parallel_loop3A_738 = arith.index_cast %parallel_loop3A_500 : i32 to index
      %parallel_loop3A_739 = arith.constant 192 : index
      %parallel_loop3A_740 = tpu.vector_load %arg13[%parallel_loop3A_738, %parallel_loop3A_739] {strides = array<i32>} : memref<16x256xf32, #tpu.memory_space<vmem>>, vector<16xf32>,
      %parallel_loop3A_741 = arith.mulf %parallel_loop3A_740, %parallel_loop3A_737 : vector<16xf32>
      %parallel_loop3A_742 = arith.index_cast %parallel_loop3A_500 : i32 to index
      %parallel_loop3A_743 = arith.constant 64 : index
      %parallel_loop3A_744 = tpu.vector_load %arg15[%parallel_loop3A_742, %parallel_loop3A_743] {strides = array<i32>} : memref<16x128xf32, #tpu.memory_space<vmem>>, vector<16xf32>,
      tpu.vector_store %arg15[%parallel_loop3A_742, %parallel_loop3A_743], %parallel_loop3A_741 {strides = array<i32>} : memref<16x128xf32, #tpu.memory_space<vmem>>, vector<16xf32>,
      %parallel_loop3A_745 = arith.constant 0 : i32
      %parallel_loop3A_746 = vector.broadcast %parallel_loop3A_745 : i32 to vector<16xi32>
      %parallel_loop3A_747 = arith.cmpi slt, %broadcast_in_dim3A_68, %parallel_loop3A_746 : vector<16xi32>
      %parallel_loop3A_748 = arith.constant 16 : i32
      %parallel_loop3A_749 = vector.broadcast %parallel_loop3A_748 : i32 to vector<16xi32>
      %parallel_loop3A_750 = arith.addi %broadcast_in_dim3A_68, %parallel_loop3A_749 : vector<16xi32>
      %parallel_loop3A_751 = arith.select %parallel_loop3A_747, %parallel_loop3A_750, %broadcast_in_dim3A_68 : vector<16xi1>, vector<16xi32>
      %parallel_loop3A_752 = vector.shape_cast %parallel_loop3A_751 : vector<16xi32> to vector<16x1xi32>
      %parallel_loop3A_753 = vector.shape_cast %parallel_loop3A_752 : vector<16x1xi32> to vector<16xi32>
      %parallel_loop3A_754 = tpu.dynamic_gather %parallel_loop3A_659[%parallel_loop3A_753] in [0] : vector<16xf32>, vector<16xi32> -> vector<16xf32>
      %parallel_loop3A_755 = arith.index_cast %parallel_loop3A_500 : i32 to index
      %parallel_loop3A_756 = arith.constant 208 : index
      %parallel_loop3A_757 = tpu.vector_load %arg13[%parallel_loop3A_755, %parallel_loop3A_756] {strides = array<i32>} : memref<16x256xf32, #tpu.memory_space<vmem>>, vector<16xf32>,
      %parallel_loop3A_758 = arith.mulf %parallel_loop3A_757, %parallel_loop3A_754 : vector<16xf32>
      %parallel_loop3A_759 = arith.index_cast %parallel_loop3A_500 : i32 to index
      %parallel_loop3A_760 = arith.constant 80 : index
      %parallel_loop3A_761 = tpu.vector_load %arg15[%parallel_loop3A_759, %parallel_loop3A_760] {strides = array<i32>} : memref<16x128xf32, #tpu.memory_space<vmem>>, vector<16xf32>,
      tpu.vector_store %arg15[%parallel_loop3A_759, %parallel_loop3A_760], %parallel_loop3A_758 {strides = array<i32>} : memref<16x128xf32, #tpu.memory_space<vmem>>, vector<16xf32>,
      %parallel_loop3A_762 = arith.constant 0 : i32
      %parallel_loop3A_763 = vector.broadcast %parallel_loop3A_762 : i32 to vector<16xi32>
      %parallel_loop3A_764 = arith.cmpi slt, %broadcast_in_dim3A_70, %parallel_loop3A_763 : vector<16xi32>
      %parallel_loop3A_765 = arith.constant 16 : i32
      %parallel_loop3A_766 = vector.broadcast %parallel_loop3A_765 : i32 to vector<16xi32>
      %parallel_loop3A_767 = arith.addi %broadcast_in_dim3A_70, %parallel_loop3A_766 : vector<16xi32>
      %parallel_loop3A_768 = arith.select %parallel_loop3A_764, %parallel_loop3A_767, %broadcast_in_dim3A_70 : vector<16xi1>, vector<16xi32>
      %parallel_loop3A_769 = vector.shape_cast %parallel_loop3A_768 : vector<16xi32> to vector<16x1xi32>
      %parallel_loop3A_770 = vector.shape_cast %parallel_loop3A_769 : vector<16x1xi32> to vector<16xi32>
      %parallel_loop3A_771 = tpu.dynamic_gather %parallel_loop3A_659[%parallel_loop3A_770] in [0] : vector<16xf32>, vector<16xi32> -> vector<16xf32>
      %parallel_loop3A_772 = arith.index_cast %parallel_loop3A_500 : i32 to index
      %parallel_loop3A_773 = arith.constant 224 : index
      %parallel_loop3A_774 = tpu.vector_load %arg13[%parallel_loop3A_772, %parallel_loop3A_773] {strides = array<i32>} : memref<16x256xf32, #tpu.memory_space<vmem>>, vector<16xf32>,
      %parallel_loop3A_775 = arith.mulf %parallel_loop3A_774, %parallel_loop3A_771 : vector<16xf32>
      %parallel_loop3A_776 = arith.index_cast %parallel_loop3A_500 : i32 to index
      %parallel_loop3A_777 = arith.constant 96 : index
      %parallel_loop3A_778 = tpu.vector_load %arg15[%parallel_loop3A_776, %parallel_loop3A_777] {strides = array<i32>} : memref<16x128xf32, #tpu.memory_space<vmem>>, vector<16xf32>,
      tpu.vector_store %arg15[%parallel_loop3A_776, %parallel_loop3A_777], %parallel_loop3A_775 {strides = array<i32>} : memref<16x128xf32, #tpu.memory_space<vmem>>, vector<16xf32>,
      %parallel_loop3A_779 = arith.constant 0 : i32
      %parallel_loop3A_780 = vector.broadcast %parallel_loop3A_779 : i32 to vector<16xi32>
      %parallel_loop3A_781 = arith.cmpi slt, %broadcast_in_dim3A_72, %parallel_loop3A_780 : vector<16xi32>
      %parallel_loop3A_782 = arith.constant 16 : i32
      %parallel_loop3A_783 = vector.broadcast %parallel_loop3A_782 : i32 to vector<16xi32>
      %parallel_loop3A_784 = arith.addi %broadcast_in_dim3A_72, %parallel_loop3A_783 : vector<16xi32>
      %parallel_loop3A_785 = arith.select %parallel_loop3A_781, %parallel_loop3A_784, %broadcast_in_dim3A_72 : vector<16xi1>, vector<16xi32>
      %parallel_loop3A_786 = vector.shape_cast %parallel_loop3A_785 : vector<16xi32> to vector<16x1xi32>
      %parallel_loop3A_787 = vector.shape_cast %parallel_loop3A_786 : vector<16x1xi32> to vector<16xi32>
      %parallel_loop3A_788 = tpu.dynamic_gather %parallel_loop3A_659[%parallel_loop3A_787] in [0] : vector<16xf32>, vector<16xi32> -> vector<16xf32>
      %parallel_loop3A_789 = arith.index_cast %parallel_loop3A_500 : i32 to index
      %parallel_loop3A_790 = arith.constant 240 : index
      %parallel_loop3A_791 = tpu.vector_load %arg13[%parallel_loop3A_789, %parallel_loop3A_790] {strides = array<i32>} : memref<16x256xf32, #tpu.memory_space<vmem>>, vector<16xf32>,
      %parallel_loop3A_792 = arith.mulf %parallel_loop3A_791, %parallel_loop3A_788 : vector<16xf32>
      %parallel_loop3A_793 = arith.index_cast %parallel_loop3A_500 : i32 to index
      %parallel_loop3A_794 = arith.constant 112 : index
      %parallel_loop3A_795 = tpu.vector_load %arg15[%parallel_loop3A_793, %parallel_loop3A_794] {strides = array<i32>} : memref<16x128xf32, #tpu.memory_space<vmem>>, vector<16xf32>,
      tpu.vector_store %arg15[%parallel_loop3A_793, %parallel_loop3A_794], %parallel_loop3A_792 {strides = array<i32>} : memref<16x128xf32, #tpu.memory_space<vmem>>, vector<16xf32>,
      %parallel_loop3A_796 = arith.constant 0 : i32
      %parallel_loop3A_797 = vector.broadcast %parallel_loop3A_796 : i32 to vector<16xi32>
      %parallel_loop3A_798 = arith.cmpi slt, %or3A_90, %parallel_loop3A_797 : vector<16xi32>
      %parallel_loop3A_799 = arith.constant 16 : i32
      %parallel_loop3A_800 = vector.broadcast %parallel_loop3A_799 : i32 to vector<16xi32>
      %parallel_loop3A_801 = arith.addi %or3A_90, %parallel_loop3A_800 : vector<16xi32>
      %parallel_loop3A_802 = arith.select %parallel_loop3A_798, %parallel_loop3A_801, %or3A_90 : vector<16xi1>, vector<16xi32>
      %parallel_loop3A_803 = vector.shape_cast %parallel_loop3A_802 : vector<16xi32> to vector<16x1xi32>
      %parallel_loop3A_804 = vector.shape_cast %parallel_loop3A_803 : vector<16x1xi32> to vector<16xi32>
      %parallel_loop3A_805 = tpu.dynamic_gather %parallel_loop3A_360[%parallel_loop3A_804] in [0] : vector<16xf32>, vector<16xi32> -> vector<16xf32>
      %parallel_loop3A_806 = arith.constant 0 : i32
      %parallel_loop3A_807 = vector.broadcast %parallel_loop3A_806 : i32 to vector<16xi32>
      %parallel_loop3A_808 = arith.cmpi slt, %or3A_90, %parallel_loop3A_807 : vector<16xi32>
      %parallel_loop3A_809 = arith.constant 16 : i32
      %parallel_loop3A_810 = vector.broadcast %parallel_loop3A_809 : i32 to vector<16xi32>
      %parallel_loop3A_811 = arith.addi %or3A_90, %parallel_loop3A_810 : vector<16xi32>
      %parallel_loop3A_812 = arith.select %parallel_loop3A_808, %parallel_loop3A_811, %or3A_90 : vector<16xi1>, vector<16xi32>
      %parallel_loop3A_813 = vector.shape_cast %parallel_loop3A_812 : vector<16xi32> to vector<16x1xi32>
      %parallel_loop3A_814 = vector.shape_cast %parallel_loop3A_813 : vector<16x1xi32> to vector<16xi32>
      %parallel_loop3A_815 = tpu.dynamic_gather %parallel_loop3A_659[%parallel_loop3A_814] in [0] : vector<16xf32>, vector<16xi32> -> vector<16xf32>
      %parallel_loop3A_816 = arith.constant 8 : i32
      %parallel_loop3A_817 = vector.broadcast %parallel_loop3A_816 : i32 to vector<16xi32>
      %parallel_loop3A_818 = arith.cmpi slt, %iota3A, %parallel_loop3A_817 : vector<16xi32>
      %parallel_loop3A_819 = arith.select %parallel_loop3A_818, %parallel_loop3A_805, %parallel_loop3A_815 : vector<16xi1>, vector<16xf32>
      %parallel_loop3A_820 = arith.constant 2 : i32
      %parallel_loop3A_821 = arith.muli %parallel_loop3A_197, %parallel_loop3A_820 : i32
      %parallel_loop3A_822 = arith.constant 3 : i32
      %parallel_loop3A_823 = vector.broadcast %parallel_loop3A_822 : i32 to vector<16xi32>
      %parallel_loop3A_824 = arith.shrsi %iota3A, %parallel_loop3A_823 : vector<16xi32>
      %parallel_loop3A_825 = vector.broadcast %parallel_loop3A_821 : i32 to vector<16xi32>
      %parallel_loop3A_826 = arith.addi %parallel_loop3A_825, %parallel_loop3A_824 : vector<16xi32>
      %parallel_loop3A_827 = arith.constant 0 : i32
      %parallel_loop3A_828 = vector.broadcast %parallel_loop3A_827 : i32 to vector<16xi32>
      %parallel_loop3A_829 = arith.cmpi slt, %parallel_loop3A_826, %parallel_loop3A_828 : vector<16xi32>
      %parallel_loop3A_830 = arith.constant 16 : i32
      %parallel_loop3A_831 = vector.broadcast %parallel_loop3A_830 : i32 to vector<16xi32>
      %parallel_loop3A_832 = arith.addi %parallel_loop3A_826, %parallel_loop3A_831 : vector<16xi32>
      %parallel_loop3A_833 = arith.select %parallel_loop3A_829, %parallel_loop3A_832, %parallel_loop3A_826 : vector<16xi1>, vector<16xi32>
      %parallel_loop3A_834 = vector.shape_cast %parallel_loop3A_833 : vector<16xi32> to vector<16x1xi32>
      %parallel_loop3A_835 = vector.shape_cast %parallel_loop3A_834 : vector<16x1xi32> to vector<16xi32>
      %parallel_loop3A_836 = tpu.dynamic_gather %get3A_139[%parallel_loop3A_835] in [0] : vector<16xi32>, vector<16xi32> -> vector<16xi32>
      %parallel_loop3A_837 = arith.constant 8 : i32
      %parallel_loop3A_838 = vector.broadcast %parallel_loop3A_837 : i32 to vector<16xi32>
      %parallel_loop3A_839 = arith.muli %parallel_loop3A_836, %parallel_loop3A_838 : vector<16xi32>
      %parallel_loop3A_840 = arith.addi %parallel_loop3A_839, %and3A_12 : vector<16xi32>
      %parallel_loop3A_841 = arith.constant 16 : i32
      %parallel_loop3A_842 = arith.muli %parallel_loop3A_197, %parallel_loop3A_841 : i32
      %parallel_loop3A_843 = arith.constant 0 : i32
      %parallel_loop3A_844 = arith.index_cast %parallel_loop3A_843 : i32 to index
      %parallel_loop3A_845 = arith.index_cast %parallel_loop3A_842 : i32 to index
      %parallel_loop3A_846 = tpu.vector_load %arg17[%parallel_loop3A_844, %parallel_loop3A_845] {strides = array<i32>} : memref<1x128xi32, #tpu.memory_space<vmem>>, vector<16xi32>,
      tpu.vector_store %arg17[%parallel_loop3A_844, %parallel_loop3A_845], %parallel_loop3A_840 {strides = array<i32>} : memref<1x128xi32, #tpu.memory_space<vmem>>, vector<16xi32>,
      %parallel_loop3A_847 = arith.constant 16 : i32
      %parallel_loop3A_848 = arith.muli %parallel_loop3A_197, %parallel_loop3A_847 : i32
      %parallel_loop3A_849 = arith.constant 0 : i32
      %parallel_loop3A_850 = arith.index_cast %parallel_loop3A_849 : i32 to index
      %parallel_loop3A_851 = arith.index_cast %parallel_loop3A_848 : i32 to index
      %parallel_loop3A_852 = tpu.vector_load %arg16[%parallel_loop3A_850, %parallel_loop3A_851] {strides = array<i32>} : memref<1x128xf32, #tpu.memory_space<vmem>>, vector<16xf32>,
      tpu.vector_store %arg16[%parallel_loop3A_850, %parallel_loop3A_851], %parallel_loop3A_819 {strides = array<i32>} : memref<1x128xf32, #tpu.memory_space<vmem>>, vector<16xf32>,
    } {sc.loop_unroll_factor = 8 : i64, sc.parallel_access}
    %dma_start3A_143 = arith.constant 0 : i32
    %dma_start3A_144 = arith.constant 0 : i32
    %dma_start3A_145 = tpu.memref_slice %arg26[%dma_start3A_143, %dma_start3A_144] : memref<10240x128xf32, #tpu.memory_space<vmem_shared>> -> memref<10240x128xf32, #tpu.memory_space<vmem_shared>>
    tpu.enqueue_indirect_dma source(%arg15 : memref<16x128xf32, #tpu.memory_space<vmem>>) target(%dma_start3A_145 : memref<10240x128xf32, #tpu.memory_space<vmem_shared>>) offsets(%arg12 : memref<16xi32, #tpu.memory_space<vmem>>) semaphore(%arg30 : memref<!tpu.dma_semaphore, #tpu.memory_space<semaphore_mem>>) {add = true}
    %dma_start3A_146 = arith.constant 0 : i32
    %dma_start3A_147 = arith.constant 0 : i32
    %dma_start3A_148 = arith.constant 0 : i32
    %dma_start3A_149 = tpu.memref_slice %arg16[%dma_start3A_146, %dma_start3A_148] : memref<1x128xf32, #tpu.memory_space<vmem>> -> memref<1x128xf32, #tpu.memory_space<vmem>>
    %dma_start3A_150 = tpu.memref_squeeze %dma_start3A_149 : memref<1x128xf32, #tpu.memory_space<vmem>> -> memref<128xf32, #tpu.memory_space<vmem>>
    %dma_start3A_151 = arith.constant 0 : i32
    %dma_start3A_152 = tpu.memref_slice %arg17[%dma_start3A_147, %dma_start3A_151] : memref<1x128xi32, #tpu.memory_space<vmem>> -> memref<1x128xi32, #tpu.memory_space<vmem>>
    %dma_start3A_153 = tpu.memref_squeeze %dma_start3A_152 : memref<1x128xi32, #tpu.memory_space<vmem>> -> memref<128xi32, #tpu.memory_space<vmem>>
    %dma_start3A_154 = arith.constant 0 : i32
    %dma_start3A_155 = tpu.memref_slice %arg27[%dma_start3A_154] : memref<81920xf32, #tpu.memory_space<vmem_shared>> -> memref<81920xf32, #tpu.memory_space<vmem_shared>>
    tpu.enqueue_indirect_dma source(%dma_start3A_150 : memref<128xf32, #tpu.memory_space<vmem>>) target(%dma_start3A_155 : memref<81920xf32, #tpu.memory_space<vmem_shared>>) offsets(%dma_start3A_153 : memref<128xi32, #tpu.memory_space<vmem>>) semaphore(%arg30 : memref<!tpu.dma_semaphore, #tpu.memory_space<semaphore_mem>>) {add = true}
    %dma_wait3A_156 = arith.constant 0 : i32
    %dma_wait3A_157 = arith.constant 0 : i32
    %dma_wait3A_158 = tpu.memref_slice %arg26[%dma_wait3A_156, %dma_wait3A_157] : memref<10240x128xf32, #tpu.memory_space<vmem_shared>> -> memref<10240x128xf32, #tpu.memory_space<vmem_shared>>
    tpu.wait_indirect_dma semaphore(%arg33 : memref<!tpu.dma_semaphore, #tpu.memory_space<semaphore_mem>>) src(%arg23 : memref<16x128xf32, #tpu.memory_space<vmem>>) dst(%dma_wait3A_158 : memref<10240x128xf32, #tpu.memory_space<vmem_shared>>)
    %dma_wait3A_159 = arith.constant 0 : i32
    %dma_wait3A_160 = arith.constant 0 : i32
    %dma_wait3A_161 = arith.constant 0 : i32
    %dma_wait3A_162 = tpu.memref_slice %arg24[%dma_wait3A_159, %dma_wait3A_161] : memref<1x128xf32, #tpu.memory_space<vmem>> -> memref<1x128xf32, #tpu.memory_space<vmem>>
    %dma_wait3A_163 = tpu.memref_squeeze %dma_wait3A_162 : memref<1x128xf32, #tpu.memory_space<vmem>> -> memref<128xf32, #tpu.memory_space<vmem>>
    %dma_wait3A_164 = arith.constant 0 : i32
    %dma_wait3A_165 = tpu.memref_slice %arg25[%dma_wait3A_160, %dma_wait3A_164] : memref<1x128xi32, #tpu.memory_space<vmem>> -> memref<1x128xi32, #tpu.memory_space<vmem>>
    %dma_wait3A_166 = tpu.memref_squeeze %dma_wait3A_165 : memref<1x128xi32, #tpu.memory_space<vmem>> -> memref<128xi32, #tpu.memory_space<vmem>>
    %dma_wait3A_167 = arith.constant 0 : i32
    %dma_wait3A_168 = tpu.memref_slice %arg27[%dma_wait3A_167] : memref<81920xf32, #tpu.memory_space<vmem_shared>> -> memref<81920xf32, #tpu.memory_space<vmem_shared>>
    tpu.wait_indirect_dma semaphore(%arg33 : memref<!tpu.dma_semaphore, #tpu.memory_space<semaphore_mem>>) src(%dma_wait3A_163 : memref<128xf32, #tpu.memory_space<vmem>>) dst(%dma_wait3A_168 : memref<81920xf32, #tpu.memory_space<vmem_shared>>)
    %dma_wait3A_169 = arith.constant 0 : i32
    %dma_wait3A_170 = arith.constant 0 : i32
    %dma_wait3A_171 = tpu.memref_slice %arg26[%dma_wait3A_169, %dma_wait3A_170] : memref<10240x128xf32, #tpu.memory_space<vmem_shared>> -> memref<10240x128xf32, #tpu.memory_space<vmem_shared>>
    tpu.wait_indirect_dma semaphore(%arg30 : memref<!tpu.dma_semaphore, #tpu.memory_space<semaphore_mem>>) src(%arg15 : memref<16x128xf32, #tpu.memory_space<vmem>>) dst(%dma_wait3A_171 : memref<10240x128xf32, #tpu.memory_space<vmem_shared>>)
    %dma_wait3A_172 = arith.constant 0 : i32
    %dma_wait3A_173 = arith.constant 0 : i32
    %dma_wait3A_174 = arith.constant 0 : i32
    %dma_wait3A_175 = tpu.memref_slice %arg16[%dma_wait3A_172, %dma_wait3A_174] : memref<1x128xf32, #tpu.memory_space<vmem>> -> memref<1x128xf32, #tpu.memory_space<vmem>>
    %dma_wait3A_176 = tpu.memref_squeeze %dma_wait3A_175 : memref<1x128xf32, #tpu.memory_space<vmem>> -> memref<128xf32, #tpu.memory_space<vmem>>
    %dma_wait3A_177 = arith.constant 0 : i32
    %dma_wait3A_178 = tpu.memref_slice %arg17[%dma_wait3A_173, %dma_wait3A_177] : memref<1x128xi32, #tpu.memory_space<vmem>> -> memref<1x128xi32, #tpu.memory_space<vmem>>
    %dma_wait3A_179 = tpu.memref_squeeze %dma_wait3A_178 : memref<1x128xi32, #tpu.memory_space<vmem>> -> memref<128xi32, #tpu.memory_space<vmem>>
    %dma_wait3A_180 = arith.constant 0 : i32
    %dma_wait3A_181 = tpu.memref_slice %arg27[%dma_wait3A_180] : memref<81920xf32, #tpu.memory_space<vmem_shared>> -> memref<81920xf32, #tpu.memory_space<vmem_shared>>
    tpu.wait_indirect_dma semaphore(%arg30 : memref<!tpu.dma_semaphore, #tpu.memory_space<semaphore_mem>>) src(%dma_wait3A_176 : memref<128xf32, #tpu.memory_space<vmem>>) dst(%dma_wait3A_181 : memref<81920xf32, #tpu.memory_space<vmem_shared>>)
    %barrier3A_182 = arith.constant 0 : index
    tpu.barrier barrier_id(%barrier3A_182)
    %mul3A_183 = arith.constant 640 : i32
    %mul3A_184 = arith.muli %arg1, %mul3A_183 : i32
    %mul3A_185 = arith.constant 10240 : i32
    %mul3A_186 = arith.muli %arg0, %mul3A_185 : i32
    %mul3A_187 = arith.constant 640 : i32
    %mul3A_188 = arith.muli %arg1, %mul3A_187 : i32
    %add3A_189 = arith.addi %mul3A_186, %mul3A_188 : i32
    "tpu.region"() ({
      %run_scoped3A = tpu.sem_alloc : memref<!tpu.dma_semaphore, #tpu.memory_space<semaphore_mem>>
      %dma_start3A_197 = arith.constant 0 : i32
      %dma_start3A_198 = tpu.memref_slice %arg8[%add3A_189, %dma_start3A_197] : memref<20480x128xf32, #tpu.memory_space<hbm>> -> memref<640x128xf32, #tpu.memory_space<hbm>>
      %dma_start3A_199 = arith.constant 0 : i32
      %dma_start3A_200 = tpu.memref_slice %arg26[%mul3A_184, %dma_start3A_199] : memref<10240x128xf32, #tpu.memory_space<vmem_shared>> -> memref<640x128xf32, #tpu.memory_space<vmem_shared>>
      tpu.enqueue_dma source(%dma_start3A_200 : memref<640x128xf32, #tpu.memory_space<vmem_shared>>) target(%dma_start3A_198 : memref<640x128xf32, #tpu.memory_space<hbm>>) target_semaphore(%run_scoped3A : memref<!tpu.dma_semaphore, #tpu.memory_space<semaphore_mem>>)
      %dma_wait3A_201 = arith.constant 0 : i32
      %dma_wait3A_202 = tpu.memref_slice %arg8[%add3A_189, %dma_wait3A_201] : memref<20480x128xf32, #tpu.memory_space<hbm>> -> memref<640x128xf32, #tpu.memory_space<hbm>>
      %dma_wait3A_203 = arith.constant 0 : i32
      %dma_wait3A_204 = tpu.memref_slice %arg26[%mul3A_184, %dma_wait3A_203] : memref<10240x128xf32, #tpu.memory_space<vmem_shared>> -> memref<640x128xf32, #tpu.memory_space<vmem_shared>>
      tpu.wait_dma2 semaphore(%run_scoped3A : memref<!tpu.dma_semaphore, #tpu.memory_space<semaphore_mem>>) src(%dma_wait3A_204 : memref<640x128xf32, #tpu.memory_space<vmem_shared>>) dst(%dma_wait3A_202 : memref<640x128xf32, #tpu.memory_space<hbm>>)
      tpu.yield
    }) : () -> ()
    %mul3A_190 = arith.constant 5120 : i32
    %mul3A_191 = arith.muli %arg1, %mul3A_190 : i32
    %mul3A_192 = arith.constant 81920 : i32
    %mul3A_193 = arith.muli %arg0, %mul3A_192 : i32
    %mul3A_194 = arith.constant 5120 : i32
    %mul3A_195 = arith.muli %arg1, %mul3A_194 : i32
    %add3A_196 = arith.addi %mul3A_193, %mul3A_195 : i32
    "tpu.region"() ({
      %run_scoped3A = tpu.sem_alloc : memref<!tpu.dma_semaphore, #tpu.memory_space<semaphore_mem>>
      %dma_start3A_197 = tpu.memref_slice %arg9[%add3A_196] : memref<163840xf32, #tpu.memory_space<hbm>> -> memref<5120xf32, #tpu.memory_space<hbm>>
      %dma_start3A_198 = tpu.memref_slice %arg27[%mul3A_191] : memref<81920xf32, #tpu.memory_space<vmem_shared>> -> memref<5120xf32, #tpu.memory_space<vmem_shared>>
      tpu.enqueue_dma source(%dma_start3A_198 : memref<5120xf32, #tpu.memory_space<vmem_shared>>) target(%dma_start3A_197 : memref<5120xf32, #tpu.memory_space<hbm>>) target_semaphore(%run_scoped3A : memref<!tpu.dma_semaphore, #tpu.memory_space<semaphore_mem>>)
      %dma_wait3A_199 = tpu.memref_slice %arg9[%add3A_196] : memref<163840xf32, #tpu.memory_space<hbm>> -> memref<5120xf32, #tpu.memory_space<hbm>>
      %dma_wait3A_200 = tpu.memref_slice %arg27[%mul3A_191] : memref<81920xf32, #tpu.memory_space<vmem_shared>> -> memref<5120xf32, #tpu.memory_space<vmem_shared>>
      tpu.wait_dma2 semaphore(%run_scoped3A : memref<!tpu.dma_semaphore, #tpu.memory_space<semaphore_mem>>) src(%dma_wait3A_200 : memref<5120xf32, #tpu.memory_space<vmem_shared>>) dst(%dma_wait3A_199 : memref<5120xf32, #tpu.memory_space<hbm>>)
      tpu.yield
    }) : () -> ()
    return
  }
}

module attributes {stable_mosaic.version = 14 : i64} {
  func.func @_proj_body(%arg0: i32, %arg1: memref<1000x128xf32, #tpu.memory_space<vmem>>, %arg2: memref<128x128xf32, #tpu.memory_space<vmem>>, %arg3: memref<1x128xf32, #tpu.memory_space<vmem>>, %arg4: memref<128x128xf32, #tpu.memory_space<vmem>>, %arg5: memref<1x128xf32, #tpu.memory_space<vmem>>, %arg6: memref<128x128xf32, #tpu.memory_space<vmem>>, %arg7: memref<1x128xf32, #tpu.memory_space<vmem>>, %arg8: memref<128x128xf32, #tpu.memory_space<vmem>>, %arg9: memref<128x128xf32, #tpu.memory_space<vmem>>, %arg10: memref<1000x128xf32, #tpu.memory_space<vmem>>, %arg11: memref<1000x256xf32, #tpu.memory_space<vmem>>) attributes {dimension_semantics = [#tpu.dimension_semantics<arbitrary>], iteration_bounds = array<i64: 10>, scalar_prefetch = 0 : i64, scratch_operands = 0 : i64, tpu.core_type = #tpu.core_type<tc>, window_params = [{transform_indices = @transform_0, window_bounds = array<i64: 1000, 128>}, {pipeline_mode = #tpu.pipeline_mode<synchronous>, transform_indices = @transform_1, window_bounds = array<i64: 128, 128>}, {pipeline_mode = #tpu.pipeline_mode<synchronous>, transform_indices = @transform_2, window_bounds = array<i64: 1, 128>}, {pipeline_mode = #tpu.pipeline_mode<synchronous>, transform_indices = @transform_3, window_bounds = array<i64: 128, 128>}, {pipeline_mode = #tpu.pipeline_mode<synchronous>, transform_indices = @transform_4, window_bounds = array<i64: 1, 128>}, {pipeline_mode = #tpu.pipeline_mode<synchronous>, transform_indices = @transform_5, window_bounds = array<i64: 128, 128>}, {pipeline_mode = #tpu.pipeline_mode<synchronous>, transform_indices = @transform_6, window_bounds = array<i64: 1, 128>}, {pipeline_mode = #tpu.pipeline_mode<synchronous>, transform_indices = @transform_7, window_bounds = array<i64: 128, 128>}, {pipeline_mode = #tpu.pipeline_mode<synchronous>, transform_indices = @transform_8, window_bounds = array<i64: 128, 128>}, {transform_indices = @transform_9, window_bounds = array<i64: 1000, 128>}, {transform_indices = @transform_10, window_bounds = array<i64: 1000, 256>}]} {
    %get3A = arith.constant 0 : index
    %get3A_0 = arith.constant 0 : index
    %get3A_1 = vector.load %arg1[%get3A, %get3A_0] : memref<1000x128xf32, #tpu.memory_space<vmem>>, vector<1000x128xf32>
    %get3A_2 = arith.constant 0 : index
    %get3A_3 = arith.constant 0 : index
    %get3A_4 = vector.load %arg2[%get3A_2, %get3A_3] : memref<128x128xf32, #tpu.memory_space<vmem>>, vector<128x128xf32>
    %dot_general3A = arith.constant dense<0.000000e+00> : vector<1000x128xf32>
    %dot_general3A_5 = tpu.matmul %get3A_1, %get3A_4, %dot_general3A {dimension_numbers = #tpu.dot_dimension_numbers<[1], [0], [0], [1], [0, 0, 1, 1], [], []>, transpose_lhs_hint = false} : vector<1000x128xf32>, vector<128x128xf32>, vector<1000x128xf32> -> vector<1000x128xf32>
    %get3A_6 = arith.constant 0 : index
    %get3A_7 = arith.constant 0 : index
    %get3A_8 = vector.load %arg3[%get3A_6, %get3A_7] : memref<1x128xf32, #tpu.memory_space<vmem>>, vector<1x128xf32>
    %add3A = vector.broadcast %get3A_8 : vector<1x128xf32> to vector<1000x128xf32>
    %add3A_9 = arith.addf %dot_general3A_5, %add3A : vector<1000x128xf32>
    %get3A_10 = arith.constant 0 : index
    %get3A_11 = arith.constant 0 : index
    %get3A_12 = vector.load %arg4[%get3A_10, %get3A_11] : memref<128x128xf32, #tpu.memory_space<vmem>>, vector<128x128xf32>
    %dot_general3A_13 = arith.constant dense<0.000000e+00> : vector<1000x128xf32>
    %dot_general3A_14 = tpu.matmul %get3A_1, %get3A_12, %dot_general3A_13 {dimension_numbers = #tpu.dot_dimension_numbers<[1], [0], [0], [1], [0, 0, 1, 1], [], []>, transpose_lhs_hint = false} : vector<1000x128xf32>, vector<128x128xf32>, vector<1000x128xf32> -> vector<1000x128xf32>
    %get3A_15 = arith.constant 0 : index
    %get3A_16 = arith.constant 0 : index
    %get3A_17 = vector.load %arg5[%get3A_15, %get3A_16] : memref<1x128xf32, #tpu.memory_space<vmem>>, vector<1x128xf32>
    %add3A_18 = vector.broadcast %get3A_17 : vector<1x128xf32> to vector<1000x128xf32>
    %add3A_19 = arith.addf %dot_general3A_14, %add3A_18 : vector<1000x128xf32>
    %get3A_20 = arith.constant 0 : index
    %get3A_21 = arith.constant 0 : index
    %get3A_22 = vector.load %arg6[%get3A_20, %get3A_21] : memref<128x128xf32, #tpu.memory_space<vmem>>, vector<128x128xf32>
    %dot_general3A_23 = arith.constant dense<0.000000e+00> : vector<1000x128xf32>
    %dot_general3A_24 = tpu.matmul %get3A_1, %get3A_22, %dot_general3A_23 {dimension_numbers = #tpu.dot_dimension_numbers<[1], [0], [0], [1], [0, 0, 1, 1], [], []>, transpose_lhs_hint = false} : vector<1000x128xf32>, vector<128x128xf32>, vector<1000x128xf32> -> vector<1000x128xf32>
    %get3A_25 = arith.constant 0 : index
    %get3A_26 = arith.constant 0 : index
    %get3A_27 = vector.load %arg7[%get3A_25, %get3A_26] : memref<1x128xf32, #tpu.memory_space<vmem>>, vector<1x128xf32>
    %add3A_28 = vector.broadcast %get3A_27 : vector<1x128xf32> to vector<1000x128xf32>
    %add3A_29 = arith.addf %dot_general3A_24, %add3A_28 : vector<1000x128xf32>
    %swap3A = arith.constant 0 : index
    %swap3A_30 = arith.constant 0 : index
    %swap3A_31 = vector.load %arg10[%swap3A, %swap3A_30] : memref<1000x128xf32, #tpu.memory_space<vmem>>, vector<1000x128xf32>
    tpu.vector_store %arg10[%swap3A, %swap3A_30], %add3A_9 {strides = array<i32>} : memref<1000x128xf32, #tpu.memory_space<vmem>>, vector<1000x128xf32>,
    %get3A_32 = arith.constant 0 : index
    %get3A_33 = arith.constant 0 : index
    %get3A_34 = vector.load %arg8[%get3A_32, %get3A_33] : memref<128x128xf32, #tpu.memory_space<vmem>>, vector<128x128xf32>
    %dot_general3A_35 = arith.constant dense<0.000000e+00> : vector<1000x128xf32>
    %dot_general3A_36 = tpu.matmul %add3A_19, %get3A_34, %dot_general3A_35 {dimension_numbers = #tpu.dot_dimension_numbers<[1], [0], [0], [1], [0, 0, 1, 1], [], []>, transpose_lhs_hint = false} : vector<1000x128xf32>, vector<128x128xf32>, vector<1000x128xf32> -> vector<1000x128xf32>
    %swap3A_37 = arith.constant 0 : index
    %swap3A_38 = arith.constant 0 : index
    %swap3A_39 = vector.load %arg11[%swap3A_37, %swap3A_38] : memref<1000x256xf32, #tpu.memory_space<vmem>>, vector<1000x128xf32>
    tpu.vector_store %arg11[%swap3A_37, %swap3A_38], %dot_general3A_36 {strides = array<i32>} : memref<1000x256xf32, #tpu.memory_space<vmem>>, vector<1000x128xf32>,
    %get3A_40 = arith.constant 0 : index
    %get3A_41 = arith.constant 0 : index
    %get3A_42 = vector.load %arg9[%get3A_40, %get3A_41] : memref<128x128xf32, #tpu.memory_space<vmem>>, vector<128x128xf32>
    %dot_general3A_43 = arith.constant dense<0.000000e+00> : vector<1000x128xf32>
    %dot_general3A_44 = tpu.matmul %add3A_29, %get3A_42, %dot_general3A_43 {dimension_numbers = #tpu.dot_dimension_numbers<[1], [0], [0], [1], [0, 0, 1, 1], [], []>, transpose_lhs_hint = false} : vector<1000x128xf32>, vector<128x128xf32>, vector<1000x128xf32> -> vector<1000x128xf32>
    %swap3A_45 = arith.constant 0 : index
    %swap3A_46 = arith.constant 128 : index
    %swap3A_47 = vector.load %arg11[%swap3A_45, %swap3A_46] : memref<1000x256xf32, #tpu.memory_space<vmem>>, vector<1000x128xf32>
    tpu.vector_store %arg11[%swap3A_45, %swap3A_46], %dot_general3A_44 {strides = array<i32>} : memref<1000x256xf32, #tpu.memory_space<vmem>>, vector<1000x128xf32>,
    return
  }
  func.func @transform_0(%arg0: i32) -> (i32, i32) {
    %c0_i32 = arith.constant 0 : i32
    %c0_i32_0 = arith.constant 0 : i32
    return %arg0, %c0_i32 : i32, i32
  }
  func.func @transform_1(%arg0: i32) -> (i32, i32) {
    %c0_i32 = arith.constant 0 : i32
    %c0_i32_0 = arith.constant 0 : i32
    %c0_i32_1 = arith.constant 0 : i32
    return %c0_i32, %c0_i32_0 : i32, i32
  }
  func.func @transform_2(%arg0: i32) -> (i32, i32) {
    %c0_i32 = arith.constant 0 : i32
    %c0_i32_0 = arith.constant 0 : i32
    %c0_i32_1 = arith.constant 0 : i32
    return %c0_i32, %c0_i32_0 : i32, i32
  }
  func.func @transform_3(%arg0: i32) -> (i32, i32) {
    %c0_i32 = arith.constant 0 : i32
    %c0_i32_0 = arith.constant 0 : i32
    %c0_i32_1 = arith.constant 0 : i32
    return %c0_i32, %c0_i32_0 : i32, i32
  }
  func.func @transform_4(%arg0: i32) -> (i32, i32) {
    %c0_i32 = arith.constant 0 : i32
    %c0_i32_0 = arith.constant 0 : i32
    %c0_i32_1 = arith.constant 0 : i32
    return %c0_i32, %c0_i32_0 : i32, i32
  }
  func.func @transform_5(%arg0: i32) -> (i32, i32) {
    %c0_i32 = arith.constant 0 : i32
    %c0_i32_0 = arith.constant 0 : i32
    %c0_i32_1 = arith.constant 0 : i32
    return %c0_i32, %c0_i32_0 : i32, i32
  }
  func.func @transform_6(%arg0: i32) -> (i32, i32) {
    %c0_i32 = arith.constant 0 : i32
    %c0_i32_0 = arith.constant 0 : i32
    %c0_i32_1 = arith.constant 0 : i32
    return %c0_i32, %c0_i32_0 : i32, i32
  }
  func.func @transform_7(%arg0: i32) -> (i32, i32) {
    %c0_i32 = arith.constant 0 : i32
    %c0_i32_0 = arith.constant 0 : i32
    %c0_i32_1 = arith.constant 0 : i32
    return %c0_i32, %c0_i32_0 : i32, i32
  }
  func.func @transform_8(%arg0: i32) -> (i32, i32) {
    %c0_i32 = arith.constant 0 : i32
    %c0_i32_0 = arith.constant 0 : i32
    %c0_i32_1 = arith.constant 0 : i32
    return %c0_i32, %c0_i32_0 : i32, i32
  }
  func.func @transform_9(%arg0: i32) -> (i32, i32) {
    %c0_i32 = arith.constant 0 : i32
    %c0_i32_0 = arith.constant 0 : i32
    return %arg0, %c0_i32 : i32, i32
  }
  func.func @transform_10(%arg0: i32) -> (i32, i32) {
    %c0_i32 = arith.constant 0 : i32
    %c0_i32_0 = arith.constant 0 : i32
    return %arg0, %c0_i32 : i32, i32
  }
}

module attributes {stable_mosaic.version = 14 : i64} {
  func.func @_post_body(%arg0: i32, %arg1: memref<2x1000x128xf32, #tpu.memory_space<vmem>>, %arg2: memref<2x1000x8xf32, #tpu.memory_space<vmem>>, %arg3: memref<1000x128xf32, #tpu.memory_space<vmem>>, %arg4: memref<8x128xf32, #tpu.memory_space<vmem>>, %arg5: memref<128x128xf32, #tpu.memory_space<vmem>>, %arg6: memref<1x128xf32, #tpu.memory_space<vmem>>, %arg7: memref<1x1xf32, #tpu.memory_space<vmem>>, %arg8: memref<1x128xf32, #tpu.memory_space<vmem>>, %arg9: memref<1x128xf32, #tpu.memory_space<vmem>>, %arg10: memref<1000x128xf32, #tpu.memory_space<vmem>>) attributes {dimension_semantics = [#tpu.dimension_semantics<arbitrary>], iteration_bounds = array<i64: 10>, scalar_prefetch = 0 : i64, scratch_operands = 0 : i64, tpu.core_type = #tpu.core_type<tc>, window_params = [{transform_indices = @transform_0, window_bounds = array<i64: 2, 1000, 128>}, {transform_indices = @transform_1, window_bounds = array<i64: 2, 1000, 8>}, {transform_indices = @transform_2, window_bounds = array<i64: 1000, 128>}, {pipeline_mode = #tpu.pipeline_mode<synchronous>, transform_indices = @transform_3, window_bounds = array<i64: 8, 128>}, {pipeline_mode = #tpu.pipeline_mode<synchronous>, transform_indices = @transform_4, window_bounds = array<i64: 128, 128>}, {pipeline_mode = #tpu.pipeline_mode<synchronous>, transform_indices = @transform_5, window_bounds = array<i64: 1, 128>}, {pipeline_mode = #tpu.pipeline_mode<synchronous>, transform_indices = @transform_6, window_bounds = array<i64: 1, 1>}, {pipeline_mode = #tpu.pipeline_mode<synchronous>, transform_indices = @transform_7, window_bounds = array<i64: 1, 128>}, {pipeline_mode = #tpu.pipeline_mode<synchronous>, transform_indices = @transform_8, window_bounds = array<i64: 1, 128>}, {transform_indices = @transform_9, window_bounds = array<i64: 1000, 128>}]} {
    %get3A = arith.constant 0 : index
    %get3A_0 = arith.constant 0 : index
    %get3A_1 = arith.constant 0 : index
    %get3A_2 = vector.load %arg1[%get3A, %get3A_0, %get3A_1] : memref<2x1000x128xf32, #tpu.memory_space<vmem>>, vector<1x1000x128xf32>
    %get3A_3 = vector.shape_cast %get3A_2 : vector<1x1000x128xf32> to vector<1000x128xf32>
    %get3A_4 = arith.constant 1 : index
    %get3A_5 = arith.constant 0 : index
    %get3A_6 = arith.constant 0 : index
    %get3A_7 = vector.load %arg1[%get3A_4, %get3A_5, %get3A_6] : memref<2x1000x128xf32, #tpu.memory_space<vmem>>, vector<1x1000x128xf32>
    %get3A_8 = vector.shape_cast %get3A_7 : vector<1x1000x128xf32> to vector<1000x128xf32>
    %add3A = arith.addf %get3A_3, %get3A_8 : vector<1000x128xf32>
    %get3A_9 = arith.constant 0 : index
    %get3A_10 = arith.constant 0 : index
    %get3A_11 = arith.constant 0 : index
    %get3A_12 = vector.load %arg2[%get3A_9, %get3A_10, %get3A_11] : memref<2x1000x8xf32, #tpu.memory_space<vmem>>, vector<1x1000x8xf32>
    %get3A_13 = vector.shape_cast %get3A_12 : vector<1x1000x8xf32> to vector<1000x8xf32>
    %get3A_14 = arith.constant 1 : index
    %get3A_15 = arith.constant 0 : index
    %get3A_16 = arith.constant 0 : index
    %get3A_17 = vector.load %arg2[%get3A_14, %get3A_15, %get3A_16] : memref<2x1000x8xf32, #tpu.memory_space<vmem>>, vector<1x1000x8xf32>
    %get3A_18 = vector.shape_cast %get3A_17 : vector<1x1000x8xf32> to vector<1000x8xf32>
    %add3A_19 = arith.addf %get3A_13, %get3A_18 : vector<1000x8xf32>
    %get3A_20 = arith.constant 0 : index
    %get3A_21 = arith.constant 0 : index
    %get3A_22 = vector.load %arg4[%get3A_20, %get3A_21] : memref<8x128xf32, #tpu.memory_space<vmem>>, vector<8x128xf32>
    %dot_general3A = arith.constant dense<0.000000e+00> : vector<1000x128xf32>
    %dot_general3A_23 = tpu.matmul %add3A_19, %get3A_22, %dot_general3A {dimension_numbers = #tpu.dot_dimension_numbers<[1], [0], [0], [1], [0, 0, 1, 1], [], []>, transpose_lhs_hint = false} : vector<1000x8xf32>, vector<8x128xf32>, vector<1000x128xf32> -> vector<1000x128xf32>
    %add3A_24 = arith.constant 9.99999971E-10 : f32
    %add3A_25 = vector.broadcast %add3A_24 : f32 to vector<1000x128xf32>
    %add3A_26 = arith.addf %dot_general3A_23, %add3A_25 : vector<1000x128xf32>
    %div3A = arith.divf %add3A, %add3A_26 : vector<1000x128xf32>
    %get3A_27 = arith.constant 0 : index
    %get3A_28 = arith.constant 0 : index
    %get3A_29 = vector.load %arg5[%get3A_27, %get3A_28] : memref<128x128xf32, #tpu.memory_space<vmem>>, vector<128x128xf32>
    %dot_general3A_30 = arith.constant dense<0.000000e+00> : vector<1000x128xf32>
    %dot_general3A_31 = tpu.matmul %div3A, %get3A_29, %dot_general3A_30 {dimension_numbers = #tpu.dot_dimension_numbers<[1], [0], [0], [1], [0, 0, 1, 1], [], []>, transpose_lhs_hint = false} : vector<1000x128xf32>, vector<128x128xf32>, vector<1000x128xf32> -> vector<1000x128xf32>
    %get3A_32 = arith.constant 0 : index
    %get3A_33 = arith.constant 0 : index
    %get3A_34 = vector.load %arg6[%get3A_32, %get3A_33] : memref<1x128xf32, #tpu.memory_space<vmem>>, vector<1x128xf32>
    %add3A_35 = vector.broadcast %get3A_34 : vector<1x128xf32> to vector<1000x128xf32>
    %add3A_36 = arith.addf %dot_general3A_31, %add3A_35 : vector<1000x128xf32>
    %get3A_37 = arith.constant 0 : index
    %get3A_38 = arith.constant 0 : index
    %get3A_39 = vector.load %arg7[%get3A_37, %get3A_38] : memref<1x1xf32, #tpu.memory_space<vmem>>, vector<1x1xf32>
    %neg3A = arith.constant 0.000000e+00 : f32
    %neg3A_40 = vector.broadcast %neg3A : f32 to vector<1x1xf32>
    %neg3A_41 = arith.subf %neg3A_40, %get3A_39 : vector<1x1xf32>
    %exp3A = math.exp %neg3A_41 : vector<1x1xf32>
    %add3A_42 = arith.constant 1.000000e+00 : f32
    %add3A_43 = vector.broadcast %add3A_42 : f32 to vector<1x1xf32>
    %add3A_44 = arith.addf %add3A_43, %exp3A : vector<1x1xf32>
    %div3A_45 = arith.constant 1.000000e+00 : f32
    %div3A_46 = vector.broadcast %div3A_45 : f32 to vector<1x1xf32>
    %div3A_47 = arith.divf %div3A_46, %add3A_44 : vector<1x1xf32>
    %mul3A = vector.broadcast %div3A_47 : vector<1x1xf32> to vector<1000x128xf32>
    %mul3A_48 = arith.mulf %add3A_36, %mul3A : vector<1000x128xf32>
    %get3A_49 = arith.constant 0 : index
    %get3A_50 = arith.constant 0 : index
    %get3A_51 = vector.load %arg3[%get3A_49, %get3A_50] : memref<1000x128xf32, #tpu.memory_space<vmem>>, vector<1000x128xf32>
    %sub3A = arith.constant 1.000000e+00 : f32
    %sub3A_52 = vector.broadcast %sub3A : f32 to vector<1x1xf32>
    %sub3A_53 = arith.subf %sub3A_52, %div3A_47 : vector<1x1xf32>
    %mul3A_54 = vector.broadcast %sub3A_53 : vector<1x1xf32> to vector<1000x128xf32>
    %mul3A_55 = arith.mulf %get3A_51, %mul3A_54 : vector<1000x128xf32>
    %add3A_56 = arith.addf %mul3A_48, %mul3A_55 : vector<1000x128xf32>
    %reduce_sum3A = arith.constant dense<0.000000e+00> : vector<1000xf32>
    %reduce_sum3A_57 = vector.multi_reduction <add>, %add3A_56, %reduce_sum3A [1] : vector<1000x128xf32> to vector<1000xf32>
    %broadcast_in_dim3A = vector.shape_cast %reduce_sum3A_57 : vector<1000xf32> to vector<1000x1xf32>
    %div3A_58 = arith.constant 1.280000e+02 : f32
    %div3A_59 = vector.broadcast %div3A_58 : f32 to vector<1000x1xf32>
    %div3A_60 = arith.divf %broadcast_in_dim3A, %div3A_59 : vector<1000x1xf32>
    %sub3A_61 = vector.broadcast %div3A_60 : vector<1000x1xf32> to vector<1000x128xf32>
    %sub3A_62 = arith.subf %add3A_56, %sub3A_61 : vector<1000x128xf32>
    %mul3A_63 = arith.mulf %sub3A_62, %sub3A_62 : vector<1000x128xf32>
    %reduce_sum3A_64 = arith.constant dense<0.000000e+00> : vector<1000xf32>
    %reduce_sum3A_65 = vector.multi_reduction <add>, %mul3A_63, %reduce_sum3A_64 [1] : vector<1000x128xf32> to vector<1000xf32>
    %broadcast_in_dim3A_66 = vector.shape_cast %reduce_sum3A_65 : vector<1000xf32> to vector<1000x1xf32>
    %div3A_67 = arith.constant 1.280000e+02 : f32
    %div3A_68 = vector.broadcast %div3A_67 : f32 to vector<1000x1xf32>
    %div3A_69 = arith.divf %broadcast_in_dim3A_66, %div3A_68 : vector<1000x1xf32>
    %add3A_70 = arith.constant 9.99999974E-6 : f32
    %add3A_71 = vector.broadcast %add3A_70 : f32 to vector<1000x1xf32>
    %add3A_72 = arith.addf %div3A_69, %add3A_71 : vector<1000x1xf32>
    %rsqrt3A = math.rsqrt %add3A_72 : vector<1000x1xf32>
    %mul3A_73 = vector.broadcast %rsqrt3A : vector<1000x1xf32> to vector<1000x128xf32>
    %mul3A_74 = arith.mulf %sub3A_62, %mul3A_73 : vector<1000x128xf32>
    %get3A_75 = arith.constant 0 : index
    %get3A_76 = arith.constant 0 : index
    %get3A_77 = vector.load %arg8[%get3A_75, %get3A_76] : memref<1x128xf32, #tpu.memory_space<vmem>>, vector<1x128xf32>
    %mul3A_78 = vector.broadcast %get3A_77 : vector<1x128xf32> to vector<1000x128xf32>
    %mul3A_79 = arith.mulf %mul3A_74, %mul3A_78 : vector<1000x128xf32>
    %get3A_80 = arith.constant 0 : index
    %get3A_81 = arith.constant 0 : index
    %get3A_82 = vector.load %arg9[%get3A_80, %get3A_81] : memref<1x128xf32, #tpu.memory_space<vmem>>, vector<1x128xf32>
    %add3A_83 = vector.broadcast %get3A_82 : vector<1x128xf32> to vector<1000x128xf32>
    %add3A_84 = arith.addf %mul3A_79, %add3A_83 : vector<1000x128xf32>
    %swap3A = arith.constant 0 : index
    %swap3A_85 = arith.constant 0 : index
    %swap3A_86 = vector.load %arg10[%swap3A, %swap3A_85] : memref<1000x128xf32, #tpu.memory_space<vmem>>, vector<1000x128xf32>
    tpu.vector_store %arg10[%swap3A, %swap3A_85], %add3A_84 {strides = array<i32>} : memref<1000x128xf32, #tpu.memory_space<vmem>>, vector<1000x128xf32>,
    return
  }
  func.func @transform_0(%arg0: i32) -> (i32, i32, i32) {
    %c0_i32 = arith.constant 0 : i32
    %c0_i32_0 = arith.constant 0 : i32
    %c0_i32_1 = arith.constant 0 : i32
    return %c0_i32, %arg0, %c0_i32_0 : i32, i32, i32
  }
  func.func @transform_1(%arg0: i32) -> (i32, i32, i32) {
    %c0_i32 = arith.constant 0 : i32
    %c0_i32_0 = arith.constant 0 : i32
    %c0_i32_1 = arith.constant 0 : i32
    return %c0_i32, %arg0, %c0_i32_0 : i32, i32, i32
  }
  func.func @transform_2(%arg0: i32) -> (i32, i32) {
    %c0_i32 = arith.constant 0 : i32
    %c0_i32_0 = arith.constant 0 : i32
    return %arg0, %c0_i32 : i32, i32
  }
  func.func @transform_3(%arg0: i32) -> (i32, i32) {
    %c0_i32 = arith.constant 0 : i32
    %c0_i32_0 = arith.constant 0 : i32
    %c0_i32_1 = arith.constant 0 : i32
    return %c0_i32, %c0_i32_0 : i32, i32
  }
  func.func @transform_4(%arg0: i32) -> (i32, i32) {
    %c0_i32 = arith.constant 0 : i32
    %c0_i32_0 = arith.constant 0 : i32
    %c0_i32_1 = arith.constant 0 : i32
    return %c0_i32, %c0_i32_0 : i32, i32
  }
  func.func @transform_5(%arg0: i32) -> (i32, i32) {
    %c0_i32 = arith.constant 0 : i32
    %c0_i32_0 = arith.constant 0 : i32
    %c0_i32_1 = arith.constant 0 : i32
    return %c0_i32, %c0_i32_0 : i32, i32
  }
  func.func @transform_6(%arg0: i32) -> (i32, i32) {
    %c0_i32 = arith.constant 0 : i32
    %c0_i32_0 = arith.constant 0 : i32
    %c0_i32_1 = arith.constant 0 : i32
    return %c0_i32, %c0_i32_0 : i32, i32
  }
  func.func @transform_7(%arg0: i32) -> (i32, i32) {
    %c0_i32 = arith.constant 0 : i32
    %c0_i32_0 = arith.constant 0 : i32
    %c0_i32_1 = arith.constant 0 : i32
    return %c0_i32, %c0_i32_0 : i32, i32
  }
  func.func @transform_8(%arg0: i32) -> (i32, i32) {
    %c0_i32 = arith.constant 0 : i32
    %c0_i32_0 = arith.constant 0 : i32
    %c0_i32_1 = arith.constant 0 : i32
    return %c0_i32, %c0_i32_0 : i32, i32
  }
  func.func @transform_9(%arg0: i32) -> (i32, i32) {
    %c0_i32 = arith.constant 0 : i32
    %c0_i32_0 = arith.constant 0 : i32
    return %arg0, %c0_i32 : i32, i32
  }
}

</mosaic_0001>

<sc_bundles>
// kernel: kernel.5.cloned.1.call-start
scs
__scs_entry_jumppad:
0x0: {  	(pc) =	sbr.rel $0x88, $3  }
0x1: {  	(tag) =	ssettag $0x0;
	lr =	simm.s32 $0x1  }
0x2: {  	[smem:$0x3F91] =	sst lr;
	_ =	strace $0xD0000000  }
0x3: {  	_ = 	snop  }
0x4: {  	_ = 	snop  }
0x5: {  	_ = 	snop  }
0x6: {  	_ = 	snop  }
0x7: {  	_ = 	snop  }
__scs_overlays_trampoline_lowered:
0x8: {  	[smem:$0x3FA0] =	sst s0  }
0x9: {  	[smem:$0x3FA1] =	sst s1  }
0xa: {  	[smem:$0x3FA2] =	sst s2  }
0xb: {  	[smem:$0x3FA3] =	sst s3  }
0xc: {  	[smem:$0x3FA4] =	sst s4  }
0xd: {  	[smem:$0x3FA5] =	sst s5  }
0xe: {  	[smem:$0x3FA6] =	sst s6  }
0xf: {  	[smem:$0x3FA7] =	sst s7  }
0x10: {  	[smem:$0x3FA8] =	sst s8  }
0x11: {  	[smem:$0x3FA9] =	sst s9;
	s0 =	simm.s32 @!p0 $0x0  }
0x12: {  	s1 =	sld [smem:$0x3F8F];
	s0 =	simm.s32 @p0 $0x1  }
0x13: {  	[smem:$0x3FAA] =	sst s0;
	s0 =	simm.s32 @!p1 $0x0  }
0x14: {  	s2 =	sld [smem:$0x3F8E];
	s0 =	simm.s32 @p1 $0x1  }
0x15: {  	[smem:$0x3FAB] =	sst s0;
	s0 =	simm.s32 @!p2 $0x0  }
0x16: {  	s3 =	sld [smem:$0x3FDB];
	s0 =	simm.s32 @p2 $0x1  }
0x17: {  	s4 =	simm.s32 $0x1BF5;
	[smem:$0x3FAD] =	sst s0  }
0x18: {  	s0 =	sld [smem:$0x3F90];
	_ =	swait.ge [sflag:s4], $0x0  }
0x19: {  	s7 =	sld [smem:$0x3F91]  }
0x1a: {  	s8 =	sadd.s32 $0xFFFFE003, lr  }
0x1b: {  	s9 =	sadd.s32 $0xFFFFFEF7, lr;
	s5 =	simm.s32 $0xFFFFFFFF;
	p2 =	slt.u32 s8, $0xFFFFF086  }
0x1c: {  	p1 =	slt.u32 s9, $0xF7A;
	s5 =	simm.s32 @!p2 $0x0  }
0x1d: {  	s5 =	simm.s32 @p1 $0x1;
	p0 =	seq.s32 s7, s2  }
0x1e: {  	s7 =	smul.u32 @!p0 $0xF7A, s2;
	p2 =	seq.s32 @!p0 s5, $0x0  }
0x1f: {  	s9 =	smul.u32 $0xF7A, s1;
	s8 =	simm.s32 @!p0 $0x1BF5;
	p2 =	por !p2, p0  }
0x20: {  	[sflag:s8] =	ssyncset.s32 @!p0 $0xFFFFF086;
	s6 =	sadd.s32 @!p0 s3, s7;
	s7 =	simm.s32 @!p0 $0x108  }
0x21: {  	s3 =	sadd.s32 s3, s9;
	s6 =	sadd.s32 @!p0 $0x88, s6;
	s7 =	simm.s32 @p2 $0x1082  }
0x22: {  	[simem:s7], [sflag:s8] =	dma.local @!p0 [hbm:s6], $0xF7A  }
0x23: {  	s9 =	sor.u32 $0xD0000000, s2;
	s6 =	simm.s32 $0x108;
	_ =	swait.ge @!p0 [sflag:s8], $0x0  }
0x24: {  	s3 =	sadd.s32 $0x88, s3;
	s6 =	simm.s32 @!p1 $0x1082;
	[sflag:s4] =	ssyncset.s32 $0xFFFFF086  }
0x25: {  	[simem:s6], [sflag:s4] =	dma.local [hbm:s3], $0xF7A  }
0x26: {  	[smem:$0x3F91] =	sst s1;
	(tag) =	ssettag s2;
	_ =	strace s9  }
0x27: {  	s1 =	sld [smem:$0x3FA1]  }
0x28: {  	s2 =	sld [smem:$0x3FA2]  }
0x29: {  	s4 =	sld [smem:$0x3FA4]  }
0x2a: {  	p0 =	seq.s32 s5, $0x0;
	s5 =	sld [smem:$0x3FA5]  }
0x2b: {  	s6 =	sld [smem:$0x3FA6]  }
0x2c: {  	s7 =	sld [smem:$0x3FA7]  }
0x2d: {  	s3 =	simm.s32 $0x108;
	s8 =	sld [smem:$0x3FA8]  }
0x2e: {  	s3 =	simm.s32 @!p0 $0x1082;
	s9 =	sld [smem:$0x3FA9]  }
0x2f: {  	lr =	sadd.s32 s0, s3;
	s0 =	sld [smem:$0x3FA0]  }
0x30: {  	s3 =	sld [smem:$0x3FA3]  }
0x31: {  	[smem:$0x3FAC] =	sst s10  }
0x32: {  	s10 =	sld [smem:$0x3FAA];
	_ =	sdelay $0x3  }
0x33: {  	p0 =	seq.s32 s10, $0x1;
	s10 =	sld [smem:$0x3FAC];
	_ =	sdelay $0x3  }
0x34: {  	[smem:$0x3FAC] =	sst s10  }
0x35: {  	s10 =	sld [smem:$0x3FAB];
	_ =	sdelay $0x3  }
0x36: {  	p1 =	seq.s32 s10, $0x1;
	s10 =	sld [smem:$0x3FAC];
	_ =	sdelay $0x3  }
0x37: {  	[smem:$0x3FAC] =	sst s10  }
0x38: {  	s10 =	sld [smem:$0x3FAD]  }
0x39: {  	_ = 	snop;
	(pc) =	sbr.ind lr, $3  }
0x3a: {  	_ = 	snop  }
0x3b: {  	_ = 	snop  }
0x3c: {  	p2 =	seq.s32 s10, $0x1;
	s10 =	sld [smem:$0x3FAC]  }
0x3d: {  	_ =	shalt  }
0x3e: {  	_ =	shalt  }
0x3f: {  	_ =	shalt  }
0x40: {  	_ =	shalt  }
0x41: {  	_ =	shalt  }
0x42: {  	_ =	shalt  }
0x43: {  	_ =	shalt  }
0x44: {  	_ =	shalt  }
0x45: {  	_ =	shalt  }
0x46: {  	_ =	shalt  }
0x47: {  	_ =	shalt  }
0x48: {  	_ =	shalt  }
0x49: {  	_ =	shalt  }
0x4a: {  	_ =	shalt  }
0x4b: {  	_ =	shalt  }
0x4c: {  	_ =	shalt  }
0x4d: {  	_ =	shalt  }
0x4e: {  	_ =	shalt  }
0x4f: {  	_ =	shalt  }
0x50: {  	_ =	shalt  }
0x51: {  	_ =	shalt  }
0x52: {  	_ =	shalt  }
0x53: {  	_ =	shalt  }
0x54: {  	_ =	shalt  }
0x55: {  	_ =	shalt  }
0x56: {  	_ =	shalt  }
0x57: {  	_ =	shalt  }
0x58: {  	_ =	shalt  }
0x59: {  	_ =	shalt  }
0x5a: {  	_ =	shalt  }
0x5b: {  	_ =	shalt  }
0x5c: {  	_ =	shalt  }
0x5d: {  	_ =	shalt  }
0x5e: {  	_ =	shalt  }
0x5f: {  	_ =	shalt  }
0x60: {  	_ =	shalt  }
0x61: {  	_ =	shalt  }
0x62: {  	_ =	shalt  }
0x63: {  	_ =	shalt  }
0x64: {  	_ =	shalt  }
0x65: {  	_ =	shalt  }
0x66: {  	_ =	shalt  }
0x67: {  	_ =	shalt  }
0x68: {  	_ =	shalt  }
0x69: {  	_ =	shalt  }
0x6a: {  	_ =	shalt  }
0x6b: {  	_ =	shalt  }
0x6c: {  	_ =	shalt  }
0x6d: {  	_ =	shalt  }
0x6e: {  	_ =	shalt  }
0x6f: {  	_ =	shalt  }
0x70: {  	_ =	shalt  }
0x71: {  	_ =	shalt  }
0x72: {  	_ =	shalt  }
0x73: {  	_ =	shalt  }
0x74: {  	_ =	shalt  }
0x75: {  	_ =	shalt  }
0x76: {  	_ =	shalt  }
0x77: {  	_ =	shalt  }
0x78: {  	_ =	shalt  }
0x79: {  	_ =	shalt  }
0x7a: {  	_ =	shalt  }
0x7b: {  	_ =	shalt  }
0x7c: {  	_ =	shalt  }
0x7d: {  	_ =	shalt  }
0x7e: {  	_ =	shalt  }
0x7f: {  	_ =	shalt  }
0x80: {  	_ =	shalt  }
0x81: {  	_ =	shalt  }
0x82: {  	_ =	shalt  }
0x83: {  	_ =	shalt  }
0x84: {  	_ =	shalt  }
0x85: {  	_ =	shalt  }
0x86: {  	_ =	shalt  }
0x87: {  	_ =	shalt  }
.Lfunc_end0:
.L_simem_size_0:
called_computation_lowered:
.L_overlay_start_0:
0x88: {  	s2 =	sld [smem:$0x3FD9]  }
0x89: {  	s3 =	sld [smem:$0x3FFE];
	_ =	sdelay $0x1  }
0x8a: {  	s1 =	srdreg.scid  }
0x8b: {  	s0 =	sand.u32 $0x1, s1  }
0x8c: {  	s17 =	sshll.u32 s0, $0xA;
	s2 =	sadd.s32 s3, s2  }
0x8d: {  	s2 =	sadd.s32 s2, s17  }
0x8e: {  	[smem:$0x3FB8] =	sst s2  }
0x8f: {  	_ = 	snop  }
0x90: {  	s2 =	sld [smem:$0x3FD0];
	(tm) =	ssettm $0x1  }
0x91: {  	s18 =	sld [smem:$0x3FFB];
	_ =	sdelay $0x3  }
0x92: {  	_ =	strace s18  }
0x93: {  	s3 =	sld [smem:$0x3FFC];
	_ =	sdelay $0x3  }
0x94: {  	_ =	strace s3  }
0x95: {  	s3 =	sld [smem:$0x3FFD];
	_ =	sdelay $0x3  }
0x96: {  	_ =	strace s3  }
0x97: {  	_ =	strace $0x8FFFFFFF  }
0x98: {  	s19 =	sld [smem:$0x3FDB];
	_ =	sdelay $0x1  }
0x99: {  	s4 =	simm.s32 $_scs_section_size  }
0x9a: {  	s5 =	simm.s32 $_size__tile_overlayer_lowered;
	s6 =	simm.s32 $_tile_overlayer_lowered  }
0x9b: {  	s22 =	simm.s32 $0x1BFF;
	s21 =	sshll.u32 s6, $0x1;
	s3 =	sadd.s32 s4, s19  }
0x9c: {  	s7 =	simm.s32 $0x0;
	s20 =	sshll.u32 s5, $0x1;
	s5 =	sadd.s32 s21, s3  }
0x9d: {  	[timem:s7], [sflag:s22] =	dma.local [hbm:s5], s20  }
0x9e: {  	_ =	swait.ge [sflag:s22], s20  }
0x9f: {  	s4 =	ssub.s32 $0x0, s20;
	[sflag:s22] =	ssyncset.done $0x0  }
0xa0: {  	[sflag:s22] =	ssyncadd.s32 s4;
	_ =	sdelay $0x1  }
0xa1: {  	s23 =	simm.s32 $0x1B8B  }
0xa2: {  	_ =	swait.ge [sflag:s23], $0x1  }
0xa3: {  	[sflag:s23] =	ssyncset.done $0x0  }
0xa4: {  	s25 =	simm.s32 $0x1B8E;
	s24 =	sld [smem:$0x3FFE];
	[sflag:s23] =	ssyncadd.s32 $0xFFFFFFFF  }
0xa5: {  	s26 =	simm.s32 $execute0_lowered;
	[smem:$0x3FD2] =	sst s25  }
0xa6: {  	s5 =	sshll.u32 s26, $0x1;
	_ =	strace $0x80000046;
	[dreg:$0x1] =	wrdreg $0xFFFFFFFF  }
0xa7: {  	s28 =	simm.s32 $_size_execute0_lowered;
	s3 =	sadd.s32 s3, s5;
	[dreg:$0x0] =	wrdreg $0x0  }
0xa8: {  	s5 =	sshll.u32 s28, $0x1;
	[dreg:$0x2] =	wrdreg s3  }
0xa9: {  	[dreg:$0x3] =	wrdreg s5  }
0xaa: {  	[dreg:$0x4] =	wrdreg $0xC0  }
0xab: {  	_ =	task [dreg:s7], $0x5FFFF  }
0xac: {  	[dreg:$0x1] =	wrdreg $0xFFFFFFFF  }
0xad: {  	[dreg:$0x0] =	wrdreg $0x60  }
0xae: {  	[dreg:$0x2] =	wrdreg s2  }
0xaf: {  	[dreg:$0x3] =	wrdreg s24  }
0xb0: {  	[dreg:$0x4] =	wrdreg $0x45000  }
0xb1: {  	[dreg:$0x5] =	wrdreg $0x185000  }
0xb2: {  	[dreg:$0x6] =	wrdreg $0x9  }
0xb3: {  	_ =	task.clear_ibuf [dreg:s7], $0x7FFFF;
	_ =	strace $0x90000046  }
0xb4: {  	s29 =	simm.s32 $0x9;
	_ =	strace $0x80000048  }
0xb5: {  	_ =	swait.ge [sflag:s29], $0x1  }
0xb6: {  	[sflag:s29] =	ssyncadd.s32 $0xFFFFFFFF  }
0xb7: {  	_ =	strace $0x90000048  }
0xb8: {  	_ =	sfence  }
0xb9: {  	s30 =	sld [smem:$0x0];
	_ =	sdelay $0x2  }
0xba: {  	s31 =	sshll.u32 s1, $0xD;
	s1 =	sshrl.u32 s1, $0x2  }
0xbb: {  	s3 =	sand.u32 $0x4000, s31;
	s1 =	sadd.s32 s1, s30  }
0xbc: {  	s0 =	sor.u32 s3, s0;
	s1 =	sshll.u32 s1, $0x11  }
0xbd: {  	s0 =	sor.u32 s1, s0  }
0xbe: {  	s0 =	sadd.s32 $0x8F2B, s0  }
0xbf: {  	[sflag:s0] =	ssyncadd.remote.s32 $0x1  }
0xc0: {  	_ =	sfence.sel $0xFFFF  }
0xc1: {  	[dreg:$0x0] =	wrdreg $0xFFFFFFFF;
	(pc) =	sbr.abs _section_cstart, $3  }
0xc2: {  	[dreg:$0x1] =	wrdreg $0xFFFFFFFF  }
0xc3: {  	_ =	task.clear_ibuf [dreg:s7], $0x2FFFF;
	_ =	strace $0x9FFFFFFF  }
0xc4: {  	(tm) =	ssettm $0x7FFFFFFF  }
0xc5: {  	_ =	shalt  }
tec
execute0_lowered:
.L_overlay_start_1:
0x0: {  	(tag) =	ssettag $0x1  }
0x1: {  	s1 =	rddreg [dreg:$0x0]  }
0x2: {  	s0 =	rddreg [dreg:$0x1]  }
0x3: {  	s3 =	rddreg [dreg:$0x2]  }
0x4: {  	s4 =	rddreg [dreg:$0x3];
	s17 =	stileid.u32;
	s5 =	simm.s32 $0x0  }
0x5: {  	s6 =	srdreg.scid;
	s28 =	simm.s32 $0x2300;
	s29 =	simm.s32 $0x1  }
0x6: {  	s30 =	simm.s32 $0x180;
	s31 =	simm.s32 $0x980;
	s2 =	smul.u32 $0x2800, s17  }
0x7: {  	[smem:$0x7FF] =	sst s5;
	s9 =	smul.u32 $0x1400, s17;
	s10 =	sand.u32 $0x1, s6  }
0x8: {  	s6 =	sadd.s32 $0x15A00, s0;
	s7 =	sadd.s32 $0xBC00, s0;
	s15 =	smul.u32 $0x50000, s17  }
0x9: {  	s8 =	sadd.s32 $0x1E00, s0;
	s22 =	sshll.u32 s17, $0x6;
	s11 =	smul.u32 $0x28000, s10  }
0xa: {  	_ =	strace $0x80000047;
	s12 =	smul.u32 $0x14000, s10;
	s19 =	sshll.u32 s10, $0x4  }
0xb: {  	s20 =	ssub.s32 $0x2, s10;
	s13 =	sadd.s32 s2, s0;
	s14 =	sshrl.u32 s9, $0x3  }
0xc: {  	s16 =	sshrl.u32 s20, $0x1;
	s15 =	sshrl.u32 s15, $0x2;
	s2 =	sadd.s32 s2, s11  }
0xd: {  	s14 =	sadd.s32 s14, s0;
	s18 =	sadd.s32 s9, s12;
	s21 =	sadd.s32 s15, s3  }
0xe: {  	s12 =	sor.u32 s17, s19;
	s13 =	sadd.s32 $0x63C00, s13;
	[dreg:$0xc] =	wrdreg s21  }
0xf: {  	v0 =	vlaneseq.u32;
	v45 =	vimm.s32 $0xFEDCBA98;
	v2 =	vimm.s32 $0x76543210;
	s16 =	ssub.s32 s20, s16;
	s9 =	sadd.s32 s9, s4;
	[dreg:$0xd] =	wrdreg s13  }
0x10: {  	vm0 =	vmmov $0xffff;
	v3 =	vimm.s32 $0xBA98FEDC;
	v4 =	vimm.s32 $0x32107654;
	s19 =	sor.u32 $0x1C07, s22;
	s15 =	simm.s32 $0x2400;
	[dreg:$0xf] =	wrdreg s9  }
0x11: {  	vm1 =	vmmov $0xff;
	vm2 =	vcmask $0x2F20;
	v50 =	vimm.s32 $0xDCFE98BA;
	s20 =	simm.s32 $0x3400;
	s22 =	simm.s32 $0x2380;
	[dreg:$0x5] =	wrdreg s15  }
0x12: {  	vm3 =	vcmask $0xF00;
	v51 =	vimm.s32 $0x54761032;
	v52 =	vimm.s32 $0xEFCDAB89;
	s2 =	sadd.s32 s2, s0;
	s12 =	smul.u32 $0x2710, s12;
	[dreg:$0x7] =	wrdreg s20  }
0x13: {  	v5 =	vimm.s32 $0x67452301;
	vm4 =	vcmask $0x700;
	v55 =	vimm.s32 $0xE6A2C480;
	s11 =	sshrl.u32 s18, $0x3;
	s13 =	smul.u32 $0x27100, s10;
	[dreg:$0x8] =	wrdreg s22  }
0x14: {  	v26 =	vimm.s32 $0x0;
	v29 =	vimm.s32 $0xC;
	v1 =	vand.u32 $0x7, v0;
	s23 =	sadd.s32 $0x8BC00, s14;
	s14 =	smul.u32 $0x2710, s17;
	[dreg:$0xe] =	wrdreg s19  }
0x15: {  	v30 =	vimm.s32 $0x2;
	v7 =	vshrl.u32 v0, $0x3;
	v2 =	vunpack.c.l.s4.s8 v2;
	[tilespmem:$0x1FF00] =	vst v1;
	s17 =	smax.u32 s16, $0x1;
	s18 =	simm.s32 $0x2C00;
	[dreg:$0x10] =	wrdreg s23  }
0x16: {  	v3 =	vunpack.c.l.s4.s8 v3;
	v4 =	vunpack.c.l.s4.s8 v4;
	v9 =	vor.u32 $0x8, v0;
	[tilespmem:$0x1FF40] =	vst v7;
	s10 =	simm.s32 $0x100;
	s15 =	simm.s32 $0x5;
	[dreg:$0x17] =	wrdreg s17  }
0x17: {  	v5 =	vunpack.c.l.s4.s8 v5;
	v56 =	vunpack.c.l.s4.s8 v55;
	v57 =	vor.u32 $0x2, v7;
	[tilespmem:$0x1FFB0] =	vst v9;
	s16 =	simm.s32 $0x3;
	s2 =	sadd.s32 $0x93400, s2;
	[dreg:$0x6] =	wrdreg s18  }
0x18: {  	v8 =	vmul.u32 $0x8, v7;
	v1 =	vunpack.c.l.s4.s8 v45;
	v58 =	vor.u32 $0x4, v7;
	[tilespmem:$0x1FF10] =	vst v57;
	s0 =	sadd.s32 s11, s0;
	s23 =	simm.s32 $0x3C00;
	[dreg:$0x15] =	wrdreg s2  }
0x19: {  	v59 =	vor.u32 $0x6, v7;
	v60 =	vor.u32 $0x8, v7;
	v61 =	vor.u32 $0xA, v7;
	[tilespmem:$0x1FF20] =	vst v58;
	s12 =	sshrl.u32 s12, $0x3;
	s0 =	sadd.s32 $0x8E400, s0;
	[dreg:$0x9] =	wrdreg s23  }
0x1a: {  	v62 =	vor.u32 $0xC, v7;
	v63 =	vor.u32 $0xE, v7;
	[tilespmem:$0x1FF30] =	vst v59;
	v1 =	vunpack.c.0.s8.s32 v1;
	s17 =	simm.s32 $0x7;
	s25 =	sadd.s32 s7, s12;
	[dreg:$0x16] =	wrdreg s0  }
0x1b: {  	v46 =	vunpack.c.0.s8.s32 v2;
	v47 =	vunpack.c.0.s8.s32 v3;
	v48 =	vunpack.c.0.s8.s32 v4;
	[tilespmem:$0x1FFC0] =	vst v60;
	s24 =	sadd.s32 $0x2, s12;
	s26 =	sadd.s32 s8, s12;
	[dreg:$0x11] =	wrdreg s25  }
0x1c: {  	v2 =	vunpack.c.l.s4.s8 v51;
	v3 =	vunpack.c.l.s4.s8 v52;
	[tilespmem:$0x1FFD0] =	vst v61;
	v1 =	vand.u32 $0xF, v1;
	s18 =	simm.s32 $0x0;
	[dreg:$0x12] =	wrdreg s26;
	s12 =	sadd.s32 s7, s24  }
0x1d: {  	v0 =	vunpack.c.0.s8.s32 v56;
	[tilespmem:$0x1FFE0] =	vst v62;
	v23 =	vcombine.low v1, v46;
	v1 =	vunpack.c.l.s4.s8 v50;
	s2 =	simm.s32 $0x1180;
	s9 =	sadd.s32 s8, s24;
	[dreg:$0x13] =	wrdreg s12  }
0x1e: {  	v6 =	vunpack.c.0.s8.s32 v5;
	[tilespmem:$0x1FFF0] =	vst v63;
	v49 =	vcombine.low v48, v47;
	v3 =	vunpack.c.0.s8.s32 v3;
	s0 =	sadd.s32 s14, s13;
	s25 =	simm.s32 $0x4480;
	[dreg:$0x14] =	wrdreg s9  }
0x1f: {  	[tilespmem:$0x1FFA0] =	vst v8;
	v2 =	vunpack.c.0.s8.s32 v2;
	v34 =	vand.u32 $0xF, v0;
	s21 =	sadd.s32 $0x30, s0;
	v1 =	vunpack.c.0.s8.s32 v1;
	s0 =	sadd.s32 $0x20, s0;
	[dreg:$0xa] =	wrdreg s25  }
0x20: {  	v31 =	vimm.s32 $0xA;
	[tilespmem:$0x1FF90] =	vst v34;
	v22 =	vand.u32 $0xF, v49;
	v54 =	vcombine.low v6, v3;
	s13 =	simm.s32 $0x2200;
	s26 =	simm.s32 $0x4400;
	[dreg:$0x1a] =	wrdreg s0  }
0x21: {  	vm2 =	vmor vm3, vm2;
	vm3 =	vcmask $0x1710;
	s14 =	simm.s32 $0x2180;
	[tilespmem:$0x1FF60] =	vst v22;
	s9 =	sshrl.u32 s21, $0x3;
	[dreg:$0xb] =	wrdreg s26;
	v53 =	vcombine.low v2, v1  }
0x22: {  	vm3 =	vmor vm4, vm3;
	vm4 =	vcmask $0x2720;
	v25 =	vand.u32 $0xF, v54;
	[tilespmem:$0x1FF50] =	vst v23;
	s25 =	simm.s32 $0x80;
	s0 =	simm.s32 $0x10;
	s24 =	sadd.s32 s9, s8  }
0x23: {  	vm3 =	vmor vm3, vm4;
	vm4 =	vcmask $0x3730;
	s26 =	simm.s32 $0x4;
	[tilespmem:$0x1FF80] =	vst v25;
	s9 =	sadd.s32 s9, s7;
	[dreg:$0x18] =	wrdreg s24;
	v24 =	vand.u32 $0xF, v53  }
0x24: {  	v32 =	vimm.s32 $0x6;
	v33 =	vimm.s32 $0xE;
	vm3 =	vmor vm3, vm4;
	s12 =	simm.s32 $0x1980;
	[dreg:$0x19] =	wrdreg s9;
	s9 =	simm.s32 $0x2;
	[tilespmem:$0x1FF70] =	vst v24  }
.LBB2_1:
0x25: {  	s11 =	rddreg [dreg:$0xc]  }
0x26: {  	s21 =	rddreg [dreg:$0xd];
	s20 =	sshrl.u32 s11, $0x3  }
0x27: {  	[dreg:$0x1b] =	wrdreg s20  }
0x28: {  	[spmem:s20], [sflag:s19] =	dma.local [hbm:s21], $0x2800  }
0x29: {  	_ =	swait.ge [sflag:s17], $0x2800  }
0x2a: {  	s22 =	rddreg [dreg:$0xf]  }
0x2b: {  	[sflag:s17] =	ssyncset.done $0x0;
	s24 =	rddreg [dreg:$0x10];
	s23 =	sshrl.u32 s22, $0x3  }
0x2c: {  	[sflag:s17] =	ssyncadd.s32 $0xFFFFD800;
	[dreg:$0x1c] =	wrdreg s23  }
0x2d: {  	[spmem:s23], [sflag:s19] =	dma.local [hbm:s24], $0x280  }
0x2e: {  	_ =	swait.ge [sflag:s17], $0x280  }
0x2f: {  	[sflag:s17] =	ssyncset.done $0x0  }
0x30: {  	[sflag:s17] =	ssyncadd.s32 $0xFFFFFD80  }
0x31: {  	[bflag:$0x0] =	sbarrier.arrive $0xFFFF  }
0x32: {  	s20 =	rddreg [dreg:$0x11]  }
0x33: {  	[tilespmem:s5], [sflag:$0x1] =	stream.linear.gather [hbm4b:s20+s5], $0x10, $0x38;
	[tilespmem:$0x19900] =	vst v63  }
0x34: {  	s21 =	rddreg [dreg:$0x12]  }
0x35: {  	[tilespmem:s25], [sflag:$0x1] =	stream.linear.gather [hbm4b:s21+s5], $0x10, $0x38;
	[tilespmem:$0x19900] =	vst v63  }
0x36: {  	s23 =	simm.s32 $0x2280;
	s22 =	rddreg [dreg:$0x13]  }
0x37: {  	[tilespmem:s23], [sflag:$0x4] =	stream.linear.gather [hbm4b:s22+s5], $0x10, $0x38;
	[tilespmem:$0x19900] =	vst v63  }
0x38: {  	s24 =	rddreg [dreg:$0x14]  }
0x39: {  	[tilespmem:s28], [sflag:$0x4] =	stream.linear.gather [hbm4b:s24+s5], $0x10, $0x38;
	[tilespmem:$0x19900] =	vst v63  }
0x3a: {  	_ =	swait.ge [sflag:s29], $0x10  }
0x3b: {  	[sflag:s29] =	ssyncset.done $0x0  }
0x3c: {  	[sflag:s29] =	ssyncadd.s32 $0xFFFFFFF0  }
0x3d: {  	_ =	swait.ge [sflag:s29], $0x10  }
0x3e: {  	[sflag:s29] =	ssyncset.done $0x0  }
0x3f: {  	[sflag:s29] =	ssyncadd.s32 $0xFFFFFFF0  }
0x40: {  	v0 =	vld [tilespmem:$0x0];
	_ =	sdelay $0x2  }
0x41: {  	v63 =	vld [tilespmem:$0x1FF00];
	_ =	sdelay $0x1  }
0x42: {  	v1 =	vshll.u32 v0, $0x1  }
0x43: {  	v0 =	vand.u32 $0x7, v0;
	v1 =	vand.u32 $0xFFFFFFF0, v1  }
0x44: {  	v0 =	vor.u32 v0, v1  }
0x45: {  	v1 =	vperm.xlane v0, v63;
	_ =	sdelay $0x1  }
0x46: {  	v0 =	vperm.xlane v0, v9;
	v1 =	vadd.s32 v8, v1;
	_ =	sdelay $0x1  }
0x47: {  	v0 =	vadd.s32 v8, v0;
	_ =	sdelay $0x1  }
0x48: {  	s23 =	rddreg [dreg:$0x1a]  }
0x49: {  	[tilespmem:s30], [sflag:$0x2] =	stream.indirect_vreg.gather [hbm4b:s6+s5], $0x80, v1, vm0, $0xb8;
	[tilespmem:$0x19900] =	vst v63  }
0x4a: {  	s22 =	rddreg [dreg:$0x19]  }
0x4b: {  	[tilespmem:s31], [sflag:$0x2] =	stream.indirect_vreg.gather [hbm4b:s6+s5], $0x80, v0, vm0, $0xb8;
	[tilespmem:$0x19900] =	vst v63  }
0x4c: {  	s19 =	simm.s32 $0x0;
	s21 =	rddreg [dreg:$0x18]  }
0x4d: {  	[tilespmem:s2], [sflag:$0x2] =	stream.indirect.gather [hbm4b:s1+s0], $0x80, s25, s0, $0xb8;
	[tilespmem:$0x19900] =	vst v63  }
.LBB2_2:
0x4e: {  	_ =	swait.ge [sflag:s26], $0x10  }
0x4f: {  	[sflag:s26] =	ssyncset.done $0x0  }
0x50: {  	[sflag:s26] =	ssyncadd.s32 $0xFFFFFFF0  }
0x51: {  	_ =	swait.ge [sflag:s26], $0x10  }
0x52: {  	[sflag:s26] =	ssyncset.done $0x0  }
0x53: {  	[sflag:s26] =	ssyncadd.s32 $0xFFFFFFF0  }
0x54: {  	v0 =	vld [tilespmem:$0x2280];
	_ =	sdelay $0x2  }
0x55: {  	v5 =	vld [tilespmem:$0x1FF00]  }
0x56: {  	v2 =	vld [tilespmem:$0x1FFA0]  }
0x57: {  	v3 =	vld [tilespmem:$0x1FFB0];
	v1 =	vshll.u32 v0, $0x1  }
0x58: {  	v0 =	vand.u32 $0x7, v0;
	v1 =	vand.u32 $0xFFFFFFF0, v1  }
0x59: {  	v0 =	vor.u32 v0, v1  }
0x5a: {  	v1 =	vperm.xlane v0, v5;
	_ =	sdelay $0x1  }
0x5b: {  	v0 =	vperm.xlane v0, v3;
	v1 =	vadd.s32 v2, v1;
	_ =	sdelay $0x1  }
0x5c: {  	v0 =	vadd.s32 v2, v0;
	_ =	sdelay $0x1  }
0x5d: {  	s20 =	rddreg [dreg:$0x5]  }
0x5e: {  	[tilespmem:s20], [sflag:$0x5] =	stream.indirect_vreg.gather [hbm4b:s6+s5], $0x80, v1, vm0, $0xb8;
	[tilespmem:$0x19900] =	vst v63  }
0x5f: {  	s17 =	rddreg [dreg:$0x6]  }
0x60: {  	[tilespmem:s17], [sflag:$0x5] =	stream.indirect_vreg.gather [hbm4b:s6+s5], $0x80, v0, vm0, $0xb8;
	[tilespmem:$0x19900] =	vst v63  }
0x61: {  	s24 =	rddreg [dreg:$0x7]  }
0x62: {  	[tilespmem:s24], [sflag:$0x5] =	stream.indirect.gather [hbm4b:s1+s0], $0x80, s28, s0, $0xb8;
	[tilespmem:$0x19900] =	vst v63  }
0x63: {  	_ =	swait.ge [sflag:s9], $0x1000  }
0x64: {  	[sflag:s9] =	ssyncset.done $0x0  }
0x65: {  	[sflag:s9] =	ssyncadd.s32 $0xFFFFF000  }
0x66: {  	_ =	swait.ge [sflag:s9], $0x800  }
0x67: {  	p0 =	seq.s32 s19, $0x0;
	[sflag:s9] =	ssyncset.done $0x0  }
0x68: {  	s17 =	simm.s32 @!p0 $0x3;
	[sflag:s9] =	ssyncadd.s32 $0xFFFFF800  }
0x69: {  	_ =	swait.ge @!p0 [sflag:s17], $0x800  }
0x6a: {  	[sflag:s17] =	ssyncset.done @!p0 $0x0  }
0x6b: {  	[sflag:s17] =	ssyncadd.s32 @!p0 $0xFFFFF800  }
0x6c: {  	_ =	swait.ge @!p0 [sflag:s17], $0x80  }
0x6d: {  	[sflag:s17] =	ssyncset.done @!p0 $0x0  }
0x6e: {  	[sflag:s17] =	ssyncadd.s32 @!p0 $0xFFFFFF80  }
0x6f: {  	v61 =	vld [tilespmem:$0x1180]  }
0x70: {  	v62 =	vld [tilespmem:$0x180]  }
0x71: {  	v63 =	vld [tilespmem:$0x1190]  }
0x72: {  	v35 =	vld [tilespmem:$0x190]  }
0x73: {  	v6 =	vld [tilespmem:$0x11A0]  }
0x74: {  	v7 =	vld [tilespmem:$0x1A0]  }
0x75: {  	v8 =	vld [tilespmem:$0x11B0]  }
0x76: {  	v9 =	vld [tilespmem:$0x1B0]  }
0x77: {  	v10 =	vld [tilespmem:$0x11C0]  }
0x78: {  	v11 =	vld [tilespmem:$0x1C0]  }
0x79: {  	v12 =	vld [tilespmem:$0x11D0]  }
0x7a: {  	v13 =	vld [tilespmem:$0x1D0]  }
0x7b: {  	v14 =	vld [tilespmem:$0x11E0]  }
0x7c: {  	v15 =	vld [tilespmem:$0x1E0]  }
0x7d: {  	v16 =	vld [tilespmem:$0x11F0]  }
0x7e: {  	v17 =	vld [tilespmem:$0x1F0];
	_ =	sdelay $0x1  }
0x7f: {  	v0 =	vmul.f32 v62, v61;
	v36 =	vmul.f32 v35, v63  }
0x80: {  	v4 =	vld [tilespmem:$0x1FF70];
	v37 =	vmul.f32 v7, v6;
	v38 =	vmul.f32 v9, v8  }
0x81: {  	v51 =	vld [tilespmem:$0x1200];
	v39 =	vmul.f32 v11, v10;
	v41 =	vmul.f32 v13, v12  }
0x82: {  	v53 =	vld [tilespmem:$0x200];
	v42 =	vmul.f32 v15, v14;
	v43 =	vmul.f32 v17, v16  }
0x83: {  	v54 =	vld [tilespmem:$0x1210];
	v40 =	vsel vm1, v36, v0;
	v0 =	vsel vm1, v0, v36  }
0x84: {  	v57 =	vld [tilespmem:$0x210];
	v44 =	vsel vm1, v38, v37;
	v45 =	vsel vm1, v41, v39;
	v46 =	vsel vm1, v43, v42  }
0x85: {  	v58 =	vld [tilespmem:$0x1220];
	v2 =	vsel vm1, v37, v38;
	v7 =	vperm.xlane v40, v23;
	v1 =	vperm.xlane v44, v23  }
0x86: {  	v60 =	vld [tilespmem:$0x220];
	v49 =	vsel vm1, v39, v41;
	v47 =	vperm.xlane v45, v23;
	v48 =	vperm.xlane v46, v23  }
0x87: {  	v19 =	vld [tilespmem:$0x260];
	v50 =	vsel vm1, v42, v43;
	v0 =	vadd.f32 v7, v0;
	v1 =	vadd.f32 v1, v2  }
0x88: {  	v20 =	vld [tilespmem:$0x1270];
	v2 =	vadd.f32 v47, v49;
	v52 =	vadd.f32 v48, v50  }
0x89: {  	v21 =	vld [tilespmem:$0x5A0]  }
0x8a: {  	v12 =	vld [tilespmem:$0x580];
	v55 =	vsel vm2, v1, v0;
	v56 =	vsel vm2, v52, v2  }
0x8b: {  	v61 =	vld [tilespmem:$0x1230];
	v9 =	vperm.xlane v55, v22;
	v10 =	vperm.xlane v56, v22  }
0x8c: {  	v62 =	vld [tilespmem:$0x230];
	v0 =	vsel vm2, v0, v1;
	v59 =	vsel vm2, v2, v52  }
0x8d: {  	v63 =	vld [tilespmem:$0x1240];
	v0 =	vadd.f32 v9, v0;
	v1 =	vadd.f32 v10, v59  }
0x8e: {  	v35 =	vld [tilespmem:$0x240]  }
0x8f: {  	v36 =	vld [tilespmem:$0x1250];
	v10 =	vsel vm3, v1, v0  }
0x90: {  	v38 =	vld [tilespmem:$0x1260];
	v10 =	vperm.xlane v10, v24  }
0x91: {  	v37 =	vld [tilespmem:$0x250];
	v0 =	vsel vm3, v0, v1  }
0x92: {  	v6 =	vmul.f32 v53, v51;
	v39 =	vld [tilespmem:$0x270];
	v0 =	vadd.f32 v0, v10  }
0x93: {  	v11 =	vld [tilespmem:$0x590];
	v7 =	vmul.f32 v57, v54;
	v3 =	vmul.f32 v62, v61  }
0x94: {  	v8 =	vld [tilespmem:$0x5B0];
	v40 =	vmul.f32 v35, v63;
	v18 =	vperm.xlane v0, v25  }
0x95: {  	v51 =	vld [tilespmem:$0x12A0];
	v2 =	vmul.f32 v60, v58;
	v13 =	vsel vm1, v7, v6;
	v44 =	vmul.f32 v19, v38  }
0x96: {  	v41 =	vld [tilespmem:$0x1280];
	v42 =	vperm.xlane v13, v23;
	v1 =	vmul.f32 v37, v36;
	v0 =	vadd.f32 v0, v18  }
0x97: {  	v43 =	vld [tilespmem:$0x280];
	v45 =	vmul.f32 v39, v20;
	v6 =	vsel vm1, v6, v7;
	v48 =	vsel vm1, v3, v2  }
0x98: {  	v46 =	vld [tilespmem:$0x1290];
	v47 =	vadd.f32 v42, v6;
	v50 =	vsel vm1, v1, v40;
	v0 =	vmul.f32 $1.442695020e+00, v0  }
0x99: {  	v49 =	vld [tilespmem:$0x290];
	v6 =	vperm.xlane v48, v23;
	v52 =	vperm.xlane v50, v23;
	v18 =	vsel vm1, v45, v44  }
0x9a: {  	v54 =	vld [tilespmem:$0x2A0];
	v2 =	vsel vm1, v2, v3;
	v53 =	vperm.xlane v18, v23;
	(erf) = vpow2.f32 v0  }
0x9b: {  	v61 =	vld [tilespmem:$0x2D0];
	v55 =	vsel vm1, v44, v45;
	v2 =	vadd.f32 v6, v2;
	v1 =	vsel vm1, v40, v1  }
0x9c: {  	v63 =	vld [tilespmem:$0x12E0];
	v1 =	vadd.f32 v52, v1;
	v57 =	vadd.f32 v53, v55  }
0x9d: {  	v35 =	vld [tilespmem:$0x2E0]  }
0x9e: {  	v58 =	vld [tilespmem:$0x2B0];
	v60 =	vsel vm2, v2, v47;
	v17 =	vsel vm2, v57, v1  }
0x9f: {  	v20 =	vld [tilespmem:$0x2C0];
	v16 =	vperm.xlane v60, v22;
	v17 =	vperm.xlane v17, v22  }
0xa0: {  	v56 =	vld [tilespmem:$0x12B0];
	v0 =	vsel vm2, v47, v2;
	v1 =	vsel vm2, v1, v57  }
0xa1: {  	v59 =	vld [tilespmem:$0x12C0];
	v62 =	vadd.f32 v16, v0;
	v1 =	vadd.f32 v17, v1  }
0xa2: {  	v24 =	vld [tilespmem:$0x12F0]  }
0xa3: {  	v22 =	vld [tilespmem:$0x12D0];
	v23 =	vsel vm3, v1, v62;
	v0 =	vpop (erf)  }
0xa4: {  	v23 =	vperm.xlane v23, v4;
	v25 =	vperm.xlane v0, v26;
	v26 =	vld [tilespmem:$0x2F0]  }
0xa5: {  	v1 =	vsel vm3, v62, v1;
	v38 =	vld [tilespmem:$0x1300]  }
0xa6: {  	v1 =	vadd.f32 v1, v23;
	v23 =	vld [tilespmem:$0x300]  }
0xa7: {  	v39 =	vld [tilespmem:$0x1FF80]  }
0xa8: {  	v40 =	vld [tilespmem:$0x1320]  }
0xa9: {  	v42 =	vld [tilespmem:$0x320]  }
0xaa: {  	v13 =	vmul.f32 v43, v41;
	v43 =	vld [tilespmem:$0x1330]  }
0xab: {  	v15 =	vmul.f32 v20, v59;
	v20 =	vld [tilespmem:$0x330]  }
0xac: {  	v45 =	vld [tilespmem:$0x1FF50]  }
0xad: {  	v7 =	vmul.f32 v49, v46;
	v46 =	vld [tilespmem:$0x1FF50]  }
0xae: {  	v2 =	vmul.f32 v61, v22;
	v22 =	vld [tilespmem:$0x1340]  }
0xaf: {  	v47 =	vld [tilespmem:$0x340]  }
0xb0: {  	v48 =	vld [tilespmem:$0x1350]  }
0xb1: {  	v41 =	vmul.f32 v54, v51;
	v51 =	vld [tilespmem:$0x1FF50]  }
0xb2: {  	v52 =	vld [tilespmem:$0x1FF50]  }
0xb3: {  	v54 =	vld [tilespmem:$0x1FF60]  }
0xb4: {  	v6 =	vmul.f32 v58, v56;
	v56 =	vld [tilespmem:$0x1370]  }
0xb5: {  	v58 =	vld [tilespmem:$0x370]  }
0xb6: {  	v36 =	vimm.s32 $0x8;
	v61 =	vld [tilespmem:$0x1FF60]  }
0xb7: {  	v37 =	vimm.s32 $0x4;
	v27 =	vperm.xlane v0, v36;
	v36 =	vld [tilespmem:$0x1FF50]  }
0xb8: {  	v19 =	vsel vm1, v6, v41;
	v6 =	vsel vm1, v41, v6;
	v28 =	vperm.xlane v0, v37;
	v41 =	vld [tilespmem:$0x1FF50]  }
0xb9: {  	v12 =	vmul.f32 v12, v25;
	v11 =	vmul.f32 v11, v27;
	v25 =	vld [tilespmem:$0x1310]  }
0xba: {  	v21 =	vmul.f32 v21, v28;
	v27 =	vperm.xlane v0, v29;
	v29 =	vld [tilespmem:$0x310]  }
0xbb: {  	[tilespmem:$0x1990] =	vst v11;
	v11 =	vld [tilespmem:$0x1380]  }
0xbc: {  	[tilespmem:$0x19A0] =	vst v21;
	v21 =	vld [tilespmem:$0x13D0]  }
0xbd: {  	v44 =	vsel vm1, v7, v13;
	v24 =	vmul.f32 v26, v24;
	v26 =	vld [tilespmem:$0x350]  }
0xbe: {  	v17 =	vperm.xlane v44, v45;
	v44 =	vld [tilespmem:$0x1FF50]  }
0xbf: {  	v19 =	vperm.xlane v19, v46;
	v46 =	vld [tilespmem:$0x1FF50]  }
0xc0: {  	v7 =	vsel vm1, v13, v7;
	v28 =	vperm.xlane v1, v39;
	v13 =	vmul.f32 v47, v22;
	v22 =	vld [tilespmem:$0x3D0]  }
0xc1: {  	v16 =	vmul.f32 v35, v63;
	v3 =	vmul.f32 v23, v38;
	v23 =	vld [tilespmem:$0x13E0]  }
0xc2: {  	v1 =	vadd.f32 v1, v28;
	v28 =	vld [tilespmem:$0x1360]  }
0xc3: {  	v49 =	vsel vm1, v2, v15;
	v50 =	vsel vm1, v24, v16;
	v53 =	vsel vm1, v16, v24;
	v24 =	vld [tilespmem:$0x360]  }
0xc4: {  	v7 =	vadd.f32 v17, v7;
	v17 =	vperm.xlane v49, v51;
	v49 =	vld [tilespmem:$0x5D0]  }
0xc5: {  	v16 =	vld [tilespmem:$0x680]  }
0xc6: {  	v60 =	vmul.f32 v29, v25;
	v25 =	vld [tilespmem:$0x3E0]  }
0xc7: {  	v29 =	vld [tilespmem:$0x400]  }
0xc8: {  	v6 =	vadd.f32 v19, v6;
	v19 =	vperm.xlane v50, v52;
	v50 =	vld [tilespmem:$0x1FF70]  }
0xc9: {  	v14 =	vmul.f32 v26, v48;
	v48 =	vld [tilespmem:$0x5C0]  }
0xca: {  	v2 =	vsel vm1, v15, v2;
	v35 =	vsel vm1, v60, v3;
	v15 =	vadd.f32 v19, v53;
	v53 =	vld [tilespmem:$0x5E0]  }
0xcb: {  	v37 =	vperm.xlane v35, v36;
	v36 =	vld [tilespmem:$0x610]  }
0xcc: {  	v19 =	vld [tilespmem:$0x690]  }
0xcd: {  	v8 =	vmul.f32 v8, v27;
	v27 =	vsel vm2, v6, v7;
	v26 =	vld [tilespmem:$0x13F0]  }
0xce: {  	v9 =	vmul.f32 v42, v40;
	v55 =	vperm.xlane v27, v54;
	v27 =	vld [tilespmem:$0x3F0]  }
0xcf: {  	v63 =	vmul.f32 v20, v43;
	v6 =	vsel vm2, v7, v6;
	v38 =	vmul.f32 v24, v28;
	v24 =	vld [tilespmem:$0x80]  }
0xd0: {  	v2 =	vadd.f32 v17, v2;
	v57 =	vadd.f32 v55, v6;
	v6 =	vmul.f32 v58, v56;
	v56 =	vld [tilespmem:$0x1FF60]  }
0xd1: {  	v40 =	vsel vm1, v63, v9;
	v58 =	vld [tilespmem:$0x5F0]  }
0xd2: {  	v59 =	vsel vm2, v15, v2;
	v2 =	vsel vm2, v2, v15;
	v15 =	vperm.xlane v40, v41;
	v41 =	vld [tilespmem:$0x620]  }
0xd3: {  	v42 =	vsel vm1, v14, v13;
	v13 =	vsel vm1, v13, v14;
	v14 =	vld [tilespmem:$0x790]  }
0xd4: {  	v1 =	vmul.f32 $1.442695020e+00, v1;
	v28 =	vld [tilespmem:$0x1400]  }
0xd5: {  	v62 =	vperm.xlane v59, v61;
	v59 =	vld [tilespmem:$0x1FF80]  }
0xd6: {  	v9 =	vsel vm1, v9, v63;
	(erf) = vpow2.f32 v1;
	v61 =	vld [tilespmem:$0x600]  }
0xd7: {  	v17 =	vperm.xlane v0, v30;
	v45 =	vperm.xlane v42, v44;
	v42 =	vld [tilespmem:$0x1FF70];
	v43 =	vsel vm1, v6, v38  }
0xd8: {  	v52 =	vperm.xlane v0, v32;
	v3 =	vsel vm1, v3, v60;
	v47 =	vperm.xlane v43, v46;
	v46 =	vld [tilespmem:$0x630]  }
0xd9: {  	v3 =	vadd.f32 v37, v3;
	v9 =	vadd.f32 v15, v9;
	v60 =	vmul.f32 v48, v17;
	v48 =	vld [tilespmem:$0x640]  }
0xda: {  	v2 =	vadd.f32 v62, v2;
	v35 =	vmul.f32 v53, v52;
	v53 =	vld [tilespmem:$0x650]  }
0xdb: {  	v51 =	vperm.xlane v0, v31;
	v54 =	vsel vm2, v9, v3;
	v3 =	vsel vm2, v3, v9;
	v9 =	vld [tilespmem:$0x830]  }
0xdc: {  	v6 =	vsel vm1, v38, v6;
	v39 =	vsel vm3, v2, v57;
	v1 =	vsel vm3, v57, v2;
	v57 =	vld [tilespmem:$0x1FF60]  }
0xdd: {  	v10 =	vadd.f32 v45, v13;
	v6 =	vadd.f32 v47, v6;
	v2 =	vperm.xlane v54, v56;
	v56 =	vld [tilespmem:$0x660]  }
0xde: {  	v63 =	vmul.f32 v49, v51;
	v38 =	vimm.s32 $0x0;
	[tilespmem:$0x19E0] =	vst v35;
	v35 =	vld [tilespmem:$0x1FF40]  }
0xdf: {  	[tilespmem:$0x1980] =	vst v12;
	v7 =	vperm.xlane v39, v50;
	v55 =	vsel vm2, v6, v10;
	v6 =	vsel vm2, v10, v6;
	v10 =	vld [tilespmem:$0x840];
	v12 =	vpop (erf)  }
0xe0: {  	v51 =	vimm.s32 $0x4;
	v44 =	vimm.s32 $0x8;
	v39 =	vperm.xlane v12, v38;
	v38 =	vld [tilespmem:$0x6B0]  }
0xe1: {  	v1 =	vadd.f32 v1, v7;
	v45 =	vperm.xlane v12, v44;
	v52 =	vperm.xlane v12, v51;
	v51 =	vld [tilespmem:$0x6F0]  }
0xe2: {  	v54 =	vimm.s32 $0xC;
	v13 =	vperm.xlane v12, v32;
	v7 =	vperm.xlane v55, v57;
	v57 =	vld [tilespmem:$0x1FF80]  }
0xe3: {  	v20 =	vperm.xlane v1, v59;
	v55 =	vperm.xlane v12, v54;
	v54 =	vld [tilespmem:$0x700]  }
0xe4: {  	v2 =	vadd.f32 v2, v3;
	v18 =	vperm.xlane v12, v33;
	v50 =	vmul.f32 v36, v45;
	v36 =	vld [tilespmem:$0x6A0]  }
0xe5: {  	v59 =	vperm.xlane v12, v30;
	v47 =	vmul.f32 v61, v39;
	v45 =	vld [tilespmem:$0x6D0];
	v1 =	vadd.f32 v1, v20  }
0xe6: {  	v61 =	vperm.xlane v12, v31;
	v39 =	vperm.xlane v12, v34;
	v12 =	vld [tilespmem:$0x7B0];
	v62 =	vadd.f32 v7, v6  }
0xe7: {  	v17 =	vmul.f32 v56, v13;
	v13 =	vld [tilespmem:$0x7C0];
	v1 =	vmul.f32 $1.442695020e+00, v1  }
0xe8: {  	[tilespmem:$0x19D0] =	vst v63;
	v63 =	vmul.f32 v48, v59;
	v48 =	vld [tilespmem:$0x6E0];
	v40 =	vsel vm3, v62, v2  }
0xe9: {  	v7 =	vld [tilespmem:$0x1390];
	v15 =	vperm.xlane v40, v42;
	(erf) = vpow2.f32 v1  }
0xea: {  	v37 =	vperm.xlane v0, v33;
	[tilespmem:$0x19C0] =	vst v60;
	v20 =	vld [tilespmem:$0x780];
	v2 =	vsel vm3, v2, v62  }
0xeb: {  	v0 =	vperm.xlane v0, v34;
	v60 =	vmul.f32 v46, v55;
	[tilespmem:$0x1A60] =	vst v17;
	v17 =	vld [tilespmem:$0x810];
	v49 =	vadd.f32 v2, v15  }
0xec: {  	v62 =	vld [tilespmem:$0x670]  }
0xed: {  	v43 =	vmul.f32 v58, v37;
	v0 =	vsel vm1, v0, v39;
	[tilespmem:$0x1A30] =	vst v60;
	v60 =	vld [tilespmem:$0x720];
	v58 =	vperm.xlane v49, v57  }
0xee: {  	v6 =	vmul.f32 v41, v52;
	[tilespmem:$0x2180] =	vst v0;
	v0 =	vld [tilespmem:$0x7F0]  }
0xef: {  	[tilespmem:$0x19F0] =	vst v43;
	v42 =	vld [tilespmem:$0x6C0];
	v15 =	vmul.f32 v53, v61;
	v1 =	vadd.f32 v49, v58  }
0xf0: {  	[tilespmem:$0x1A00] =	vst v47;
	v2 =	vperm.xlane v24, v35;
	v57 =	vld [tilespmem:$0x710]  }
0xf1: {  	v44 =	vimm.s32 $0x8;
	[tilespmem:$0x1A50] =	vst v15;
	v37 =	vmul.f32 v62, v18;
	v15 =	vld [tilespmem:$0x7A0];
	v1 =	vmul.f32 $1.442695020e+00, v1  }
0xf2: {  	v47 =	vimm.s32 $0x4;
	[tilespmem:$0x1A20] =	vst v6;
	v40 =	vimm.s32 $0x0;
	v2 =	vshll.u32 v2, $0x3;
	v18 =	vld [tilespmem:$0x800];
	v6 =	vpop (erf)  }
0xf3: {  	v43 =	vor.u32 v5, v2;
	[tilespmem:$0x1A70] =	vst v37;
	v37 =	vld [tilespmem:$0x740];
	(erf) = vpow2.f32 v1;
	v41 =	vperm.xlane v6, v40  }
0xf4: {  	[tilespmem:$0x2200] =	vst v43;
	v43 =	vld [tilespmem:$0x760];
	v2 =	vperm.xlane v6, v44;
	v3 =	vperm.xlane v6, v47  }
0xf5: {  	v53 =	vperm.xlane v6, v30;
	v56 =	vperm.xlane v6, v31;
	v40 =	vld [tilespmem:$0x750]  }
0xf6: {  	[tilespmem:$0x1A10] =	vst v50;
	v46 =	vmul.f32 v16, v41;
	v49 =	vmul.f32 v19, v2;
	v19 =	vld [tilespmem:$0x730]  }
0xf7: {  	v50 =	vimm.s32 $0xC;
	[tilespmem:$0x1A40] =	vst v63;
	v59 =	vperm.xlane v6, v32;
	v58 =	vmul.f32 v42, v53;
	v16 =	vld [tilespmem:$0x380]  }
0xf8: {  	v2 =	vperm.xlane v6, v50;
	v61 =	vmul.f32 v45, v56;
	[tilespmem:$0x1A80] =	vst v46;
	v46 =	vld [tilespmem:$0x770]  }
0xf9: {  	v62 =	vperm.xlane v6, v33;
	v35 =	vmul.f32 v48, v59;
	[tilespmem:$0x1AC0] =	vst v58;
	v58 =	vld [tilespmem:$0x13A0]  }
0xfa: {  	v55 =	vmul.f32 v38, v2;
	[tilespmem:$0x1AD0] =	vst v61;
	v61 =	vperm.xlane v6, v34;
	v6 =	vld [tilespmem:$0x7E0]  }
0xfb: {  	v38 =	vmul.f32 v51, v62;
	[tilespmem:$0x1AE0] =	vst v35;
	v35 =	vld [tilespmem:$0x430]  }
0xfc: {  	[tilespmem:$0x1AB0] =	vst v55;
	v55 =	vld [tilespmem:$0x390]  }
0xfd: {  	[tilespmem:$0x1AF0] =	vst v38;
	v38 =	vld [tilespmem:$0x1450];
	v63 =	vpop (erf)  }
0xfe: {  	v48 =	vperm.xlane v63, v30;
	v30 =	vld [tilespmem:$0x1410]  }
0xff: {  	v52 =	vmul.f32 v36, v3;
	v36 =	vimm.s32 $0x0;
	v50 =	vperm.xlane v63, v31;
	v31 =	vld [tilespmem:$0x410]  }
0x100: {  	v39 =	vimm.s32 $0x8;
	v3 =	vperm.xlane v63, v36;
	v36 =	vld [tilespmem:$0x1440]  }
0x101: {  	v2 =	vperm.xlane v63, v39;
	v62 =	vperm.xlane v63, v34;
	v34 =	vld [tilespmem:$0x4A0]  }
0x102: {  	v42 =	vimm.s32 $0x4;
	[tilespmem:$0x1AA0] =	vst v52;
	v52 =	vperm.xlane v63, v32;
	v39 =	vld [tilespmem:$0x1FF80];
	v41 =	vmul.f32 v54, v3  }
0x103: {  	v45 =	vimm.s32 $0xC;
	v3 =	vperm.xlane v63, v42;
	v44 =	vmul.f32 v57, v2;
	v57 =	vld [tilespmem:$0x1FF10]  }
0x104: {  	v2 =	vperm.xlane v63, v45;
	v54 =	vperm.xlane v63, v33;
	v63 =	vld [tilespmem:$0x13B0]  }
0x105: {  	v51 =	vmul.f32 v37, v48;
	v48 =	vld [tilespmem:$0x3C0]  }
0x106: {  	v53 =	vmul.f32 v40, v50;
	v50 =	vld [tilespmem:$0x420]  }
0x107: {  	v37 =	vld [tilespmem:$0x440]  }
0x108: {  	v56 =	vmul.f32 v43, v52;
	v52 =	vld [tilespmem:$0x450]  }
0x109: {  	v40 =	vld [tilespmem:$0x1460]  }
0x10a: {  	v42 =	vld [tilespmem:$0x1470]  }
0x10b: {  	v1 =	vsel vm1, v61, v62;
	v61 =	vld [tilespmem:$0x1FF60]  }
0x10c: {  	v62 =	vld [tilespmem:$0x1FF60]  }
0x10d: {  	v47 =	vmul.f32 v60, v3;
	v60 =	vld [tilespmem:$0x3A0]  }
0x10e: {  	v59 =	vmul.f32 v46, v54;
	v46 =	vld [tilespmem:$0x3B0]  }
0x10f: {  	[tilespmem:$0x1B40] =	vst v51;
	v51 =	vld [tilespmem:$0x1430]  }
0x110: {  	[tilespmem:$0x1B00] =	vst v41;
	v41 =	vld [tilespmem:$0x460]  }
0x111: {  	v11 =	vmul.f32 v16, v11;
	[tilespmem:$0x1B50] =	vst v53;
	v53 =	vld [tilespmem:$0x470]  }
0x112: {  	[tilespmem:$0x1A90] =	vst v49;
	v7 =	vmul.f32 v55, v7;
	v49 =	vmul.f32 v19, v2;
	v19 =	vld [tilespmem:$0x820]  }
0x113: {  	[tilespmem:$0x1B60] =	vst v56;
	v56 =	vld [tilespmem:$0x1FF50]  }
0x114: {  	v54 =	vsel vm1, v7, v11;
	v7 =	vsel vm1, v11, v7;
	v11 =	vld [tilespmem:$0x850]  }
0x115: {  	[tilespmem:$0x1B10] =	vst v44;
	v44 =	vld [tilespmem:$0x14F0]  }
0x116: {  	[tilespmem:$0x1B20] =	vst v47;
	v47 =	vld [tilespmem:$0x13C0]  }
0x117: {  	[tilespmem:$0x1B30] =	vst v49;
	v49 =	vld [tilespmem:$0x1420]  }
0x118: {  	[tilespmem:$0x1B70] =	vst v59;
	v59 =	vld [tilespmem:$0x1FF50]  }
0x119: {  	v3 =	vperm.xlane v24, v57;
	v57 =	vld [tilespmem:$0x1FF50]  }
0x11a: {  	v2 =	vmul.f32 v60, v58;
	v60 =	vld [tilespmem:$0x1FF50]  }
0x11b: {  	[tilespmem:$0x19B0] =	vst v8;
	v8 =	vmul.f32 v46, v63;
	v46 =	vld [tilespmem:$0x1FF50]  }
0x11c: {  	v16 =	vmul.f32 v53, v42;
	v53 =	vld [tilespmem:$0x1FF50]  }
0x11d: {  	[tilespmem:$0x2190] =	vst v1;
	v1 =	vperm.xlane v54, v56;
	v56 =	vld [tilespmem:$0x4D0]  }
0x11e: {  	v63 =	vmul.f32 v37, v36;
	v36 =	vld [tilespmem:$0x1FF70]  }
0x11f: {  	v3 =	vshll.u32 v3, $0x3;
	v42 =	vld [tilespmem:$0x510]  }
0x120: {  	v45 =	vor.u32 v5, v3;
	v3 =	vld [tilespmem:$0x7D0]  }
0x121: {  	v7 =	vadd.f32 v1, v7;
	v1 =	vld [tilespmem:$0x860]  }
0x122: {  	v21 =	vmul.f32 v22, v21;
	v55 =	vsel vm1, v8, v2;
	v2 =	vsel vm1, v2, v8;
	v8 =	vld [tilespmem:$0x870]  }
0x123: {  	v43 =	vmul.f32 v48, v47;
	v47 =	vmul.f32 v41, v40;
	v40 =	vld [tilespmem:$0x14C0]  }
0x124: {  	v22 =	vmul.f32 v25, v23;
	v41 =	vld [tilespmem:$0x4C0];
	v23 =	vperm.xlane v55, v57  }
0x125: {  	v55 =	vld [tilespmem:$0x14D0]  }
0x126: {  	v57 =	vld [tilespmem:$0x1FF70];
	v58 =	vsel vm1, v21, v43;
	v2 =	vadd.f32 v23, v2  }
0x127: {  	v25 =	vmul.f32 v27, v26;
	v21 =	vsel vm1, v43, v21;
	v43 =	vld [tilespmem:$0x14B0];
	v26 =	vperm.xlane v58, v59  }
0x128: {  	v27 =	vsel vm2, v2, v7;
	v2 =	vsel vm2, v7, v2;
	v7 =	vld [tilespmem:$0x480]  }
0x129: {  	v21 =	vadd.f32 v26, v21;
	v26 =	vmul.f32 v29, v28;
	v29 =	vld [tilespmem:$0x490]  }
0x12a: {  	v28 =	vmul.f32 v31, v30;
	v30 =	vld [tilespmem:$0x14A0]  }
0x12b: {  	v31 =	vmul.f32 v35, v51;
	v51 =	vsel vm1, v16, v47;
	v16 =	vsel vm1, v47, v16;
	v47 =	vld [tilespmem:$0x1FF50]  }
0x12c: {  	v23 =	vsel vm1, v25, v22;
	v22 =	vsel vm1, v22, v25;
	v25 =	vperm.xlane v27, v61;
	v27 =	vld [tilespmem:$0x1480]  }
0x12d: {  	v61 =	vld [tilespmem:$0x1FF60]  }
0x12e: {  	v23 =	vperm.xlane v23, v60;
	v54 =	vperm.xlane v51, v53;
	v51 =	vld [tilespmem:$0x1FF50]  }
0x12f: {  	[tilespmem:$0x2210] =	vst v45;
	v45 =	vsel vm1, v28, v26;
	v26 =	vsel vm1, v26, v28;
	v28 =	vld [tilespmem:$0x4B0]  }
0x130: {  	v22 =	vadd.f32 v23, v22;
	v2 =	vadd.f32 v25, v2;
	v25 =	vld [tilespmem:$0x1490]  }
0x131: {  	v33 =	vperm.xlane v45, v46;
	v45 =	vld [tilespmem:$0x4F0]  }
0x132: {  	v23 =	vsel vm2, v22, v21;
	v46 =	vld [tilespmem:$0x890]  }
0x133: {  	v21 =	vsel vm2, v21, v22;
	v22 =	vperm.xlane v23, v62;
	v23 =	vmul.f32 v50, v49;
	v50 =	vld [tilespmem:$0x1FF50]  }
0x134: {  	v62 =	vld [tilespmem:$0x1FF60]  }
0x135: {  	v21 =	vadd.f32 v22, v21;
	v22 =	vmul.f32 v52, v38;
	v52 =	vld [tilespmem:$0x1FF50]  }
0x136: {  	v38 =	vld [tilespmem:$0x8A0]  }
0x137: {  	v7 =	vmul.f32 v7, v27;
	v27 =	vld [tilespmem:$0x1500]  }
0x138: {  	v28 =	vmul.f32 v28, v43;
	v43 =	vld [tilespmem:$0x1520]  }
0x139: {  	v48 =	vsel vm3, v21, v2;
	v2 =	vsel vm3, v2, v21;
	v21 =	vld [tilespmem:$0x4E0]  }
0x13a: {  	v37 =	vsel vm1, v22, v63;
	v22 =	vsel vm1, v63, v22;
	v63 =	vld [tilespmem:$0x1FF80]  }
0x13b: {  	v26 =	vadd.f32 v33, v26;
	v49 =	vsel vm1, v31, v23;
	v58 =	vperm.xlane v48, v57;
	v48 =	vld [tilespmem:$0x8E0]  }
0x13c: {  	v23 =	vsel vm1, v23, v31;
	v33 =	vperm.xlane v49, v50;
	v49 =	vld [tilespmem:$0x1FF50];
	v31 =	vperm.xlane v37, v52  }
0x13d: {  	v16 =	vadd.f32 v54, v16;
	v57 =	vld [tilespmem:$0x1FF60];
	v2 =	vadd.f32 v2, v58  }
0x13e: {  	v23 =	vadd.f32 v33, v23;
	v37 =	vld [tilespmem:$0x8B0];
	v22 =	vadd.f32 v31, v22  }
0x13f: {  	v31 =	vld [tilespmem:$0x14E0];
	v5 =	vperm.xlane v2, v63  }
0x140: {  	v52 =	vld [tilespmem:$0x1FF50];
	v59 =	vsel vm2, v23, v26;
	v26 =	vsel vm2, v26, v23;
	v60 =	vsel vm2, v16, v22  }
0x141: {  	v23 =	vld [tilespmem:$0x880];
	v33 =	vperm.xlane v59, v61;
	v2 =	vadd.f32 v2, v5;
	v35 =	vperm.xlane v60, v62  }
0x142: {  	v16 =	vsel vm2, v22, v16;
	v5 =	vld [tilespmem:$0x1540]  }
0x143: {  	v22 =	vadd.f32 v33, v26;
	v2 =	vmul.f32 $1.442695020e+00, v2;
	v16 =	vadd.f32 v35, v16;
	v35 =	vld [tilespmem:$0x8D0]  }
0x144: {  	v21 =	vmul.f32 v21, v31;
	v31 =	vmul.f32 v45, v44;
	v44 =	vld [tilespmem:$0x520]  }
0x145: {  	v45 =	vld [tilespmem:$0x1530];
	v26 =	vsel vm3, v16, v22  }
0x146: {  	(erf) = vpow2.f32 v2;
	v2 =	vld [tilespmem:$0x8F0];
	v26 =	vperm.xlane v26, v36  }
0x147: {  	v16 =	vsel vm3, v22, v16;
	v22 =	vmul.f32 v29, v25;
	v29 =	vmul.f32 v41, v40;
	v40 =	vld [tilespmem:$0x500]  }
0x148: {  	v41 =	vld [tilespmem:$0x1510];
	v16 =	vadd.f32 v16, v26  }
0x149: {  	v36 =	vld [tilespmem:$0x8C0];
	v26 =	vmul.f32 v34, v30;
	v30 =	vsel vm1, v22, v7  }
0x14a: {  	v30 =	vperm.xlane v30, v47;
	v47 =	vld [tilespmem:$0x1FF70];
	v25 =	vperm.xlane v16, v39  }
0x14b: {  	v7 =	vsel vm1, v7, v22;
	v22 =	vsel vm1, v28, v26;
	v39 =	vld [tilespmem:$0x1550]  }
0x14c: {  	v22 =	vperm.xlane v22, v49;
	v49 =	vld [tilespmem:$0x550];
	v16 =	vadd.f32 v16, v25;
	v25 =	vmul.f32 v56, v55  }
0x14d: {  	v50 =	vsel vm1, v31, v21;
	v26 =	vsel vm1, v26, v28;
	v7 =	vadd.f32 v30, v7;
	v56 =	vld [tilespmem:$0x1FF60]  }
0x14e: {  	v22 =	vadd.f32 v22, v26;
	v30 =	vsel vm1, v25, v29;
	v26 =	vsel vm1, v29, v25;
	v29 =	vld [tilespmem:$0x530]  }
0x14f: {  	v28 =	vperm.xlane v30, v51;
	v30 =	vperm.xlane v50, v52;
	v50 =	vld [tilespmem:$0x1560]  }
0x150: {  	v51 =	vld [tilespmem:$0x560]  }
0x151: {  	v53 =	vimm.s32 $0x0;
	v58 =	vimm.s32 $0x4;
	v16 =	vmul.f32 $1.442695020e+00, v16;
	v52 =	vld [tilespmem:$0x1570]  }
0x152: {  	v21 =	vsel vm1, v21, v31;
	v31 =	vsel vm2, v22, v7;
	v7 =	vsel vm2, v7, v22;
	v22 =	vld [tilespmem:$0x900];
	v25 =	vpop (erf)  }
0x153: {  	v60 =	vimm.s32 $0xC;
	(erf) = vpow2.f32 v16;
	v16 =	vld [tilespmem:$0x540];
	v59 =	vperm.xlane v25, v58  }
0x154: {  	v26 =	vadd.f32 v28, v26;
	v21 =	vadd.f32 v30, v21;
	v28 =	vperm.xlane v25, v53;
	v53 =	vld [tilespmem:$0x570]  }
0x155: {  	v61 =	vperm.xlane v25, v60;
	v4 =	vmul.f32 v15, v59;
	v59 =	vld [tilespmem:$0x1FF80]  }
0x156: {  	v34 =	vimm.s32 $0xA;
	v55 =	vsel vm2, v21, v26;
	v15 =	vld [tilespmem:$0x960]  }
0x157: {  	v21 =	vsel vm2, v26, v21;
	v26 =	vperm.xlane v25, v34;
	v34 =	vmul.f32 v12, v61;
	v12 =	vld [tilespmem:$0x1FF50]  }
0x158: {  	v54 =	vimm.s32 $0x8;
	v33 =	vmul.f32 v20, v28;
	[tilespmem:$0x1FB30] =	vst v4;
	v4 =	vld [tilespmem:$0x910]  }
0x159: {  	v62 =	vimm.s32 $0x2;
	v30 =	vperm.xlane v25, v54;
	v16 =	vmul.f32 v16, v5;
	v5 =	vld [tilespmem:$0x15D0]  }
0x15a: {  	v63 =	vperm.xlane v25, v62;
	v32 =	vperm.xlane v55, v57;
	[tilespmem:$0x1B80] =	vst v33;
	v33 =	vld [tilespmem:$0xF50]  }
0x15b: {  	v31 =	vperm.xlane v31, v56;
	v3 =	vmul.f32 v3, v26;
	[tilespmem:$0x1BB0] =	vst v34;
	v34 =	vld [tilespmem:$0x1FF50]  }
0x15c: {  	v20 =	vadd.f32 v32, v21;
	v32 =	vmul.f32 v14, v30;
	v30 =	vmul.f32 v13, v63;
	v14 =	vld [tilespmem:$0x970]  }
0x15d: {  	v55 =	vimm.s32 $0xE;
	v63 =	vmul.f32 v40, v27;
	v27 =	vmul.f32 v42, v41;
	v41 =	vld [tilespmem:$0x1580]  }
0x15e: {  	v54 =	vimm.s32 $0x6;
	v56 =	vperm.xlane v25, v55;
	v40 =	vld [tilespmem:$0x15C0]  }
0x15f: {  	v7 =	vadd.f32 v31, v7;
	[tilespmem:$0x1FB40] =	vst v3;
	v3 =	vperm.xlane v25, v54;
	v54 =	vld [tilespmem:$0x980]  }
0x160: {  	v0 =	vmul.f32 v0, v56;
	v56 =	vmul.f32 v49, v39;
	v49 =	vld [tilespmem:$0x1590]  }
0x161: {  	v21 =	vsel vm3, v20, v7;
	v7 =	vsel vm3, v7, v20;
	v20 =	vld [tilespmem:$0x920]  }
0x162: {  	[tilespmem:$0x1B90] =	vst v32;
	v32 =	vld [tilespmem:$0xF60]  }
0x163: {  	[tilespmem:$0x1BC0] =	vst v30;
	v30 =	vld [tilespmem:$0xF80]  }
0x164: {  	v57 =	vimm.s32 $0x0;
	v21 =	vperm.xlane v21, v47;
	v26 =	vpop (erf);
	v47 =	vld [tilespmem:$0x940]  }
0x165: {  	v61 =	vimm.s32 $0x8;
	v58 =	vperm.xlane v26, v57;
	v57 =	vld [tilespmem:$0x1FF50]  }
0x166: {  	v31 =	vmul.f32 v6, v3;
	[tilespmem:$0x1FB50] =	vst v0;
	v0 =	vperm.xlane v26, v61;
	v61 =	vld [tilespmem:$0x1FF50]  }
0x167: {  	v7 =	vadd.f32 v7, v21;
	v21 =	vld [tilespmem:$0x930]  }
0x168: {  	v29 =	vmul.f32 v29, v45;
	[tilespmem:$0x1BE0] =	vst v31;
	v31 =	vld [tilespmem:$0xF90]  }
0x169: {  	v13 =	vmul.f32 v44, v43;
	v44 =	vimm.s32 $0xC;
	v60 =	vmul.f32 v18, v58;
	v18 =	vld [tilespmem:$0x950]  }
0x16a: {  	v62 =	vimm.s32 $0x4;
	v45 =	vperm.xlane v26, v44;
	v58 =	vmul.f32 v51, v50;
	v50 =	vld [tilespmem:$0x990]  }
0x16b: {  	v6 =	vperm.xlane v26, v62;
	v51 =	vld [tilespmem:$0x15A0]  }
0x16c: {  	v28 =	vmul.f32 v9, v45;
	v9 =	vld [tilespmem:$0x9E0]  }
0x16d: {  	v43 =	vmul.f32 v19, v6;
	v6 =	vld [tilespmem:$0xDA0]  }
0x16e: {  	v3 =	vperm.xlane v7, v59;
	v59 =	vmul.f32 v53, v52;
	v52 =	vld [tilespmem:$0x9A0]  }
0x16f: {  	v53 =	vld [tilespmem:$0x15B0]  }
0x170: {  	v42 =	vsel vm1, v27, v63;
	v3 =	vadd.f32 v7, v3;
	v7 =	vsel vm1, v63, v27;
	v63 =	vld [tilespmem:$0x1FF50]  }
0x171: {  	v0 =	vmul.f32 v17, v0;
	v27 =	vsel vm1, v56, v16;
	v16 =	vsel vm1, v16, v56;
	v56 =	vld [tilespmem:$0x9C0]  }
0x172: {  	v62 =	vsel vm1, v59, v58;
	v39 =	vsel vm1, v58, v59;
	v58 =	vld [tilespmem:$0x9D0];
	v3 =	vmul.f32 $1.442695020e+00, v3  }
0x173: {  	[tilespmem:$0x1FB60] =	vst v60;
	v60 =	vsel vm1, v29, v13;
	v29 =	vsel vm1, v13, v29;
	v13 =	vperm.xlane v62, v12;
	v62 =	vld [tilespmem:$0x1FF60]  }
0x174: {  	v59 =	vimm.s32 $0x2;
	(erf) = vpow2.f32 v3;
	v3 =	vperm.xlane v60, v61;
	v61 =	vld [tilespmem:$0x1FF60]  }
0x175: {  	v44 =	vimm.s32 $0xE;
	v42 =	vperm.xlane v42, v57;
	v60 =	vperm.xlane v26, v59;
	v59 =	vld [tilespmem:$0x9F0]  }
0x176: {  	v19 =	vimm.s32 $0x6;
	v27 =	vperm.xlane v27, v63;
	v40 =	vmul.f32 v56, v40;
	v56 =	vld [tilespmem:$0xA50]  }
0x177: {  	v7 =	vadd.f32 v42, v7;
	v63 =	vimm.s32 $0xA;
	v29 =	vadd.f32 v3, v29;
	v3 =	vld [tilespmem:$0x9B0]  }
0x178: {  	[tilespmem:$0x1FB70] =	vst v0;
	v0 =	vadd.f32 v27, v16;
	v16 =	vadd.f32 v13, v39;
	v13 =	vmul.f32 v10, v60;
	v10 =	vld [tilespmem:$0x15F0]  }
0x179: {  	v12 =	vperm.xlane v26, v63;
	v39 =	vperm.xlane v26, v19;
	v19 =	vld [tilespmem:$0xD90];
	v27 =	vsel vm2, v29, v7  }
0x17a: {  	v7 =	vsel vm2, v7, v29;
	v29 =	vperm.xlane v26, v44;
	v44 =	vmul.f32 v50, v49;
	v49 =	vld [tilespmem:$0x1640]  }
0x17b: {  	v17 =	vmul.f32 v11, v12;
	v50 =	vld [tilespmem:$0xA60]  }
0x17c: {  	v42 =	vsel vm2, v16, v0;
	v27 =	vperm.xlane v27, v61;
	v0 =	vsel vm2, v0, v16;
	v16 =	vld [tilespmem:$0x15E0]  }
0x17d: {  	v61 =	vld [tilespmem:$0x1FF70];
	v42 =	vperm.xlane v42, v62;
	v63 =	vmul.f32 v8, v29  }
0x17e: {  	[tilespmem:$0x1FBA0] =	vst v17;
	v17 =	vld [tilespmem:$0x1FF80]  }
0x17f: {  	v29 =	vld [tilespmem:$0xA00];
	v7 =	vadd.f32 v27, v7;
	v0 =	vadd.f32 v42, v0;
	[tilespmem:$0x1FBC0] =	vst v63  }
0x180: {  	[tilespmem:$0x1C30] =	vst v28;
	v1 =	vmul.f32 v1, v39;
	v28 =	vld [tilespmem:$0x1FBC0]  }
0x181: {  	v62 =	vimm.s32 $0x8;
	v27 =	vpop (erf);
	v45 =	vsel vm3, v0, v7;
	v0 =	vsel vm3, v7, v0;
	v7 =	vld [tilespmem:$0x1600]  }
0x182: {  	v55 =	vimm.s32 $0x0;
	[tilespmem:$0x1FBB0] =	vst v1;
	v1 =	vperm.xlane v27, v62;
	v62 =	vmul.f32 v58, v5;
	v58 =	vld [tilespmem:$0x1660]  }
0x183: {  	v57 =	vperm.xlane v27, v55;
	v55 =	vld [tilespmem:$0x1FF50]  }
0x184: {  	v5 =	vld [tilespmem:$0x1FF70]  }
0x185: {  	[tilespmem:$0x1FB90] =	vst v13;
	v13 =	vimm.s32 $0xC;
	v60 =	vperm.xlane v45, v61;
	v45 =	vld [tilespmem:$0xD80]  }
0x186: {  	v8 =	vperm.xlane v27, v13;
	v61 =	vmul.f32 v3, v53;
	v53 =	vld [tilespmem:$0x1650]  }
0x187: {  	v3 =	vld [tilespmem:$0xE20]  }
0x188: {  	v8 =	vmul.f32 v37, v8;
	v37 =	vld [tilespmem:$0xA30]  }
0x189: {  	v1 =	vmul.f32 v46, v1;
	v46 =	vmul.f32 v52, v51;
	v51 =	vld [tilespmem:$0xA40]  }
0x18a: {  	v52 =	vld [tilespmem:$0x1670]  }
0x18b: {  	v11 =	vmul.f32 v23, v57;
	v23 =	vld [tilespmem:$0xEA0]  }
0x18c: {  	v12 =	vimm.s32 $0x4;
	v0 =	vadd.f32 v0, v60;
	v60 =	vld [tilespmem:$0x1610]  }
0x18d: {  	[tilespmem:$0x1FBE0] =	vst v1;
	v1 =	vperm.xlane v27, v12;
	v12 =	vld [tilespmem:$0x1FF50]  }
0x18e: {  	[tilespmem:$0x1FB80] =	vst v43;
	v39 =	vimm.s32 $0xA;
	v13 =	vsel vm1, v61, v46;
	v46 =	vsel vm1, v46, v61;
	v61 =	vld [tilespmem:$0x1FF50]  }
0x18f: {  	[tilespmem:$0x1FC00] =	vst v8;
	v8 =	vperm.xlane v27, v39;
	v39 =	vld [tilespmem:$0x1FF50]  }
0x190: {  	v43 =	vimm.s32 $0xE;
	[tilespmem:$0x1FBD0] =	vst v11;
	v11 =	vperm.xlane v0, v17;
	v17 =	vld [tilespmem:$0x1FF50];
	v1 =	vmul.f32 v38, v1  }
0x191: {  	v38 =	vimm.s32 $0x2;
	v8 =	vmul.f32 v35, v8;
	v35 =	vperm.xlane v27, v43;
	v43 =	vld [tilespmem:$0x1FF60]  }
0x192: {  	v0 =	vadd.f32 v0, v11;
	v11 =	vld [tilespmem:$0xA10];
	[tilespmem:$0x1FBF0] =	vst v1;
	v1 =	vperm.xlane v27, v38  }
0x193: {  	[tilespmem:$0x1FC20] =	vst v8;
	v8 =	vld [tilespmem:$0xA20]  }
0x194: {  	v1 =	vmul.f32 v36, v1;
	v36 =	vld [tilespmem:$0x1620]  }
0x195: {  	v0 =	vmul.f32 $1.442695020e+00, v0;
	v38 =	vperm.xlane v13, v17;
	v13 =	vld [tilespmem:$0xDB0]  }
0x196: {  	v10 =	vmul.f32 v59, v10;
	v9 =	vmul.f32 v9, v16;
	v17 =	vld [tilespmem:$0xDE0]  }
0x197: {  	v42 =	vimm.s32 $0x6;
	(erf) = vpow2.f32 v0;
	v0 =	vmul.f32 v54, v41;
	v54 =	vld [tilespmem:$0xDD0]  }
0x198: {  	v59 =	vsel vm1, v10, v9;
	[tilespmem:$0x1FC10] =	vst v1;
	v1 =	vperm.xlane v27, v42;
	v11 =	vmul.f32 v11, v60;
	v60 =	vld [tilespmem:$0x1FF50]  }
0x199: {  	v42 =	vld [tilespmem:$0x1FF50];
	v63 =	vsel vm1, v44, v0;
	v0 =	vsel vm1, v0, v44;
	v44 =	vsel vm1, v62, v40  }
0x19a: {  	v40 =	vsel vm1, v40, v62;
	v62 =	vperm.xlane v59, v61;
	v61 =	vmul.f32 v50, v58;
	v50 =	vld [tilespmem:$0x1690]  }
0x19b: {  	v58 =	vld [tilespmem:$0xA90]  }
0x19c: {  	v7 =	vmul.f32 v29, v7;
	v16 =	vperm.xlane v63, v12;
	v63 =	vld [tilespmem:$0xA70]  }
0x19d: {  	v1 =	vmul.f32 v48, v1;
	v57 =	vperm.xlane v44, v55;
	v12 =	vld [tilespmem:$0x1FF50]  }
0x19e: {  	v29 =	vmul.f32 v8, v36;
	v36 =	vmul.f32 v51, v49;
	v51 =	vld [tilespmem:$0xE10]  }
0x19f: {  	v9 =	vsel vm1, v9, v10;
	[tilespmem:$0x1FC30] =	vst v1;
	v1 =	vld [tilespmem:$0x1630];
	v0 =	vadd.f32 v16, v0  }
0x1a0: {  	v44 =	vsel vm1, v11, v7;
	v16 =	vadd.f32 v38, v46;
	v48 =	vadd.f32 v57, v40;
	v40 =	vld [tilespmem:$0xDC0]  }
0x1a1: {  	v7 =	vsel vm1, v7, v11;
	v9 =	vadd.f32 v62, v9;
	v46 =	vmul.f32 v56, v53;
	v56 =	vld [tilespmem:$0xDF0]  }
0x1a2: {  	v53 =	vld [tilespmem:$0xE30];
	v8 =	vperm.xlane v44, v60;
	v38 =	vsel vm2, v16, v0;
	v0 =	vsel vm2, v0, v16  }
0x1a3: {  	v62 =	vsel vm2, v9, v48;
	v16 =	vsel vm1, v36, v46;
	v9 =	vsel vm2, v48, v9;
	v48 =	vld [tilespmem:$0xA80]  }
0x1a4: {  	v10 =	vperm.xlane v38, v43;
	v41 =	vmul.f32 v63, v52;
	v38 =	vsel vm1, v46, v36;
	v46 =	vld [tilespmem:$0x1FF60]  }
0x1a5: {  	v7 =	vadd.f32 v8, v7;
	v8 =	vld [tilespmem:$0xE00];
	v1 =	vmul.f32 v37, v1  }
0x1a6: {  	v36 =	vld [tilespmem:$0x16D0];
	v52 =	vsel vm1, v41, v61  }
0x1a7: {  	v44 =	vsel vm1, v61, v41;
	v41 =	vld [tilespmem:$0x1680];
	v43 =	vperm.xlane v52, v42;
	v63 =	vsel vm1, v1, v29  }
0x1a8: {  	v61 =	vld [tilespmem:$0x1FF60];
	v1 =	vsel vm1, v29, v1;
	v29 =	vperm.xlane v38, v39;
	v38 =	vmul.f32 v2, v35  }
0x1a9: {  	v52 =	vimm.s32 $0x0;
	v49 =	vperm.xlane v63, v12;
	v12 =	vpop (erf);
	v11 =	vperm.xlane v62, v46;
	v62 =	vld [tilespmem:$0x1FF60]  }
0x1aa: {  	v55 =	vperm.xlane v12, v52;
	v52 =	vld [tilespmem:$0x1FF70]  }
0x1ab: {  	v42 =	vimm.s32 $0x8;
	v16 =	vadd.f32 v29, v16;
	[tilespmem:$0x1FC40] =	vst v38;
	v38 =	vld [tilespmem:$0xAD0]  }
0x1ac: {  	v29 =	vadd.f32 v43, v44;
	v43 =	vperm.xlane v12, v42;
	v49 =	vadd.f32 v49, v1;
	v1 =	vld [tilespmem:$0xE50]  }
0x1ad: {  	v39 =	vmul.f32 v22, v55;
	v22 =	vld [tilespmem:$0x16B0]  }
0x1ae: {  	v0 =	vadd.f32 v10, v0;
	v43 =	vmul.f32 v4, v43;
	v4 =	vld [tilespmem:$0xAF0]  }
0x1af: {  	v9 =	vadd.f32 v11, v9;
	v59 =	vsel vm2, v49, v7;
	v7 =	vsel vm2, v7, v49;
	v49 =	vld [tilespmem:$0x16A0]  }
0x1b0: {  	v60 =	vsel vm2, v29, v16;
	v10 =	vperm.xlane v59, v61;
	v59 =	vld [tilespmem:$0xAB0]  }
0x1b1: {  	v63 =	vsel vm3, v9, v0;
	v11 =	vperm.xlane v60, v62;
	v60 =	vld [tilespmem:$0x16C0]  }
0x1b2: {  	v16 =	vsel vm2, v16, v29;
	v55 =	vimm.s32 $0xC;
	v29 =	vperm.xlane v63, v5;
	v5 =	vld [tilespmem:$0x1FF80]  }
0x1b3: {  	v57 =	vperm.xlane v12, v55;
	v62 =	vld [tilespmem:$0xAC0]  }
0x1b4: {  	v63 =	vld [tilespmem:$0xAE0]  }
0x1b5: {  	v37 =	vmul.f32 v21, v57;
	v21 =	vld [tilespmem:$0x16E0]  }
0x1b6: {  	v46 =	vimm.s32 $0x4;
	v0 =	vsel vm3, v0, v9;
	v57 =	vld [tilespmem:$0x16F0]  }
0x1b7: {  	[tilespmem:$0x1FC50] =	vst v39;
	v39 =	vimm.s32 $0x2;
	v11 =	vadd.f32 v11, v16;
	v16 =	vld [tilespmem:$0xAA0];
	v0 =	vadd.f32 v0, v29  }
0x1b8: {  	v42 =	vperm.xlane v12, v39;
	v7 =	vadd.f32 v10, v7;
	v29 =	vperm.xlane v12, v46;
	v46 =	vld [tilespmem:$0x1FF80]  }
0x1b9: {  	v61 =	vperm.xlane v0, v5;
	v5 =	vmul.f32 v58, v50;
	v58 =	vld [tilespmem:$0xE90]  }
0x1ba: {  	v44 =	vsel vm3, v11, v7;
	v10 =	vmul.f32 v20, v29;
	v22 =	vmul.f32 v59, v22;
	v59 =	vld [tilespmem:$0x1700]  }
0x1bb: {  	v9 =	vperm.xlane v44, v52;
	v44 =	vimm.s32 $0xA;
	v35 =	vmul.f32 v62, v60;
	v60 =	vld [tilespmem:$0xB00]  }
0x1bc: {  	v11 =	vsel vm3, v7, v11;
	[tilespmem:$0x1FC60] =	vst v10;
	v20 =	vperm.xlane v12, v44;
	v10 =	vld [tilespmem:$0xE40]  }
0x1bd: {  	v44 =	vmul.f32 v47, v42;
	v21 =	vmul.f32 v63, v21;
	v42 =	vld [tilespmem:$0x1FF50];
	v0 =	vadd.f32 v0, v61  }
0x1be: {  	v2 =	vadd.f32 v11, v9;
	v16 =	vmul.f32 v16, v49;
	v11 =	vmul.f32 v38, v36;
	v36 =	vld [tilespmem:$0x1FF50]  }
0x1bf: {  	v7 =	vimm.s32 $0x0;
	v38 =	vld [tilespmem:$0x1FF50];
	v55 =	vmul.f32 v18, v20;
	v0 =	vmul.f32 $1.442695020e+00, v0  }
0x1c0: {  	v63 =	vimm.s32 $0x2;
	v20 =	vmul.f32 v48, v41;
	v52 =	vperm.xlane v2, v46;
	v46 =	vld [tilespmem:$0x1FF50]  }
0x1c1: {  	[tilespmem:$0x1FC70] =	vst v37;
	v18 =	vmul.f32 v4, v57;
	v41 =	vld [tilespmem:$0xE80];
	v37 =	vsel vm1, v22, v16;
	(erf) = vpow2.f32 v0  }
0x1c2: {  	v4 =	vld [tilespmem:$0x1730];
	v16 =	vsel vm1, v16, v22;
	v22 =	vsel vm1, v11, v35;
	v11 =	vsel vm1, v35, v11  }
0x1c3: {  	v50 =	vsel vm1, v5, v20;
	v20 =	vsel vm1, v20, v5;
	v39 =	vsel vm1, v18, v21;
	v5 =	vld [tilespmem:$0xB10]  }
0x1c4: {  	[tilespmem:$0x1FC80] =	vst v55;
	v55 =	vimm.s32 $0xE;
	v61 =	vadd.f32 v2, v52;
	v52 =	vld [tilespmem:$0xE70];
	v22 =	vperm.xlane v22, v42  }
0x1c5: {  	v18 =	vsel vm1, v21, v18;
	v57 =	vperm.xlane v12, v55;
	v55 =	vld [tilespmem:$0xB30];
	v47 =	vperm.xlane v39, v46  }
0x1c6: {  	v2 =	vld [tilespmem:$0x1710];
	v42 =	vimm.s32 $0x8;
	v50 =	vperm.xlane v50, v36;
	v48 =	vperm.xlane v37, v38  }
0x1c7: {  	v0 =	vmul.f32 $1.442695020e+00, v61;
	v11 =	vadd.f32 v22, v11;
	v22 =	vadd.f32 v47, v18;
	v18 =	vld [tilespmem:$0x1FF60]  }
0x1c8: {  	v38 =	vld [tilespmem:$0x1FF60];
	v20 =	vadd.f32 v50, v20;
	v16 =	vadd.f32 v48, v16;
	v50 =	vimm.s32 $0x6  }
0x1c9: {  	v61 =	vld [tilespmem:$0xE60];
	v49 =	vmul.f32 v14, v57;
	v57 =	vimm.s32 $0xC;
	v21 =	vperm.xlane v12, v50  }
0x1ca: {  	(erf) = vpow2.f32 v0;
	v0 =	vld [tilespmem:$0x1720];
	v36 =	vsel vm2, v20, v16;
	v4 =	vmul.f32 v55, v4;
	v62 =	vpop (erf)  }
0x1cb: {  	v55 =	vld [tilespmem:$0xEC0];
	v50 =	vmul.f32 v15, v21;
	v21 =	vsel vm2, v16, v20;
	v9 =	vperm.xlane v62, v7  }
0x1cc: {  	v47 =	vimm.s32 $0x4;
	v16 =	vld [tilespmem:$0xB40];
	v35 =	vperm.xlane v21, v18;
	v46 =	vperm.xlane v62, v42  }
0x1cd: {  	v15 =	vld [tilespmem:$0x1FF70];
	v21 =	vsel vm2, v22, v11;
	v48 =	vperm.xlane v62, v47;
	v20 =	vperm.xlane v62, v57  }
0x1ce: {  	v7 =	vperm.xlane v62, v63;
	v57 =	vld [tilespmem:$0x1740];
	v39 =	vperm.xlane v21, v38  }
0x1cf: {  	v11 =	vsel vm2, v11, v22;
	v47 =	vld [tilespmem:$0x1760];
	v37 =	vmul.f32 v45, v9;
	v18 =	vmul.f32 v19, v46  }
0x1d0: {  	v45 =	vld [tilespmem:$0xB20];
	v14 =	vadd.f32 v35, v36;
	v36 =	vmul.f32 v6, v48;
	v20 =	vmul.f32 v13, v20  }
0x1d1: {  	v38 =	vmul.f32 v40, v7;
	v40 =	vld [tilespmem:$0x1750];
	v19 =	vimm.s32 $0xA;
	v11 =	vadd.f32 v39, v11  }
0x1d2: {  	v35 =	vimm.s32 $0x6;
	v46 =	vld [tilespmem:$0xB50];
	v48 =	vimm.s32 $0x0;
	v19 =	vperm.xlane v62, v19  }
0x1d3: {  	v21 =	vperm.xlane v62, v35;
	v63 =	vpop (erf);
	v9 =	vsel vm3, v11, v14;
	v11 =	vsel vm3, v14, v11;
	v14 =	vld [tilespmem:$0x1FF80]  }
0x1d4: {  	v39 =	vimm.s32 $0xE;
	v7 =	vperm.xlane v63, v48;
	v48 =	vld [tilespmem:$0xB70];
	v13 =	vperm.xlane v9, v15  }
0x1d5: {  	v42 =	vperm.xlane v62, v39;
	v39 =	vmul.f32 v16, v57;
	v16 =	vld [tilespmem:$0xEE0]  }
0x1d6: {  	v6 =	vmul.f32 v8, v7;
	v8 =	vld [tilespmem:$0x1770];
	v11 =	vadd.f32 v11, v13  }
0x1d7: {  	v15 =	vmul.f32 v54, v19;
	v19 =	vmul.f32 v17, v21;
	v54 =	vld [tilespmem:$0xED0]  }
0x1d8: {  	v17 =	vmul.f32 v60, v59;
	v60 =	vld [tilespmem:$0x1FF50];
	v35 =	vperm.xlane v11, v14  }
0x1d9: {  	v13 =	vld [tilespmem:$0xB60]  }
0x1da: {  	v2 =	vmul.f32 v5, v2;
	v42 =	vmul.f32 v56, v42;
	v56 =	vld [tilespmem:$0x1FF50];
	v11 =	vadd.f32 v11, v35  }
0x1db: {  	v0 =	vmul.f32 v45, v0;
	v45 =	vmul.f32 v46, v40;
	v40 =	vld [tilespmem:$0xEF0]  }
0x1dc: {  	v59 =	vsel vm1, v2, v17;
	v2 =	vsel vm1, v17, v2;
	v17 =	vld [tilespmem:$0x1780];
	v11 =	vmul.f32 $1.442695020e+00, v11  }
0x1dd: {  	v8 =	vmul.f32 v48, v8;
	v48 =	vld [tilespmem:$0x1FF50]  }
0x1de: {  	v13 =	vmul.f32 v13, v47;
	(erf) = vpow2.f32 v11;
	v11 =	vld [tilespmem:$0x1FF50]  }
0x1df: {  	[tilespmem:$0x1FC90] =	vst v6;
	v6 =	vimm.s32 $0x2;
	v14 =	vld [tilespmem:$0xEB0];
	v5 =	vperm.xlane v59, v60  }
0x1e0: {  	v9 =	vsel vm1, v4, v0;
	v0 =	vsel vm1, v0, v4;
	v59 =	vld [tilespmem:$0xF00];
	v47 =	vsel vm1, v8, v13  }
0x1e1: {  	v46 =	vsel vm1, v45, v39;
	v60 =	vld [tilespmem:$0xF10];
	v2 =	vadd.f32 v5, v2;
	v57 =	vperm.xlane v47, v56  }
0x1e2: {  	v5 =	vld [tilespmem:$0x1FF60];
	v8 =	vsel vm1, v13, v8;
	v4 =	vperm.xlane v46, v48;
	v47 =	vimm.s32 $0x4  }
0x1e3: {  	v46 =	vld [tilespmem:$0xB80];
	v8 =	vadd.f32 v57, v8;
	v57 =	vimm.s32 $0xC;
	v35 =	vperm.xlane v9, v11  }
0x1e4: {  	v13 =	vimm.s32 $0x8;
	v48 =	vperm.xlane v63, v47;
	v7 =	vperm.xlane v63, v57;
	v11 =	vld [tilespmem:$0x1FF60]  }
0x1e5: {  	v39 =	vsel vm1, v39, v45;
	v47 =	vld [tilespmem:$0x1790];
	v0 =	vadd.f32 v35, v0;
	v35 =	vperm.xlane v63, v13  }
0x1e6: {  	v4 =	vadd.f32 v4, v39;
	v57 =	vld [tilespmem:$0xB90];
	v39 =	vmul.f32 v3, v48;
	v56 =	vmul.f32 v53, v7  }
0x1e7: {  	v3 =	vld [tilespmem:$0xBD0];
	v7 =	vimm.s32 $0xA;
	v22 =	vmul.f32 v51, v35;
	v9 =	vsel vm2, v0, v2  }
0x1e8: {  	v13 =	vld [tilespmem:$0xBA0];
	v35 =	vsel vm2, v8, v4;
	v4 =	vsel vm2, v4, v8;
	v8 =	vperm.xlane v63, v6  }
0x1e9: {  	v0 =	vsel vm2, v2, v0;
	v45 =	vperm.xlane v9, v11;
	v11 =	vld [tilespmem:$0x17A0];
	v2 =	vperm.xlane v35, v5  }
0x1ea: {  	v53 =	vimm.s32 $0xE;
	v35 =	vperm.xlane v63, v7;
	v21 =	vmul.f32 v10, v8;
	v10 =	vld [tilespmem:$0x1FF70]  }
0x1eb: {  	v9 =	vld [tilespmem:$0x17B0];
	v0 =	vadd.f32 v45, v0;
	v51 =	vadd.f32 v2, v4;
	v45 =	vimm.s32 $0x6  }
0x1ec: {  	v7 =	vld [tilespmem:$0xBB0];
	v2 =	vperm.xlane v63, v53;
	v48 =	vperm.xlane v63, v45  }
0x1ed: {  	v6 =	vld [tilespmem:$0x17C0];
	v29 =	vmul.f32 v1, v35;
	v8 =	vsel vm3, v51, v0;
	v0 =	vsel vm3, v0, v51  }
0x1ee: {  	v5 =	vld [tilespmem:$0xBC0];
	v35 =	vmul.f32 v61, v48;
	v48 =	vmul.f32 v52, v2;
	v52 =	vimm.s32 $0x0  }
0x1ef: {  	v4 =	vld [tilespmem:$0x17D0];
	v45 =	vpop (erf);
	v61 =	vimm.s32 $0x4;
	v11 =	vmul.f32 v13, v11;
	v10 =	vperm.xlane v8, v10  }
0x1f0: {  	v2 =	vld [tilespmem:$0x17E0];
	v52 =	vperm.xlane v45, v52;
	v51 =	vperm.xlane v45, v61;
	v8 =	vimm.s32 $0xC  }
0x1f1: {  	v13 =	vld [tilespmem:$0xF20];
	v7 =	vmul.f32 v7, v9;
	v1 =	vperm.xlane v45, v8  }
0x1f2: {  	v9 =	vld [tilespmem:$0x1FB30];
	v61 =	vmul.f32 v41, v52;
	v52 =	vmul.f32 v23, v51  }
0x1f3: {  	v51 =	vmul.f32 v14, v1;
	v14 =	vmul.f32 v46, v17;
	v46 =	vld [tilespmem:$0x1FF80]  }
0x1f4: {  	v8 =	vld [tilespmem:$0xF30]  }
0x1f5: {  	v41 =	vld [tilespmem:$0xBE0]  }
0x1f6: {  	v0 =	vadd.f32 v0, v10;
	v23 =	vld [tilespmem:$0xBF0]  }
0x1f7: {  	v10 =	vld [tilespmem:$0x1FF50]  }
0x1f8: {  	v57 =	vmul.f32 v57, v47;
	v53 =	vimm.s32 $0x8;
	v1 =	vld [tilespmem:$0x17F0];
	v17 =	vperm.xlane v0, v46  }
0x1f9: {  	v53 =	vperm.xlane v45, v53;
	v47 =	vsel vm1, v11, v7;
	[tilespmem:$0x1BA0] =	vst v9;
	v9 =	vsel vm1, v7, v11;
	v11 =	vld [tilespmem:$0x1FF50]  }
0x1fa: {  	v2 =	vmul.f32 v41, v2;
	v41 =	vld [tilespmem:$0xF40];
	v0 =	vadd.f32 v0, v17  }
0x1fb: {  	v3 =	vmul.f32 v3, v4;
	v53 =	vmul.f32 v58, v53;
	v58 =	vsel vm1, v57, v14;
	v46 =	vld [tilespmem:$0x1FB40]  }
0x1fc: {  	v4 =	vperm.xlane v58, v10;
	v17 =	vsel vm1, v14, v57;
	v14 =	vld [tilespmem:$0x1FF50];
	v0 =	vmul.f32 $1.442695020e+00, v0  }
0x1fd: {  	v5 =	vmul.f32 v5, v6;
	v1 =	vmul.f32 v23, v1;
	v23 =	vld [tilespmem:$0xC10]  }
0x1fe: {  	v4 =	vadd.f32 v4, v17;
	v17 =	vld [tilespmem:$0x1FB50];
	(erf) = vpow2.f32 v0;
	v0 =	vperm.xlane v9, v34  }
0x1ff: {  	v57 =	vsel vm1, v3, v5;
	v58 =	vsel vm1, v1, v2;
	v34 =	vld [tilespmem:$0xF70]  }
0x200: {  	v6 =	vadd.f32 v0, v47;
	v0 =	vperm.xlane v57, v11;
	v47 =	vld [tilespmem:$0x1FB60];
	v57 =	vimm.s32 $0xA  }
0x201: {  	[tilespmem:$0x1BD0] =	vst v46;
	v46 =	vimm.s32 $0x2;
	v7 =	vperm.xlane v58, v14;
	v58 =	vperm.xlane v45, v57;
	v57 =	vld [tilespmem:$0x1FF60]  }
0x202: {  	v1 =	vsel vm1, v2, v1;
	v2 =	vperm.xlane v45, v46;
	v9 =	vld [tilespmem:$0x1800]  }
0x203: {  	v3 =	vsel vm1, v5, v3;
	v46 =	vimm.s32 $0x6;
	[tilespmem:$0x1BF0] =	vst v17;
	v17 =	vld [tilespmem:$0x1FB70]  }
0x204: {  	v3 =	vadd.f32 v0, v3;
	v0 =	vmul.f32 v55, v2;
	v2 =	vperm.xlane v45, v46;
	v46 =	vld [tilespmem:$0x1FF60]  }
0x205: {  	v11 =	vld [tilespmem:$0x1810];
	[tilespmem:$0x1C00] =	vst v47;
	v47 =	vsel vm2, v6, v4  }
0x206: {  	v1 =	vadd.f32 v7, v1;
	v10 =	vperm.xlane v47, v57;
	v57 =	vld [tilespmem:$0x1FF90]  }
0x207: {  	v55 =	vld [tilespmem:$0x1FB80]  }
0x208: {  	v7 =	vld [tilespmem:$0xC00];
	v5 =	vmul.f32 v54, v58;
	v58 =	vsel vm2, v1, v3  }
0x209: {  	v54 =	vld [tilespmem:$0x1FF20];
	[tilespmem:$0x1C10] =	vst v17;
	v17 =	vmul.f32 v16, v2;
	v16 =	vsel vm2, v4, v6;
	v4 =	vperm.xlane v58, v46  }
0x20a: {  	v1 =	vsel vm2, v3, v1;
	v58 =	vld [tilespmem:$0x1FF90]  }
0x20b: {  	v1 =	vadd.f32 v4, v1;
	v4 =	vperm.xlane v25, v57;
	v25 =	vld [tilespmem:$0x1FBB0]  }
0x20c: {  	[tilespmem:$0x1C20] =	vst v55;
	v55 =	vld [tilespmem:$0x1FBA0]  }
0x20d: {  	v6 =	vld [tilespmem:$0x1820]  }
0x20e: {  	[tilespmem:$0x1C70] =	vst v28;
	v28 =	vimm.s32 $0x8;
	v47 =	vld [tilespmem:$0x1FB90];
	v7 =	vmul.f32 v7, v9;
	v46 =	vpop (erf)  }
0x20f: {  	v9 =	vld [tilespmem:$0xC50];
	v2 =	vadd.f32 v10, v16;
	v3 =	vperm.xlane v24, v54;
	v54 =	vperm.xlane v46, v28  }
0x210: {  	v10 =	vld [tilespmem:$0xC20];
	v28 =	vimm.s32 $0x4;
	v14 =	vperm.xlane v26, v58;
	[tilespmem:$0x1C60] =	vst v25;
	v25 =	vimm.s32 $0xE  }
0x211: {  	[tilespmem:$0x1C50] =	vst v55;
	v58 =	vld [tilespmem:$0x1FF00];
	v55 =	vperm.xlane v46, v28;
	v25 =	vperm.xlane v45, v25  }
0x212: {  	v16 =	vld [tilespmem:$0x1830]  }
0x213: {  	v28 =	vmul.f32 v40, v25;
	v25 =	vmul.f32 v13, v55;
	v55 =	vld [tilespmem:$0x1FF70]  }
0x214: {  	[tilespmem:$0x1C40] =	vst v47;
	v47 =	vld [tilespmem:$0xC30];
	v26 =	vimm.s32 $0x0  }
0x215: {  	v3 =	vshll.u32 v3, $0x3;
	v57 =	vld [tilespmem:$0x1840];
	v26 =	vperm.xlane v46, v26  }
0x216: {  	v6 =	vmul.f32 v10, v6;
	v10 =	vld [tilespmem:$0x1860];
	v4 =	vsel vm1, v4, v14;
	v3 =	vor.u32 v58, v3  }
0x217: {  	v14 =	vld [tilespmem:$0xC40];
	[tilespmem:$0x2220] =	vst v3;
	v3 =	vmul.f32 v59, v26;
	v26 =	vmul.f32 v60, v54;
	v60 =	vsel vm3, v1, v2  }
0x218: {  	[tilespmem:$0x21A0] =	vst v4;
	v4 =	vperm.xlane v60, v55;
	v60 =	vld [tilespmem:$0x1FBF0]  }
0x219: {  	v54 =	vld [tilespmem:$0x1FBD0];
	v1 =	vsel vm3, v2, v1  }
0x21a: {  	v1 =	vadd.f32 v1, v4;
	v4 =	vmul.f32 v47, v16;
	v16 =	vld [tilespmem:$0x1FF90]  }
0x21b: {  	v47 =	vld [tilespmem:$0x1FF90]  }
0x21c: {  	v59 =	vld [tilespmem:$0x1FBE0]  }
0x21d: {  	[tilespmem:$0x1CA0] =	vst v60;
	v60 =	vld [tilespmem:$0x1FF90]  }
0x21e: {  	v2 =	vmul.f32 v23, v11;
	v23 =	vld [tilespmem:$0xC60]  }
0x21f: {  	v40 =	vld [tilespmem:$0x1FC00]  }
0x220: {  	[tilespmem:$0x1C80] =	vst v54;
	v54 =	vld [tilespmem:$0x1FC10];
	v11 =	vperm.xlane v27, v16;
	v12 =	vperm.xlane v12, v47  }
0x221: {  	[tilespmem:$0x1C90] =	vst v59;
	v59 =	vld [tilespmem:$0x1FC20]  }
0x222: {  	v11 =	vsel vm1, v11, v12;
	v12 =	vperm.xlane v62, v60;
	v62 =	vld [tilespmem:$0x1FF90]  }
0x223: {  	v55 =	vld [tilespmem:$0x1FF30]  }
0x224: {  	v13 =	vld [tilespmem:$0x1850]  }
0x225: {  	v14 =	vmul.f32 v14, v57;
	v57 =	vld [tilespmem:$0x1FF80]  }
0x226: {  	[tilespmem:$0x1CD0] =	vst v59;
	v59 =	vld [tilespmem:$0x1FC40]  }
0x227: {  	[tilespmem:$0x1CC0] =	vst v54;
	v54 =	vperm.xlane v63, v62;
	v63 =	vld [tilespmem:$0x1FC30]  }
0x228: {  	[tilespmem:$0x1CB0] =	vst v40;
	v40 =	vperm.xlane v24, v55;
	v55 =	vld [tilespmem:$0xFA0]  }
0x229: {  	v27 =	vld [tilespmem:$0x1870]  }
0x22a: {  	[tilespmem:$0x100] =	vst v24;
	v16 =	vperm.xlane v1, v57;
	v47 =	vld [tilespmem:$0xC70]  }
0x22b: {  	v57 =	vld [tilespmem:$0x1FFC0];
	[tilespmem:$0x1CF0] =	vst v59  }
0x22c: {  	v1 =	vadd.f32 v1, v16;
	v16 =	vld [tilespmem:$0xFB0];
	[tilespmem:$0x1CE0] =	vst v63  }
0x22d: {  	v60 =	vimm.s32 $0xC;
	v59 =	vld [tilespmem:$0x1880]  }
0x22e: {  	v9 =	vmul.f32 v9, v13;
	v13 =	vperm.xlane v46, v60;
	v60 =	vld [tilespmem:$0x1FC50];
	_ =	sdelay $0x4  }
0x22f: {  	[tilespmem:$0x1D00] =	vst v60;
	v60 =	vld [tilespmem:$0x1FF50];
	_ =	sdelay $0x2  }
0x230: {  	[tilespmem:$0x1D40] =	vst v44;
	v44 =	vld [tilespmem:$0x1FF50]  }
0x231: {  	v10 =	vmul.f32 v23, v10;
	v23 =	vsel vm1, v2, v7  }
0x232: {  	v1 =	vmul.f32 $1.442695020e+00, v1;
	v23 =	vperm.xlane v23, v60  }
0x233: {  	v2 =	vsel vm1, v7, v2;
	v7 =	vsel vm1, v9, v14;
	v62 =	vimm.s32 $0x2;
	v63 =	vld [tilespmem:$0x1FC60]  }
0x234: {  	[tilespmem:$0x1D10] =	vst v43;
	v43 =	vperm.xlane v46, v62;
	(erf) = vpow2.f32 v1;
	v62 =	vld [tilespmem:$0x1FC70];
	v1 =	vadd.f32 v23, v2  }
0x235: {  	v2 =	vsel vm1, v4, v6;
	v4 =	vsel vm1, v6, v4;
	v6 =	vperm.xlane v7, v44;
	v44 =	vld [tilespmem:$0x1FF50];
	_ =	sdelay $0x1  }
0x236: {  	v27 =	vmul.f32 v47, v27  }
0x237: {  	[tilespmem:$0x1D20] =	vst v63  }
0x238: {  	[tilespmem:$0x1D30] =	vst v62;
	v63 =	vld [tilespmem:$0x1FF50];
	v62 =	vsel vm1, v27, v10  }
0x239: {  	v7 =	vperm.xlane v62, v44;
	v62 =	vld [tilespmem:$0x1FC80]  }
0x23a: {  	[tilespmem:$0x1D60] =	vst v50  }
0x23b: {  	v47 =	vld [tilespmem:$0x1890];
	[tilespmem:$0x1DF0] =	vst v42  }
0x23c: {  	v42 =	vld [tilespmem:$0x1FC90];
	[tilespmem:$0x1E30] =	vst v56  }
0x23d: {  	[tilespmem:$0x1E40] =	vst v21;
	v21 =	vld [tilespmem:$0x1FF50];
	v2 =	vperm.xlane v2, v63  }
0x23e: {  	v50 =	vimm.s32 $0x6;
	v56 =	vld [tilespmem:$0x1970];
	[tilespmem:$0x1D50] =	vst v62;
	v62 =	vsel vm1, v14, v9  }
0x23f: {  	[tilespmem:$0x1E70] =	vst v48;
	v48 =	vld [tilespmem:$0xFD0];
	v10 =	vsel vm1, v10, v27;
	v2 =	vadd.f32 v2, v4;
	v4 =	vadd.f32 v6, v62  }
0x240: {  	v6 =	vadd.f32 v7, v10;
	v10 =	vmul.f32 v41, v43;
	v41 =	vperm.xlane v46, v50;
	v50 =	vld [tilespmem:$0x1FF60]  }
0x241: {  	v27 =	vld [tilespmem:$0xCB0]  }
0x242: {  	v40 =	vshll.u32 v40, $0x3;
	[tilespmem:$0x1E00] =	vst v42;
	v42 =	vld [tilespmem:$0xD10]  }
0x243: {  	v23 =	vld [tilespmem:$0xC90];
	v62 =	vor.u32 v58, v40  }
0x244: {  	v60 =	vld [tilespmem:$0xC80];
	[tilespmem:$0x2230] =	vst v62;
	v62 =	vsel vm2, v2, v1  }
0x245: {  	[tilespmem:$0x21B0] =	vst v11;
	v11 =	vperm.xlane v62, v50;
	v62 =	vld [tilespmem:$0x1FF60]  }
0x246: {  	v63 =	vld [tilespmem:$0x18A0]  }
0x247: {  	v44 =	vld [tilespmem:$0xCA0]  }
0x248: {  	v23 =	vmul.f32 v23, v47;
	v47 =	vld [tilespmem:$0x1940]  }
0x249: {  	[tilespmem:$0x1D70] =	vst v49;
	v49 =	vimm.s32 $0xA;
	v14 =	vld [tilespmem:$0x18B0];
	v9 =	vmul.f32 v8, v13;
	v43 =	vsel vm2, v6, v4  }
0x24a: {  	[tilespmem:$0x1D80] =	vst v37;
	v37 =	vimm.s32 $0xE;
	v13 =	vperm.xlane v46, v49;
	v49 =	vld [tilespmem:$0xCC0];
	v43 =	vperm.xlane v43, v62  }
0x24b: {  	v37 =	vperm.xlane v46, v37;
	v40 =	vld [tilespmem:$0x18C0];
	v62 =	vsel vm2, v4, v6  }
0x24c: {  	v1 =	vsel vm2, v1, v2;
	v2 =	vadd.f32 v43, v62;
	v43 =	vld [tilespmem:$0x1FF90]  }
0x24d: {  	v7 =	vmul.f32 v33, v13;
	v13 =	vmul.f32 v34, v37;
	v37 =	vld [tilespmem:$0x18F0]  }
0x24e: {  	[tilespmem:$0x1D90] =	vst v18;
	v18 =	vmul.f32 v32, v41;
	v32 =	vld [tilespmem:$0xCE0]  }
0x24f: {  	v14 =	vmul.f32 v27, v14;
	v27 =	vld [tilespmem:$0xD20]  }
0x250: {  	v50 =	vld [tilespmem:$0x18D0]  }
0x251: {  	[tilespmem:$0x1DA0] =	vst v36;
	v33 =	vperm.xlane v45, v43;
	v45 =	vld [tilespmem:$0x1FF90]  }
0x252: {  	[tilespmem:$0x1DB0] =	vst v20;
	v8 =	vimm.s32 $0x8;
	v6 =	vadd.f32 v11, v1;
	v1 =	vpop (erf);
	v62 =	vld [tilespmem:$0x1FF70]  }
0x253: {  	[tilespmem:$0x1DD0] =	vst v15;
	v40 =	vmul.f32 v49, v40;
	v49 =	vld [tilespmem:$0xD40];
	v15 =	vperm.xlane v1, v8  }
0x254: {  	[tilespmem:$0x1DC0] =	vst v38;
	v4 =	vld [tilespmem:$0xCD0]  }
0x255: {  	v57 =	vperm.xlane v24, v57;
	v12 =	vsel vm1, v12, v54;
	[tilespmem:$0x1DE0] =	vst v19;
	v11 =	vld [tilespmem:$0x18E0];
	v19 =	vmul.f32 v31, v15  }
0x256: {  	[tilespmem:$0x1E60] =	vst v35;
	v31 =	vld [tilespmem:$0x1910];
	v20 =	vsel vm3, v2, v6;
	v34 =	vperm.xlane v46, v45;
	v46 =	vimm.s32 $0x0  }
0x257: {  	[tilespmem:$0x1EB0] =	vst v51;
	v41 =	vperm.xlane v20, v62;
	v20 =	vimm.s32 $0x4;
	v38 =	vperm.xlane v1, v46;
	v46 =	vld [tilespmem:$0x1FFD0]  }
0x258: {  	v51 =	vimm.s32 $0xA;
	v35 =	vimm.s32 $0xE;
	[tilespmem:$0x1F40] =	vst v10;
	v43 =	vld [tilespmem:$0xCF0];
	v36 =	vperm.xlane v1, v20  }
0x259: {  	[tilespmem:$0x1F50] =	vst v7;
	v7 =	vperm.xlane v1, v51;
	v10 =	vperm.xlane v1, v35;
	v2 =	vsel vm3, v6, v2;
	v6 =	vld [tilespmem:$0x1900]  }
0x25a: {  	v54 =	vimm.s32 $0xC;
	[tilespmem:$0x1E10] =	vst v22;
	v4 =	vmul.f32 v4, v50;
	v50 =	vld [tilespmem:$0xD50];
	v15 =	vmul.f32 v55, v36  }
0x25b: {  	[tilespmem:$0x1EA0] =	vst v52;
	v52 =	vimm.s32 $0x6;
	v20 =	vmul.f32 v30, v38;
	v38 =	vperm.xlane v1, v54;
	v54 =	vld [tilespmem:$0x1FF50]  }
0x25c: {  	[tilespmem:$0x1E20] =	vst v39;
	v55 =	vld [tilespmem:$0x1FF80];
	v45 =	vshll.u32 v57, $0x3;
	v57 =	vmul.f32 v60, v59;
	v62 =	vperm.xlane v24, v46  }
0x25d: {  	[tilespmem:$0x1E50] =	vst v29;
	v2 =	vadd.f32 v2, v41;
	v59 =	vmul.f32 v44, v63;
	v44 =	vld [tilespmem:$0x1930];
	v29 =	vmul.f32 v43, v37  }
0x25e: {  	[tilespmem:$0x21C0] =	vst v12;
	v43 =	vld [tilespmem:$0x1FF50];
	v22 =	vor.u32 v58, v45;
	v39 =	vshll.u32 v62, $0x3;
	v62 =	vsel vm1, v23, v57  }
0x25f: {  	v60 =	vmul.f32 v32, v11;
	[tilespmem:$0x2240] =	vst v22;
	v22 =	vsel vm1, v4, v40;
	v11 =	vperm.xlane v62, v21;
	v21 =	vld [tilespmem:$0x1FF50]  }
0x260: {  	[tilespmem:$0x1F60] =	vst v18;
	v51 =	vimm.s32 $0x2;
	v18 =	vmul.f32 v48, v7;
	v12 =	vperm.xlane v22, v54;
	v22 =	vld [tilespmem:$0x1FF50]  }
0x261: {  	v48 =	vimm.s32 $0xC;
	v45 =	vld [tilespmem:$0x1920];
	v33 =	vsel vm1, v33, v34;
	v41 =	vperm.xlane v2, v55  }
0x262: {  	v63 =	vsel vm1, v14, v59;
	v14 =	vsel vm1, v59, v14;
	v8 =	vsel vm1, v60, v29;
	v46 =	vld [tilespmem:$0xD30]  }
0x263: {  	v30 =	vld [tilespmem:$0xD00];
	v2 =	vadd.f32 v2, v41;
	v16 =	vmul.f32 v16, v38;
	v23 =	vsel vm1, v57, v23  }
0x264: {  	v11 =	vadd.f32 v11, v23;
	v23 =	vsel vm1, v29, v60;
	v29 =	vld [tilespmem:$0x1FF60];
	v21 =	vperm.xlane v63, v21  }
0x265: {  	v4 =	vsel vm1, v40, v4;
	v55 =	vld [tilespmem:$0x1960];
	v2 =	vmul.f32 $1.442695020e+00, v2;
	v22 =	vperm.xlane v23, v22  }
0x266: {  	v57 =	vimm.s32 $0x2;
	v62 =	vld [tilespmem:$0x1FF60];
	v4 =	vadd.f32 v12, v4;
	v14 =	vadd.f32 v21, v14  }
0x267: {  	v37 =	vmul.f32 v46, v44;
	v63 =	vmul.f32 v27, v45;
	v8 =	vadd.f32 v22, v8;
	v21 =	vld [tilespmem:$0x1950]  }
0x268: {  	v6 =	vmul.f32 v30, v6;
	(erf) = vpow2.f32 v2;
	v60 =	vld [tilespmem:$0xD70];
	v23 =	vsel vm2, v14, v11  }
0x269: {  	[tilespmem:$0x1ED0] =	vst v5;
	v5 =	vsel vm1, v63, v37;
	v22 =	vsel vm2, v8, v4;
	v23 =	vperm.xlane v23, v29;
	v29 =	vld [tilespmem:$0xD60]  }
0x26a: {  	[tilespmem:$0x1E80] =	vst v61;
	v40 =	vld [tilespmem:$0x1FF50];
	v61 =	vsel vm2, v4, v8;
	v11 =	vsel vm2, v11, v14;
	v14 =	vperm.xlane v1, v57  }
0x26b: {  	v46 =	vld [tilespmem:$0x1FF50];
	v4 =	vperm.xlane v22, v62;
	v22 =	vmul.f32 v49, v47;
	v59 =	vadd.f32 v23, v11  }
0x26c: {  	v45 =	vld [tilespmem:$0x1FF50];
	v23 =	vmul.f32 v42, v31;
	v38 =	vmul.f32 v50, v21;
	v42 =	vsel vm1, v37, v63  }
0x26d: {  	[tilespmem:$0x1EC0] =	vst v0;
	v49 =	vld [tilespmem:$0x1FF70];
	v0 =	vadd.f32 v4, v61;
	v11 =	vmul.f32 v60, v56;
	v12 =	vperm.xlane v42, v43  }
0x26e: {  	v47 =	vld [tilespmem:$0xFC0];
	v27 =	vsel vm1, v23, v6;
	v6 =	vsel vm1, v6, v23;
	v21 =	vmul.f32 v29, v55  }
0x26f: {  	[tilespmem:$0x1EE0] =	vst v17;
	v57 =	vld [tilespmem:$0x1FF60];
	v41 =	vsel vm3, v0, v59;
	v44 =	vsel vm1, v38, v22;
	v17 =	vperm.xlane v27, v40  }
0x270: {  	[tilespmem:$0x1E90] =	vst v53;
	v61 =	vld [tilespmem:$0x1FF80];
	v4 =	vsel vm1, v22, v38;
	v0 =	vsel vm3, v59, v0;
	v23 =	vsel vm1, v11, v21  }
0x271: {  	[tilespmem:$0x1EF0] =	vst v28;
	v59 =	vld [tilespmem:$0x1FF60];
	v8 =	vperm.xlane v44, v45;
	v6 =	vadd.f32 v17, v6;
	v17 =	vperm.xlane v23, v46  }
0x272: {  	[tilespmem:$0x1F00] =	vst v3;
	v53 =	vld [tilespmem:$0xFE0];
	v5 =	vadd.f32 v12, v5;
	v3 =	vperm.xlane v41, v49;
	v11 =	vsel vm1, v21, v11  }
0x273: {  	[tilespmem:$0x1F10] =	vst v26;
	v56 =	vor.u32 v58, v39;
	v60 =	vld [tilespmem:$0xFF0];
	v4 =	vadd.f32 v8, v4;
	v50 =	vadd.f32 v17, v11  }
0x274: {  	[tilespmem:$0x1F20] =	vst v25;
	v34 =	vld [tilespmem:$0x1010];
	v62 =	vmul.f32 v47, v14;
	v0 =	vadd.f32 v0, v3;
	v54 =	vsel vm2, v5, v6  }
0x275: {  	[tilespmem:$0x1FD0] =	vst v18;
	v18 =	vld [tilespmem:$0x10B0];
	v40 =	vimm.s32 $0x8;
	v2 =	vperm.xlane v54, v57;
	v55 =	vsel vm2, v50, v4  }
0x276: {  	[tilespmem:$0x21D0] =	vst v33;
	v33 =	vpop (erf);
	v39 =	vld [tilespmem:$0x1FF70];
	v5 =	vsel vm2, v6, v5;
	v17 =	vperm.xlane v0, v61;
	v3 =	vperm.xlane v55, v59  }
0x277: {  	[tilespmem:$0x1F70] =	vst v13;
	v63 =	vld [tilespmem:$0x1000];
	v13 =	vperm.xlane v33, v40;
	v4 =	vsel vm2, v4, v50;
	v2 =	vadd.f32 v2, v5  }
0x278: {  	[tilespmem:$0x1F30] =	vst v9;
	v43 =	vld [tilespmem:$0x1040];
	v10 =	vmul.f32 v60, v10;
	v0 =	vadd.f32 v0, v17;
	v3 =	vadd.f32 v3, v4  }
0x279: {  	[tilespmem:$0x1F90] =	vst v19;
	v36 =	vimm.s32 $0x0;
	v41 =	vld [tilespmem:$0x1030];
	v45 =	vmul.f32 v34, v13;
	v11 =	vperm.xlane v1, v52  }
0x27a: {  	[tilespmem:$0x1FF0] =	vst v10;
	v10 =	vperm.xlane v33, v51;
	v50 =	vld [tilespmem:$0x1FF80];
	v0 =	vmul.f32 $1.442695020e+00, v0;
	v37 =	vsel vm3, v3, v2  }
0x27b: {  	[tilespmem:$0x2250] =	vst v56;
	v56 =	vimm.s32 $0x6;
	v49 =	vld [tilespmem:$0x1060];
	v32 =	vmul.f32 v53, v11;
	v12 =	vperm.xlane v37, v39  }
0x27c: {  	[tilespmem:$0x1FA0] =	vst v15;
	v38 =	vld [tilespmem:$0x1020];
	v11 =	vperm.xlane v33, v36;
	(erf) = vpow2.f32 v0;
	v2 =	vsel vm3, v2, v3  }
0x27d: {  	[tilespmem:$0x1F80] =	vst v20;
	v14 =	vld [tilespmem:$0x1FF90];
	v6 =	vperm.xlane v33, v56;
	v5 =	vperm.xlane v33, v48;
	v44 =	vadd.f32 v2, v12  }
0x27e: {  	[tilespmem:$0x1FB0] =	vst v16;
	v47 =	vld [tilespmem:$0x1050];
	v46 =	vimm.s32 $0x4;
	v55 =	vmul.f32 v43, v10;
	v42 =	vmul.f32 v63, v11  }
0x27f: {  	[tilespmem:$0x1FC0] =	vst v62;
	v62 =	vld [tilespmem:$0x1FFE0];
	v4 =	vperm.xlane v33, v46;
	v11 =	vperm.xlane v44, v50  }
0x280: {  	v16 =	vld [tilespmem:$0x1FF90];
	[tilespmem:$0x2010] =	vst v45;
	v53 =	vimm.s32 $0xA;
	v59 =	vmul.f32 v49, v6;
	v52 =	vmul.f32 v41, v5  }
0x281: {  	v54 =	vld [tilespmem:$0x1070];
	[tilespmem:$0x1FE0] =	vst v32;
	v5 =	vperm.xlane v33, v53;
	v4 =	vmul.f32 v38, v4;
	v0 =	vadd.f32 v44, v11  }
0x282: {  	v35 =	vimm.s32 $0x4;
	v15 =	vld [tilespmem:$0x10A0];
	v1 =	vperm.xlane v1, v14;
	[tilespmem:$0x2040] =	vst v55  }
0x283: {  	v60 =	vimm.s32 $0xE;
	v61 =	vld [tilespmem:$0x1080];
	[tilespmem:$0x2060] =	vst v59;
	v57 =	vmul.f32 v47, v5;
	v0 =	vmul.f32 $1.442695020e+00, v0  }
0x284: {  	v17 =	vimm.s32 $0x0;
	v63 =	vld [tilespmem:$0x1090];
	[tilespmem:$0x2000] =	vst v42;
	v5 =	vperm.xlane v33, v60;
	v2 =	vperm.xlane v24, v62  }
0x285: {  	v45 =	vld [tilespmem:$0x1100];
	v32 =	vimm.s32 $0x8;
	v3 =	vperm.xlane v33, v16;
	[tilespmem:$0x2020] =	vst v4;
	v4 =	vpop (erf);
	(erf) = vpow2.f32 v0  }
0x286: {  	v36 =	vld [tilespmem:$0x10D0];
	[tilespmem:$0x2030] =	vst v52;
	v13 =	vmul.f32 v54, v5;
	v2 =	vshll.u32 v2, $0x3;
	v7 =	vperm.xlane v4, v17  }
0x287: {  	v33 =	vld [tilespmem:$0x10C0];
	v38 =	vimm.s32 $0xC;
	[tilespmem:$0x2050] =	vst v57;
	v19 =	vor.u32 v58, v2;
	v2 =	vperm.xlane v4, v32  }
0x288: {  	v48 =	vld [tilespmem:$0x1110];
	v1 =	vsel vm1, v1, v3;
	[tilespmem:$0x2070] =	vst v13;
	v3 =	vperm.xlane v4, v35;
	v34 =	vmul.f32 v61, v7  }
0x289: {  	v41 =	vimm.s32 $0x2;
	v39 =	vld [tilespmem:$0x10E0];
	[tilespmem:$0x21E0] =	vst v1;
	v37 =	vmul.f32 v63, v2;
	v2 =	vperm.xlane v4, v38  }
0x28a: {  	v42 =	vld [tilespmem:$0x10F0];
	[tilespmem:$0x2260] =	vst v19;
	v44 =	vimm.s32 $0xA;
	v40 =	vmul.f32 v15, v3;
	v3 =	vperm.xlane v4, v41  }
0x28b: {  	v47 =	vimm.s32 $0x6;
	[tilespmem:$0x2090] =	vst v37;
	v43 =	vmul.f32 v18, v2;
	v2 =	vperm.xlane v4, v44;
	v37 =	vld [tilespmem:$0x1FF90]  }
0x28c: {  	v55 =	vld [tilespmem:$0x1130];
	v50 =	vimm.s32 $0xE;
	[tilespmem:$0x2080] =	vst v34;
	v46 =	vmul.f32 v33, v3;
	v3 =	vperm.xlane v4, v47  }
0x28d: {  	v59 =	vld [tilespmem:$0x1140];
	[tilespmem:$0x20A0] =	vst v40;
	v49 =	vmul.f32 v36, v2;
	v2 =	vperm.xlane v4, v50  }
0x28e: {  	v52 =	vld [tilespmem:$0x1120];
	v54 =	vimm.s32 $0x0;
	[tilespmem:$0x20B0] =	vst v43;
	v53 =	vmul.f32 v39, v3;
	v51 =	vpop (erf)  }
0x28f: {  	v57 =	vimm.s32 $0x8;
	v62 =	vld [tilespmem:$0x1150];
	[tilespmem:$0x20C0] =	vst v46;
	v56 =	vmul.f32 v42, v2;
	v3 =	vperm.xlane v51, v54  }
0x290: {  	v12 =	vld [tilespmem:$0x1160];
	v61 =	vimm.s32 $0x4;
	[tilespmem:$0x20D0] =	vst v49;
	v0 =	vperm.xlane v4, v37;
	v2 =	vperm.xlane v51, v57  }
0x291: {  	v11 =	vimm.s32 $0xC;
	v35 =	vld [tilespmem:$0x1FFF0];
	[tilespmem:$0x20E0] =	vst v53;
	v60 =	vmul.f32 v45, v3;
	v3 =	vperm.xlane v51, v61  }
0x292: {  	v14 =	vimm.s32 $0x2;
	v15 =	vld [tilespmem:$0x1170];
	[tilespmem:$0x20F0] =	vst v56;
	v63 =	vmul.f32 v48, v2;
	v2 =	vperm.xlane v51, v11  }
0x293: {  	v17 =	vimm.s32 $0xA;
	v38 =	vld [tilespmem:$0x1FF90];
	[tilespmem:$0x2100] =	vst v60;
	v13 =	vmul.f32 v52, v3;
	v3 =	vperm.xlane v51, v14  }
0x294: {  	v19 =	vimm.s32 $0x6;
	[tilespmem:$0x2110] =	vst v63;
	v16 =	vmul.f32 v55, v2;
	v2 =	vperm.xlane v51, v17  }
0x295: {  	v33 =	vimm.s32 $0xE;
	[tilespmem:$0x2120] =	vst v13;
	v18 =	vmul.f32 v59, v3;
	v3 =	vperm.xlane v51, v19  }
0x296: {  	[tilespmem:$0x2130] =	vst v16;
	v32 =	vmul.f32 v62, v2;
	v2 =	vperm.xlane v51, v33  }
0x297: {  	[tilespmem:$0x2140] =	vst v18;
	v34 =	vmul.f32 v12, v3;
	v3 =	vperm.xlane v24, v35  }
0x298: {  	[tilespmem:$0x2150] =	vst v32;
	v36 =	vmul.f32 v15, v2;
	v2 =	vperm.xlane v51, v38  }
0x299: {  	[tilespmem:$0x2160] =	vst v34  }
0x29a: {  	v3 =	vshll.u32 v3, $0x3;
	[tilespmem:$0x2170] =	vst v36;
	v0 =	vsel vm1, v0, v2  }
0x29b: {  	s11 =	sshrl.u32 s23, $0x3;
	v39 =	vor.u32 v58, v3;
	[tilespmem:$0x21F0] =	vst v0  }
0x29c: {  	s24 =	sadd.s32 s7, s11;
	[tilespmem:$0x2270] =	vst v39  }
0x29d: {  	[tilespmem:s5], [sflag:$0x1] =	stream.linear.gather [hbm4b:s24+s5], $0x10, $0x38;
	[tilespmem:$0x19900] =	vst v63  }
0x29e: {  	s17 =	sadd.s32 s8, s11  }
0x29f: {  	[tilespmem:s25], [sflag:$0x1] =	stream.linear.gather [hbm4b:s17+s5], $0x10, $0x38;
	[tilespmem:$0x19900] =	vst v63  }
0x2a0: {  	_ = 	snop  }
0x2a1: {  	[spmem:s3] =	stream.indirect.scatter.add.f32 [tilespmem:s12], [sflag:$0x3], $0x80, s10, s0, $0xb8;
	[tilespmem:$0x19900] =	vst v63  }
0x2a2: {  	_ = 	snop  }
0x2a3: {  	[spmem:s4] =	stream.indirect.scatter.add.f32 [tilespmem:s14], [sflag:$0x3], $0x1, s13, s25, $0xb8;
	[tilespmem:$0x19900] =	vst v63  }
0x2a4: {  	_ =	swait.ge [sflag:s29], $0x10  }
0x2a5: {  	[sflag:s29] =	ssyncset.done $0x0  }
0x2a6: {  	[sflag:s29] =	ssyncadd.s32 $0xFFFFFFF0  }
0x2a7: {  	_ =	swait.ge [sflag:s29], $0x10  }
0x2a8: {  	[sflag:s29] =	ssyncset.done $0x0  }
0x2a9: {  	[sflag:s29] =	ssyncadd.s32 $0xFFFFFFF0  }
0x2aa: {  	v40 =	vld [tilespmem:$0x0];
	_ =	sdelay $0x3  }
0x2ab: {  	v42 =	vld [tilespmem:$0x1FFA0]  }
0x2ac: {  	v43 =	vld [tilespmem:$0x1FFB0];
	v41 =	vshll.u32 v40, $0x1  }
0x2ad: {  	v0 =	vand.u32 $0x7, v40;
	v1 =	vand.u32 $0xFFFFFFF0, v41  }
0x2ae: {  	v0 =	vor.u32 v0, v1  }
0x2af: {  	v1 =	vperm.xlane v0, v58;
	_ =	sdelay $0x1  }
0x2b0: {  	v0 =	vperm.xlane v0, v43;
	v1 =	vadd.s32 v42, v1;
	_ =	sdelay $0x1  }
0x2b1: {  	v0 =	vadd.s32 v42, v0;
	_ =	sdelay $0x2  }
0x2b2: {  	[tilespmem:s30], [sflag:$0x2] =	stream.indirect_vreg.gather [hbm4b:s6+s5], $0x80, v1, vm0, $0xb8;
	[tilespmem:$0x19900] =	vst v63  }
0x2b3: {  	_ = 	snop  }
0x2b4: {  	[tilespmem:s31], [sflag:$0x2] =	stream.indirect_vreg.gather [hbm4b:s6+s5], $0x80, v0, vm0, $0xb8;
	[tilespmem:$0x19900] =	vst v63  }
0x2b5: {  	_ = 	snop  }
0x2b6: {  	[tilespmem:s2], [sflag:$0x2] =	stream.indirect.gather [hbm4b:s1+s0], $0x80, s25, s0, $0xb8;
	[tilespmem:$0x19900] =	vst v63  }
0x2b7: {  	_ =	swait.ge [sflag:s15], $0x1000  }
0x2b8: {  	[sflag:s15] =	ssyncset.done $0x0  }
0x2b9: {  	[sflag:s15] =	ssyncadd.s32 $0xFFFFF000  }
0x2ba: {  	_ =	swait.ge [sflag:s15], $0x800  }
0x2bb: {  	[sflag:s15] =	ssyncset.done $0x0  }
0x2bc: {  	s17 =	simm.s32 @!p0 $0x6;
	[sflag:s15] =	ssyncadd.s32 $0xFFFFF800  }
0x2bd: {  	_ =	swait.ge @!p0 [sflag:s17], $0x800  }
0x2be: {  	[sflag:s17] =	ssyncset.done @!p0 $0x0  }
0x2bf: {  	[sflag:s17] =	ssyncadd.s32 @!p0 $0xFFFFF800  }
0x2c0: {  	_ =	swait.ge @!p0 [sflag:s17], $0x80  }
0x2c1: {  	[sflag:s17] =	ssyncset.done @!p0 $0x0  }
0x2c2: {  	v20 =	vld [tilespmem:$0x1FF50];
	[sflag:s17] =	ssyncadd.s32 @!p0 $0xFFFFFF80  }
0x2c3: {  	v44 =	vld [tilespmem:$0x3400]  }
0x2c4: {  	v45 =	vld [tilespmem:$0x2400]  }
0x2c5: {  	v46 =	vld [tilespmem:$0x3410]  }
0x2c6: {  	v47 =	vld [tilespmem:$0x2410]  }
0x2c7: {  	v48 =	vld [tilespmem:$0x3420]  }
0x2c8: {  	v49 =	vld [tilespmem:$0x2420]  }
0x2c9: {  	v50 =	vld [tilespmem:$0x3430]  }
0x2ca: {  	v51 =	vld [tilespmem:$0x2430]  }
0x2cb: {  	v52 =	vld [tilespmem:$0x3440]  }
0x2cc: {  	v53 =	vld [tilespmem:$0x2440]  }
0x2cd: {  	v54 =	vld [tilespmem:$0x3450]  }
0x2ce: {  	v55 =	vld [tilespmem:$0x2450]  }
0x2cf: {  	v56 =	vld [tilespmem:$0x3460]  }
0x2d0: {  	v57 =	vld [tilespmem:$0x2460]  }
0x2d1: {  	v59 =	vld [tilespmem:$0x3470]  }
0x2d2: {  	v60 =	vld [tilespmem:$0x2470]  }
0x2d3: {  	v61 =	vld [tilespmem:$0x3480]  }
0x2d4: {  	v62 =	vld [tilespmem:$0x2480]  }
0x2d5: {  	v63 =	vld [tilespmem:$0x3490]  }
0x2d6: {  	v32 =	vld [tilespmem:$0x2490]  }
0x2d7: {  	v34 =	vld [tilespmem:$0x34A0]  }
0x2d8: {  	v37 =	vld [tilespmem:$0x24A0]  }
0x2d9: {  	v40 =	vld [tilespmem:$0x34B0]  }
0x2da: {  	v21 =	vld [tilespmem:$0x34E0]  }
0x2db: {  	v0 =	vmul.f32 v45, v44;
	v45 =	vld [tilespmem:$0x1FF50]  }
0x2dc: {  	v44 =	vld [tilespmem:$0x24B0]  }
0x2dd: {  	v33 =	vmul.f32 v47, v46;
	v46 =	vld [tilespmem:$0x1FF50]  }
0x2de: {  	v35 =	vmul.f32 v49, v48;
	v47 =	vld [tilespmem:$0x34C0]  }
0x2df: {  	v38 =	vmul.f32 v53, v52;
	v39 =	vmul.f32 v55, v54;
	v49 =	vld [tilespmem:$0x24C0];
	v42 =	vsel vm1, v33, v0  }
0x2e0: {  	v36 =	vmul.f32 v51, v50;
	v50 =	vld [tilespmem:$0x34D0];
	v10 =	vperm.xlane v42, v45  }
0x2e1: {  	v53 =	vld [tilespmem:$0x24D0];
	v0 =	vsel vm1, v0, v33;
	v51 =	vsel vm1, v39, v38  }
0x2e2: {  	v0 =	vadd.f32 v10, v0;
	v10 =	vperm.xlane v51, v20;
	v20 =	vld [tilespmem:$0x1FF50]  }
0x2e3: {  	v41 =	vmul.f32 v57, v56;
	v14 =	vmul.f32 v60, v59;
	v55 =	vld [tilespmem:$0x1FF60]  }
0x2e4: {  	v56 =	vld [tilespmem:$0x24E0];
	v60 =	vmul.f32 v62, v61;
	v61 =	vmul.f32 v32, v63;
	v43 =	vsel vm1, v36, v35  }
0x2e5: {  	v57 =	vld [tilespmem:$0x34F0];
	v2 =	vmul.f32 v37, v34;
	v48 =	vsel vm1, v35, v36;
	v11 =	vperm.xlane v43, v46  }
0x2e6: {  	v59 =	vld [tilespmem:$0x24F0];
	v52 =	vsel vm1, v14, v41;
	v6 =	vsel vm1, v38, v39;
	v54 =	vsel vm1, v41, v14  }
0x2e7: {  	v62 =	vld [tilespmem:$0x1FF60];
	v13 =	vsel vm1, v61, v60;
	v1 =	vadd.f32 v11, v48;
	v11 =	vperm.xlane v52, v20  }
0x2e8: {  	v17 =	vld [tilespmem:$0x1FF50];
	v19 =	vsel vm1, v60, v61;
	v63 =	vmul.f32 v44, v40;
	v3 =	vmul.f32 v49, v47  }
0x2e9: {  	v37 =	vld [tilespmem:$0x1FF50];
	v4 =	vmul.f32 v53, v50;
	v6 =	vadd.f32 v10, v6;
	v7 =	vadd.f32 v11, v54  }
0x2ea: {  	v38 =	vld [tilespmem:$0x1FF50];
	v18 =	vmul.f32 v56, v21;
	v33 =	vsel vm1, v63, v2;
	v20 =	vsel vm2, v1, v0  }
0x2eb: {  	v34 =	vld [tilespmem:$0x1FF50];
	v0 =	vsel vm2, v0, v1;
	v1 =	vmul.f32 v59, v57;
	v10 =	vsel vm2, v7, v6  }
0x2ec: {  	v39 =	vld [tilespmem:$0x1FF70];
	v9 =	vperm.xlane v20, v55;
	v6 =	vsel vm2, v6, v7;
	v7 =	vperm.xlane v10, v62  }
0x2ed: {  	v24 =	vld [tilespmem:$0x1FF60];
	v35 =	vsel vm1, v4, v3;
	v2 =	vsel vm1, v2, v63;
	v3 =	vsel vm1, v3, v4  }
0x2ee: {  	v41 =	vld [tilespmem:$0x1FF60];
	v36 =	vsel vm1, v1, v18;
	v0 =	vadd.f32 v9, v0;
	v6 =	vadd.f32 v7, v6  }
0x2ef: {  	v42 =	vld [tilespmem:$0x1FF60];
	v5 =	vperm.xlane v35, v37;
	v1 =	vsel vm1, v18, v1;
	v11 =	vperm.xlane v36, v38  }
0x2f0: {  	v43 =	vld [tilespmem:$0x1FF80];
	v9 =	vperm.xlane v33, v34;
	v7 =	vperm.xlane v13, v17;
	v32 =	vsel vm3, v6, v0  }
0x2f1: {  	v16 =	vld [tilespmem:$0x2890];
	v3 =	vadd.f32 v5, v3;
	v1 =	vadd.f32 v11, v1;
	v4 =	vperm.xlane v32, v39  }
0x2f2: {  	v30 =	vld [tilespmem:$0x2900];
	v2 =	vadd.f32 v9, v2;
	v7 =	vadd.f32 v7, v19;
	v0 =	vsel vm3, v0, v6  }
0x2f3: {  	v27 =	vld [tilespmem:$0x35A0];
	v5 =	vsel vm2, v1, v3;
	v0 =	vadd.f32 v0, v4  }
0x2f4: {  	v60 =	vld [tilespmem:$0x2300];
	v5 =	vperm.xlane v5, v42;
	v40 =	vsel vm2, v2, v7  }
0x2f5: {  	v45 =	vld [tilespmem:$0x1FF70];
	v1 =	vsel vm2, v3, v1;
	v4 =	vperm.xlane v40, v41;
	v6 =	vperm.xlane v0, v43  }
0x2f6: {  	v61 =	vld [tilespmem:$0x2860];
	v1 =	vadd.f32 v5, v1;
	v2 =	vsel vm2, v7, v2  }
0x2f7: {  	v47 =	vld [tilespmem:$0x1FF80];
	v2 =	vadd.f32 v4, v2;
	v0 =	vadd.f32 v0, v6  }
0x2f8: {  	v49 =	vld [tilespmem:$0x2810]  }
0x2f9: {  	v50 =	vld [tilespmem:$0x2820];
	v44 =	vsel vm3, v1, v2;
	v0 =	vmul.f32 $1.442695020e+00, v0  }
0x2fa: {  	v48 =	vld [tilespmem:$0x2800];
	v3 =	vperm.xlane v44, v45  }
0x2fb: {  	v63 =	vld [tilespmem:$0x2870];
	v1 =	vsel vm3, v2, v1;
	(erf) = vpow2.f32 v0  }
0x2fc: {  	v37 =	vld [tilespmem:$0x28C0];
	v46 =	vadd.f32 v1, v3  }
0x2fd: {  	v52 =	vld [tilespmem:$0x2830]  }
0x2fe: {  	v57 =	vld [tilespmem:$0x2850];
	v1 =	vperm.xlane v46, v47  }
0x2ff: {  	v20 =	vld [tilespmem:$0x2590]  }
0x300: {  	v54 =	vld [tilespmem:$0x2840];
	v0 =	vadd.f32 v46, v1  }
0x301: {  	v34 =	vld [tilespmem:$0x28B0]  }
0x302: {  	v13 =	vld [tilespmem:$0x2880];
	v0 =	vmul.f32 $1.442695020e+00, v0  }
0x303: {  	v19 =	vld [tilespmem:$0x28A0]  }
0x304: {  	v51 =	vimm.s32 $0x0;
	v40 =	vld [tilespmem:$0x28D0];
	(erf) = vpow2.f32 v0;
	v55 =	vpop (erf)  }
0x305: {  	v53 =	vimm.s32 $0x8;
	v43 =	vld [tilespmem:$0x28E0];
	v3 =	vperm.xlane v55, v51  }
0x306: {  	v12 =	vimm.s32 $0xA;
	v46 =	vld [tilespmem:$0x28F0];
	v5 =	vperm.xlane v55, v53  }
0x307: {  	v59 =	vimm.s32 $0xC;
	v4 =	vperm.xlane v55, v12;
	v12 =	vld [tilespmem:$0x35F0];
	v1 =	vmul.f32 v48, v3  }
0x308: {  	v18 =	vimm.s32 $0xE;
	v2 =	vmul.f32 v49, v5;
	v5 =	vperm.xlane v55, v59;
	v59 =	vld [tilespmem:$0x3500]  }
0x309: {  	v62 =	vimm.s32 $0x2;
	v17 =	vmul.f32 v57, v4;
	v4 =	vperm.xlane v55, v18;
	v18 =	vld [tilespmem:$0x2580]  }
0x30a: {  	[tilespmem:$0x3C00] =	vst v1;
	v1 =	vperm.xlane v55, v62;
	v62 =	vld [tilespmem:$0x3510]  }
0x30b: {  	v56 =	vimm.s32 $0x4;
	v35 =	vmul.f32 v63, v4;
	v63 =	vld [tilespmem:$0x2510]  }
0x30c: {  	v15 =	vimm.s32 $0x6;
	v3 =	vperm.xlane v55, v56;
	[tilespmem:$0x3C50] =	vst v17;
	v17 =	vld [tilespmem:$0x3580]  }
0x30d: {  	v36 =	vimm.s32 $0x8;
	v4 =	vld [tilespmem:$0x35E0];
	v14 =	vmul.f32 v54, v1;
	v1 =	vperm.xlane v55, v15;
	v26 =	vpop (erf)  }
0x30e: {  	v33 =	vimm.s32 $0x0;
	v0 =	vmul.f32 v50, v3;
	v54 =	vld [tilespmem:$0x1FF40];
	v3 =	vperm.xlane v26, v36  }
0x30f: {  	v42 =	vimm.s32 $0xC;
	v32 =	vmul.f32 v61, v1;
	v1 =	vperm.xlane v26, v33;
	v61 =	vld [tilespmem:$0x2500]  }
0x310: {  	v41 =	vmul.f32 v16, v3;
	v3 =	vperm.xlane v26, v42;
	v42 =	vld [tilespmem:$0x3530]  }
0x311: {  	v39 =	vimm.s32 $0x4;
	v16 =	vld [tilespmem:$0x1FF50]  }
0x312: {  	v48 =	vimm.s32 $0xA;
	v38 =	vmul.f32 v13, v1;
	v1 =	vperm.xlane v26, v39;
	[tilespmem:$0x3C90] =	vst v41;
	v41 =	vld [tilespmem:$0x2520]  }
0x313: {  	v45 =	vimm.s32 $0x2;
	v47 =	vmul.f32 v34, v3;
	v3 =	vperm.xlane v26, v48;
	v48 =	vld [tilespmem:$0x3560]  }
0x314: {  	v44 =	vmul.f32 v19, v1;
	v1 =	vperm.xlane v26, v45;
	v45 =	vld [tilespmem:$0x2540]  }
0x315: {  	v51 =	vmul.f32 v40, v3;
	v40 =	vld [tilespmem:$0x3520]  }
0x316: {  	v11 =	vmul.f32 v52, v5;
	v50 =	vimm.s32 $0x6;
	[tilespmem:$0x3CB0] =	vst v47;
	v47 =	vld [tilespmem:$0x2550]  }
0x317: {  	v52 =	vimm.s32 $0xE;
	[tilespmem:$0x3CA0] =	vst v44;
	v49 =	vmul.f32 v37, v1;
	v1 =	vperm.xlane v26, v50;
	v44 =	vld [tilespmem:$0x3540]  }
0x318: {  	v3 =	vperm.xlane v26, v52;
	v50 =	vld [tilespmem:$0x3570]  }
0x319: {  	v53 =	vmul.f32 v43, v1;
	v1 =	vperm.xlane v60, v54;
	v43 =	vld [tilespmem:$0x2530]  }
0x31a: {  	[tilespmem:$0x3C20] =	vst v0;
	v56 =	vmul.f32 v46, v3;
	v46 =	vld [tilespmem:$0x3550]  }
0x31b: {  	[tilespmem:$0x3CD0] =	vst v51;
	v51 =	vld [tilespmem:$0x2570];
	v57 =	vshll.u32 v1, $0x3  }
0x31c: {  	[tilespmem:$0x3CC0] =	vst v49;
	v49 =	vld [tilespmem:$0x2560];
	v0 =	vor.u32 v58, v57  }
0x31d: {  	[tilespmem:$0x4480] =	vst v0;
	v0 =	vmul.f32 v61, v59;
	v61 =	vld [tilespmem:$0x1FF50]  }
0x31e: {  	v52 =	vmul.f32 v63, v62;
	[tilespmem:$0x3CF0] =	vst v56;
	v54 =	vmul.f32 v43, v42;
	v42 =	vld [tilespmem:$0x1FF50]  }
0x31f: {  	[tilespmem:$0x3CE0] =	vst v53;
	v53 =	vmul.f32 v41, v40;
	v56 =	vmul.f32 v45, v44;
	v43 =	vld [tilespmem:$0x1FF50]  }
0x320: {  	[tilespmem:$0x3C70] =	vst v35;
	v35 =	vld [tilespmem:$0x35C0];
	v59 =	vmul.f32 v47, v46;
	v62 =	vmul.f32 v51, v50  }
0x321: {  	v15 =	vld [tilespmem:$0x25F0];
	v13 =	vmul.f32 v49, v48;
	v57 =	vsel vm1, v52, v0;
	v0 =	vsel vm1, v0, v52  }
0x322: {  	v36 =	vld [tilespmem:$0x25C0];
	v40 =	vsel vm1, v59, v56;
	v45 =	vsel vm1, v56, v59;
	v7 =	vperm.xlane v57, v61  }
0x323: {  	v33 =	vld [tilespmem:$0x35B0];
	v63 =	vsel vm1, v54, v53;
	v41 =	vsel vm1, v62, v13;
	v1 =	vperm.xlane v40, v42  }
0x324: {  	[tilespmem:$0x3C10] =	vst v2;
	v51 =	vld [tilespmem:$0x1FF60];
	v3 =	vperm.xlane v41, v43;
	v7 =	vadd.f32 v7, v0;
	v0 =	vperm.xlane v63, v16  }
0x325: {  	[tilespmem:$0x3C60] =	vst v32;
	v32 =	vld [tilespmem:$0x25A0];
	v2 =	vsel vm1, v53, v54;
	v46 =	vsel vm1, v13, v62;
	v47 =	vadd.f32 v1, v45  }
0x326: {  	v39 =	vld [tilespmem:$0x25E0];
	v5 =	vadd.f32 v3, v46;
	v44 =	vadd.f32 v0, v2  }
0x327: {  	v34 =	vld [tilespmem:$0x25B0]  }
0x328: {  	v19 =	vld [tilespmem:$0x3590];
	v49 =	vsel vm2, v5, v47;
	v48 =	vsel vm2, v44, v7  }
0x329: {  	[tilespmem:$0x3C40] =	vst v14;
	v53 =	vld [tilespmem:$0x1FF70];
	v14 =	vperm.xlane v49, v51;
	v50 =	vperm.xlane v48, v24  }
0x32a: {  	[tilespmem:$0x3C80] =	vst v38;
	v38 =	vld [tilespmem:$0x25D0];
	v5 =	vsel vm2, v47, v5;
	v7 =	vsel vm2, v7, v44  }
0x32b: {  	v37 =	vld [tilespmem:$0x35D0];
	v5 =	vadd.f32 v14, v5;
	v7 =	vadd.f32 v50, v7  }
0x32c: {  	v57 =	vld [tilespmem:$0x1FF80]  }
0x32d: {  	v12 =	vmul.f32 v15, v12;
	v56 =	vmul.f32 v20, v19;
	v24 =	vld [tilespmem:$0x1FF50];
	v52 =	vsel vm3, v5, v7  }
0x32e: {  	v59 =	vmul.f32 v32, v27;
	v46 =	vld [tilespmem:$0x1FF50];
	v13 =	vperm.xlane v52, v53  }
0x32f: {  	v54 =	vmul.f32 v18, v17;
	v61 =	vmul.f32 v34, v33;
	v49 =	vld [tilespmem:$0x1FF50];
	v5 =	vsel vm3, v7, v5  }
0x330: {  	v4 =	vmul.f32 v39, v4;
	v20 =	vmul.f32 v36, v35;
	v48 =	vld [tilespmem:$0x1FF50];
	v5 =	vadd.f32 v5, v13  }
0x331: {  	v31 =	vld [tilespmem:$0x2910];
	v62 =	vmul.f32 v38, v37;
	v27 =	vsel vm1, v56, v54;
	v63 =	vsel vm1, v61, v59  }
0x332: {  	v29 =	vld [tilespmem:$0x2920];
	v18 =	vsel vm1, v59, v61;
	v27 =	vperm.xlane v27, v24;
	v17 =	vperm.xlane v5, v57  }
0x333: {  	v28 =	vld [tilespmem:$0x2930];
	v47 =	vsel vm1, v62, v20;
	v14 =	vperm.xlane v63, v46;
	v13 =	vsel vm1, v54, v56  }
0x334: {  	v53 =	vld [tilespmem:$0x1FF60];
	v13 =	vadd.f32 v27, v13;
	v27 =	vsel vm1, v12, v4;
	v5 =	vadd.f32 v5, v17  }
0x335: {  	v14 =	vadd.f32 v14, v18;
	v15 =	vperm.xlane v47, v48;
	v54 =	vld [tilespmem:$0x1FF60];
	v19 =	vperm.xlane v27, v49  }
0x336: {  	v22 =	vld [tilespmem:$0x2940];
	v4 =	vsel vm1, v4, v12;
	v17 =	vsel vm1, v20, v62;
	v5 =	vmul.f32 $1.442695020e+00, v5  }
0x337: {  	v23 =	vld [tilespmem:$0x2950];
	v4 =	vadd.f32 v19, v4;
	v50 =	vadd.f32 v15, v17  }
0x338: {  	v8 =	vld [tilespmem:$0x2980];
	(erf) = vpow2.f32 v5  }
0x339: {  	v21 =	vld [tilespmem:$0x2960];
	v51 =	vsel vm2, v14, v13;
	v52 =	vsel vm2, v4, v50  }
0x33a: {  	v10 =	vld [tilespmem:$0x2990];
	v5 =	vperm.xlane v51, v53;
	v27 =	vperm.xlane v52, v54  }
0x33b: {  	v9 =	vld [tilespmem:$0x29D0];
	v13 =	vsel vm2, v13, v14;
	v4 =	vsel vm2, v50, v4  }
0x33c: {  	v24 =	vld [tilespmem:$0x1FF70];
	v5 =	vadd.f32 v5, v13;
	v4 =	vadd.f32 v27, v4  }
0x33d: {  	v6 =	vld [tilespmem:$0x2970]  }
0x33e: {  	[tilespmem:$0x3C30] =	vst v11;
	v11 =	vld [tilespmem:$0x29A0];
	v27 =	vsel vm3, v4, v5  }
0x33f: {  	v39 =	vld [tilespmem:$0x2670]  }
0x340: {  	v32 =	vld [tilespmem:$0x3640]  }
0x341: {  	v35 =	vld [tilespmem:$0x2650];
	v56 =	vperm.xlane v27, v24;
	v24 =	vimm.s32 $0x0;
	v27 =	vpop (erf)  }
0x342: {  	v36 =	vld [tilespmem:$0x3660];
	v57 =	vperm.xlane v27, v24;
	v24 =	vimm.s32 $0x8  }
0x343: {  	v37 =	vld [tilespmem:$0x2660];
	v59 =	vperm.xlane v27, v24;
	v24 =	vimm.s32 $0x4  }
0x344: {  	v61 =	vperm.xlane v27, v24;
	v24 =	vld [tilespmem:$0x1FF80]  }
0x345: {  	v38 =	vld [tilespmem:$0x3670]  }
0x346: {  	v33 =	vld [tilespmem:$0x2640];
	v4 =	vsel vm3, v5, v4  }
0x347: {  	v34 =	vld [tilespmem:$0x3650];
	v4 =	vadd.f32 v4, v56  }
0x348: {  	v40 =	vld [tilespmem:$0x2600]  }
0x349: {  	v41 =	vld [tilespmem:$0x3610];
	v62 =	vperm.xlane v4, v24;
	v24 =	vmul.f32 v30, v57  }
0x34a: {  	v42 =	vld [tilespmem:$0x2610]  }
0x34b: {  	v43 =	vld [tilespmem:$0x3620];
	[tilespmem:$0x1FCA0] =	vst v24;
	v24 =	vmul.f32 v31, v59  }
0x34c: {  	v16 =	vld [tilespmem:$0x3600]  }
0x34d: {  	v3 =	vld [tilespmem:$0x29C0];
	[tilespmem:$0x1FCB0] =	vst v24;
	v24 =	vmul.f32 v29, v61  }
0x34e: {  	v1 =	vld [tilespmem:$0x29F0]  }
0x34f: {  	v45 =	vld [tilespmem:$0x2630];
	[tilespmem:$0x1FCC0] =	vst v24;
	v24 =	vimm.s32 $0xC  }
0x350: {  	v38 =	vmul.f32 v39, v38;
	v39 =	vld [tilespmem:$0x3740];
	v29 =	vperm.xlane v27, v24;
	v24 =	vimm.s32 $0x2  }
0x351: {  	v2 =	vld [tilespmem:$0x29B0];
	v31 =	vperm.xlane v27, v24;
	v24 =	vimm.s32 $0xA  }
0x352: {  	v0 =	vld [tilespmem:$0x29E0];
	v63 =	vperm.xlane v27, v24;
	v24 =	vmul.f32 v28, v29  }
0x353: {  	v44 =	vld [tilespmem:$0x3630]  }
0x354: {  	v22 =	vmul.f32 v22, v31;
	[tilespmem:$0x1FCD0] =	vst v24;
	v24 =	vld [tilespmem:$0x1FF50]  }
0x355: {  	v16 =	vmul.f32 v40, v16;
	v40 =	vld [tilespmem:$0x26D0]  }
0x356: {  	v7 =	vld [tilespmem:$0x2620];
	[tilespmem:$0x1FCE0] =	vst v22;
	v22 =	vmul.f32 v23, v63;
	v23 =	vmul.f32 v42, v41  }
0x357: {  	v46 =	vld [tilespmem:$0x3690]  }
0x358: {  	v18 =	vld [tilespmem:$0x2A30];
	v29 =	vsel vm1, v23, v16  }
0x359: {  	v29 =	vperm.xlane v29, v24;
	v24 =	vld [tilespmem:$0x1FF50]  }
0x35a: {  	v47 =	vld [tilespmem:$0x3680]  }
0x35b: {  	v48 =	vld [tilespmem:$0x36B0];
	v7 =	vmul.f32 v7, v43;
	v28 =	vmul.f32 v45, v44  }
0x35c: {  	v12 =	vld [tilespmem:$0x2A70]  }
0x35d: {  	v43 =	vld [tilespmem:$0x26E0];
	v31 =	vsel vm1, v28, v7  }
0x35e: {  	v4 =	vadd.f32 v4, v62;
	v62 =	vperm.xlane v31, v24;
	v24 =	vld [tilespmem:$0x1FF50]  }
0x35f: {  	v34 =	vmul.f32 v35, v34;
	v49 =	vld [tilespmem:$0x3750];
	[tilespmem:$0x1FCF0] =	vst v22;
	v22 =	vimm.s32 $0x6  }
0x360: {  	v14 =	vld [tilespmem:$0x2A60];
	v57 =	vmul.f32 v33, v32;
	v22 =	vperm.xlane v27, v22  }
0x361: {  	v20 =	vld [tilespmem:$0x2A00]  }
0x362: {  	v19 =	vld [tilespmem:$0x2A40];
	v21 =	vmul.f32 v21, v22;
	v22 =	vsel vm1, v34, v57  }
0x363: {  	v7 =	vsel vm1, v7, v28;
	v28 =	vperm.xlane v22, v24;
	v22 =	vld [tilespmem:$0x1FF50]  }
0x364: {  	v24 =	vld [tilespmem:$0x1FF60]  }
0x365: {  	v15 =	vld [tilespmem:$0x2A10];
	v59 =	vmul.f32 v37, v36;
	v16 =	vsel vm1, v16, v23  }
0x366: {  	v17 =	vld [tilespmem:$0x2A20];
	v16 =	vadd.f32 v29, v16;
	v7 =	vadd.f32 v62, v7  }
0x367: {  	v50 =	vld [tilespmem:$0x2690];
	v23 =	vsel vm1, v38, v59  }
0x368: {  	v53 =	vld [tilespmem:$0x36A0];
	v23 =	vperm.xlane v23, v22;
	v22 =	vsel vm2, v7, v16  }
0x369: {  	v42 =	vperm.xlane v22, v24;
	v24 =	vld [tilespmem:$0x1FF60]  }
0x36a: {  	v51 =	vld [tilespmem:$0x26B0];
	v38 =	vsel vm1, v59, v38;
	v34 =	vsel vm1, v57, v34  }
0x36b: {  	v5 =	vld [tilespmem:$0x2680];
	v34 =	vadd.f32 v28, v34;
	v38 =	vadd.f32 v23, v38  }
0x36c: {  	v52 =	vld [tilespmem:$0x36C0]  }
0x36d: {  	v13 =	vld [tilespmem:$0x2A50];
	v45 =	vsel vm2, v38, v34  }
0x36e: {  	v7 =	vsel vm2, v16, v7;
	v16 =	vperm.xlane v45, v24;
	v24 =	vld [tilespmem:$0x1FF50]  }
0x36f: {  	v50 =	vmul.f32 v50, v46;
	v46 =	vld [tilespmem:$0x2700]  }
0x370: {  	v5 =	vmul.f32 v5, v47;
	v30 =	vld [tilespmem:$0x26A0]  }
0x371: {  	v54 =	vmul.f32 v51, v48;
	v48 =	vld [tilespmem:$0x2720]  }
0x372: {  	v56 =	vld [tilespmem:$0x26C0];
	v57 =	vsel vm1, v50, v5  }
0x373: {  	v4 =	vmul.f32 $1.442695020e+00, v4;
	v59 =	vperm.xlane v57, v24;
	v24 =	vld [tilespmem:$0x1FF50]  }
0x374: {  	v47 =	vld [tilespmem:$0x3730]  }
0x375: {  	v30 =	vmul.f32 v30, v53;
	(erf) = vpow2.f32 v4;
	v4 =	vld [tilespmem:$0x36D0]  }
0x376: {  	v61 =	vld [tilespmem:$0x36F0]  }
0x377: {  	v63 =	vld [tilespmem:$0x26F0];
	v62 =	vsel vm1, v54, v30;
	v34 =	vsel vm2, v34, v38  }
0x378: {  	v16 =	vadd.f32 v16, v34;
	v34 =	vperm.xlane v62, v24;
	v24 =	vld [tilespmem:$0x1FF50]  }
0x379: {  	v32 =	vld [tilespmem:$0x2A90]  }
0x37a: {  	v56 =	vmul.f32 v56, v52;
	v4 =	vmul.f32 v40, v4;
	v41 =	vld [tilespmem:$0x36E0]  }
0x37b: {  	v33 =	vld [tilespmem:$0x2AA0]  }
0x37c: {  	v37 =	vld [tilespmem:$0x2710];
	v36 =	vmul.f32 v63, v61;
	v63 =	vsel vm1, v4, v56  }
0x37d: {  	v53 =	vperm.xlane v63, v24;
	v24 =	vld [tilespmem:$0x1FF50]  }
0x37e: {  	v40 =	vld [tilespmem:$0x3710]  }
0x37f: {  	v41 =	vmul.f32 v43, v41;
	v43 =	vld [tilespmem:$0x3720]  }
0x380: {  	v5 =	vsel vm1, v5, v50;
	v50 =	vld [tilespmem:$0x2750];
	[tilespmem:$0x1FD00] =	vst v21;
	v21 =	vimm.s32 $0xE  }
0x381: {  	v29 =	vld [tilespmem:$0x2AB0];
	v52 =	vsel vm1, v36, v41;
	v21 =	vperm.xlane v27, v21  }
0x382: {  	v30 =	vsel vm1, v30, v54;
	v54 =	vperm.xlane v52, v24;
	v24 =	vld [tilespmem:$0x1FF70]  }
0x383: {  	v4 =	vsel vm1, v56, v4;
	v56 =	vsel vm1, v41, v36;
	v41 =	vld [tilespmem:$0x2730];
	v6 =	vmul.f32 v6, v21  }
0x384: {  	v44 =	vimm.s32 $0x0;
	v35 =	vpop (erf);
	v31 =	vld [tilespmem:$0x2A80];
	v7 =	vadd.f32 v42, v7  }
0x385: {  	v21 =	vld [tilespmem:$0x2AF0];
	[tilespmem:$0x1FD10] =	vst v6;
	v6 =	vperm.xlane v35, v44  }
0x386: {  	v44 =	vld [tilespmem:$0x2770];
	v61 =	vsel vm3, v16, v7  }
0x387: {  	v6 =	vmul.f32 v8, v6;
	v8 =	vld [tilespmem:$0x3770];
	v57 =	vperm.xlane v61, v24;
	v24 =	vimm.s32 $0x8  }
0x388: {  	v28 =	vld [tilespmem:$0x2AE0];
	v5 =	vadd.f32 v59, v5;
	v59 =	vperm.xlane v35, v24;
	v24 =	vimm.s32 $0x4  }
0x389: {  	v61 =	vperm.xlane v35, v24;
	v24 =	vld [tilespmem:$0x1FF60]  }
0x38a: {  	[tilespmem:$0x1FD20] =	vst v6;
	v6 =	vld [tilespmem:$0x2760]  }
0x38b: {  	v22 =	vld [tilespmem:$0x2AC0];
	v30 =	vadd.f32 v34, v30  }
0x38c: {  	v23 =	vld [tilespmem:$0x2AD0]  }
0x38d: {  	v38 =	vld [tilespmem:$0x3700];
	v62 =	vsel vm2, v30, v5  }
0x38e: {  	v4 =	vadd.f32 v53, v4;
	v34 =	vadd.f32 v54, v56;
	v36 =	vperm.xlane v62, v24;
	v24 =	vld [tilespmem:$0x1FF60]  }
0x38f: {  	v7 =	vsel vm3, v7, v16;
	v16 =	vld [tilespmem:$0x2740]  }
0x390: {  	v52 =	vld [tilespmem:$0x3760];
	v45 =	vsel vm2, v34, v4  }
0x391: {  	v4 =	vsel vm2, v4, v34;
	v34 =	vld [tilespmem:$0x2B10];
	v42 =	vmul.f32 v10, v59;
	v59 =	vmul.f32 v37, v40  }
0x392: {  	v37 =	vmul.f32 v48, v43;
	v48 =	vmul.f32 v41, v47;
	v47 =	vld [tilespmem:$0x1FF50]  }
0x393: {  	v45 =	vperm.xlane v45, v24;
	v24 =	vld [tilespmem:$0x1FF80]  }
0x394: {  	v51 =	vimm.s32 $0xC;
	v43 =	vld [tilespmem:$0x3790]  }
0x395: {  	v10 =	vperm.xlane v35, v51;
	v41 =	vld [tilespmem:$0x2790]  }
0x396: {  	v7 =	vadd.f32 v7, v57;
	[tilespmem:$0x1FD30] =	vst v42;
	v42 =	vld [tilespmem:$0x2B40]  }
0x397: {  	v2 =	vmul.f32 v2, v10;
	v10 =	vld [tilespmem:$0x3780]  }
0x398: {  	v63 =	vperm.xlane v7, v24;
	v24 =	vld [tilespmem:$0x1FF70]  }
0x399: {  	v5 =	vsel vm2, v5, v30;
	v62 =	vld [tilespmem:$0x1FF80]  }
0x39a: {  	v5 =	vadd.f32 v36, v5;
	v36 =	vld [tilespmem:$0x2B00];
	v4 =	vadd.f32 v45, v4  }
0x39b: {  	v16 =	vmul.f32 v16, v39;
	v53 =	vimm.s32 $0x2;
	v45 =	vmul.f32 v11, v61;
	v61 =	vld [tilespmem:$0x2B30]  }
0x39c: {  	v11 =	vperm.xlane v35, v53;
	v53 =	vmul.f32 v50, v49;
	v49 =	vld [tilespmem:$0x1FF50];
	v30 =	vsel vm3, v4, v5  }
0x39d: {  	v57 =	vimm.s32 $0xA;
	[tilespmem:$0x1FD40] =	vst v45;
	v45 =	vld [tilespmem:$0x2B60];
	v7 =	vadd.f32 v7, v63;
	v30 =	vperm.xlane v30, v24  }
0x39e: {  	v56 =	vsel vm3, v5, v4;
	v4 =	vperm.xlane v35, v57;
	v57 =	vmul.f32 v44, v8;
	v8 =	vld [tilespmem:$0x2B70]  }
0x39f: {  	v6 =	vmul.f32 v6, v52;
	[tilespmem:$0x1FD50] =	vst v2;
	v44 =	vld [tilespmem:$0x2780];
	v7 =	vmul.f32 $1.442695020e+00, v7;
	v2 =	vadd.f32 v56, v30  }
0x3a0: {  	v52 =	vimm.s32 $0x6;
	v54 =	vmul.f32 v3, v11;
	v5 =	vmul.f32 v46, v38;
	v56 =	vld [tilespmem:$0x1FF50]  }
0x3a1: {  	v11 =	vsel vm1, v57, v6;
	(erf) = vpow2.f32 v7;
	v63 =	vperm.xlane v2, v62;
	v62 =	vld [tilespmem:$0x1FF50]  }
0x3a2: {  	v46 =	vld [tilespmem:$0x27A0];
	v51 =	vsel vm1, v59, v5;
	v5 =	vsel vm1, v5, v59;
	v50 =	vperm.xlane v11, v49  }
0x3a3: {  	[tilespmem:$0x1FD60] =	vst v54;
	v54 =	vld [tilespmem:$0x2B50];
	v59 =	vsel vm1, v48, v37;
	v37 =	vsel vm1, v37, v48;
	v6 =	vsel vm1, v6, v57  }
0x3a4: {  	v6 =	vadd.f32 v50, v6;
	v30 =	vld [tilespmem:$0x2B20];
	v2 =	vadd.f32 v2, v63;
	v63 =	vsel vm1, v53, v16  }
0x3a5: {  	v16 =	vsel vm1, v16, v53;
	v39 =	vperm.xlane v51, v56;
	v48 =	vperm.xlane v63, v47;
	v47 =	vld [tilespmem:$0x37B0]  }
0x3a6: {  	v53 =	vimm.s32 $0xE;
	v51 =	vmul.f32 v9, v4;
	v7 =	vperm.xlane v59, v62;
	v59 =	vld [tilespmem:$0x1FF60]  }
0x3a7: {  	v9 =	vperm.xlane v35, v52;
	v38 =	vperm.xlane v35, v53;
	v4 =	vadd.f32 v48, v16;
	v62 =	vld [tilespmem:$0x1FF60]  }
0x3a8: {  	v52 =	vld [tilespmem:$0x27C0];
	v2 =	vmul.f32 $1.442695020e+00, v2;
	v5 =	vadd.f32 v39, v5;
	v7 =	vadd.f32 v7, v37  }
0x3a9: {  	v63 =	vimm.s32 $0x0;
	v53 =	vld [tilespmem:$0x37E0];
	v49 =	vmul.f32 v1, v38;
	v57 =	vsel vm2, v6, v4  }
0x3aa: {  	v16 =	vld [tilespmem:$0x37A0];
	v37 =	vpop (erf);
	v4 =	vsel vm2, v4, v6;
	(erf) = vpow2.f32 v2;
	v56 =	vsel vm2, v7, v5  }
0x3ab: {  	[tilespmem:$0x1FD70] =	vst v51;
	v51 =	vld [tilespmem:$0x27B0];
	v11 =	vperm.xlane v37, v63;
	v63 =	vimm.s32 $0x2;
	v39 =	vperm.xlane v56, v59  }
0x3ac: {  	v1 =	vld [tilespmem:$0x37D0];
	v5 =	vsel vm2, v5, v7;
	v40 =	vperm.xlane v57, v62;
	v59 =	vmul.f32 v0, v9  }
0x3ad: {  	v48 =	vld [tilespmem:$0x1FF70];
	v38 =	vmul.f32 v20, v11;
	v57 =	vimm.s32 $0xC;
	v11 =	vperm.xlane v37, v63  }
0x3ae: {  	v7 =	vld [tilespmem:$0x37C0];
	v62 =	vperm.xlane v37, v57;
	v2 =	vadd.f32 v39, v5;
	v5 =	vadd.f32 v40, v4  }
0x3af: {  	v20 =	vld [tilespmem:$0x27D0];
	[tilespmem:$0x1FD80] =	vst v38;
	v39 =	vimm.s32 $0x8;
	v40 =	vimm.s32 $0x4;
	v38 =	vmul.f32 v19, v11  }
0x3b0: {  	v57 =	vld [tilespmem:$0x27E0];
	v0 =	vperm.xlane v37, v39;
	v6 =	vperm.xlane v37, v40  }
0x3b1: {  	[tilespmem:$0x2380] =	vst v60;
	v18 =	vmul.f32 v18, v62;
	v62 =	vld [tilespmem:$0x1FF80];
	v4 =	vsel vm3, v5, v2  }
0x3b2: {  	[tilespmem:$0x1FDB0] =	vst v38;
	v56 =	vmul.f32 v15, v0;
	v15 =	vmul.f32 v17, v6;
	v17 =	vsel vm3, v2, v5;
	v2 =	vld [tilespmem:$0x37F0]  }
0x3b3: {  	v39 =	vimm.s32 $0xA;
	[tilespmem:$0x1FDA0] =	vst v18;
	v0 =	vld [tilespmem:$0x2B80]  }
0x3b4: {  	v40 =	vperm.xlane v37, v39;
	v38 =	vimm.s32 $0x6;
	[tilespmem:$0x1FD90] =	vst v15;
	v15 =	vld [tilespmem:$0x27F0]  }
0x3b5: {  	v50 =	vperm.xlane v4, v48;
	v39 =	vperm.xlane v37, v38;
	v9 =	vld [tilespmem:$0x2B90]  }
0x3b6: {  	v48 =	vimm.s32 $0xE;
	v40 =	vmul.f32 v13, v40;
	v24 =	vld [tilespmem:$0x2BA0]  }
0x3b7: {  	v5 =	vadd.f32 v17, v50;
	v50 =	vperm.xlane v37, v48;
	v48 =	vmul.f32 v14, v39;
	v14 =	vld [tilespmem:$0x2BB0]  }
0x3b8: {  	[tilespmem:$0x1FDC0] =	vst v40;
	v40 =	vld [tilespmem:$0x2BD0]  }
0x3b9: {  	v39 =	vld [tilespmem:$0x2BE0]  }
0x3ba: {  	v19 =	vld [tilespmem:$0x2C00]  }
0x3bb: {  	v13 =	vmul.f32 v41, v43;
	v41 =	vld [tilespmem:$0x2C10]  }
0x3bc: {  	v1 =	vmul.f32 v20, v1;
	v20 =	vmul.f32 v57, v53;
	v57 =	vld [tilespmem:$0x1FF50]  }
0x3bd: {  	v17 =	vld [tilespmem:$0x3850]  }
0x3be: {  	v25 =	vld [tilespmem:$0x3060]  }
0x3bf: {  	v16 =	vmul.f32 v46, v16;
	[tilespmem:$0x3DF0] =	vst v49;
	v49 =	vld [tilespmem:$0x1FD80]  }
0x3c0: {  	v7 =	vmul.f32 v52, v7;
	v6 =	vimm.s32 $0x8;
	v38 =	vpop (erf);
	[tilespmem:$0x3E10] =	vst v56;
	v56 =	vld [tilespmem:$0x31E0];
	v63 =	vperm.xlane v5, v62  }
0x3c1: {  	[tilespmem:$0x1FDD0] =	vst v48;
	v50 =	vmul.f32 v12, v50;
	v11 =	vperm.xlane v38, v6;
	v48 =	vld [tilespmem:$0x2BC0]  }
0x3c2: {  	v62 =	vimm.s32 $0x0;
	v12 =	vmul.f32 v44, v10;
	v10 =	vld [tilespmem:$0x3800];
	v5 =	vadd.f32 v5, v63  }
0x3c3: {  	[tilespmem:$0x1FDE0] =	vst v50;
	v63 =	vperm.xlane v38, v62;
	v50 =	vimm.s32 $0x4;
	v6 =	vmul.f32 v32, v11;
	v32 =	vld [tilespmem:$0x3810]  }
0x3c4: {  	v46 =	vsel vm1, v13, v12;
	v53 =	vsel vm1, v12, v13;
	v12 =	vld [tilespmem:$0x1FF50];
	v62 =	vperm.xlane v38, v50  }
0x3c5: {  	v50 =	vimm.s32 $0xC;
	v63 =	vmul.f32 v31, v63;
	v31 =	vmul.f32 v51, v47;
	v47 =	vld [tilespmem:$0x1FF50]  }
0x3c6: {  	[tilespmem:$0x1FE00] =	vst v6;
	v51 =	vperm.xlane v38, v50;
	v6 =	vsel vm1, v1, v7;
	v1 =	vsel vm1, v7, v1;
	v7 =	vld [tilespmem:$0x1FF50]  }
0x3c7: {  	v5 =	vmul.f32 $1.442695020e+00, v5;
	v10 =	vmul.f32 v19, v10;
	v19 =	vld [tilespmem:$0x2CA0]  }
0x3c8: {  	v2 =	vmul.f32 v15, v2;
	[tilespmem:$0x1FDF0] =	vst v63;
	v63 =	vmul.f32 v29, v51;
	v29 =	vld [tilespmem:$0x3830]  }
0x3c9: {  	(erf) = vpow2.f32 v5;
	v51 =	vld [tilespmem:$0x2C40]  }
0x3ca: {  	v52 =	vsel vm1, v31, v16;
	v16 =	vsel vm1, v16, v31;
	v31 =	vsel vm1, v2, v20;
	v5 =	vld [tilespmem:$0x1FF80]  }
0x3cb: {  	v13 =	vperm.xlane v31, v12;
	v31 =	vld [tilespmem:$0x3840]  }
0x3cc: {  	v11 =	vmul.f32 v33, v62;
	v62 =	vperm.xlane v52, v57;
	v52 =	vld [tilespmem:$0x1FF60]  }
0x3cd: {  	v33 =	vperm.xlane v46, v47;
	v46 =	vld [tilespmem:$0x3820]  }
0x3ce: {  	[tilespmem:$0x1FE10] =	vst v11;
	v47 =	vld [tilespmem:$0x2C20]  }
0x3cf: {  	[tilespmem:$0x1FE20] =	vst v63;
	v63 =	vimm.s32 $0x6;
	v11 =	vperm.xlane v6, v7;
	v7 =	vld [tilespmem:$0x1FF60]  }
0x3d0: {  	v57 =	vimm.s32 $0xA;
	v3 =	vperm.xlane v38, v63;
	v63 =	vld [tilespmem:$0x2C70]  }
0x3d1: {  	v16 =	vadd.f32 v62, v16;
	v62 =	vperm.xlane v38, v57;
	v6 =	vld [tilespmem:$0x1FF50]  }
0x3d2: {  	v15 =	vadd.f32 v33, v53;
	v33 =	vld [tilespmem:$0x2C30]  }
0x3d3: {  	v2 =	vsel vm1, v20, v2;
	v53 =	vimm.s32 $0x2;
	v50 =	vmul.f32 v23, v62;
	v23 =	vld [tilespmem:$0x3860]  }
0x3d4: {  	v2 =	vadd.f32 v13, v2;
	v62 =	vld [tilespmem:$0x3870];
	v20 =	vperm.xlane v38, v53;
	v53 =	vimm.s32 $0xE  }
0x3d5: {  	v1 =	vadd.f32 v11, v1;
	v3 =	vmul.f32 v28, v3;
	v28 =	vperm.xlane v38, v53;
	v53 =	vld [tilespmem:$0x1FF50]  }
0x3d6: {  	v43 =	vmul.f32 v22, v20;
	v20 =	vsel vm2, v16, v15;
	v22 =	vld [tilespmem:$0x2C50]  }
0x3d7: {  	[tilespmem:$0x1FE30] =	vst v3;
	v11 =	vperm.xlane v20, v7;
	v20 =	vsel vm2, v2, v1;
	v3 =	vmul.f32 v21, v28;
	v28 =	vld [tilespmem:$0x2C80]  }
0x3d8: {  	v20 =	vperm.xlane v20, v52;
	v52 =	vld [tilespmem:$0x2C60]  }
0x3d9: {  	v57 =	vimm.s32 $0x0;
	v44 =	vpop (erf);
	v29 =	vmul.f32 v33, v29;
	v33 =	vld [tilespmem:$0x2C90]  }
0x3da: {  	v12 =	vimm.s32 $0x4;
	v1 =	vsel vm2, v1, v2;
	v2 =	vperm.xlane v44, v57;
	v57 =	vld [tilespmem:$0x1FF80]  }
0x3db: {  	v13 =	vperm.xlane v44, v12;
	v12 =	vld [tilespmem:$0x3030]  }
0x3dc: {  	[tilespmem:$0x3EC0] =	vst v43;
	v43 =	vld [tilespmem:$0x3AA0]  }
0x3dd: {  	v15 =	vsel vm2, v15, v16;
	[tilespmem:$0x1FE40] =	vst v3;
	v3 =	vld [tilespmem:$0x3930]  }
0x3de: {  	v7 =	vadd.f32 v11, v15;
	v1 =	vadd.f32 v20, v1;
	v20 =	vld [tilespmem:$0x3880]  }
0x3df: {  	v2 =	vmul.f32 v36, v2;
	v36 =	vmul.f32 v41, v32;
	v41 =	vld [tilespmem:$0x1FF70]  }
0x3e0: {  	v21 =	vsel vm3, v1, v7;
	v1 =	vsel vm3, v7, v1;
	v7 =	vld [tilespmem:$0x3890]  }
0x3e1: {  	v18 =	vimm.s32 $0x8;
	v32 =	vsel vm1, v36, v10;
	v10 =	vsel vm1, v10, v36;
	v36 =	vld [tilespmem:$0x38E0]  }
0x3e2: {  	[tilespmem:$0x1FE50] =	vst v2;
	v2 =	vperm.xlane v44, v18;
	v18 =	vld [tilespmem:$0x3080]  }
0x3e3: {  	v17 =	vmul.f32 v22, v17;
	v22 =	vmul.f32 v52, v23;
	v23 =	vld [tilespmem:$0x38B0]  }
0x3e4: {  	v15 =	vmul.f32 v63, v62;
	v52 =	vld [tilespmem:$0x1FF50]  }
0x3e5: {  	v2 =	vmul.f32 v34, v2;
	v34 =	vld [tilespmem:$0x2CD0]  }
0x3e6: {  	v63 =	vsel vm1, v15, v22;
	v15 =	vsel vm1, v22, v15;
	v22 =	vld [tilespmem:$0x38D0]  }
0x3e7: {  	[tilespmem:$0x1FE60] =	vst v2;
	v2 =	vperm.xlane v21, v41;
	v21 =	vmul.f32 v47, v46;
	v47 =	vld [tilespmem:$0x1FF50]  }
0x3e8: {  	v46 =	vmul.f32 v51, v31;
	v41 =	vld [tilespmem:$0x38C0]  }
0x3e9: {  	v11 =	vperm.xlane v63, v6;
	v63 =	vmul.f32 v28, v20;
	v20 =	vld [tilespmem:$0x2CF0]  }
0x3ea: {  	v7 =	vmul.f32 v33, v7;
	v33 =	vld [tilespmem:$0x2BF0];
	v1 =	vadd.f32 v1, v2;
	v51 =	vsel vm1, v29, v21  }
0x3eb: {  	v21 =	vsel vm1, v21, v29;
	v29 =	vsel vm1, v17, v46;
	v2 =	vsel vm1, v46, v17;
	v46 =	vld [tilespmem:$0x1FF60]  }
0x3ec: {  	v16 =	vperm.xlane v51, v52;
	v52 =	vld [tilespmem:$0x2CE0]  }
0x3ed: {  	v29 =	vperm.xlane v29, v53;
	v53 =	vld [tilespmem:$0x1FF60]  }
0x3ee: {  	v51 =	vmul.f32 v30, v13;
	v13 =	vld [tilespmem:$0x1FF60]  }
0x3ef: {  	v22 =	vmul.f32 v34, v22;
	v34 =	vld [tilespmem:$0x1FF50]  }
0x3f0: {  	v15 =	vadd.f32 v11, v15;
	v62 =	vperm.xlane v1, v57;
	v31 =	vperm.xlane v32, v47;
	v32 =	vld [tilespmem:$0x38A0]  }
0x3f1: {  	v16 =	vadd.f32 v16, v21;
	v21 =	vld [tilespmem:$0x2CC0];
	v2 =	vadd.f32 v29, v2  }
0x3f2: {  	v1 =	vadd.f32 v1, v62;
	v62 =	vld [tilespmem:$0x38F0]  }
0x3f3: {  	v10 =	vadd.f32 v31, v10;
	v31 =	vld [tilespmem:$0x2CB0];
	v47 =	vsel vm2, v15, v2  }
0x3f4: {  	v57 =	vperm.xlane v47, v53;
	v47 =	vld [tilespmem:$0x3000]  }
0x3f5: {  	v28 =	vmul.f32 v52, v36;
	v52 =	vld [tilespmem:$0x3010]  }
0x3f6: {  	v29 =	vsel vm2, v16, v10;
	v21 =	vmul.f32 v21, v41;
	v41 =	vld [tilespmem:$0x1FF70]  }
0x3f7: {  	v2 =	vsel vm2, v2, v15;
	v1 =	vmul.f32 $1.442695020e+00, v1;
	v29 =	vperm.xlane v29, v46;
	v46 =	vld [tilespmem:$0x1FF50]  }
0x3f8: {  	v10 =	vsel vm2, v10, v16;
	v2 =	vadd.f32 v57, v2;
	v57 =	vld [tilespmem:$0x3020]  }
0x3f9: {  	(erf) = vpow2.f32 v1;
	v16 =	vmul.f32 v20, v62;
	v62 =	vld [tilespmem:$0x1FF50];
	v1 =	vadd.f32 v29, v10  }
0x3fa: {  	v36 =	vsel vm1, v7, v63;
	v19 =	vmul.f32 v19, v32;
	v23 =	vmul.f32 v31, v23;
	v31 =	vld [tilespmem:$0x3910]  }
0x3fb: {  	v32 =	vsel vm1, v16, v28;
	v16 =	vsel vm1, v28, v16;
	v28 =	vld [tilespmem:$0x3070];
	v10 =	vsel vm3, v2, v1  }
0x3fc: {  	v1 =	vsel vm3, v1, v2;
	v2 =	vperm.xlane v10, v41;
	v17 =	vperm.xlane v36, v46;
	v10 =	vld [tilespmem:$0x3040]  }
0x3fd: {  	v7 =	vsel vm1, v63, v7;
	v11 =	vsel vm1, v22, v21;
	v36 =	vld [tilespmem:$0x1FF50]  }
0x3fe: {  	v53 =	vsel vm1, v23, v19;
	v63 =	vsel vm1, v19, v23;
	v29 =	vadd.f32 v17, v7;
	v17 =	vld [tilespmem:$0x3050]  }
0x3ff: {  	v20 =	vadd.f32 v1, v2;
	v1 =	vperm.xlane v53, v62;
	v53 =	vimm.s32 $0xC;
	v7 =	vld [tilespmem:$0x1FF60]  }
0x400: {  	v46 =	vsel vm1, v21, v22;
	v62 =	vimm.s32 $0x2;
	v2 =	vld [tilespmem:$0x3940];
	v21 =	vperm.xlane v44, v53  }
0x401: {  	v19 =	vadd.f32 v1, v63;
	v1 =	vperm.xlane v11, v34;
	v63 =	vperm.xlane v44, v62;
	v34 =	vld [tilespmem:$0x30B0]  }
0x402: {  	v41 =	vperm.xlane v32, v36;
	v4 =	vmul.f32 v61, v21;
	v36 =	vld [tilespmem:$0x3090]  }
0x403: {  	v21 =	vperm.xlane v20, v5;
	v61 =	vld [tilespmem:$0x30C0];
	v15 =	vadd.f32 v1, v46;
	v23 =	vsel vm2, v19, v29  }
0x404: {  	v6 =	vmul.f32 v42, v63;
	v42 =	vld [tilespmem:$0x30A0];
	v19 =	vsel vm2, v29, v19;
	v22 =	vadd.f32 v41, v16  }
0x405: {  	v1 =	vld [tilespmem:$0x2D40];
	[tilespmem:$0x1FE70] =	vst v4;
	v23 =	vperm.xlane v23, v7;
	v20 =	vadd.f32 v20, v21;
	v4 =	vimm.s32 $0xE  }
0x406: {  	v63 =	vimm.s32 $0x6;
	[tilespmem:$0x1FE80] =	vst v6;
	v6 =	vld [tilespmem:$0x3900];
	v5 =	vperm.xlane v44, v4;
	v11 =	vsel vm2, v22, v15  }
0x407: {  	v4 =	vld [tilespmem:$0x2D20];
	v29 =	vadd.f32 v23, v19;
	v15 =	vsel vm2, v15, v22;
	v41 =	vmul.f32 $1.442695020e+00, v20  }
0x408: {  	v19 =	vimm.s32 $0xA;
	v20 =	vperm.xlane v44, v63;
	v53 =	vmul.f32 v8, v5;
	v8 =	vld [tilespmem:$0x1FF70]  }
0x409: {  	v16 =	vimm.s32 $0x8;
	v21 =	vperm.xlane v11, v13;
	v32 =	vperm.xlane v44, v19;
	v5 =	vld [tilespmem:$0x2D10]  }
0x40a: {  	v11 =	vimm.s32 $0x0;
	v62 =	vmul.f32 v45, v20;
	(erf) = vpow2.f32 v41;
	v45 =	vld [tilespmem:$0x3920]  }
0x40b: {  	v41 =	vimm.s32 $0xC;
	v22 =	vadd.f32 v21, v15;
	v46 =	vmul.f32 v54, v32;
	v54 =	vld [tilespmem:$0x2D00];
	v15 =	vpop (erf)  }
0x40c: {  	v32 =	vimm.s32 $0x4;
	[tilespmem:$0x3F70] =	vst v53;
	v53 =	vld [tilespmem:$0x1FF90];
	v13 =	vperm.xlane v15, v11;
	v20 =	vperm.xlane v15, v16  }
0x40d: {  	v30 =	vperm.xlane v15, v32;
	v63 =	vperm.xlane v15, v41;
	v7 =	vsel vm3, v22, v29;
	[tilespmem:$0x3F50] =	vst v46;
	v46 =	vld [tilespmem:$0x1FF50]  }
0x40e: {  	v8 =	vperm.xlane v7, v8;
	v41 =	vmul.f32 v9, v20;
	v9 =	vld [tilespmem:$0x2D30]  }
0x40f: {  	v11 =	vimm.s32 $0x6;
	v21 =	vmul.f32 v0, v13;
	v16 =	vmul.f32 v24, v30;
	v20 =	vld [tilespmem:$0x3110]  }
0x410: {  	v13 =	vsel vm3, v29, v22;
	v19 =	vmul.f32 v14, v63;
	v4 =	vmul.f32 v4, v45;
	v45 =	vld [tilespmem:$0x3120]  }
0x411: {  	v7 =	vimm.s32 $0xA;
	v24 =	vperm.xlane v15, v11;
	v8 =	vadd.f32 v13, v8;
	v13 =	vld [tilespmem:$0x1FF80]  }
0x412: {  	v22 =	vperm.xlane v15, v7;
	v7 =	vld [tilespmem:$0x39B0];
	[tilespmem:$0x1FE90] =	vst v16  }
0x413: {  	v32 =	vimm.s32 $0x2;
	[tilespmem:$0x1FEA0] =	vst v19;
	v16 =	vmul.f32 v39, v24;
	v39 =	vld [tilespmem:$0x2D50]  }
0x414: {  	v63 =	vperm.xlane v15, v32;
	v19 =	vimm.s32 $0xE;
	[tilespmem:$0x3F90] =	vst v41;
	v41 =	vld [tilespmem:$0x3B20];
	v14 =	vmul.f32 v40, v22  }
0x415: {  	v32 =	vperm.xlane v15, v19;
	v40 =	vld [tilespmem:$0x3970]  }
0x416: {  	v63 =	vmul.f32 v48, v63;
	v48 =	vimm.s32 $0x0;
	[tilespmem:$0x1FEB0] =	vst v14;
	v14 =	vld [tilespmem:$0x3950];
	v22 =	vpop (erf);
	v0 =	vperm.xlane v8, v13  }
0x417: {  	[tilespmem:$0x1FEC0] =	vst v16;
	v16 =	vmul.f32 v33, v32;
	v33 =	vld [tilespmem:$0x2D70];
	v24 =	vperm.xlane v22, v48  }
0x418: {  	v2 =	vmul.f32 v1, v2;
	v48 =	vld [tilespmem:$0x3960];
	v0 =	vadd.f32 v8, v0  }
0x419: {  	v11 =	vimm.s32 $0x8;
	v5 =	vmul.f32 v5, v31;
	[tilespmem:$0x1FED0] =	vst v16;
	v16 =	vld [tilespmem:$0x30E0];
	v19 =	vmul.f32 v47, v24  }
0x41a: {  	v13 =	vperm.xlane v22, v11;
	v11 =	vld [tilespmem:$0x1FF50];
	v0 =	vmul.f32 $1.442695020e+00, v0  }
0x41b: {  	v3 =	vmul.f32 v9, v3;
	v8 =	vld [tilespmem:$0x2D60];
	[tilespmem:$0x1FEE0] =	vst v19;
	v14 =	vmul.f32 v39, v14;
	v19 =	vimm.s32 $0x4  }
0x41c: {  	v31 =	vperm.xlane v22, v19;
	v19 =	vld [tilespmem:$0x3100];
	(erf) = vpow2.f32 v0  }
0x41d: {  	v0 =	vmul.f32 v54, v6;
	v6 =	vmul.f32 v33, v40;
	v33 =	vld [tilespmem:$0x1FF50]  }
0x41e: {  	v32 =	vmul.f32 v52, v13;
	v54 =	vld [tilespmem:$0x30D0];
	v52 =	vmul.f32 v57, v31  }
0x41f: {  	v57 =	vsel vm1, v14, v2;
	v2 =	vsel vm1, v2, v14;
	v14 =	vld [tilespmem:$0x2D80];
	v9 =	vsel vm1, v5, v0  }
0x420: {  	[tilespmem:$0x1FEF0] =	vst v32;
	v32 =	vsel vm1, v3, v4;
	v13 =	vperm.xlane v9, v11;
	v11 =	vld [tilespmem:$0x1FF50]  }
0x421: {  	v3 =	vsel vm1, v4, v3;
	v39 =	vmul.f32 v8, v48;
	v48 =	vld [tilespmem:$0x30F0];
	v0 =	vsel vm1, v0, v5  }
0x422: {  	v9 =	vld [tilespmem:$0x1FF50];
	v40 =	vperm.xlane v32, v33;
	v0 =	vadd.f32 v13, v0;
	v13 =	vimm.s32 $0xC  }
0x423: {  	v8 =	vsel vm1, v6, v39;
	v6 =	vsel vm1, v39, v6;
	v39 =	vperm.xlane v22, v13;
	v13 =	vld [tilespmem:$0x3990]  }
0x424: {  	v32 =	vimm.s32 $0x2;
	v3 =	vadd.f32 v40, v3;
	v40 =	vld [tilespmem:$0x3980]  }
0x425: {  	v47 =	vimm.s32 $0xA;
	v33 =	vperm.xlane v22, v32;
	v5 =	vperm.xlane v8, v11;
	v11 =	vld [tilespmem:$0x2D90]  }
0x426: {  	v1 =	vperm.xlane v22, v47;
	v47 =	vmul.f32 v12, v39;
	v39 =	vld [tilespmem:$0x39A0]  }
0x427: {  	v32 =	vmul.f32 v10, v33;
	v10 =	vld [tilespmem:$0x1FF60]  }
0x428: {  	v8 =	vld [tilespmem:$0x2DA0]  }
0x429: {  	v4 =	vperm.xlane v57, v9;
	v57 =	vmul.f32 v17, v1;
	v17 =	vld [tilespmem:$0x1FF60]  }
0x42a: {  	v1 =	vld [tilespmem:$0x2DC0]  }
0x42b: {  	v2 =	vadd.f32 v4, v2;
	v4 =	vadd.f32 v5, v6;
	[tilespmem:$0x4030] =	vst v47;
	v47 =	vld [tilespmem:$0x1FF90]  }
0x42c: {  	v9 =	vsel vm2, v3, v0;
	v6 =	vimm.s32 $0xE;
	[tilespmem:$0x4050] =	vst v57;
	v57 =	vld [tilespmem:$0x2FB0]  }
0x42d: {  	v12 =	vsel vm2, v4, v2;
	v14 =	vmul.f32 v14, v40;
	v40 =	vld [tilespmem:$0x1FF50];
	v5 =	vperm.xlane v9, v10  }
0x42e: {  	v10 =	vperm.xlane v12, v17;
	v17 =	vperm.xlane v22, v6;
	v6 =	vld [tilespmem:$0x2DB0]  }
0x42f: {  	v33 =	vimm.s32 $0x6;
	v3 =	vsel vm2, v0, v3;
	v11 =	vmul.f32 v11, v13;
	v13 =	vld [tilespmem:$0x3A00]  }
0x430: {  	v12 =	vperm.xlane v22, v33;
	v9 =	vpop (erf);
	v33 =	vimm.s32 $0x0;
	v30 =	vmul.f32 v28, v17;
	v17 =	vld [tilespmem:$0x1FF70]  }
0x431: {  	v2 =	vsel vm2, v2, v4;
	v0 =	vperm.xlane v9, v33;
	v3 =	vadd.f32 v5, v3;
	v5 =	vld [tilespmem:$0x39C0]  }
0x432: {  	v2 =	vadd.f32 v10, v2;
	v28 =	vld [tilespmem:$0x39D0]  }
0x433: {  	v31 =	vmul.f32 v18, v0;
	v0 =	vld [tilespmem:$0x2DD0]  }
0x434: {  	v24 =	vmul.f32 v25, v12;
	v12 =	vsel vm3, v2, v3;
	v2 =	vsel vm3, v3, v2;
	v3 =	vld [tilespmem:$0x39E0]  }
0x435: {  	v33 =	vimm.s32 $0xC;
	v10 =	vimm.s32 $0x4;
	v25 =	vperm.xlane v12, v17;
	v17 =	vld [tilespmem:$0x1FF90]  }
0x436: {  	v23 =	vperm.xlane v9, v10;
	v10 =	vperm.xlane v9, v33;
	[tilespmem:$0x4060] =	vst v24;
	v24 =	vld [tilespmem:$0x1FF90]  }
0x437: {  	[tilespmem:$0x4070] =	vst v30;
	v30 =	vld [tilespmem:$0x3B90]  }
0x438: {  	v4 =	vimm.s32 $0x8;
	v33 =	vmul.f32 v34, v10;
	v34 =	vld [tilespmem:$0x2DE0]  }
0x439: {  	v4 =	vperm.xlane v9, v4;
	v23 =	vmul.f32 v42, v23;
	v42 =	vld [tilespmem:$0x39F0]  }
0x43a: {  	v18 =	vperm.xlane v55, v17;
	v55 =	vld [tilespmem:$0x1FF90]  }
0x43b: {  	v29 =	vmul.f32 v36, v4;
	v6 =	vmul.f32 v6, v7;
	v7 =	vld [tilespmem:$0x2E00]  }
0x43c: {  	v10 =	vld [tilespmem:$0x1FF50]  }
0x43d: {  	[tilespmem:$0x4090] =	vst v29;
	v29 =	vld [tilespmem:$0x3BA0];
	v12 =	vimm.s32 $0x2  }
0x43e: {  	v4 =	vperm.xlane v9, v12;
	v12 =	vld [tilespmem:$0x1FF80]  }
0x43f: {  	v3 =	vmul.f32 v34, v3;
	v34 =	vld [tilespmem:$0x2E10];
	v26 =	vperm.xlane v26, v55  }
0x440: {  	v2 =	vadd.f32 v2, v25;
	v25 =	vmul.f32 v61, v4;
	v61 =	vld [tilespmem:$0x1FCA0]  }
0x441: {  	v26 =	vsel vm1, v18, v26;
	v18 =	vmul.f32 v8, v39;
	v39 =	vld [tilespmem:$0x1FF50]  }
0x442: {  	v17 =	vld [tilespmem:$0x2DF0]  }
0x443: {  	v7 =	vmul.f32 v7, v13;
	v13 =	vld [tilespmem:$0x2E70];
	v4 =	vperm.xlane v2, v12  }
0x444: {  	v36 =	vsel vm1, v11, v14;
	v0 =	vmul.f32 v0, v28;
	[tilespmem:$0x40C0] =	vst v25;
	v25 =	vld [tilespmem:$0x1FF50]  }
0x445: {  	v4 =	vadd.f32 v2, v4;
	v28 =	vsel vm1, v6, v18;
	v2 =	vsel vm1, v18, v6;
	v18 =	vld [tilespmem:$0x1FF50]  }
0x446: {  	v1 =	vmul.f32 v1, v5;
	v8 =	vld [tilespmem:$0x3A10];
	v5 =	vperm.xlane v36, v39  }
0x447: {  	v36 =	vmul.f32 v17, v42;
	v42 =	vperm.xlane v28, v40;
	v28 =	vld [tilespmem:$0x3A20];
	v40 =	vimm.s32 $0xA  }
0x448: {  	v39 =	vld [tilespmem:$0x3A30];
	v6 =	vperm.xlane v9, v40  }
0x449: {  	v11 =	vsel vm1, v14, v11;
	v55 =	vsel vm1, v0, v1;
	v17 =	vld [tilespmem:$0x1FCB0];
	v12 =	vsel vm1, v36, v3  }
0x44a: {  	v0 =	vsel vm1, v1, v0;
	v1 =	vperm.xlane v12, v18;
	v18 =	vmul.f32 v54, v6;
	v54 =	vld [tilespmem:$0x1FCF0]  }
0x44b: {  	v5 =	vadd.f32 v5, v11;
	v14 =	vadd.f32 v42, v2;
	v12 =	vld [tilespmem:$0x1FCD0]  }
0x44c: {  	[tilespmem:$0x3D00] =	vst v61;
	v61 =	vimm.s32 $0xE;
	v40 =	vld [tilespmem:$0x2E30];
	v2 =	vperm.xlane v55, v10  }
0x44d: {  	[tilespmem:$0x4400] =	vst v26;
	v10 =	vperm.xlane v9, v61;
	v61 =	vsel vm2, v14, v5;
	v5 =	vsel vm2, v5, v14;
	v14 =	vld [tilespmem:$0x1FF60]  }
0x44e: {  	[tilespmem:$0x3D10] =	vst v17;
	v17 =	vld [tilespmem:$0x1FCE0]  }
0x44f: {  	[tilespmem:$0x3D50] =	vst v54;
	v54 =	vld [tilespmem:$0x1FF60]  }
0x450: {  	v26 =	vsel vm1, v3, v36;
	[tilespmem:$0x3D30] =	vst v12;
	v12 =	vld [tilespmem:$0x1FD00]  }
0x451: {  	v42 =	vld [tilespmem:$0x1FCC0];
	v55 =	vimm.s32 $0x6;
	v0 =	vadd.f32 v2, v0;
	v1 =	vadd.f32 v1, v26  }
0x452: {  	v36 =	vperm.xlane v9, v55;
	v55 =	vld [tilespmem:$0x3A40]  }
0x453: {  	v26 =	vmul.f32 v48, v10;
	v10 =	vsel vm2, v1, v0;
	v14 =	vperm.xlane v61, v14;
	v61 =	vld [tilespmem:$0x1FD10]  }
0x454: {  	[tilespmem:$0x3D40] =	vst v17;
	v17 =	vmul.f32 v16, v36;
	v36 =	vperm.xlane v10, v54;
	v10 =	vld [tilespmem:$0x1FF90]  }
0x455: {  	[tilespmem:$0x3D60] =	vst v12;
	v12 =	vld [tilespmem:$0x1FF90]  }
0x456: {  	v54 =	vld [tilespmem:$0x1FD20]  }
0x457: {  	v6 =	vld [tilespmem:$0x2E40]  }
0x458: {  	[tilespmem:$0x3D70] =	vst v61;
	v61 =	vadd.f32 v14, v5;
	v14 =	vld [tilespmem:$0x1FD30]  }
0x459: {  	[tilespmem:$0x3D20] =	vst v42;
	v42 =	vld [tilespmem:$0x3A60]  }
0x45a: {  	v0 =	vsel vm2, v0, v1;
	v1 =	vperm.xlane v27, v10;
	v27 =	vperm.xlane v35, v12;
	v35 =	vld [tilespmem:$0x2E60]  }
0x45b: {  	[tilespmem:$0x3D80] =	vst v54;
	v54 =	vld [tilespmem:$0x1FF70]  }
0x45c: {  	v10 =	vld [tilespmem:$0x1FF10]  }
0x45d: {  	[tilespmem:$0x3D90] =	vst v14;
	v14 =	vmul.f32 v40, v39;
	v40 =	vld [tilespmem:$0x1FD50]  }
0x45e: {  	v4 =	vmul.f32 $1.442695020e+00, v4;
	v11 =	vld [tilespmem:$0x2E20]  }
0x45f: {  	v48 =	vld [tilespmem:$0x2E50];
	v0 =	vadd.f32 v36, v0  }
0x460: {  	(erf) = vpow2.f32 v4;
	v4 =	vmul.f32 v6, v55;
	v16 =	vld [tilespmem:$0x3A50]  }
0x461: {  	v1 =	vsel vm1, v1, v27;
	v27 =	vsel vm3, v0, v61;
	v6 =	vmul.f32 v35, v42;
	v42 =	vld [tilespmem:$0x1FF50]  }
0x462: {  	v55 =	vperm.xlane v27, v54;
	v27 =	vperm.xlane v60, v10;
	[tilespmem:$0x3DB0] =	vst v40;
	v40 =	vld [tilespmem:$0x1FD70]  }
0x463: {  	v8 =	vmul.f32 v34, v8;
	v5 =	vld [tilespmem:$0x3A70]  }
0x464: {  	v11 =	vmul.f32 v11, v28;
	v35 =	vld [tilespmem:$0x1FF50];
	v54 =	vshll.u32 v27, $0x3  }
0x465: {  	v12 =	vsel vm1, v8, v7;
	v7 =	vsel vm1, v7, v8;
	v8 =	vor.u32 v58, v54;
	v54 =	vld [tilespmem:$0x1FF50]  }
0x466: {  	v16 =	vmul.f32 v48, v16;
	v48 =	vperm.xlane v12, v42;
	v42 =	vld [tilespmem:$0x1FF80]  }
0x467: {  	[tilespmem:$0x3DD0] =	vst v40;
	v40 =	vld [tilespmem:$0x1FF50]  }
0x468: {  	v34 =	vld [tilespmem:$0x3140];
	v5 =	vmul.f32 v13, v5;
	v27 =	vsel vm1, v14, v11  }
0x469: {  	[tilespmem:$0x3DE0] =	vst v59;
	v3 =	vld [tilespmem:$0x3AC0];
	v0 =	vsel vm3, v61, v0;
	v59 =	vsel vm1, v11, v14;
	v39 =	vperm.xlane v27, v35  }
0x46a: {  	v2 =	vld [tilespmem:$0x2EB0];
	v0 =	vadd.f32 v0, v55;
	v7 =	vadd.f32 v48, v7;
	v48 =	vsel vm1, v5, v6  }
0x46b: {  	[tilespmem:$0x4490] =	vst v8;
	v27 =	vsel vm1, v16, v4;
	v8 =	vadd.f32 v39, v59;
	v59 =	vperm.xlane v48, v54;
	v48 =	vld [tilespmem:$0x1FF60]  }
0x46c: {  	v28 =	vld [tilespmem:$0x3130];
	[tilespmem:$0x4410] =	vst v1;
	v1 =	vperm.xlane v27, v40;
	v27 =	vperm.xlane v0, v42  }
0x46d: {  	v36 =	vld [tilespmem:$0x1FD40];
	v4 =	vsel vm1, v4, v16  }
0x46e: {  	v12 =	vsel vm1, v6, v5;
	v35 =	vld [tilespmem:$0x1FD90];
	v39 =	vimm.s32 $0x0;
	v0 =	vadd.f32 v0, v27  }
0x46f: {  	v54 =	vpop (erf);
	v1 =	vadd.f32 v1, v4;
	v4 =	vadd.f32 v59, v12;
	v27 =	vsel vm2, v8, v7;
	v12 =	vld [tilespmem:$0x1FDB0]  }
0x470: {  	[tilespmem:$0x3E00] =	vst v49;
	v40 =	vperm.xlane v54, v39;
	v49 =	vperm.xlane v27, v48;
	v48 =	vld [tilespmem:$0x1FF60]  }
0x471: {  	[tilespmem:$0x40F0] =	vst v26;
	v26 =	vld [tilespmem:$0x3BD0]  }
0x472: {  	v13 =	vld [tilespmem:$0x3170];
	[tilespmem:$0x3DA0] =	vst v36;
	v27 =	vmul.f32 v19, v40;
	v19 =	vimm.s32 $0x4;
	v0 =	vmul.f32 $1.442695020e+00, v0  }
0x473: {  	v61 =	vld [tilespmem:$0x1FD60];
	[tilespmem:$0x3E20] =	vst v35;
	v39 =	vsel vm2, v7, v8;
	v40 =	vsel vm2, v4, v1;
	v35 =	vperm.xlane v54, v19  }
0x474: {  	v36 =	vld [tilespmem:$0x3150];
	(erf) = vpow2.f32 v0;
	v0 =	vadd.f32 v49, v39;
	[tilespmem:$0x3E40] =	vst v12;
	v12 =	vimm.s32 $0x8  }
0x475: {  	v49 =	vperm.xlane v40, v48;
	v7 =	vperm.xlane v54, v12;
	v48 =	vimm.s32 $0xC;
	v12 =	vld [tilespmem:$0x1FDF0]  }
0x476: {  	v6 =	vperm.xlane v54, v48;
	v48 =	vmul.f32 v45, v35;
	v35 =	vld [tilespmem:$0x1FE00]  }
0x477: {  	v8 =	vld [tilespmem:$0x1FDD0];
	v1 =	vsel vm2, v1, v4  }
0x478: {  	v10 =	vld [tilespmem:$0x31A0];
	v1 =	vadd.f32 v49, v1;
	v49 =	vimm.s32 $0x2  }
0x479: {  	v45 =	vld [tilespmem:$0x1FE10];
	v19 =	vperm.xlane v54, v49  }
0x47a: {  	[tilespmem:$0x3E80] =	vst v12;
	v12 =	vmul.f32 v28, v6;
	v6 =	vld [tilespmem:$0x1FF70]  }
0x47b: {  	[tilespmem:$0x3E90] =	vst v35;
	v35 =	vmul.f32 v34, v19;
	v34 =	vld [tilespmem:$0x1FE20]  }
0x47c: {  	v55 =	vld [tilespmem:$0x3160];
	[tilespmem:$0x3E60] =	vst v8;
	v8 =	vimm.s32 $0xA  }
0x47d: {  	[tilespmem:$0x3DC0] =	vst v61;
	v61 =	vld [tilespmem:$0x3180];
	v8 =	vperm.xlane v54, v8  }
0x47e: {  	v14 =	vld [tilespmem:$0x3190];
	v49 =	vmul.f32 v20, v7;
	v39 =	vsel vm3, v1, v0;
	[tilespmem:$0x3EA0] =	vst v45;
	v45 =	vimm.s32 $0xE  }
0x47f: {  	v11 =	vld [tilespmem:$0x31D0];
	v45 =	vperm.xlane v54, v45;
	v7 =	vperm.xlane v39, v6;
	v39 =	vimm.s32 $0x6  }
0x480: {  	v36 =	vmul.f32 v36, v8;
	v8 =	vld [tilespmem:$0x1FE30];
	[tilespmem:$0x3EB0] =	vst v34;
	v34 =	vperm.xlane v54, v39  }
0x481: {  	v13 =	vmul.f32 v13, v45;
	v45 =	vld [tilespmem:$0x1FF90]  }
0x482: {  	[tilespmem:$0x3ED0] =	vst v50;
	v50 =	vmul.f32 v55, v34;
	v55 =	vld [tilespmem:$0x1FF90]  }
0x483: {  	v16 =	vld [tilespmem:$0x31B0]  }
0x484: {  	v5 =	vld [tilespmem:$0x31C0]  }
0x485: {  	v6 =	vld [tilespmem:$0x1FF20]  }
0x486: {  	v42 =	vld [tilespmem:$0x1FDA0]  }
0x487: {  	v59 =	vld [tilespmem:$0x31F0];
	[tilespmem:$0x3EE0] =	vst v8;
	v8 =	vperm.xlane v37, v45;
	v37 =	vperm.xlane v38, v55  }
0x488: {  	v4 =	vld [tilespmem:$0x3210]  }
0x489: {  	v8 =	vsel vm1, v8, v37;
	v37 =	vld [tilespmem:$0x1FF80]  }
0x48a: {  	v0 =	vsel vm3, v0, v1;
	v1 =	vperm.xlane v60, v6;
	v6 =	vld [tilespmem:$0x1FE40]  }
0x48b: {  	[tilespmem:$0x3E30] =	vst v42;
	v42 =	vld [tilespmem:$0x1FDC0]  }
0x48c: {  	v40 =	vld [tilespmem:$0x1FDE0];
	v0 =	vadd.f32 v0, v7  }
0x48d: {  	v20 =	vld [tilespmem:$0x3A80]  }
0x48e: {  	v28 =	vld [tilespmem:$0x3A90];
	v7 =	vpop (erf);
	v1 =	vshll.u32 v1, $0x3;
	v38 =	vimm.s32 $0x0;
	v37 =	vperm.xlane v0, v37  }
0x48f: {  	v19 =	vld [tilespmem:$0x2E80];
	v1 =	vor.u32 v58, v1;
	v38 =	vperm.xlane v7, v38;
	[tilespmem:$0x3EF0] =	vst v6;
	v6 =	vimm.s32 $0x4  }
0x490: {  	v39 =	vld [tilespmem:$0x2E90];
	[tilespmem:$0x44A0] =	vst v1;
	v1 =	vperm.xlane v7, v6;
	v0 =	vadd.f32 v0, v37  }
0x491: {  	v38 =	vmul.f32 v61, v38;
	v61 =	vld [tilespmem:$0x1FE50]  }
0x492: {  	v6 =	vmul.f32 v10, v1;
	v10 =	vld [tilespmem:$0x3AD0];
	v0 =	vmul.f32 $1.442695020e+00, v0  }
0x493: {  	v1 =	vld [tilespmem:$0x2ED0]  }
0x494: {  	[tilespmem:$0x3F60] =	vst v62;
	v34 =	vld [tilespmem:$0x2EA0];
	(erf) = vpow2.f32 v0  }
0x495: {  	[tilespmem:$0x3E50] =	vst v42;
	v45 =	vld [tilespmem:$0x3AB0];
	v0 =	vmul.f32 v19, v20;
	v20 =	vmul.f32 v39, v28  }
0x496: {  	v42 =	vld [tilespmem:$0x3200];
	v55 =	vimm.s32 $0x8;
	[tilespmem:$0x4420] =	vst v8;
	v37 =	vimm.s32 $0xC  }
0x497: {  	v55 =	vperm.xlane v7, v55;
	[tilespmem:$0x3F00] =	vst v61;
	v61 =	vld [tilespmem:$0x1FE60];
	v8 =	vperm.xlane v7, v37;
	v62 =	vsel vm1, v20, v0  }
0x498: {  	v1 =	vmul.f32 v1, v10;
	v10 =	vperm.xlane v62, v46;
	v62 =	vld [tilespmem:$0x1FF50]  }
0x499: {  	v34 =	vmul.f32 v34, v43;
	v14 =	vmul.f32 v14, v55;
	v55 =	vld [tilespmem:$0x2EC0]  }
0x49a: {  	[tilespmem:$0x3F20] =	vst v51;
	v2 =	vmul.f32 v2, v45;
	v51 =	vmul.f32 v16, v8;
	v8 =	vld [tilespmem:$0x1FE70]  }
0x49b: {  	v16 =	vld [tilespmem:$0x3AE0]  }
0x49c: {  	[tilespmem:$0x3F10] =	vst v61;
	v61 =	vimm.s32 $0xA;
	v19 =	vld [tilespmem:$0x3AF0];
	v0 =	vsel vm1, v0, v20;
	v20 =	vsel vm1, v2, v34  }
0x49d: {  	v61 =	vperm.xlane v7, v61;
	v0 =	vadd.f32 v10, v0;
	v10 =	vperm.xlane v20, v62;
	v62 =	vld [tilespmem:$0x1FF50]  }
0x49e: {  	v39 =	vld [tilespmem:$0x2EF0]  }
0x49f: {  	v3 =	vmul.f32 v55, v3;
	[tilespmem:$0x3F30] =	vst v8;
	v8 =	vmul.f32 v11, v61;
	v11 =	vld [tilespmem:$0x2EE0]  }
0x4a0: {  	[tilespmem:$0x3E70] =	vst v40;
	v40 =	vld [tilespmem:$0x3220]  }
0x4a1: {  	[tilespmem:$0x4110] =	vst v49;
	v49 =	vld [tilespmem:$0x1FF60];
	v2 =	vsel vm1, v34, v2;
	v20 =	vsel vm1, v1, v3  }
0x4a2: {  	v2 =	vadd.f32 v10, v2;
	v10 =	vperm.xlane v20, v62;
	v20 =	vld [tilespmem:$0x1FF50]  }
0x4a3: {  	v24 =	vperm.xlane v54, v24;
	v54 =	vld [tilespmem:$0x2FA0];
	v43 =	vperm.xlane v44, v53  }
0x4a4: {  	v44 =	vld [tilespmem:$0x3B00];
	v19 =	vmul.f32 v39, v19;
	v11 =	vmul.f32 v11, v16  }
0x4a5: {  	v61 =	vld [tilespmem:$0x1FE80]  }
0x4a6: {  	[tilespmem:$0x3FC0] =	vst v63;
	v53 =	vld [tilespmem:$0x1FE90];
	v63 =	vsel vm1, v19, v11  }
0x4a7: {  	v20 =	vperm.xlane v63, v20;
	v63 =	vld [tilespmem:$0x1FEC0]  }
0x4a8: {  	v45 =	vld [tilespmem:$0x2F00]  }
0x4a9: {  	v28 =	vld [tilespmem:$0x1FF30]  }
0x4aa: {  	[tilespmem:$0x3F40] =	vst v61;
	v61 =	vld [tilespmem:$0x1FF90]  }
0x4ab: {  	v37 =	vimm.s32 $0x2;
	v62 =	vld [tilespmem:$0x1FED0]  }
0x4ac: {  	v37 =	vperm.xlane v7, v37;
	[tilespmem:$0x3FE0] =	vst v63;
	v63 =	vld [tilespmem:$0x1FF90]  }
0x4ad: {  	[tilespmem:$0x3FA0] =	vst v53;
	v53 =	vld [tilespmem:$0x2F30]  }
0x4ae: {  	v55 =	vld [tilespmem:$0x1FEA0];
	v5 =	vmul.f32 v5, v37;
	v37 =	vperm.xlane v60, v28  }
0x4af: {  	v45 =	vmul.f32 v45, v44;
	v44 =	vld [tilespmem:$0x2FE0]  }
0x4b0: {  	v37 =	vshll.u32 v37, $0x3;
	[tilespmem:$0x3FF0] =	vst v62;
	v62 =	vld [tilespmem:$0x1FF60]  }
0x4b1: {  	v15 =	vperm.xlane v15, v61;
	v61 =	vimm.s32 $0x6;
	v22 =	vperm.xlane v22, v63;
	v63 =	vld [tilespmem:$0x1FF60]  }
0x4b2: {  	[tilespmem:$0x3F80] =	vst v21;
	v1 =	vsel vm1, v3, v1;
	v11 =	vsel vm1, v11, v19;
	v39 =	vperm.xlane v7, v61;
	v61 =	vld [tilespmem:$0x1FEB0]  }
0x4b3: {  	[tilespmem:$0x3FB0] =	vst v55;
	v55 =	vld [tilespmem:$0x3B40];
	v21 =	vor.u32 v58, v37;
	v1 =	vadd.f32 v10, v1;
	v10 =	vadd.f32 v20, v11  }
0x4b4: {  	v34 =	vld [tilespmem:$0x3B30];
	[tilespmem:$0x44B0] =	vst v21;
	v21 =	vsel vm2, v2, v0;
	v0 =	vsel vm2, v0, v2  }
0x4b5: {  	v46 =	vld [tilespmem:$0x2F20];
	v20 =	vmul.f32 v56, v39;
	v39 =	vsel vm2, v10, v1;
	v21 =	vperm.xlane v21, v62  }
0x4b6: {  	[tilespmem:$0x4020] =	vst v52;
	v37 =	vld [tilespmem:$0x2F10];
	v43 =	vsel vm1, v43, v15;
	v15 =	vpop (erf);
	v39 =	vperm.xlane v39, v63;
	v63 =	vimm.s32 $0x4  }
0x4b7: {  	v16 =	vld [tilespmem:$0x3B10];
	[tilespmem:$0x3FD0] =	vst v61;
	v61 =	vimm.s32 $0xE;
	v52 =	vadd.f32 v21, v0;
	v0 =	vperm.xlane v15, v63  }
0x4b8: {  	v3 =	vperm.xlane v7, v61;
	v21 =	vld [tilespmem:$0x1FF90]  }
0x4b9: {  	[tilespmem:$0x4080] =	vst v31;
	v31 =	vmul.f32 v53, v34;
	v0 =	vmul.f32 v40, v0;
	v40 =	vld [tilespmem:$0x1FF70]  }
0x4ba: {  	v28 =	vld [tilespmem:$0x3230];
	v1 =	vsel vm2, v1, v10;
	v19 =	vmul.f32 v59, v3;
	v59 =	vimm.s32 $0x0  }
0x4bb: {  	v61 =	vld [tilespmem:$0x1FEE0];
	v62 =	vimm.s32 $0x8;
	v11 =	vperm.xlane v15, v59;
	v1 =	vadd.f32 v39, v1  }
0x4bc: {  	v53 =	vld [tilespmem:$0x2F90];
	v16 =	vmul.f32 v37, v16;
	v2 =	vperm.xlane v15, v62  }
0x4bd: {  	v37 =	vld [tilespmem:$0x2F80];
	v9 =	vperm.xlane v9, v21;
	v21 =	vmul.f32 v42, v11;
	v62 =	vsel vm3, v1, v52  }
0x4be: {  	[tilespmem:$0x4430] =	vst v43;
	v43 =	vld [tilespmem:$0x3B50];
	v11 =	vmul.f32 v4, v2;
	v2 =	vperm.xlane v62, v40  }
0x4bf: {  	v56 =	vld [tilespmem:$0x2F50];
	v1 =	vsel vm3, v52, v1  }
0x4c0: {  	[tilespmem:$0x4000] =	vst v61;
	v61 =	vld [tilespmem:$0x1FEF0];
	v1 =	vadd.f32 v1, v2;
	v2 =	vperm.xlane v7, v47  }
0x4c1: {  	v10 =	vld [tilespmem:$0x3B60]  }
0x4c2: {  	v2 =	vsel vm1, v24, v2;
	v24 =	vld [tilespmem:$0x1FF80]  }
0x4c3: {  	v3 =	vld [tilespmem:$0x2F40]  }
0x4c4: {  	[tilespmem:$0x4040] =	vst v32;
	v59 =	vld [tilespmem:$0x2F60]  }
0x4c5: {  	[tilespmem:$0x4010] =	vst v61;
	v61 =	vld [tilespmem:$0x3B70]  }
0x4c6: {  	[tilespmem:$0x40A0] =	vst v23;
	v9 =	vsel vm1, v22, v9;
	v22 =	vld [tilespmem:$0x1FFC0]  }
0x4c7: {  	[tilespmem:$0x40B0] =	vst v33;
	v63 =	vld [tilespmem:$0x2F70];
	v24 =	vperm.xlane v1, v24  }
0x4c8: {  	v32 =	vimm.s32 $0x6;
	v33 =	vimm.s32 $0xE;
	[tilespmem:$0x4100] =	vst v27;
	v23 =	vmul.f32 v56, v43;
	v56 =	vld [tilespmem:$0x3BB0]  }
0x4c9: {  	v27 =	vimm.s32 $0x8;
	[tilespmem:$0x4120] =	vst v48;
	v48 =	vmul.f32 v54, v29;
	v1 =	vadd.f32 v1, v24;
	v24 =	vld [tilespmem:$0x1FF50]  }
0x4ca: {  	v43 =	vld [tilespmem:$0x3BE0];
	v3 =	vmul.f32 v3, v55;
	v55 =	vsel vm1, v16, v45;
	v52 =	vmul.f32 v46, v41  }
0x4cb: {  	v16 =	vsel vm1, v45, v16;
	v10 =	vmul.f32 v59, v10;
	v22 =	vperm.xlane v60, v22;
	v46 =	vld [tilespmem:$0x3BF0]  }
0x4cc: {  	v39 =	vperm.xlane v15, v32;
	v4 =	vmul.f32 v63, v61;
	v41 =	vsel vm1, v31, v52;
	v63 =	vld [tilespmem:$0x1FF50]  }
0x4cd: {  	v22 =	vshll.u32 v22, $0x3;
	v61 =	vimm.s32 $0xC;
	v25 =	vperm.xlane v41, v25;
	v62 =	vld [tilespmem:$0x1FF50]  }
0x4ce: {  	v59 =	vor.u32 v58, v22;
	v41 =	vld [tilespmem:$0x1FF60];
	v7 =	vsel vm1, v52, v31;
	v24 =	vperm.xlane v55, v24  }
0x4cf: {  	[tilespmem:$0x40E0] =	vst v17;
	v17 =	vperm.xlane v15, v61;
	v31 =	vld [tilespmem:$0x2FD0];
	v7 =	vadd.f32 v25, v7;
	v25 =	vsel vm1, v3, v23  }
0x4d0: {  	v40 =	vld [tilespmem:$0x3B80];
	v3 =	vsel vm1, v23, v3;
	v23 =	vsel vm1, v4, v10;
	v16 =	vadd.f32 v24, v16  }
0x4d1: {  	[tilespmem:$0x40D0] =	vst v18;
	v22 =	vld [tilespmem:$0x3BC0];
	v17 =	vmul.f32 v28, v17;
	v28 =	vimm.s32 $0x4;
	v18 =	vperm.xlane v23, v63  }
0x4d2: {  	v4 =	vsel vm1, v10, v4;
	v3 =	vperm.xlane v3, v62;
	v24 =	vld [tilespmem:$0x2FC0];
	v23 =	vsel vm2, v7, v16  }
0x4d3: {  	[tilespmem:$0x4440] =	vst v9;
	v52 =	vmul.f32 v57, v56;
	v56 =	vld [tilespmem:$0x1FFD0];
	v4 =	vadd.f32 v18, v4;
	v9 =	vperm.xlane v23, v41  }
0x4d4: {  	v3 =	vadd.f32 v3, v25;
	v23 =	vmul.f32 v53, v30;
	v53 =	vmul.f32 v31, v26;
	v26 =	vld [tilespmem:$0x1FF50]  }
0x4d5: {  	v10 =	vmul.f32 v44, v43;
	v47 =	vmul.f32 v37, v40;
	v25 =	vld [tilespmem:$0x2FF0];
	v7 =	vsel vm2, v16, v7  }
0x4d6: {  	[tilespmem:$0x4150] =	vst v36;
	v18 =	vsel vm2, v4, v3;
	v1 =	vmul.f32 $1.442695020e+00, v1;
	v45 =	vadd.f32 v9, v7  }
0x4d7: {  	[tilespmem:$0x4130] =	vst v12;
	v22 =	vmul.f32 v24, v22;
	v24 =	vsel vm1, v23, v47;
	v9 =	vsel vm1, v47, v23;
	v23 =	vld [tilespmem:$0x1FF50]  }
0x4d8: {  	[tilespmem:$0x4140] =	vst v35;
	v54 =	vsel vm1, v52, v48;
	v3 =	vsel vm2, v3, v4;
	v12 =	vperm.xlane v18, v49  }
0x4d9: {  	[tilespmem:$0x4170] =	vst v13;
	v4 =	vsel vm1, v48, v52;
	(erf) = vpow2.f32 v1;
	v24 =	vperm.xlane v24, v26  }
0x4da: {  	[tilespmem:$0x4160] =	vst v50;
	v3 =	vadd.f32 v12, v3;
	v16 =	vperm.xlane v60, v56;
	v7 =	vmul.f32 v25, v46  }
0x4db: {  	[tilespmem:$0x4180] =	vst v38;
	v30 =	vimm.s32 $0x2;
	v31 =	vimm.s32 $0xA;
	v9 =	vadd.f32 v24, v9;
	v24 =	vld [tilespmem:$0x1FF70]  }
0x4dc: {  	[tilespmem:$0x44C0] =	vst v59;
	v59 =	vsel vm1, v53, v22;
	v61 =	vsel vm1, v7, v10;
	v55 =	vperm.xlane v54, v23  }
0x4dd: {  	[tilespmem:$0x4190] =	vst v14;
	v12 =	vsel vm1, v22, v53;
	v22 =	vld [tilespmem:$0x1FF60];
	v13 =	vperm.xlane v59, v23;
	v14 =	vperm.xlane v61, v23  }
0x4de: {  	[tilespmem:$0x41A0] =	vst v6;
	v63 =	vld [tilespmem:$0x3240];
	v57 =	vperm.xlane v15, v30;
	v7 =	vsel vm1, v10, v7;
	v4 =	vadd.f32 v55, v4  }
0x4df: {  	[tilespmem:$0x41B0] =	vst v51;
	v25 =	vld [tilespmem:$0x1FF80];
	v35 =	vsel vm3, v3, v45;
	v36 =	vadd.f32 v13, v12;
	v7 =	vadd.f32 v14, v7  }
0x4e0: {  	[tilespmem:$0x41C0] =	vst v5;
	v37 =	vld [tilespmem:$0x3250];
	v62 =	vshll.u32 v16, $0x3;
	v38 =	vperm.xlane v15, v31;
	v10 =	vperm.xlane v35, v24  }
0x4e1: {  	[tilespmem:$0x41D0] =	vst v8;
	v40 =	vld [tilespmem:$0x3260];
	v1 =	vsel vm3, v45, v3;
	v41 =	vsel vm2, v4, v9;
	v14 =	vsel vm2, v7, v36  }
0x4e2: {  	[tilespmem:$0x41E0] =	vst v20;
	v42 =	vld [tilespmem:$0x3270];
	v14 =	vperm.xlane v14, v22;
	v1 =	vadd.f32 v1, v10;
	v10 =	vperm.xlane v41, v22  }
0x4e3: {  	v34 =	vld [tilespmem:$0x1FF90];
	[tilespmem:$0x41F0] =	vst v19;
	v47 =	vperm.xlane v15, v33;
	v4 =	vsel vm2, v9, v4;
	v5 =	vsel vm2, v36, v7  }
0x4e4: {  	[tilespmem:$0x4200] =	vst v21;
	v5 =	vadd.f32 v14, v5;
	v43 =	vperm.xlane v1, v25;
	v4 =	vadd.f32 v10, v4  }
0x4e5: {  	v50 =	vld [tilespmem:$0x32A0];
	[tilespmem:$0x4210] =	vst v11;
	v6 =	vor.u32 v58, v62;
	v44 =	vmul.f32 v63, v57;
	v8 =	vmul.f32 v37, v38  }
0x4e6: {  	v19 =	vld [tilespmem:$0x32F0];
	[tilespmem:$0x4220] =	vst v0;
	v3 =	vmul.f32 v40, v39;
	v1 =	vadd.f32 v1, v43;
	v49 =	vsel vm3, v5, v4  }
0x4e7: {  	[tilespmem:$0x44D0] =	vst v6;
	v45 =	vld [tilespmem:$0x3280];
	v6 =	vmul.f32 v42, v47;
	v26 =	vimm.s32 $0x0;
	v13 =	vperm.xlane v49, v24  }
0x4e8: {  	v46 =	vld [tilespmem:$0x3290];
	[tilespmem:$0x4240] =	vst v44;
	v44 =	vperm.xlane v15, v34;
	v10 =	vpop (erf);
	v4 =	vsel vm3, v4, v5;
	v1 =	vmul.f32 $1.442695020e+00, v1  }
0x4e9: {  	[tilespmem:$0x4230] =	vst v17;
	v52 =	vld [tilespmem:$0x32B0];
	v48 =	vperm.xlane v10, v26;
	v51 =	vperm.xlane v10, v27;
	v55 =	vadd.f32 v4, v13  }
0x4ea: {  	v29 =	vimm.s32 $0xC;
	[tilespmem:$0x4450] =	vst v2;
	v62 =	vld [tilespmem:$0x32E0];
	v57 =	vperm.xlane v10, v28;
	(erf) = vpow2.f32 v1  }
0x4eb: {  	[tilespmem:$0x4250] =	vst v8;
	v54 =	vld [tilespmem:$0x32C0];
	v61 =	vperm.xlane v10, v29;
	v63 =	vperm.xlane v55, v25  }
0x4ec: {  	[tilespmem:$0x4260] =	vst v3;
	v59 =	vld [tilespmem:$0x32D0];
	v16 =	vperm.xlane v10, v30;
	v53 =	vmul.f32 v45, v48  }
0x4ed: {  	[tilespmem:$0x4270] =	vst v6;
	v41 =	vld [tilespmem:$0x1FFE0];
	v18 =	vperm.xlane v10, v31;
	v56 =	vmul.f32 v46, v51;
	v1 =	vadd.f32 v55, v63  }
0x4ee: {  	v36 =	vperm.xlane v10, v32;
	v0 =	vmul.f32 v50, v57;
	[tilespmem:$0x4280] =	vst v53  }
0x4ef: {  	v17 =	vmul.f32 v52, v61;
	[tilespmem:$0x4290] =	vst v56;
	v1 =	vmul.f32 $1.442695020e+00, v1  }
0x4f0: {  	v40 =	vld [tilespmem:$0x3300];
	v39 =	vperm.xlane v10, v33;
	v35 =	vmul.f32 v54, v16;
	[tilespmem:$0x42A0] =	vst v0  }
0x4f1: {  	v42 =	vld [tilespmem:$0x3310];
	v37 =	vmul.f32 v59, v18;
	v38 =	vmul.f32 v62, v36;
	[tilespmem:$0x42B0] =	vst v17  }
0x4f2: {  	v4 =	vperm.xlane v60, v41;
	v43 =	vmul.f32 v19, v39;
	v45 =	vld [tilespmem:$0x3320];
	[tilespmem:$0x42C0] =	vst v35  }
0x4f3: {  	v46 =	vperm.xlane v10, v34;
	v48 =	vld [tilespmem:$0x3330];
	[tilespmem:$0x42D0] =	vst v37;
	(erf) = vpow2.f32 v1;
	v1 =	vpop (erf)  }
0x4f4: {  	v51 =	vld [tilespmem:$0x3340];
	[tilespmem:$0x42E0] =	vst v38;
	v4 =	vshll.u32 v4, $0x3;
	v47 =	vperm.xlane v1, v26  }
0x4f5: {  	v54 =	vld [tilespmem:$0x3350];
	[tilespmem:$0x42F0] =	vst v43;
	v2 =	vsel vm1, v44, v46;
	v50 =	vperm.xlane v1, v27;
	v53 =	vperm.xlane v1, v28  }
0x4f6: {  	v57 =	vld [tilespmem:$0x3360];
	v49 =	vor.u32 v58, v4;
	[tilespmem:$0x4460] =	vst v2;
	v56 =	vperm.xlane v1, v29;
	v52 =	vmul.f32 v40, v47  }
0x4f7: {  	v62 =	vld [tilespmem:$0x3370];
	[tilespmem:$0x44E0] =	vst v49;
	v61 =	vperm.xlane v1, v30;
	v55 =	vmul.f32 v42, v50  }
0x4f8: {  	v12 =	vperm.xlane v1, v31;
	v59 =	vmul.f32 v45, v53;
	[tilespmem:$0x4300] =	vst v52  }
0x4f9: {  	v13 =	vld [tilespmem:$0x3380];
	v15 =	vperm.xlane v1, v32;
	v63 =	vmul.f32 v48, v56;
	[tilespmem:$0x4310] =	vst v55  }
0x4fa: {  	v16 =	vld [tilespmem:$0x3390];
	v18 =	vperm.xlane v1, v33;
	v14 =	vmul.f32 v51, v61;
	[tilespmem:$0x4320] =	vst v59  }
0x4fb: {  	v41 =	vld [tilespmem:$0x33C0];
	v17 =	vmul.f32 v54, v12;
	v36 =	vmul.f32 v57, v15;
	[tilespmem:$0x4330] =	vst v63  }
0x4fc: {  	v35 =	vld [tilespmem:$0x33A0];
	v39 =	vmul.f32 v62, v18;
	v61 =	vperm.xlane v1, v34;
	[tilespmem:$0x4340] =	vst v14;
	v19 =	vpop (erf)  }
0x4fd: {  	v38 =	vld [tilespmem:$0x33B0];
	[tilespmem:$0x4350] =	vst v17;
	v37 =	vperm.xlane v19, v26;
	v62 =	vperm.xlane v19, v34  }
0x4fe: {  	v44 =	vld [tilespmem:$0x33D0];
	[tilespmem:$0x4360] =	vst v36;
	v40 =	vperm.xlane v19, v27  }
0x4ff: {  	v47 =	vld [tilespmem:$0x33E0];
	[tilespmem:$0x4370] =	vst v39;
	v43 =	vperm.xlane v19, v28;
	v42 =	vmul.f32 v13, v37;
	v0 =	vsel vm1, v61, v62  }
0x500: {  	v59 =	vld [tilespmem:$0x1FFF0];
	v46 =	vperm.xlane v19, v29;
	v45 =	vmul.f32 v16, v40;
	[tilespmem:$0x4470] =	vst v0  }
0x501: {  	v50 =	vld [tilespmem:$0x33F0];
	v49 =	vperm.xlane v19, v30;
	v48 =	vmul.f32 v35, v43;
	[tilespmem:$0x4380] =	vst v42  }
0x502: {  	v52 =	vperm.xlane v19, v31;
	v51 =	vmul.f32 v38, v46;
	[tilespmem:$0x4390] =	vst v45  }
0x503: {  	v54 =	vperm.xlane v19, v32;
	v53 =	vmul.f32 v41, v49;
	[tilespmem:$0x43A0] =	vst v48  }
0x504: {  	v56 =	vperm.xlane v19, v33;
	v55 =	vmul.f32 v44, v52;
	[tilespmem:$0x43B0] =	vst v51  }
0x505: {  	v57 =	vmul.f32 v47, v54;
	v3 =	vperm.xlane v60, v59;
	[tilespmem:$0x43C0] =	vst v53  }
0x506: {  	v60 =	vmul.f32 v50, v56;
	[tilespmem:$0x43D0] =	vst v55  }
0x507: {  	[tilespmem:$0x43E0] =	vst v57;
	v3 =	vshll.u32 v3, $0x3  }
0x508: {  	p0 =	sgt.u32 s19, $0x136;
	[tilespmem:$0x43F0] =	vst v60;
	v63 =	vor.u32 v58, v3  }
0x509: {  	s17 =	simm.s32 @!p0 $0x0;
	s20 =	simm.s32 @!p0 $0x2280;
	[tilespmem:$0x44F0] =	vst v63  }
0x50a: {  	[tilespmem:s20], [sflag:$0x4] =	stream.linear.gather @!p0 [hbm4b:s22+s17], $0x10, $0x38;
	[tilespmem:$0x19900] =	vst v63  }
0x50b: {  	s19 =	sadd.s32 $0x1, s19;
	s20 =	simm.s32 @!p0 $0x2300  }
0x50c: {  	[tilespmem:s20], [sflag:$0x4] =	stream.linear.gather @!p0 [hbm4b:s21+s17], $0x10, $0x38;
	[tilespmem:$0x19900] =	vst v63  }
0x50d: {  	s11 =	rddreg [dreg:$0xa];
	p0 =	sne.s32 s19, $0x138  }
.Ltmp0:
0x50e: {  	s17 =	rddreg [dreg:$0x8];
	(pc) =	sbr.rel @p0 .LBB2_2-.Ltmp0, $4  }
0x50f: {  	s23 =	sadd.s32 $0x20, s23;
	s20 =	rddreg [dreg:$0x9]  }
0x510: {  	[spmem:s3] =	stream.indirect.scatter.add.f32 [tilespmem:s20], [sflag:$0x6], $0x80, s17, s0, $0xb8;
	[tilespmem:$0x19900] =	vst v63  }
0x511: {  	s24 =	rddreg [dreg:$0xb];
	s22 =	sadd.s32 $0x4, s22;
	s21 =	sadd.s32 $0x4, s21  }
0x512: {  	[spmem:s4] =	stream.indirect.scatter.add.f32 [tilespmem:s24], [sflag:$0x6], $0x1, s11, s25, $0xb8;
	[tilespmem:$0x19900] =	vst v63  }
0x513: {  	_ =	swait.ge [sflag:s9], $0x1000  }
0x514: {  	[sflag:s9] =	ssyncset.done $0x0  }
0x515: {  	[sflag:s9] =	ssyncadd.s32 $0xFFFFF000  }
0x516: {  	_ =	swait.ge [sflag:s9], $0x800  }
0x517: {  	[sflag:s9] =	ssyncset.done $0x0  }
0x518: {  	[sflag:s9] =	ssyncadd.s32 $0xFFFFF800  }
0x519: {  	_ =	swait.ge [sflag:s16], $0x800  }
0x51a: {  	[sflag:s16] =	ssyncset.done $0x0  }
0x51b: {  	[sflag:s16] =	ssyncadd.s32 $0xFFFFF800  }
0x51c: {  	_ =	swait.ge [sflag:s16], $0x80  }
0x51d: {  	[sflag:s16] =	ssyncset.done $0x0  }
0x51e: {  	[sflag:s16] =	ssyncadd.s32 $0xFFFFFF80  }
0x51f: {  	v0 =	vld [tilespmem:$0x1180]  }
0x520: {  	v1 =	vld [tilespmem:$0x180]  }
0x521: {  	v2 =	vld [tilespmem:$0x1190]  }
0x522: {  	v3 =	vld [tilespmem:$0x190]  }
0x523: {  	v4 =	vld [tilespmem:$0x11A0]  }
0x524: {  	v5 =	vld [tilespmem:$0x1A0]  }
0x525: {  	v6 =	vld [tilespmem:$0x11B0]  }
0x526: {  	v7 =	vld [tilespmem:$0x1B0]  }
0x527: {  	v8 =	vld [tilespmem:$0x11C0]  }
0x528: {  	v9 =	vld [tilespmem:$0x1C0]  }
0x529: {  	v10 =	vld [tilespmem:$0x11D0]  }
0x52a: {  	v11 =	vld [tilespmem:$0x1D0]  }
0x52b: {  	v12 =	vld [tilespmem:$0x11E0]  }
0x52c: {  	v13 =	vld [tilespmem:$0x1E0]  }
0x52d: {  	v14 =	vld [tilespmem:$0x11F0]  }
0x52e: {  	v15 =	vld [tilespmem:$0x1F0]  }
0x52f: {  	v16 =	vld [tilespmem:$0x1200]  }
0x530: {  	v17 =	vld [tilespmem:$0x200]  }
0x531: {  	v18 =	vld [tilespmem:$0x1210]  }
0x532: {  	v19 =	vld [tilespmem:$0x210]  }
0x533: {  	v51 =	vld [tilespmem:$0x1220];
	v0 =	vmul.f32 v1, v0;
	v50 =	vmul.f32 v3, v2  }
0x534: {  	v54 =	vld [tilespmem:$0x220];
	v52 =	vmul.f32 v5, v4;
	v53 =	vmul.f32 v7, v6  }
0x535: {  	v55 =	vld [tilespmem:$0x230];
	v6 =	vmul.f32 v9, v8;
	v7 =	vmul.f32 v11, v10  }
0x536: {  	v56 =	vld [tilespmem:$0x1240];
	v9 =	vmul.f32 v13, v12;
	v10 =	vsel vm1, v50, v0;
	v11 =	vsel vm1, v53, v52  }
0x537: {  	v58 =	vld [tilespmem:$0x240];
	v10 =	vperm.xlane v10, v23;
	v11 =	vperm.xlane v11, v23  }
0x538: {  	v59 =	vld [tilespmem:$0x1250];
	v14 =	vmul.f32 v15, v14;
	v0 =	vsel vm1, v0, v50;
	v57 =	vsel vm1, v52, v53  }
0x539: {  	v60 =	vld [tilespmem:$0x250];
	v0 =	vadd.f32 v10, v0;
	v1 =	vadd.f32 v11, v57  }
0x53a: {  	v21 =	vld [tilespmem:$0x1260];
	v10 =	vsel vm1, v7, v6;
	v11 =	vsel vm1, v14, v9  }
0x53b: {  	v61 =	vld [tilespmem:$0x260];
	v10 =	vperm.xlane v10, v23;
	v11 =	vperm.xlane v11, v23;
	v20 =	vsel vm2, v1, v0  }
0x53c: {  	v8 =	vld [tilespmem:$0x1230];
	v6 =	vsel vm1, v6, v7;
	v7 =	vsel vm1, v9, v14;
	v9 =	vperm.xlane v20, v22  }
0x53d: {  	v62 =	vld [tilespmem:$0x1270];
	v0 =	vsel vm2, v0, v1;
	v6 =	vadd.f32 v10, v6;
	v7 =	vadd.f32 v11, v7  }
0x53e: {  	v0 =	vadd.f32 v9, v0;
	v9 =	vld [tilespmem:$0x270]  }
0x53f: {  	v63 =	vmul.f32 v19, v18;
	v11 =	vmul.f32 v17, v16;
	v10 =	vsel vm2, v7, v6  }
0x540: {  	v2 =	vmul.f32 v54, v51;
	v6 =	vsel vm2, v6, v7;
	v7 =	vperm.xlane v10, v22  }
0x541: {  	v3 =	vmul.f32 v58, v56;
	v19 =	vmul.f32 v55, v8;
	v8 =	vsel vm1, v63, v11  }
0x542: {  	v4 =	vmul.f32 v60, v59;
	v6 =	vadd.f32 v7, v6;
	v7 =	vperm.xlane v8, v23  }
0x543: {  	v8 =	vmul.f32 v61, v21;
	v1 =	vmul.f32 v9, v62;
	v9 =	vsel vm1, v11, v63  }
0x544: {  	v11 =	vsel vm1, v4, v3;
	v7 =	vadd.f32 v7, v9  }
0x545: {  	v9 =	vsel vm1, v19, v2;
	v36 =	vperm.xlane v11, v23;
	v35 =	vsel vm1, v1, v8  }
0x546: {  	v3 =	vsel vm1, v3, v4;
	v9 =	vperm.xlane v9, v23;
	v11 =	vperm.xlane v35, v23  }
0x547: {  	v2 =	vsel vm1, v2, v19;
	v1 =	vsel vm1, v8, v1;
	v3 =	vadd.f32 v36, v3  }
0x548: {  	v10 =	vsel vm3, v6, v0;
	v2 =	vadd.f32 v9, v2;
	v1 =	vadd.f32 v11, v1  }
0x549: {  	v37 =	vperm.xlane v10, v24  }
0x54a: {  	v41 =	vld [tilespmem:$0x580];
	v0 =	vsel vm3, v0, v6;
	v38 =	vsel vm2, v2, v7;
	v5 =	vsel vm2, v1, v3  }
0x54b: {  	v42 =	vld [tilespmem:$0x590];
	v0 =	vadd.f32 v0, v37;
	v4 =	vperm.xlane v38, v22;
	v5 =	vperm.xlane v5, v22  }
0x54c: {  	v44 =	vld [tilespmem:$0x5A0];
	v2 =	vsel vm2, v7, v2;
	v1 =	vsel vm2, v3, v1  }
0x54d: {  	v46 =	vld [tilespmem:$0x5B0];
	v6 =	vperm.xlane v0, v25;
	v2 =	vadd.f32 v4, v2;
	v1 =	vadd.f32 v5, v1  }
0x54e: {  	v50 =	vld [tilespmem:$0x5F0]  }
0x54f: {  	v20 =	vld [tilespmem:$0x6A0];
	v0 =	vadd.f32 v0, v6;
	v39 =	vsel vm3, v1, v2  }
0x550: {  	v61 =	vld [tilespmem:$0x640];
	v3 =	vperm.xlane v39, v24  }
0x551: {  	v21 =	vld [tilespmem:$0x680];
	v0 =	vmul.f32 $1.442695020e+00, v0;
	v1 =	vsel vm3, v2, v1  }
0x552: {  	v10 =	vld [tilespmem:$0x620];
	v40 =	vadd.f32 v1, v3  }
0x553: {  	v8 =	vld [tilespmem:$0x5D0];
	(erf) = vpow2.f32 v0  }
0x554: {  	v36 =	vld [tilespmem:$0x1FF40];
	v1 =	vperm.xlane v40, v25  }
0x555: {  	v23 =	vld [tilespmem:$0x2F0]  }
0x556: {  	v9 =	vld [tilespmem:$0x5E0];
	v0 =	vadd.f32 v40, v1  }
0x557: {  	v11 =	vld [tilespmem:$0x80]  }
0x558: {  	v7 =	vld [tilespmem:$0x5C0];
	v0 =	vmul.f32 $1.442695020e+00, v0  }
0x559: {  	v22 =	vld [tilespmem:$0x12F0]  }
0x55a: {  	v4 =	vld [tilespmem:$0x350];
	(erf) = vpow2.f32 v0  }
0x55b: {  	v39 =	vld [tilespmem:$0x1280]  }
0x55c: {  	[tilespmem:$0x100] =	vst v11;
	v24 =	vld [tilespmem:$0x1FF60];
	v43 =	vpop (erf)  }
0x55d: {  	[tilespmem:$0x1F950] =	vst v11;
	v3 =	vperm.xlane v11, v36;
	v11 =	vld [tilespmem:$0x2B0];
	v45 =	vperm.xlane v43, v26  }
0x55e: {  	v36 =	vld [tilespmem:$0x360];
	v6 =	vperm.xlane v43, v27;
	v47 =	vperm.xlane v43, v28  }
0x55f: {  	v25 =	vld [tilespmem:$0x1300];
	v49 =	vperm.xlane v43, v30;
	v52 =	vperm.xlane v43, v31  }
0x560: {  	v40 =	vld [tilespmem:$0x1FF00];
	v54 =	vperm.xlane v43, v32;
	v56 =	vperm.xlane v43, v33  }
0x561: {  	v1 =	vmul.f32 v41, v45;
	v53 =	vmul.f32 v7, v49;
	v7 =	vld [tilespmem:$0x610]  }
0x562: {  	v2 =	vmul.f32 v42, v6;
	v57 =	vmul.f32 v9, v54;
	v9 =	vld [tilespmem:$0x630]  }
0x563: {  	v6 =	vperm.xlane v43, v29;
	v55 =	vmul.f32 v8, v52;
	v41 =	vld [tilespmem:$0x280];
	v8 =	vpop (erf)  }
0x564: {  	v48 =	vmul.f32 v44, v47;
	v42 =	vld [tilespmem:$0x1290];
	v60 =	vperm.xlane v8, v27  }
0x565: {  	v0 =	vperm.xlane v43, v34;
	v43 =	vld [tilespmem:$0x290];
	v58 =	vperm.xlane v8, v26  }
0x566: {  	v63 =	vperm.xlane v8, v28;
	v12 =	vmul.f32 v7, v60;
	v7 =	vld [tilespmem:$0x660]  }
0x567: {  	v44 =	vld [tilespmem:$0x12C0];
	v13 =	vperm.xlane v8, v29;
	v15 =	vperm.xlane v8, v30  }
0x568: {  	v45 =	vld [tilespmem:$0x2C0];
	v17 =	vperm.xlane v8, v31;
	v19 =	vperm.xlane v8, v32  }
0x569: {  	v33 =	vperm.xlane v8, v33;
	v38 =	vperm.xlane v8, v34;
	v8 =	vld [tilespmem:$0x2A0]  }
0x56a: {  	v16 =	vmul.f32 v9, v13;
	v9 =	vld [tilespmem:$0x12B0]  }
0x56b: {  	v35 =	vmul.f32 v7, v19;
	v7 =	vld [tilespmem:$0x12A0]  }
0x56c: {  	v47 =	vld [tilespmem:$0x2D0]  }
0x56d: {  	v51 =	vmul.f32 v46, v6;
	v6 =	vld [tilespmem:$0x600]  }
0x56e: {  	v46 =	vld [tilespmem:$0x12D0]  }
0x56f: {  	v3 =	vshll.u32 v3, $0x3;
	v59 =	vmul.f32 v50, v56;
	v52 =	vld [tilespmem:$0x1FF50]  }
0x570: {  	v49 =	vld [tilespmem:$0x2E0];
	[tilespmem:$0x1990] =	vst v2;
	v2 =	vor.u32 v40, v3;
	v50 =	vmul.f32 v8, v7;
	v8 =	vmul.f32 v11, v9  }
0x571: {  	v54 =	vld [tilespmem:$0x1FF80];
	[tilespmem:$0x2200] =	vst v2;
	v3 =	vmul.f32 v41, v39;
	v2 =	vmul.f32 v43, v42  }
0x572: {  	[tilespmem:$0x19A0] =	vst v48;
	v62 =	vmul.f32 v6, v58;
	v58 =	vsel vm1, v8, v50;
	v5 =	vsel vm1, v50, v8;
	v8 =	vld [tilespmem:$0x1FF50]  }
0x573: {  	v48 =	vld [tilespmem:$0x12E0];
	[tilespmem:$0x19B0] =	vst v51;
	v51 =	vmul.f32 v47, v46;
	v11 =	vsel vm1, v2, v3  }
0x574: {  	[tilespmem:$0x1980] =	vst v1;
	v1 =	vld [tilespmem:$0x6F0];
	v9 =	vmul.f32 v45, v44;
	v11 =	vperm.xlane v11, v52  }
0x575: {  	[tilespmem:$0x19F0] =	vst v59;
	v59 =	vld [tilespmem:$0x1FF50];
	v2 =	vsel vm1, v3, v2  }
0x576: {  	v56 =	vmul.f32 v23, v22;
	[tilespmem:$0x19C0] =	vst v53;
	v53 =	vld [tilespmem:$0x1370];
	v22 =	vadd.f32 v11, v2;
	v11 =	vsel vm1, v51, v9  }
0x577: {  	v8 =	vperm.xlane v11, v8;
	v11 =	vld [tilespmem:$0x1FF50]  }
0x578: {  	[tilespmem:$0x19E0] =	vst v57;
	v57 =	vld [tilespmem:$0x370]  }
0x579: {  	[tilespmem:$0x19D0] =	vst v55;
	v40 =	vld [tilespmem:$0x390];
	v55 =	vmul.f32 v49, v48  }
0x57a: {  	v39 =	vld [tilespmem:$0x1380];
	v3 =	vperm.xlane v58, v59  }
0x57b: {  	v41 =	vld [tilespmem:$0x13A0];
	v23 =	vsel vm1, v56, v55  }
0x57c: {  	v14 =	vmul.f32 v10, v63;
	v10 =	vld [tilespmem:$0x670];
	v5 =	vadd.f32 v3, v5;
	v23 =	vperm.xlane v23, v11  }
0x57d: {  	v42 =	vld [tilespmem:$0x3A0];
	v60 =	vsel vm1, v9, v51;
	v9 =	vsel vm1, v55, v56  }
0x57e: {  	v6 =	vld [tilespmem:$0x650];
	v23 =	vadd.f32 v23, v9;
	v9 =	vsel vm2, v5, v22  }
0x57f: {  	v0 =	vsel vm1, v0, v38;
	v38 =	vperm.xlane v9, v24;
	v9 =	vld [tilespmem:$0x1FF60]  }
0x580: {  	v43 =	vld [tilespmem:$0x13B0]  }
0x581: {  	v46 =	vld [tilespmem:$0x3C0];
	v18 =	vmul.f32 v61, v15;
	v37 =	vmul.f32 v10, v33;
	v61 =	vadd.f32 v8, v60  }
0x582: {  	v47 =	vld [tilespmem:$0x13D0]  }
0x583: {  	v26 =	vld [tilespmem:$0x300];
	[tilespmem:$0x1A70] =	vst v37;
	v37 =	vsel vm2, v23, v61  }
0x584: {  	v32 =	vmul.f32 v6, v17;
	v17 =	vsel vm2, v61, v23;
	v23 =	vld [tilespmem:$0x1FF70];
	v37 =	vperm.xlane v37, v9  }
0x585: {  	v27 =	vld [tilespmem:$0x1310];
	v5 =	vsel vm2, v22, v5  }
0x586: {  	v28 =	vld [tilespmem:$0x310];
	v5 =	vadd.f32 v38, v5;
	v17 =	vadd.f32 v37, v17  }
0x587: {  	v29 =	vld [tilespmem:$0x1320]  }
0x588: {  	v30 =	vld [tilespmem:$0x320];
	v22 =	vsel vm3, v17, v5  }
0x589: {  	v24 =	vld [tilespmem:$0x1FF50];
	v22 =	vperm.xlane v22, v23  }
0x58a: {  	v31 =	vld [tilespmem:$0x1330];
	v5 =	vsel vm3, v5, v17  }
0x58b: {  	[tilespmem:$0x1A50] =	vst v32;
	v32 =	vld [tilespmem:$0x330];
	v5 =	vadd.f32 v5, v22;
	v22 =	vmul.f32 v26, v25;
	v25 =	vmul.f32 v28, v27  }
0x58c: {  	v48 =	vld [tilespmem:$0x3D0]  }
0x58d: {  	v34 =	vld [tilespmem:$0x340];
	v27 =	vsel vm1, v25, v22  }
0x58e: {  	v55 =	vperm.xlane v27, v24;
	v24 =	vld [tilespmem:$0x1FF50]  }
0x58f: {  	[tilespmem:$0x1A60] =	vst v35;
	v35 =	vld [tilespmem:$0x1350];
	v17 =	vperm.xlane v5, v54  }
0x590: {  	v33 =	vld [tilespmem:$0x1340];
	v28 =	vmul.f32 v30, v29;
	v30 =	vmul.f32 v32, v31  }
0x591: {  	v49 =	vld [tilespmem:$0x13E0];
	v5 =	vadd.f32 v5, v17  }
0x592: {  	v15 =	vld [tilespmem:$0x6C0];
	v32 =	vsel vm1, v30, v28  }
0x593: {  	v5 =	vmul.f32 $1.442695020e+00, v5;
	v32 =	vperm.xlane v32, v24;
	v24 =	vld [tilespmem:$0x1FF50]  }
0x594: {  	v13 =	vld [tilespmem:$0x740];
	v4 =	vmul.f32 v4, v35  }
0x595: {  	v7 =	vld [tilespmem:$0x1360];
	v31 =	vmul.f32 v34, v33;
	(erf) = vpow2.f32 v5  }
0x596: {  	v63 =	vld [tilespmem:$0x1390];
	v22 =	vsel vm1, v22, v25;
	v25 =	vsel vm1, v28, v30  }
0x597: {  	[tilespmem:$0x2180] =	vst v0;
	v0 =	vld [tilespmem:$0x6E0];
	v32 =	vadd.f32 v32, v25;
	v25 =	vsel vm1, v4, v31  }
0x598: {  	v56 =	vperm.xlane v25, v24;
	v24 =	vld [tilespmem:$0x1FF50]  }
0x599: {  	[tilespmem:$0x1A30] =	vst v16;
	v58 =	vld [tilespmem:$0x1FF60];
	v33 =	vadd.f32 v55, v22  }
0x59a: {  	[tilespmem:$0x1A40] =	vst v18;
	v18 =	vld [tilespmem:$0x690];
	v16 =	vmul.f32 v57, v53;
	v7 =	vmul.f32 v36, v7  }
0x59b: {  	[tilespmem:$0x1A00] =	vst v62;
	v62 =	vld [tilespmem:$0x380];
	v25 =	vsel vm2, v32, v33  }
0x59c: {  	[tilespmem:$0x1A20] =	vst v14;
	v14 =	vld [tilespmem:$0x700];
	v30 =	vsel vm1, v16, v7  }
0x59d: {  	[tilespmem:$0x1A10] =	vst v12;
	v12 =	vld [tilespmem:$0x730];
	v7 =	vsel vm1, v7, v16;
	v4 =	vsel vm1, v31, v4;
	v57 =	vperm.xlane v30, v24  }
0x59e: {  	v53 =	vld [tilespmem:$0x1410];
	v31 =	vsel vm2, v33, v32;
	v16 =	vperm.xlane v25, v58;
	v25 =	vpop (erf);
	v24 =	vimm.s32 $0x0  }
0x59f: {  	v4 =	vadd.f32 v56, v4;
	v32 =	vperm.xlane v25, v24;
	v24 =	vld [tilespmem:$0x1FF50];
	v7 =	vadd.f32 v57, v7  }
0x5a0: {  	v44 =	vld [tilespmem:$0x3B0];
	v59 =	vmul.f32 v62, v39;
	v60 =	vmul.f32 v40, v63  }
0x5a1: {  	v16 =	vadd.f32 v16, v31;
	v31 =	vsel vm2, v7, v4;
	v4 =	vsel vm2, v4, v7;
	v7 =	vld [tilespmem:$0x1FF60]  }
0x5a2: {  	v6 =	vld [tilespmem:$0x6B0]  }
0x5a3: {  	v50 =	vld [tilespmem:$0x3E0];
	v39 =	vsel vm1, v60, v59  }
0x5a4: {  	v39 =	vperm.xlane v39, v24;
	v24 =	vld [tilespmem:$0x1FF50]  }
0x5a5: {  	v10 =	vld [tilespmem:$0x6D0];
	v61 =	vmul.f32 v44, v43  }
0x5a6: {  	v45 =	vld [tilespmem:$0x13C0];
	v7 =	vperm.xlane v31, v7;
	v31 =	vmul.f32 v42, v41  }
0x5a7: {  	v19 =	vld [tilespmem:$0x7C0]  }
0x5a8: {  	v52 =	vld [tilespmem:$0x400];
	v63 =	vmul.f32 v50, v49;
	v49 =	vsel vm1, v61, v31  }
0x5a9: {  	v34 =	vperm.xlane v49, v24;
	v24 =	vld [tilespmem:$0x1FF50]  }
0x5aa: {  	v26 =	vld [tilespmem:$0x3F0]  }
0x5ab: {  	v62 =	vmul.f32 v46, v45;
	v5 =	vld [tilespmem:$0x13F0];
	v4 =	vadd.f32 v7, v4;
	v7 =	vmul.f32 v48, v47  }
0x5ac: {  	v35 =	vld [tilespmem:$0x830]  }
0x5ad: {  	v2 =	vld [tilespmem:$0x710];
	v50 =	vsel vm1, v7, v62  }
0x5ae: {  	v55 =	vperm.xlane v50, v24;
	v24 =	vld [tilespmem:$0x1FF50]  }
0x5af: {  	v51 =	vld [tilespmem:$0x1400]  }
0x5b0: {  	v3 =	vld [tilespmem:$0x760];
	v5 =	vmul.f32 v26, v5  }
0x5b1: {  	v46 =	vld [tilespmem:$0x440]  }
0x5b2: {  	v45 =	vld [tilespmem:$0x1450];
	v54 =	vsel vm1, v5, v63  }
0x5b3: {  	v56 =	vperm.xlane v54, v24;
	v24 =	vld [tilespmem:$0x1FF70]  }
0x5b4: {  	v36 =	vld [tilespmem:$0x800]  }
0x5b5: {  	v8 =	vld [tilespmem:$0x750]  }
0x5b6: {  	v40 =	vld [tilespmem:$0x420]  }
0x5b7: {  	v11 =	vld [tilespmem:$0x720];
	v48 =	vsel vm3, v4, v16  }
0x5b8: {  	v43 =	vld [tilespmem:$0x430];
	v33 =	vperm.xlane v48, v24;
	v24 =	vimm.s32 $0x8  }
0x5b9: {  	v44 =	vld [tilespmem:$0x1460];
	v57 =	vperm.xlane v25, v24;
	v24 =	vimm.s32 $0x4  }
0x5ba: {  	v58 =	vperm.xlane v25, v24;
	v24 =	vld [tilespmem:$0x1FF60]  }
0x5bb: {  	v38 =	vld [tilespmem:$0x1420];
	v26 =	vsel vm1, v59, v60;
	v31 =	vsel vm1, v31, v61  }
0x5bc: {  	v9 =	vld [tilespmem:$0x770];
	v26 =	vadd.f32 v39, v26;
	v31 =	vadd.f32 v34, v31  }
0x5bd: {  	v37 =	vld [tilespmem:$0x410]  }
0x5be: {  	v23 =	vld [tilespmem:$0x7A0];
	v4 =	vsel vm3, v16, v4;
	v59 =	vsel vm2, v31, v26  }
0x5bf: {  	v4 =	vadd.f32 v4, v33;
	v33 =	vperm.xlane v59, v24;
	v24 =	vld [tilespmem:$0x1FF60]  }
0x5c0: {  	v29 =	vld [tilespmem:$0x780];
	v5 =	vsel vm1, v63, v5;
	v7 =	vsel vm1, v62, v7  }
0x5c1: {  	v28 =	vld [tilespmem:$0x7E0];
	v7 =	vadd.f32 v55, v7;
	v5 =	vadd.f32 v56, v5  }
0x5c2: {  	v27 =	vld [tilespmem:$0x7B0]  }
0x5c3: {  	v17 =	vld [tilespmem:$0x790];
	v60 =	vsel vm2, v5, v7  }
0x5c4: {  	v61 =	vperm.xlane v60, v24;
	v24 =	vld [tilespmem:$0x1FF80]  }
0x5c5: {  	v22 =	vld [tilespmem:$0x7D0]  }
0x5c6: {  	v30 =	vld [tilespmem:$0x7F0]  }
0x5c7: {  	v39 =	vld [tilespmem:$0x1440];
	v55 =	vimm.s32 $0xC;
	v18 =	vmul.f32 v18, v57  }
0x5c8: {  	v41 =	vld [tilespmem:$0x1430];
	v5 =	vsel vm2, v7, v5;
	v7 =	vmul.f32 v21, v32;
	v54 =	vmul.f32 v20, v58  }
0x5c9: {  	v20 =	vimm.s32 $0x2;
	[tilespmem:$0x1F8E0] =	vst v18;
	v18 =	vperm.xlane v25, v55;
	v63 =	vperm.xlane v4, v24;
	v24 =	vld [tilespmem:$0x1FF70]  }
0x5ca: {  	v42 =	vld [tilespmem:$0x450];
	v26 =	vsel vm2, v26, v31;
	v20 =	vperm.xlane v25, v20  }
0x5cb: {  	v47 =	vld [tilespmem:$0x1470];
	[tilespmem:$0x1F8D0] =	vst v7;
	v6 =	vmul.f32 v6, v18;
	v7 =	vadd.f32 v33, v26;
	v5 =	vadd.f32 v61, v5  }
0x5cc: {  	v49 =	vld [tilespmem:$0x14B0]  }
0x5cd: {  	[tilespmem:$0x1F900] =	vst v6;
	v6 =	vmul.f32 v15, v20;
	v20 =	vld [tilespmem:$0x1FF80];
	v21 =	vsel vm3, v5, v7  }
0x5ce: {  	v62 =	vld [tilespmem:$0x470];
	v21 =	vperm.xlane v21, v24  }
0x5cf: {  	v16 =	vld [tilespmem:$0x460];
	v5 =	vsel vm3, v7, v5  }
0x5d0: {  	v4 =	vadd.f32 v4, v63;
	v24 =	vld [tilespmem:$0x1FF50];
	v56 =	vadd.f32 v5, v21  }
0x5d1: {  	v34 =	vld [tilespmem:$0x820];
	v57 =	vmul.f32 v52, v51;
	v58 =	vmul.f32 v37, v53  }
0x5d2: {  	v31 =	vld [tilespmem:$0x840];
	v4 =	vmul.f32 $1.442695020e+00, v4;
	v20 =	vperm.xlane v56, v20  }
0x5d3: {  	v50 =	vld [tilespmem:$0x4B0];
	v62 =	vmul.f32 v62, v47  }
0x5d4: {  	v60 =	vsel vm1, v58, v57;
	(erf) = vpow2.f32 v4;
	v4 =	vadd.f32 v56, v20;
	v20 =	vld [tilespmem:$0x1FF50]  }
0x5d5: {  	v59 =	vmul.f32 v46, v39;
	v39 =	vperm.xlane v60, v24;
	v24 =	vld [tilespmem:$0x1FF50]  }
0x5d6: {  	v47 =	vld [tilespmem:$0x4A0];
	v26 =	vmul.f32 v43, v41;
	v21 =	vmul.f32 v40, v38  }
0x5d7: {  	v32 =	vld [tilespmem:$0x850];
	v61 =	vmul.f32 v42, v45  }
0x5d8: {  	v51 =	vld [tilespmem:$0x14C0];
	v63 =	vsel vm1, v26, v21  }
0x5d9: {  	v55 =	vld [tilespmem:$0x14D0];
	v18 =	vperm.xlane v63, v20;
	v20 =	vsel vm1, v61, v59  }
0x5da: {  	v20 =	vperm.xlane v20, v24;
	v24 =	vld [tilespmem:$0x1FF50]  }
0x5db: {  	[tilespmem:$0x1F8F0] =	vst v54;
	v54 =	vld [tilespmem:$0x4C0]  }
0x5dc: {  	v16 =	vmul.f32 v16, v44;
	v46 =	vld [tilespmem:$0x490]  }
0x5dd: {  	v33 =	vld [tilespmem:$0x810]  }
0x5de: {  	v44 =	vsel vm1, v62, v16;
	v15 =	vld [tilespmem:$0x870];
	[tilespmem:$0x1F910] =	vst v6;
	v6 =	vimm.s32 $0xA  }
0x5df: {  	v7 =	vperm.xlane v25, v6;
	v21 =	vsel vm1, v21, v26;
	v26 =	vperm.xlane v44, v24;
	v24 =	vld [tilespmem:$0x1FF60]  }
0x5e0: {  	v41 =	vld [tilespmem:$0x480];
	v5 =	vsel vm1, v57, v58  }
0x5e1: {  	v42 =	vld [tilespmem:$0x1490];
	v7 =	vmul.f32 v10, v7;
	v5 =	vadd.f32 v39, v5;
	v18 =	vadd.f32 v18, v21  }
0x5e2: {  	v57 =	vld [tilespmem:$0x4D0];
	v21 =	vsel vm1, v59, v61  }
0x5e3: {  	v6 =	vld [tilespmem:$0x860];
	[tilespmem:$0x1F920] =	vst v7;
	v7 =	vadd.f32 v20, v21;
	v21 =	vsel vm2, v18, v5  }
0x5e4: {  	v21 =	vperm.xlane v21, v24;
	v24 =	vld [tilespmem:$0x1FF60]  }
0x5e5: {  	v16 =	vsel vm1, v16, v62;
	v52 =	vimm.s32 $0x8;
	v38 =	vld [tilespmem:$0x1480]  }
0x5e6: {  	v58 =	vld [tilespmem:$0x4E0];
	v4 =	vmul.f32 $1.442695020e+00, v4;
	v20 =	vimm.s32 $0xE;
	v10 =	vadd.f32 v26, v16  }
0x5e7: {  	v60 =	vld [tilespmem:$0x1FF70];
	v56 =	vimm.s32 $0x4;
	v57 =	vmul.f32 v57, v55;
	v20 =	vperm.xlane v25, v20  }
0x5e8: {  	v39 =	vld [tilespmem:$0x14A0];
	v43 =	vpop (erf);
	(erf) = vpow2.f32 v4;
	v45 =	vsel vm2, v5, v18;
	v26 =	vsel vm2, v10, v7  }
0x5e9: {  	v55 =	vld [tilespmem:$0x1FF50];
	v44 =	vimm.s32 $0x6;
	v53 =	vmul.f32 v1, v20;
	v26 =	vperm.xlane v26, v24  }
0x5ea: {  	v59 =	vld [tilespmem:$0x4F0];
	v16 =	vperm.xlane v25, v44;
	v48 =	vsel vm2, v7, v10;
	v10 =	vimm.s32 $0x0  }
0x5eb: {  	v18 =	vld [tilespmem:$0x8A0];
	v10 =	vperm.xlane v43, v10;
	v4 =	vadd.f32 v21, v45;
	v5 =	vadd.f32 v26, v48  }
0x5ec: {  	v61 =	vimm.s32 $0xC;
	v1 =	vperm.xlane v43, v52;
	v20 =	vld [tilespmem:$0x880];
	v45 =	vmul.f32 v0, v16  }
0x5ed: {  	v44 =	vld [tilespmem:$0x8D0];
	v48 =	vmul.f32 v14, v10;
	v14 =	vperm.xlane v43, v56;
	v10 =	vsel vm3, v5, v4  }
0x5ee: {  	v62 =	vimm.s32 $0x2;
	v7 =	vld [tilespmem:$0x14E0];
	v16 =	vperm.xlane v43, v61;
	v10 =	vperm.xlane v10, v60  }
0x5ef: {  	v0 =	vld [tilespmem:$0x14F0];
	v26 =	vperm.xlane v43, v62;
	v4 =	vsel vm3, v4, v5;
	v52 =	vmul.f32 v11, v14  }
0x5f0: {  	v11 =	vimm.s32 $0xE;
	v63 =	vadd.f32 v4, v10;
	v4 =	vmul.f32 v12, v16;
	v16 =	vld [tilespmem:$0x1FF80]  }
0x5f1: {  	v21 =	vld [tilespmem:$0x890];
	v11 =	vperm.xlane v43, v11  }
0x5f2: {  	v56 =	vmul.f32 v2, v1;
	v2 =	vld [tilespmem:$0x8C0];
	v5 =	vmul.f32 v13, v26;
	v12 =	vimm.s32 $0xA  }
0x5f3: {  	v1 =	vld [tilespmem:$0x1530];
	v10 =	vimm.s32 $0x6;
	v61 =	vmul.f32 v9, v11;
	v13 =	vperm.xlane v43, v12  }
0x5f4: {  	v40 =	vimm.s32 $0x0;
	v14 =	vld [tilespmem:$0x8B0];
	[tilespmem:$0x1F940] =	vst v5;
	v11 =	vmul.f32 v54, v51;
	v10 =	vperm.xlane v43, v10  }
0x5f5: {  	v26 =	vpop (erf);
	v51 =	vld [tilespmem:$0x1FF50];
	v12 =	vimm.s32 $0x4;
	[tilespmem:$0x1F930] =	vst v4;
	v4 =	vmul.f32 v8, v13;
	v37 =	vperm.xlane v63, v16  }
0x5f6: {  	[tilespmem:$0x1F980] =	vst v61;
	v9 =	vperm.xlane v26, v12;
	v61 =	vld [tilespmem:$0x510];
	v12 =	vimm.s32 $0x2;
	v60 =	vmul.f32 v3, v10  }
0x5f7: {  	v8 =	vld [tilespmem:$0x1500];
	v13 =	vimm.s32 $0xC;
	[tilespmem:$0x1F960] =	vst v4;
	v4 =	vperm.xlane v26, v40;
	v5 =	vadd.f32 v63, v37  }
0x5f8: {  	v40 =	vld [tilespmem:$0x8E0];
	v37 =	vperm.xlane v26, v13;
	v13 =	vperm.xlane v26, v12  }
0x5f9: {  	v16 =	vld [tilespmem:$0x8F0];
	v63 =	vmul.f32 $1.442695020e+00, v5  }
0x5fa: {  	[tilespmem:$0x1F970] =	vst v60;
	v60 =	vld [tilespmem:$0x1510];
	v62 =	vmul.f32 v29, v4;
	v5 =	vimm.s32 $0x8;
	v4 =	vmul.f32 v19, v13  }
0x5fb: {  	v29 =	vld [tilespmem:$0x500];
	v5 =	vperm.xlane v26, v5;
	(erf) = vpow2.f32 v63  }
0x5fc: {  	v63 =	vmul.f32 v23, v9;
	[tilespmem:$0x1F9D0] =	vst v4;
	v4 =	vmul.f32 v41, v38;
	v38 =	vld [tilespmem:$0x1550]  }
0x5fd: {  	[tilespmem:$0x1F990] =	vst v62;
	v41 =	vld [tilespmem:$0x550];
	v62 =	vmul.f32 v17, v5  }
0x5fe: {  	v7 =	vmul.f32 v58, v7;
	v12 =	vimm.s32 $0xE;
	v23 =	vld [tilespmem:$0x920];
	v17 =	vimm.s32 $0xA;
	[tilespmem:$0x1F9B0] =	vst v63  }
0x5ff: {  	v5 =	vmul.f32 v27, v37;
	v37 =	vperm.xlane v26, v17;
	v63 =	vimm.s32 $0x6;
	[tilespmem:$0x1F9A0] =	vst v62;
	v62 =	vld [tilespmem:$0x1520]  }
0x600: {  	v13 =	vperm.xlane v26, v12;
	v9 =	vperm.xlane v26, v63;
	v63 =	vld [tilespmem:$0x520]  }
0x601: {  	[tilespmem:$0x1F9C0] =	vst v5;
	v5 =	vmul.f32 v46, v42;
	v42 =	vld [tilespmem:$0x1560];
	v17 =	vmul.f32 v22, v37  }
0x602: {  	v19 =	vmul.f32 v28, v9;
	v9 =	vmul.f32 v47, v39;
	v47 =	vld [tilespmem:$0x1FF50]  }
0x603: {  	v58 =	vimm.s32 $0x4;
	v0 =	vmul.f32 v59, v0;
	v10 =	vmul.f32 v50, v49;
	v22 =	vld [tilespmem:$0x530];
	[tilespmem:$0x1F9E0] =	vst v17  }
0x604: {  	v12 =	vimm.s32 $0xC;
	v37 =	vmul.f32 v30, v13;
	v17 =	vsel vm1, v5, v4;
	[tilespmem:$0x1F9F0] =	vst v19;
	v19 =	vld [tilespmem:$0x1FF50]  }
0x605: {  	v30 =	vld [tilespmem:$0x540];
	v46 =	vsel vm1, v10, v9;
	v9 =	vsel vm1, v9, v10;
	v10 =	vsel vm1, v0, v7  }
0x606: {  	v28 =	vld [tilespmem:$0x1540];
	[tilespmem:$0x1FA00] =	vst v37;
	v37 =	vimm.s32 $0x0;
	v4 =	vsel vm1, v4, v5;
	v10 =	vperm.xlane v10, v55;
	v27 =	vpop (erf)  }
0x607: {  	v0 =	vsel vm1, v7, v0;
	v39 =	vperm.xlane v27, v37;
	v49 =	vperm.xlane v46, v47;
	v46 =	vld [tilespmem:$0x560]  }
0x608: {  	v55 =	vimm.s32 $0x2;
	v47 =	vld [tilespmem:$0x570];
	v59 =	vperm.xlane v27, v58;
	v0 =	vadd.f32 v10, v0  }
0x609: {  	v58 =	vimm.s32 $0xA;
	v13 =	vperm.xlane v17, v19;
	v50 =	vmul.f32 v36, v39;
	v36 =	vld [tilespmem:$0x1570]  }
0x60a: {  	v5 =	vadd.f32 v49, v9;
	v9 =	vsel vm1, v57, v11;
	v11 =	vsel vm1, v11, v57;
	v49 =	vld [tilespmem:$0x1FF60]  }
0x60b: {  	v57 =	vimm.s32 $0x8;
	v17 =	vperm.xlane v27, v12;
	v54 =	vperm.xlane v9, v51;
	v51 =	vld [tilespmem:$0x1FF60]  }
0x60c: {  	v19 =	vld [tilespmem:$0x900];
	v37 =	vmul.f32 v34, v59;
	v7 =	vperm.xlane v27, v57;
	v4 =	vadd.f32 v13, v4  }
0x60d: {  	v59 =	vperm.xlane v27, v58;
	v9 =	vld [tilespmem:$0x910];
	v57 =	vperm.xlane v27, v55;
	v11 =	vadd.f32 v54, v11  }
0x60e: {  	[tilespmem:$0x1FA10] =	vst v50;
	v13 =	vld [tilespmem:$0x930];
	v39 =	vmul.f32 v35, v17;
	v54 =	vmul.f32 v33, v7;
	v7 =	vsel vm2, v5, v4  }
0x60f: {  	[tilespmem:$0x1FA20] =	vst v37;
	v17 =	vld [tilespmem:$0x940];
	v7 =	vperm.xlane v7, v49;
	v50 =	vsel vm2, v0, v11;
	v49 =	vmul.f32 v31, v57  }
0x610: {  	[tilespmem:$0x1FA30] =	vst v39;
	v39 =	vld [tilespmem:$0x960];
	v12 =	vperm.xlane v50, v51;
	v50 =	vmul.f32 v32, v59  }
0x611: {  	v0 =	vsel vm2, v11, v0;
	v51 =	vld [tilespmem:$0x950];
	[tilespmem:$0x1FA40] =	vst v49  }
0x612: {  	v0 =	vadd.f32 v12, v0;
	v12 =	vld [tilespmem:$0x970];
	[tilespmem:$0x1FA50] =	vst v50  }
0x613: {  	v32 =	vld [tilespmem:$0x1580]  }
0x614: {  	v34 =	vld [tilespmem:$0x980]  }
0x615: {  	v58 =	vld [tilespmem:$0x1FF70]  }
0x616: {  	v8 =	vmul.f32 v29, v8;
	v29 =	vmul.f32 v61, v60;
	v33 =	vld [tilespmem:$0x990]  }
0x617: {  	v1 =	vmul.f32 v22, v1;
	v55 =	vimm.s32 $0x6;
	v59 =	vld [tilespmem:$0x1FF50]  }
0x618: {  	v22 =	vsel vm1, v29, v8;
	v8 =	vsel vm1, v8, v29;
	v31 =	vperm.xlane v27, v55;
	v29 =	vld [tilespmem:$0x9A0]  }
0x619: {  	v61 =	vld [tilespmem:$0x1FF50]  }
0x61a: {  	v3 =	vmul.f32 v6, v31;
	v31 =	vmul.f32 v63, v62;
	v62 =	vld [tilespmem:$0x1FF50]  }
0x61b: {  	v4 =	vsel vm2, v4, v5;
	v63 =	vld [tilespmem:$0x1FF80]  }
0x61c: {  	v36 =	vmul.f32 v47, v36;
	v7 =	vadd.f32 v7, v4;
	v47 =	vld [tilespmem:$0x15C0]  }
0x61d: {  	v49 =	vld [tilespmem:$0x1FF50]  }
0x61e: {  	v57 =	vsel vm3, v0, v7;
	v0 =	vsel vm3, v7, v0;
	v7 =	vld [tilespmem:$0x1590]  }
0x61f: {  	v50 =	vld [tilespmem:$0x15D0]  }
0x620: {  	v35 =	vld [tilespmem:$0x1610]  }
0x621: {  	v6 =	vperm.xlane v57, v58;
	v58 =	vld [tilespmem:$0x9D0]  }
0x622: {  	v22 =	vperm.xlane v22, v59;
	v59 =	vld [tilespmem:$0x1FF60]  }
0x623: {  	v7 =	vmul.f32 v33, v7;
	v33 =	vld [tilespmem:$0x1600]  }
0x624: {  	v0 =	vadd.f32 v0, v6;
	v6 =	vmul.f32 v30, v28;
	v28 =	vld [tilespmem:$0x15A0]  }
0x625: {  	v60 =	vmul.f32 v46, v42;
	v30 =	vmul.f32 v41, v38;
	v38 =	vld [tilespmem:$0x15B0]  }
0x626: {  	v8 =	vadd.f32 v22, v8;
	v22 =	vsel vm1, v1, v31;
	v1 =	vsel vm1, v31, v1;
	v41 =	vld [tilespmem:$0x9B0]  }
0x627: {  	v22 =	vperm.xlane v22, v61;
	v31 =	vsel vm1, v30, v6;
	v6 =	vsel vm1, v6, v30;
	v30 =	vld [tilespmem:$0x9C0]  }
0x628: {  	v46 =	vsel vm1, v36, v60;
	v31 =	vperm.xlane v31, v62;
	v62 =	vld [tilespmem:$0x9E0]  }
0x629: {  	v37 =	vperm.xlane v0, v63;
	v1 =	vadd.f32 v22, v1;
	v22 =	vperm.xlane v46, v49;
	v49 =	vld [tilespmem:$0x1FF60]  }
0x62a: {  	v50 =	vmul.f32 v58, v50;
	v58 =	vld [tilespmem:$0x1FF70]  }
0x62b: {  	v0 =	vadd.f32 v0, v37;
	v37 =	vld [tilespmem:$0x1FF50]  }
0x62c: {  	v55 =	vimm.s32 $0xE;
	v6 =	vadd.f32 v31, v6;
	v31 =	vsel vm1, v60, v36;
	v60 =	vld [tilespmem:$0x15E0]  }
0x62d: {  	v57 =	vsel vm2, v1, v8;
	v28 =	vmul.f32 v29, v28;
	v29 =	vmul.f32 v41, v38;
	v38 =	vld [tilespmem:$0xA20]  }
0x62e: {  	v22 =	vadd.f32 v22, v31;
	v31 =	vperm.xlane v27, v55;
	v36 =	vperm.xlane v57, v59;
	v59 =	vld [tilespmem:$0x1FF50]  }
0x62f: {  	v0 =	vmul.f32 $1.442695020e+00, v0;
	v30 =	vmul.f32 v30, v47;
	v47 =	vld [tilespmem:$0x1FF80]  }
0x630: {  	v1 =	vsel vm2, v8, v1;
	v61 =	vmul.f32 v15, v31;
	v31 =	vld [tilespmem:$0x9F0]  }
0x631: {  	v8 =	vsel vm2, v22, v6;
	(erf) = vpow2.f32 v0;
	v63 =	vadd.f32 v36, v1;
	v36 =	vld [tilespmem:$0xA00]  }
0x632: {  	v6 =	vsel vm2, v6, v22;
	v22 =	vmul.f32 v34, v32;
	v34 =	vld [tilespmem:$0x1630];
	v1 =	vperm.xlane v8, v49  }
0x633: {  	v8 =	vld [tilespmem:$0x15F0]  }
0x634: {  	[tilespmem:$0x1FA70] =	vst v61;
	v61 =	vld [tilespmem:$0x1FF50];
	v1 =	vadd.f32 v1, v6  }
0x635: {  	v46 =	vimm.s32 $0x8;
	v41 =	vimm.s32 $0x0;
	v32 =	vld [tilespmem:$0xA30];
	v15 =	vmul.f32 v62, v60  }
0x636: {  	v57 =	vsel vm1, v7, v22;
	v55 =	vsel vm3, v1, v63;
	v0 =	vsel vm3, v63, v1;
	v63 =	vld [tilespmem:$0x1FF50]  }
0x637: {  	v7 =	vsel vm1, v22, v7;
	v60 =	vperm.xlane v57, v59;
	v57 =	vld [tilespmem:$0x1FF60];
	v1 =	vperm.xlane v55, v58  }
0x638: {  	v22 =	vsel vm1, v29, v28;
	v28 =	vsel vm1, v28, v29;
	v8 =	vmul.f32 v31, v8;
	v31 =	vld [tilespmem:$0xA10]  }
0x639: {  	v58 =	vld [tilespmem:$0x1FF60];
	v0 =	vadd.f32 v0, v1;
	v1 =	vadd.f32 v60, v7;
	v7 =	vperm.xlane v22, v61  }
0x63a: {  	v29 =	vsel vm1, v50, v30;
	v30 =	vsel vm1, v30, v50;
	v22 =	vld [tilespmem:$0x1620];
	v62 =	vsel vm1, v8, v15  }
0x63b: {  	v61 =	vld [tilespmem:$0xA50];
	v7 =	vadd.f32 v7, v28;
	v28 =	vperm.xlane v29, v63;
	v29 =	vperm.xlane v62, v37;
	v37 =	vpop (erf)  }
0x63c: {  	v8 =	vsel vm1, v15, v8;
	v60 =	vimm.s32 $0x4;
	v63 =	vld [tilespmem:$0xA60];
	v42 =	vperm.xlane v37, v41  }
0x63d: {  	v50 =	vperm.xlane v0, v47;
	v41 =	vld [tilespmem:$0xA40];
	v8 =	vadd.f32 v29, v8;
	v29 =	vperm.xlane v37, v46  }
0x63e: {  	v62 =	vimm.s32 $0xC;
	v28 =	vadd.f32 v28, v30;
	v30 =	vld [tilespmem:$0x1640];
	v49 =	vmul.f32 v20, v42  }
0x63f: {  	v20 =	vsel vm2, v7, v1;
	v1 =	vsel vm2, v1, v7;
	v55 =	vmul.f32 v21, v29;
	v29 =	vld [tilespmem:$0x1650]  }
0x640: {  	v20 =	vperm.xlane v20, v57;
	v21 =	vsel vm2, v8, v28;
	v7 =	vsel vm2, v28, v8;
	v28 =	vld [tilespmem:$0x1660]  }
0x641: {  	v0 =	vadd.f32 v0, v50;
	v8 =	vperm.xlane v37, v62;
	v59 =	vperm.xlane v21, v58;
	v58 =	vld [tilespmem:$0x1FF70]  }
0x642: {  	v50 =	vmul.f32 v36, v33;
	v21 =	vperm.xlane v37, v60;
	v60 =	vld [tilespmem:$0x1FF50]  }
0x643: {  	[tilespmem:$0x1FA60] =	vst v3;
	v0 =	vmul.f32 $1.442695020e+00, v0;
	v1 =	vadd.f32 v20, v1;
	v3 =	vmul.f32 v14, v8;
	v8 =	vld [tilespmem:$0x1670]  }
0x644: {  	v20 =	vmul.f32 v31, v35;
	v42 =	vmul.f32 v18, v21;
	v7 =	vadd.f32 v59, v7;
	v21 =	vld [tilespmem:$0xA70]  }
0x645: {  	(erf) = vpow2.f32 v0;
	v30 =	vmul.f32 v41, v30  }
0x646: {  	v62 =	vld [tilespmem:$0x1FF50];
	[tilespmem:$0x1FA80] =	vst v55;
	v55 =	vsel vm3, v7, v1;
	v57 =	vsel vm3, v1, v7;
	v7 =	vmul.f32 v38, v22  }
0x647: {  	v59 =	vsel vm1, v20, v50;
	v22 =	vmul.f32 v32, v34;
	v29 =	vmul.f32 v61, v29;
	v61 =	vld [tilespmem:$0x1FF50]  }
0x648: {  	v14 =	vsel vm1, v50, v20;
	v28 =	vmul.f32 v63, v28;
	v63 =	vld [tilespmem:$0x1FF80];
	v1 =	vperm.xlane v55, v58  }
0x649: {  	v31 =	vperm.xlane v59, v60;
	v60 =	vimm.s32 $0xE;
	v20 =	vmul.f32 v21, v8  }
0x64a: {  	v15 =	vld [tilespmem:$0x1FF50];
	v8 =	vsel vm1, v22, v7;
	v22 =	vsel vm1, v7, v22;
	v7 =	vsel vm1, v29, v30  }
0x64b: {  	v1 =	vadd.f32 v57, v1;
	v21 =	vadd.f32 v31, v14;
	v31 =	vperm.xlane v7, v62  }
0x64c: {  	v11 =	vld [tilespmem:$0xD80];
	v35 =	vimm.s32 $0x2;
	v62 =	vperm.xlane v37, v60;
	v8 =	vperm.xlane v8, v61  }
0x64d: {  	v10 =	vld [tilespmem:$0xDC0];
	v58 =	vimm.s32 $0xA;
	v59 =	vimm.s32 $0x6;
	v4 =	vperm.xlane v1, v63  }
0x64e: {  	v36 =	vld [tilespmem:$0x1FF60];
	v5 =	vsel vm1, v20, v28;
	v33 =	vmul.f32 v16, v62;
	v14 =	vadd.f32 v8, v22  }
0x64f: {  	v47 =	vld [tilespmem:$0xD90];
	v22 =	vsel vm1, v30, v29;
	v29 =	vperm.xlane v5, v15;
	v1 =	vadd.f32 v1, v4  }
0x650: {  	v57 =	vld [tilespmem:$0x1FF60];
	v5 =	vimm.s32 $0x0;
	v30 =	vadd.f32 v31, v22;
	v22 =	vsel vm1, v28, v20  }
0x651: {  	[tilespmem:$0x1FA90] =	vst v3;
	v3 =	vld [tilespmem:$0x16B0];
	v15 =	vpop (erf);
	v28 =	vadd.f32 v29, v22;
	v29 =	vperm.xlane v37, v35;
	v31 =	vsel vm2, v14, v21  }
0x652: {  	v63 =	vld [tilespmem:$0xA80];
	v1 =	vmul.f32 $1.442695020e+00, v1;
	v46 =	vsel vm2, v21, v14;
	v14 =	vperm.xlane v15, v5  }
0x653: {  	v4 =	vld [tilespmem:$0xAA0];
	v31 =	vperm.xlane v31, v36;
	v41 =	vmul.f32 v2, v29;
	v29 =	vsel vm2, v28, v30  }
0x654: {  	v5 =	vld [tilespmem:$0xA90];
	(erf) = vpow2.f32 v1;
	v28 =	vsel vm2, v30, v28;
	v30 =	vperm.xlane v37, v58  }
0x655: {  	v62 =	vimm.s32 $0xC;
	v34 =	vmul.f32 v19, v14;
	v2 =	vld [tilespmem:$0xAB0];
	v29 =	vperm.xlane v29, v57  }
0x656: {  	v36 =	vld [tilespmem:$0x1FF70];
	v58 =	vimm.s32 $0x4;
	v1 =	vadd.f32 v31, v46;
	v31 =	vperm.xlane v37, v59  }
0x657: {  	v14 =	vperm.xlane v15, v62;
	v57 =	vld [tilespmem:$0x1680];
	v59 =	vperm.xlane v15, v58;
	v32 =	vadd.f32 v29, v28  }
0x658: {  	[tilespmem:$0x1FAA0] =	vst v41;
	v41 =	vld [tilespmem:$0x1690];
	v28 =	vmul.f32 v44, v30;
	v29 =	vmul.f32 v40, v31;
	v44 =	vimm.s32 $0x8  }
0x659: {  	[tilespmem:$0x1FAC0] =	vst v34;
	v34 =	vimm.s32 $0x2;
	v40 =	vld [tilespmem:$0x16A0];
	v46 =	vperm.xlane v15, v44;
	v44 =	vmul.f32 v13, v14  }
0x65a: {  	v14 =	vld [tilespmem:$0x1FF80];
	v35 =	vsel vm3, v32, v1;
	v1 =	vsel vm3, v1, v32;
	v3 =	vmul.f32 v2, v3  }
0x65b: {  	v13 =	vld [tilespmem:$0x16C0];
	v32 =	vimm.s32 $0xE;
	v16 =	vperm.xlane v35, v36;
	v62 =	vmul.f32 v9, v46  }
0x65c: {  	v9 =	vperm.xlane v15, v34;
	v36 =	vmul.f32 v23, v59;
	v59 =	vimm.s32 $0x6;
	v35 =	vld [tilespmem:$0xAE0]  }
0x65d: {  	v0 =	vperm.xlane v15, v32;
	v60 =	vperm.xlane v15, v59;
	v59 =	vld [tilespmem:$0xAF0];
	v1 =	vadd.f32 v1, v16  }
0x65e: {  	[tilespmem:$0x1FAB0] =	vst v33;
	v58 =	vimm.s32 $0xA;
	v5 =	vmul.f32 v5, v41;
	v46 =	vmul.f32 v17, v9;
	v17 =	vld [tilespmem:$0xAC0]  }
0x65f: {  	v6 =	vimm.s32 $0x0;
	[tilespmem:$0x1FAD0] =	vst v36;
	v9 =	vperm.xlane v15, v58;
	v36 =	vld [tilespmem:$0xAD0];
	v19 =	vpop (erf);
	v23 =	vperm.xlane v1, v14  }
0x660: {  	[tilespmem:$0x1FAF0] =	vst v46;
	v46 =	vld [tilespmem:$0x16D0];
	v33 =	vperm.xlane v19, v6;
	v6 =	vmul.f32 v39, v60  }
0x661: {  	v0 =	vmul.f32 v12, v0;
	v51 =	vmul.f32 v51, v9;
	v9 =	vld [tilespmem:$0x16E0]  }
0x662: {  	v58 =	vld [tilespmem:$0x16F0];
	[tilespmem:$0x1FB00] =	vst v6;
	v1 =	vadd.f32 v1, v23;
	v34 =	vmul.f32 v11, v33;
	v6 =	vimm.s32 $0x8  }
0x663: {  	v41 =	vld [tilespmem:$0x1FF50];
	v23 =	vmul.f32 v63, v57;
	v11 =	vperm.xlane v19, v6  }
0x664: {  	v4 =	vmul.f32 v4, v40;
	v33 =	vld [tilespmem:$0x1FF50];
	v1 =	vmul.f32 $1.442695020e+00, v1  }
0x665: {  	v18 =	vld [tilespmem:$0xDB0];
	[tilespmem:$0x1FB10] =	vst v0;
	v32 =	vsel vm1, v5, v23;
	v63 =	vmul.f32 v47, v11;
	v11 =	vmul.f32 v17, v13  }
0x666: {  	v14 =	vld [tilespmem:$0x1FF50];
	[tilespmem:$0x1FB20] =	vst v34;
	v5 =	vsel vm1, v23, v5;
	v34 =	vmul.f32 v36, v46;
	v0 =	vmul.f32 v35, v9  }
0x667: {  	v50 =	vld [tilespmem:$0xDE0];
	v9 =	vmul.f32 v59, v58;
	v35 =	vsel vm1, v3, v4;
	v3 =	vsel vm1, v4, v3  }
0x668: {  	v58 =	vld [tilespmem:$0x1FF50];
	v59 =	vimm.s32 $0x4;
	(erf) = vpow2.f32 v1;
	v46 =	vperm.xlane v35, v41  }
0x669: {  	v55 =	vld [tilespmem:$0xDA0];
	v17 =	vimm.s32 $0xC;
	v60 =	vperm.xlane v19, v59;
	v2 =	vperm.xlane v32, v33  }
0x66a: {  	v8 =	vld [tilespmem:$0xE00];
	v57 =	vsel vm1, v34, v11;
	v23 =	vsel vm1, v9, v0;
	v13 =	vsel vm1, v11, v34  }
0x66b: {  	v0 =	vsel vm1, v0, v9;
	v33 =	vld [tilespmem:$0x1FF60];
	v34 =	vimm.s32 $0x2;
	v11 =	vperm.xlane v23, v14  }
0x66c: {  	v6 =	vld [tilespmem:$0xB30];
	v3 =	vadd.f32 v46, v3;
	v35 =	vperm.xlane v19, v34;
	v5 =	vadd.f32 v2, v5  }
0x66d: {  	v12 =	vperm.xlane v57, v58;
	v0 =	vadd.f32 v11, v0;
	v11 =	vperm.xlane v19, v17;
	v17 =	vld [tilespmem:$0x1FF60]  }
0x66e: {  	v36 =	vld [tilespmem:$0x1700];
	v60 =	vmul.f32 v55, v60  }
0x66f: {  	v46 =	vld [tilespmem:$0xB00];
	v35 =	vmul.f32 v10, v35;
	v32 =	vsel vm2, v3, v5;
	v4 =	vadd.f32 v12, v13  }
0x670: {  	v10 =	vld [tilespmem:$0x1730];
	v58 =	vimm.s32 $0x0;
	v12 =	vperm.xlane v32, v33;
	v33 =	vimm.s32 $0x6  }
0x671: {  	v14 =	vld [tilespmem:$0x1710];
	v3 =	vsel vm2, v5, v3;
	v34 =	vperm.xlane v19, v33;
	v59 =	vsel vm2, v0, v4;
	v9 =	vpop (erf)  }
0x672: {  	v55 =	vld [tilespmem:$0xB10];
	v32 =	vimm.s32 $0xA;
	v5 =	vperm.xlane v59, v17;
	v59 =	vperm.xlane v9, v58  }
0x673: {  	v1 =	vld [tilespmem:$0xB50];
	v18 =	vmul.f32 v18, v11;
	v11 =	vperm.xlane v19, v32  }
0x674: {  	v32 =	vmul.f32 v50, v34;
	v50 =	vmul.f32 v8, v59;
	v8 =	vld [tilespmem:$0x1750]  }
0x675: {  	v6 =	vmul.f32 v6, v10;
	v10 =	vld [tilespmem:$0x1FF50];
	_ =	sdelay $0x1  }
0x676: {  	v38 =	vld [tilespmem:$0xDD0];
	v36 =	vmul.f32 v46, v36;
	v14 =	vmul.f32 v55, v14  }
0x677: {  	v7 =	vld [tilespmem:$0xB20]  }
0x678: {  	v23 =	vld [tilespmem:$0x1740];
	v13 =	vimm.s32 $0xE;
	v1 =	vmul.f32 v1, v8;
	v8 =	vsel vm1, v14, v36  }
0x679: {  	v17 =	vperm.xlane v19, v13;
	v13 =	vld [tilespmem:$0x1FF70];
	v8 =	vperm.xlane v8, v10  }
0x67a: {  	v2 =	vld [tilespmem:$0xB40];
	v3 =	vadd.f32 v12, v3;
	v4 =	vsel vm2, v4, v0;
	v14 =	vsel vm1, v36, v14  }
0x67b: {  	v4 =	vadd.f32 v5, v4;
	v14 =	vadd.f32 v8, v14;
	v8 =	vld [tilespmem:$0x1F8D0]  }
0x67c: {  	v57 =	vld [tilespmem:$0x1720];
	v31 =	vmul.f32 v38, v11;
	v38 =	vimm.s32 $0x4  }
0x67d: {  	v58 =	vperm.xlane v9, v38;
	v38 =	vld [tilespmem:$0x1FF80];
	v12 =	vsel vm3, v4, v3  }
0x67e: {  	v5 =	vperm.xlane v12, v13  }
0x67f: {  	v3 =	vsel vm3, v3, v4  }
0x680: {  	v3 =	vadd.f32 v3, v5;
	[tilespmem:$0x1A80] =	vst v8;
	v8 =	vld [tilespmem:$0x1FF50]  }
0x681: {  	v55 =	vmul.f32 v7, v57  }
0x682: {  	v2 =	vmul.f32 v2, v23;
	v5 =	vperm.xlane v3, v38  }
0x683: {  	v10 =	vsel vm1, v6, v55  }
0x684: {  	v3 =	vadd.f32 v3, v5;
	v5 =	vsel vm1, v55, v6;
	v6 =	vsel vm1, v1, v2  }
0x685: {  	v24 =	vld [tilespmem:$0xDF0];
	v6 =	vperm.xlane v6, v8  }
0x686: {  	v22 =	vld [tilespmem:$0xE20];
	v1 =	vsel vm1, v2, v1  }
0x687: {  	v1 =	vadd.f32 v6, v1;
	v6 =	vld [tilespmem:$0x1F910]  }
0x688: {  	v21 =	vld [tilespmem:$0xE40]  }
0x689: {  	v30 =	vld [tilespmem:$0x1760]  }
0x68a: {  	v0 =	vld [tilespmem:$0xB60]  }
0x68b: {  	v11 =	vld [tilespmem:$0x1FF50];
	v12 =	vimm.s32 $0x2  }
0x68c: {  	v34 =	vmul.f32 v24, v17;
	v17 =	vimm.s32 $0x8;
	v13 =	vperm.xlane v9, v12;
	[tilespmem:$0x1AC0] =	vst v6;
	v6 =	vld [tilespmem:$0x1F920]  }
0x68d: {  	v33 =	vperm.xlane v9, v17;
	v17 =	vld [tilespmem:$0x1770]  }
0x68e: {  	v22 =	vmul.f32 v22, v58;
	v58 =	vmul.f32 v21, v13;
	v21 =	vld [tilespmem:$0xB70]  }
0x68f: {  	v61 =	vld [tilespmem:$0xE30]  }
0x690: {  	v57 =	vld [tilespmem:$0x1FF50];
	v10 =	vperm.xlane v10, v11  }
0x691: {  	v59 =	vimm.s32 $0xC;
	[tilespmem:$0x1AD0] =	vst v6;
	v6 =	vld [tilespmem:$0x1FF60]  }
0x692: {  	v24 =	vperm.xlane v9, v59;
	v5 =	vadd.f32 v10, v5  }
0x693: {  	v0 =	vmul.f32 v0, v30;
	v4 =	vmul.f32 v21, v17  }
0x694: {  	v59 =	vimm.s32 $0x6;
	v24 =	vmul.f32 v61, v24;
	v61 =	vsel vm2, v5, v14  }
0x695: {  	v8 =	vsel vm1, v4, v0;
	v0 =	vsel vm1, v0, v4;
	v4 =	vperm.xlane v9, v59  }
0x696: {  	v2 =	vperm.xlane v8, v57;
	v59 =	vperm.xlane v61, v6;
	v6 =	vld [tilespmem:$0x1FF60];
	_ =	sdelay $0x1  }
0x697: {  	v0 =	vadd.f32 v2, v0;
	_ =	sdelay $0x1  }
0x698: {  	[tilespmem:$0x1B00] =	vst v48;
	v48 =	vld [tilespmem:$0x17F0];
	v17 =	vsel vm2, v0, v1  }
0x699: {  	v61 =	vperm.xlane v17, v6;
	v17 =	vld [tilespmem:$0x1FF90]  }
0x69a: {  	v6 =	vld [tilespmem:$0x1FF90]  }
0x69b: {  	v20 =	vld [tilespmem:$0xE10]  }
0x69c: {  	[tilespmem:$0x1CD0] =	vst v28;
	v28 =	vld [tilespmem:$0xC70]  }
0x69d: {  	[tilespmem:$0x1CE0] =	vst v29;
	v29 =	vld [tilespmem:$0xFB0]  }
0x69e: {  	[tilespmem:$0x1FAE0] =	vst v44;
	v44 =	vld [tilespmem:$0xE50]  }
0x69f: {  	v0 =	vsel vm2, v1, v0;
	v1 =	vperm.xlane v25, v17;
	v25 =	vperm.xlane v43, v6;
	v6 =	vld [tilespmem:$0x1F930]  }
0x6a0: {  	v40 =	vld [tilespmem:$0xE60]  }
0x6a1: {  	v16 =	vld [tilespmem:$0xE80]  }
0x6a2: {  	v39 =	vld [tilespmem:$0xE90]  }
0x6a3: {  	[tilespmem:$0x1D50] =	vst v51;
	v51 =	vld [tilespmem:$0x1FB00]  }
0x6a4: {  	[tilespmem:$0x1B30] =	vst v6;
	v6 =	vld [tilespmem:$0x1F940]  }
0x6a5: {  	v47 =	vld [tilespmem:$0xE70]  }
0x6a6: {  	v41 =	vld [tilespmem:$0xEA0]  }
0x6a7: {  	[tilespmem:$0x1DA0] =	vst v60;
	v60 =	vld [tilespmem:$0x1FF90]  }
0x6a8: {  	v17 =	vld [tilespmem:$0x1F950]  }
0x6a9: {  	[tilespmem:$0x1B40] =	vst v6;
	v6 =	vld [tilespmem:$0x1FF10]  }
0x6aa: {  	v46 =	vld [tilespmem:$0x17B0]  }
0x6ab: {  	v23 =	vld [tilespmem:$0x1790]  }
0x6ac: {  	v7 =	vld [tilespmem:$0xB80]  }
0x6ad: {  	v30 =	vld [tilespmem:$0xB90];
	v5 =	vsel vm2, v14, v5  }
0x6ae: {  	[tilespmem:$0x1AE0] =	vst v45;
	v45 =	vadd.f32 v59, v5;
	v59 =	vperm.xlane v17, v6;
	v6 =	vld [tilespmem:$0x1F960]  }
0x6af: {  	[tilespmem:$0x1DD0] =	vst v31;
	v31 =	vld [tilespmem:$0x1FF70]  }
0x6b0: {  	v38 =	vld [tilespmem:$0x1780]  }
0x6b1: {  	v36 =	vld [tilespmem:$0xBA0]  }
0x6b2: {  	[tilespmem:$0x1AF0] =	vst v53;
	v53 =	vmul.f32 v30, v23;
	v23 =	vld [tilespmem:$0xBF0]  }
0x6b3: {  	[tilespmem:$0x1B50] =	vst v6;
	v6 =	vld [tilespmem:$0x1FF50]  }
0x6b4: {  	v30 =	vld [tilespmem:$0xEB0]  }
0x6b5: {  	v10 =	vld [tilespmem:$0x1F8E0];
	v7 =	vmul.f32 v7, v38  }
0x6b6: {  	v57 =	vld [tilespmem:$0x17C0]  }
0x6b7: {  	v2 =	vld [tilespmem:$0xBC0];
	v0 =	vadd.f32 v61, v0;
	v61 =	vsel vm1, v53, v7  }
0x6b8: {  	v8 =	vimm.s32 $0xA;
	v13 =	vmul.f32 v40, v4;
	v40 =	vperm.xlane v61, v6;
	v6 =	vld [tilespmem:$0x1F970]  }
0x6b9: {  	v21 =	vld [tilespmem:$0x17A0];
	v8 =	vperm.xlane v9, v8  }
0x6ba: {  	[tilespmem:$0x1A90] =	vst v10;
	v10 =	vld [tilespmem:$0x1F8F0]  }
0x6bb: {  	v12 =	vmul.f32 v44, v8;
	v44 =	vld [tilespmem:$0x17E0]  }
0x6bc: {  	v2 =	vmul.f32 v2, v57;
	v57 =	vld [tilespmem:$0x1FF70]  }
0x6bd: {  	[tilespmem:$0x1B60] =	vst v6;
	v6 =	vld [tilespmem:$0x1F980]  }
0x6be: {  	v43 =	vld [tilespmem:$0xBE0]  }
0x6bf: {  	v55 =	vld [tilespmem:$0xBB0];
	v3 =	vmul.f32 $1.442695020e+00, v3  }
0x6c0: {  	[tilespmem:$0x1B10] =	vst v56;
	v33 =	vmul.f32 v20, v33;
	v11 =	vld [tilespmem:$0x1F900];
	v56 =	vsel vm3, v0, v45  }
0x6c1: {  	(erf) = vpow2.f32 v3;
	[tilespmem:$0x1AA0] =	vst v10;
	v10 =	vimm.s32 $0xE;
	v4 =	vld [tilespmem:$0x17D0];
	v3 =	vperm.xlane v56, v57  }
0x6c2: {  	v21 =	vmul.f32 v36, v21;
	v10 =	vperm.xlane v9, v10;
	v0 =	vsel vm3, v45, v0;
	[tilespmem:$0x1B70] =	vst v6;
	v6 =	vld [tilespmem:$0x1FF50]  }
0x6c3: {  	v0 =	vadd.f32 v0, v3;
	v3 =	vmul.f32 v43, v44;
	v44 =	vshll.u32 v59, $0x3;
	v59 =	vld [tilespmem:$0x1FF00]  }
0x6c4: {  	v20 =	vmul.f32 v47, v10;
	v47 =	vld [tilespmem:$0xBD0];
	v1 =	vsel vm1, v1, v25;
	v25 =	vmul.f32 v55, v46  }
0x6c5: {  	v38 =	vld [tilespmem:$0xF00]  }
0x6c6: {  	v57 =	vld [tilespmem:$0x1FF50];
	v45 =	vsel vm1, v25, v21  }
0x6c7: {  	v5 =	vmul.f32 v23, v48;
	v48 =	vsel vm1, v21, v25;
	v21 =	vperm.xlane v45, v6;
	v6 =	vld [tilespmem:$0x1FF80]  }
0x6c8: {  	v14 =	vor.u32 v59, v44;
	v44 =	vld [tilespmem:$0x1FF50]  }
0x6c9: {  	v36 =	vld [tilespmem:$0xEC0];
	v4 =	vmul.f32 v47, v4;
	v7 =	vsel vm1, v7, v53  }
0x6ca: {  	v7 =	vadd.f32 v40, v7;
	v40 =	vld [tilespmem:$0x1FF60]  }
0x6cb: {  	v25 =	vsel vm1, v4, v2;
	[tilespmem:$0x2210] =	vst v14;
	v14 =	vadd.f32 v21, v48;
	v48 =	vld [tilespmem:$0x1F9B0]  }
0x6cc: {  	v8 =	vld [tilespmem:$0x1F9A0];
	[tilespmem:$0x2190] =	vst v1;
	v1 =	vperm.xlane v25, v57;
	v61 =	vsel vm1, v5, v3;
	v25 =	vperm.xlane v0, v6  }
0x6cd: {  	v47 =	vld [tilespmem:$0xEE0];
	v53 =	vimm.s32 $0x0;
	v2 =	vsel vm1, v2, v4;
	v4 =	vperm.xlane v61, v44  }
0x6ce: {  	v23 =	vld [tilespmem:$0xEF0];
	v45 =	vsel vm1, v3, v5;
	v56 =	vsel vm2, v14, v7;
	v0 =	vadd.f32 v0, v25  }
0x6cf: {  	[tilespmem:$0x1B20] =	vst v52;
	v52 =	vpop (erf);
	v1 =	vadd.f32 v1, v2;
	v2 =	vadd.f32 v4, v45;
	v4 =	vperm.xlane v56, v40;
	v56 =	vld [tilespmem:$0x1FF60]  }
0x6d0: {  	v3 =	vperm.xlane v52, v53;
	[tilespmem:$0x1BA0] =	vst v48;
	v48 =	vsel vm2, v7, v14;
	v14 =	vld [tilespmem:$0x1F9F0];
	v0 =	vmul.f32 $1.442695020e+00, v0  }
0x6d1: {  	v46 =	vld [tilespmem:$0xED0]  }
0x6d2: {  	v16 =	vmul.f32 v16, v3;
	(erf) = vpow2.f32 v0;
	v0 =	vadd.f32 v4, v48;
	v48 =	vld [tilespmem:$0x1FA00]  }
0x6d3: {  	v55 =	vld [tilespmem:$0xF10];
	v53 =	vsel vm2, v2, v1;
	v1 =	vsel vm2, v1, v2;
	v40 =	vimm.s32 $0x8  }
0x6d4: {  	v57 =	vld [tilespmem:$0xF20];
	v2 =	vperm.xlane v52, v40;
	v40 =	vimm.s32 $0x2;
	v3 =	vperm.xlane v53, v56  }
0x6d5: {  	v44 =	vld [tilespmem:$0x1F9D0];
	v5 =	vperm.xlane v52, v40;
	[tilespmem:$0x1BE0] =	vst v14;
	v14 =	vimm.s32 $0xC  }
0x6d6: {  	[tilespmem:$0x1C10] =	vst v54;
	v7 =	vld [tilespmem:$0x1F9E0];
	v1 =	vadd.f32 v3, v1;
	v3 =	vperm.xlane v52, v14  }
0x6d7: {  	v54 =	vmul.f32 v36, v5;
	v5 =	vld [tilespmem:$0x1FA20];
	[tilespmem:$0x1BF0] =	vst v48;
	v48 =	vmul.f32 v39, v2;
	v39 =	vimm.s32 $0xA  }
0x6d8: {  	[tilespmem:$0x1AB0] =	vst v11;
	v11 =	vmul.f32 v30, v3;
	v3 =	vperm.xlane v52, v39;
	v39 =	vld [tilespmem:$0x1FA40]  }
0x6d9: {  	[tilespmem:$0x1B90] =	vst v8;
	v43 =	vld [tilespmem:$0xF50]  }
0x6da: {  	[tilespmem:$0x1BC0] =	vst v44;
	v36 =	vld [tilespmem:$0x1FF70]  }
0x6db: {  	[tilespmem:$0x1BD0] =	vst v7;
	v7 =	vld [tilespmem:$0x1FA10]  }
0x6dc: {  	[tilespmem:$0x1C20] =	vst v5;
	v8 =	vmul.f32 v46, v3;
	v46 =	vld [tilespmem:$0x1FF20]  }
0x6dd: {  	v44 =	vimm.s32 $0x4;
	v5 =	vimm.s32 $0x6;
	[tilespmem:$0x1C40] =	vst v39;
	v39 =	vld [tilespmem:$0x1FA50]  }
0x6de: {  	v6 =	vld [tilespmem:$0x1F990];
	v4 =	vperm.xlane v52, v44;
	v5 =	vperm.xlane v52, v5  }
0x6df: {  	v25 =	vld [tilespmem:$0xF40]  }
0x6e0: {  	v44 =	vmul.f32 v41, v4;
	v41 =	vsel vm3, v1, v0;
	[tilespmem:$0x1C00] =	vst v7;
	v7 =	vmul.f32 v47, v5;
	v5 =	vld [tilespmem:$0x1FA70]  }
0x6e1: {  	v21 =	vperm.xlane v41, v36;
	v47 =	vld [tilespmem:$0x1FF90]  }
0x6e2: {  	v0 =	vsel vm3, v0, v1;
	v1 =	vperm.xlane v17, v46;
	[tilespmem:$0x1C50] =	vst v39;
	v39 =	vld [tilespmem:$0x1FF90]  }
0x6e3: {  	[tilespmem:$0x1B80] =	vst v6;
	v6 =	vld [tilespmem:$0xF30];
	v36 =	vimm.s32 $0xE  }
0x6e4: {  	v36 =	vperm.xlane v52, v36;
	v3 =	vld [tilespmem:$0x1FF80];
	v1 =	vshll.u32 v1, $0x3  }
0x6e5: {  	v4 =	vld [tilespmem:$0x1800];
	v0 =	vadd.f32 v0, v21;
	v21 =	vpop (erf);
	[tilespmem:$0x1C70] =	vst v5;
	v5 =	vimm.s32 $0x4;
	v1 =	vor.u32 v59, v1  }
0x6e6: {  	v14 =	vld [tilespmem:$0xC00];
	v27 =	vperm.xlane v27, v47;
	v47 =	vimm.s32 $0x8;
	[tilespmem:$0x2220] =	vst v1;
	v1 =	vperm.xlane v21, v5  }
0x6e7: {  	v41 =	vld [tilespmem:$0x1FA30];
	v47 =	vperm.xlane v21, v47;
	v26 =	vperm.xlane v26, v39;
	v39 =	vimm.s32 $0x0  }
0x6e8: {  	v5 =	vmul.f32 v57, v1;
	v57 =	vld [tilespmem:$0x1FA80];
	v39 =	vperm.xlane v21, v39  }
0x6e9: {  	v30 =	vld [tilespmem:$0x1810];
	v10 =	vmul.f32 v23, v36;
	v26 =	vsel vm1, v26, v27;
	v27 =	vperm.xlane v0, v3  }
0x6ea: {  	v2 =	vld [tilespmem:$0xC30];
	[tilespmem:$0x21A0] =	vst v26;
	v38 =	vmul.f32 v38, v39;
	v26 =	vmul.f32 v55, v47;
	v55 =	vimm.s32 $0xC  }
0x6eb: {  	[tilespmem:$0x1C80] =	vst v49;
	v36 =	vld [tilespmem:$0x1FA60];
	v39 =	vimm.s32 $0x2;
	v0 =	vadd.f32 v0, v27;
	v27 =	vperm.xlane v21, v55  }
0x6ec: {  	v49 =	vimm.s32 $0xA;
	[tilespmem:$0x1C30] =	vst v41;
	v41 =	vld [tilespmem:$0xC10];
	v39 =	vperm.xlane v21, v39  }
0x6ed: {  	[tilespmem:$0x1C90] =	vst v57;
	v57 =	vperm.xlane v21, v49;
	v49 =	vmul.f32 v6, v27;
	v6 =	vld [tilespmem:$0x1860]  }
0x6ee: {  	[tilespmem:$0x1CA0] =	vst v42;
	v42 =	vmul.f32 v25, v39;
	v25 =	vld [tilespmem:$0xC60]  }
0x6ef: {  	v23 =	vld [tilespmem:$0xC20]  }
0x6f0: {  	[tilespmem:$0x1C60] =	vst v36;
	v36 =	vld [tilespmem:$0x1830]  }
0x6f1: {  	v46 =	vld [tilespmem:$0x1820]  }
0x6f2: {  	v39 =	vmul.f32 v43, v57;
	v57 =	vmul.f32 v41, v30;
	v30 =	vld [tilespmem:$0x1FAB0]  }
0x6f3: {  	v0 =	vmul.f32 $1.442695020e+00, v0;
	v6 =	vmul.f32 v25, v6;
	v25 =	vld [tilespmem:$0x1FF50]  }
0x6f4: {  	v1 =	vld [tilespmem:$0xC50]  }
0x6f5: {  	v3 =	vld [tilespmem:$0x1840];
	(erf) = vpow2.f32 v0;
	v0 =	vmul.f32 v14, v4  }
0x6f6: {  	v47 =	vld [tilespmem:$0xC40]  }
0x6f7: {  	v41 =	vsel vm1, v57, v0;
	[tilespmem:$0x1CF0] =	vst v30;
	v30 =	vld [tilespmem:$0x1FF90]  }
0x6f8: {  	v55 =	vld [tilespmem:$0x1850];
	v25 =	vperm.xlane v41, v25  }
0x6f9: {  	v27 =	vld [tilespmem:$0x1FA90];
	v0 =	vsel vm1, v0, v57  }
0x6fa: {  	v0 =	vadd.f32 v25, v0;
	v25 =	vld [tilespmem:$0x1FF50]  }
0x6fb: {  	v61 =	vld [tilespmem:$0x1F9C0];
	v2 =	vmul.f32 v2, v36  }
0x6fc: {  	v23 =	vmul.f32 v23, v46;
	v30 =	vperm.xlane v37, v30;
	v37 =	vld [tilespmem:$0x1FF50]  }
0x6fd: {  	[tilespmem:$0x1E00] =	vst v50;
	v50 =	vld [tilespmem:$0x1960]  }
0x6fe: {  	v4 =	vld [tilespmem:$0x1870];
	v3 =	vmul.f32 v47, v3;
	v1 =	vmul.f32 v1, v55;
	v55 =	vsel vm1, v2, v23  }
0x6ff: {  	[tilespmem:$0x1CB0] =	vst v27;
	v27 =	vld [tilespmem:$0x1FAA0];
	v14 =	vperm.xlane v55, v25  }
0x700: {  	[tilespmem:$0x1BB0] =	vst v61;
	v61 =	vld [tilespmem:$0xF70];
	v2 =	vsel vm1, v23, v2;
	v23 =	vsel vm1, v1, v3  }
0x701: {  	v14 =	vadd.f32 v14, v2;
	v2 =	vperm.xlane v23, v37;
	v23 =	vld [tilespmem:$0x1FF50]  }
0x702: {  	v57 =	vld [tilespmem:$0x1FAF0]  }
0x703: {  	v46 =	vld [tilespmem:$0x1FAC0];
	v4 =	vmul.f32 v28, v4  }
0x704: {  	[tilespmem:$0x1CC0] =	vst v27;
	v27 =	vld [tilespmem:$0x1FF30]  }
0x705: {  	[tilespmem:$0x1D10] =	vst v62;
	v62 =	vsel vm1, v4, v6;
	v37 =	vld [tilespmem:$0x1FF90]  }
0x706: {  	v23 =	vperm.xlane v62, v23;
	v62 =	vld [tilespmem:$0x1FB10]  }
0x707: {  	v43 =	vld [tilespmem:$0x1FF90];
	[tilespmem:$0x1D40] =	vst v57;
	v57 =	vimm.s32 $0xE  }
0x708: {  	v45 =	vld [tilespmem:$0xF60];
	v1 =	vsel vm1, v3, v1;
	v3 =	vperm.xlane v21, v57  }
0x709: {  	v28 =	vld [tilespmem:$0x1FAE0]  }
0x70a: {  	[tilespmem:$0x1D60] =	vst v51;
	v51 =	vperm.xlane v19, v37;
	v19 =	vmul.f32 v61, v3;
	v61 =	vld [tilespmem:$0x1FF60]  }
0x70b: {  	v27 =	vperm.xlane v17, v27;
	[tilespmem:$0x1D70] =	vst v62;
	v62 =	vld [tilespmem:$0x1FF60]  }
0x70c: {  	[tilespmem:$0x1D00] =	vst v46;
	v46 =	vld [tilespmem:$0xC90];
	v15 =	vperm.xlane v15, v43;
	v4 =	vsel vm1, v6, v4  }
0x70d: {  	v47 =	vld [tilespmem:$0x1FAD0];
	v27 =	vshll.u32 v27, $0x3;
	v1 =	vadd.f32 v2, v1;
	v4 =	vadd.f32 v23, v4  }
0x70e: {  	v41 =	vld [tilespmem:$0x1890];
	v27 =	vor.u32 v59, v27  }
0x70f: {  	v40 =	vld [tilespmem:$0xFA0];
	v15 =	vsel vm1, v30, v15;
	[tilespmem:$0x2230] =	vst v27;
	v27 =	vsel vm2, v14, v0;
	v30 =	vsel vm2, v4, v1  }
0x710: {  	v53 =	vld [tilespmem:$0xF80];
	[tilespmem:$0x1D30] =	vst v28;
	v28 =	vimm.s32 $0x6;
	v27 =	vperm.xlane v27, v61;
	v30 =	vperm.xlane v30, v62  }
0x711: {  	[tilespmem:$0x1D90] =	vst v63;
	v56 =	vld [tilespmem:$0xF90];
	v28 =	vperm.xlane v21, v28;
	v0 =	vsel vm2, v0, v14;
	v1 =	vsel vm2, v1, v4  }
0x712: {  	v63 =	vimm.s32 $0x8;
	[tilespmem:$0x1D20] =	vst v47;
	v47 =	vld [tilespmem:$0x18B0];
	v27 =	vadd.f32 v27, v0;
	v1 =	vadd.f32 v30, v1  }
0x713: {  	[tilespmem:$0x1DE0] =	vst v32;
	v28 =	vmul.f32 v45, v28;
	v45 =	vimm.s32 $0x0;
	v32 =	vmul.f32 v46, v41;
	v46 =	vld [tilespmem:$0x1FF90];
	v2 =	vpop (erf)  }
0x714: {  	[tilespmem:$0x21B0] =	vst v15;
	v15 =	vperm.xlane v2, v45;
	v62 =	vsel vm3, v1, v27;
	v1 =	vsel vm3, v27, v1;
	v27 =	vld [tilespmem:$0x1FF90]  }
0x715: {  	[tilespmem:$0x1DB0] =	vst v18;
	v6 =	vld [tilespmem:$0xCB0];
	v14 =	vperm.xlane v2, v63  }
0x716: {  	[tilespmem:$0x1EB0] =	vst v11;
	v11 =	vld [tilespmem:$0x1FF60];
	v18 =	vmul.f32 v53, v15  }
0x717: {  	v57 =	vld [tilespmem:$0x1FB20];
	v53 =	vmul.f32 v56, v14;
	v14 =	vperm.xlane v62, v31  }
0x718: {  	v36 =	vld [tilespmem:$0x1880]  }
0x719: {  	v43 =	vld [tilespmem:$0xC80];
	v1 =	vadd.f32 v1, v14;
	v14 =	vperm.xlane v21, v46;
	v27 =	vperm.xlane v52, v27  }
0x71a: {  	v6 =	vmul.f32 v6, v47;
	v47 =	vld [tilespmem:$0xD50]  }
0x71b: {  	v14 =	vsel vm1, v27, v14;
	v27 =	vld [tilespmem:$0x1FF80]  }
0x71c: {  	[tilespmem:$0x1D80] =	vst v57;
	v57 =	vld [tilespmem:$0xCD0]  }
0x71d: {  	v25 =	vld [tilespmem:$0x18A0]  }
0x71e: {  	v55 =	vld [tilespmem:$0xCA0]  }
0x71f: {  	v3 =	vld [tilespmem:$0xCC0]  }
0x720: {  	v45 =	vld [tilespmem:$0x18D0];
	v27 =	vperm.xlane v1, v27  }
0x721: {  	v63 =	vld [tilespmem:$0xCF0]  }
0x722: {  	v1 =	vadd.f32 v1, v27;
	v27 =	vld [tilespmem:$0x1FF50]  }
0x723: {  	v23 =	vld [tilespmem:$0x18C0]  }
0x724: {  	v4 =	vld [tilespmem:$0x18E0];
	v31 =	vmul.f32 v43, v36  }
0x725: {  	v61 =	vld [tilespmem:$0x18F0]  }
0x726: {  	[tilespmem:$0x1E30] =	vst v24;
	v30 =	vld [tilespmem:$0xCE0];
	v24 =	vsel vm1, v32, v31  }
0x727: {  	v24 =	vperm.xlane v24, v27;
	v27 =	vld [tilespmem:$0x1FF50]  }
0x728: {  	v57 =	vmul.f32 v57, v45;
	v45 =	vld [tilespmem:$0x1FF50]  }
0x729: {  	v21 =	vmul.f32 v55, v25;
	v46 =	vld [tilespmem:$0x1FF50]  }
0x72a: {  	v9 =	vperm.xlane v9, v60;
	v52 =	vld [tilespmem:$0x1FFC0]  }
0x72b: {  	v41 =	vld [tilespmem:$0xD00];
	v3 =	vmul.f32 v3, v23;
	v15 =	vmul.f32 v63, v61;
	v60 =	vsel vm1, v6, v21  }
0x72c: {  	v9 =	vsel vm1, v51, v9;
	v56 =	vld [tilespmem:$0xD10];
	v4 =	vmul.f32 v30, v4;
	v27 =	vperm.xlane v60, v27  }
0x72d: {  	[tilespmem:$0x1E70] =	vst v20;
	v51 =	vld [tilespmem:$0xD60];
	v20 =	vsel vm1, v3, v57;
	v3 =	vsel vm1, v57, v3;
	v6 =	vsel vm1, v21, v6  }
0x72e: {  	[tilespmem:$0x21C0] =	vst v9;
	v9 =	vld [tilespmem:$0x1FF60];
	v3 =	vperm.xlane v3, v45;
	v6 =	vadd.f32 v27, v6;
	v27 =	vsel vm1, v15, v4  }
0x72f: {  	[tilespmem:$0x1E50] =	vst v12;
	v23 =	vld [tilespmem:$0x1920];
	v55 =	vperm.xlane v17, v52;
	v12 =	vperm.xlane v27, v46  }
0x730: {  	v61 =	vld [tilespmem:$0x1930];
	v4 =	vsel vm1, v4, v15  }
0x731: {  	[tilespmem:$0x1E20] =	vst v22;
	v3 =	vadd.f32 v3, v20;
	v36 =	vld [tilespmem:$0x1900];
	v22 =	vshll.u32 v55, $0x3;
	v4 =	vadd.f32 v12, v4  }
0x732: {  	v62 =	vld [tilespmem:$0xD30];
	v63 =	vor.u32 v59, v22;
	v22 =	vsel vm1, v31, v32  }
0x733: {  	v25 =	vld [tilespmem:$0x1910];
	v22 =	vadd.f32 v24, v22;
	v55 =	vsel vm2, v4, v3  }
0x734: {  	v30 =	vld [tilespmem:$0xD20];
	v11 =	vperm.xlane v55, v11  }
0x735: {  	[tilespmem:$0x1DC0] =	vst v35;
	v21 =	vld [tilespmem:$0x1940];
	v27 =	vsel vm2, v6, v22;
	v3 =	vsel vm2, v3, v4  }
0x736: {  	[tilespmem:$0x1DF0] =	vst v34;
	v37 =	vimm.s32 $0x4;
	v9 =	vperm.xlane v27, v9;
	v3 =	vadd.f32 v11, v3;
	v11 =	vld [tilespmem:$0x1FF50]  }
0x737: {  	[tilespmem:$0x1E10] =	vst v33;
	v33 =	vimm.s32 $0xE;
	v0 =	vperm.xlane v2, v37;
	v31 =	vld [tilespmem:$0x1950];
	v6 =	vsel vm2, v22, v6  }
0x738: {  	[tilespmem:$0x1E40] =	vst v58;
	v20 =	vmul.f32 v56, v25;
	v22 =	vld [tilespmem:$0xD70];
	v52 =	vadd.f32 v9, v6;
	v9 =	vmul.f32 v41, v36  }
0x739: {  	[tilespmem:$0x1EE0] =	vst v7;
	v7 =	vmul.f32 v51, v50;
	v0 =	vmul.f32 v40, v0;
	v43 =	vimm.s32 $0xC;
	v6 =	vld [tilespmem:$0x1970]  }
0x73a: {  	[tilespmem:$0x1E60] =	vst v13;
	v13 =	vperm.xlane v2, v43;
	v56 =	vmul.f32 v30, v23;
	v24 =	vld [tilespmem:$0xD40];
	v23 =	vsel vm1, v20, v9  }
0x73b: {  	[tilespmem:$0x1F10] =	vst v26;
	v26 =	vimm.s32 $0x0;
	v57 =	vmul.f32 v62, v61;
	v11 =	vperm.xlane v23, v11;
	v23 =	vld [tilespmem:$0x1FF50]  }
0x73c: {  	[tilespmem:$0x1E80] =	vst v16;
	v13 =	vmul.f32 v29, v13;
	v30 =	vimm.s32 $0x2;
	v1 =	vmul.f32 $1.442695020e+00, v1;
	v60 =	vld [tilespmem:$0x1FFD0]  }
0x73d: {  	[tilespmem:$0x1EC0] =	vst v54;
	v29 =	vimm.s32 $0xC;
	v61 =	vperm.xlane v2, v30;
	v58 =	vsel vm1, v57, v56  }
0x73e: {  	[tilespmem:$0x1EA0] =	vst v44;
	v32 =	vimm.s32 $0x6;
	(erf) = vpow2.f32 v1;
	v6 =	vmul.f32 v22, v6  }
0x73f: {  	[tilespmem:$0x1ED0] =	vst v8;
	v8 =	vmul.f32 v47, v31;
	v21 =	vmul.f32 v24, v21;
	v24 =	vld [tilespmem:$0x1FF70];
	v4 =	vsel vm1, v56, v57  }
0x740: {  	[tilespmem:$0x1EF0] =	vst v10;
	v9 =	vsel vm1, v9, v20;
	v15 =	vsel vm1, v6, v7;
	v10 =	vperm.xlane v58, v23  }
0x741: {  	[tilespmem:$0x1E90] =	vst v48;
	v36 =	vld [tilespmem:$0xFE0];
	v6 =	vsel vm1, v7, v6;
	v9 =	vadd.f32 v11, v9;
	v11 =	vperm.xlane v17, v60  }
0x742: {  	[tilespmem:$0x1F20] =	vst v5;
	v7 =	vsel vm3, v3, v52;
	v4 =	vadd.f32 v10, v4;
	v10 =	vsel vm1, v8, v21  }
0x743: {  	[tilespmem:$0x1F00] =	vst v38;
	v22 =	vld [tilespmem:$0x1FF60];
	v62 =	vshll.u32 v11, $0x3;
	v11 =	vperm.xlane v15, v23;
	v10 =	vperm.xlane v10, v23  }
0x744: {  	[tilespmem:$0x1F30] =	vst v49;
	v25 =	vld [tilespmem:$0x1FF80];
	v35 =	vperm.xlane v2, v32;
	v7 =	vperm.xlane v7, v24;
	v8 =	vsel vm1, v21, v8  }
0x745: {  	[tilespmem:$0x2240] =	vst v63;
	v63 =	vld [tilespmem:$0xFC0];
	v1 =	vsel vm3, v52, v3;
	v6 =	vadd.f32 v11, v6;
	v8 =	vadd.f32 v10, v8  }
0x746: {  	[tilespmem:$0x1F40] =	vst v42;
	v31 =	vimm.s32 $0xA;
	v3 =	vmul.f32 v36, v35;
	v1 =	vadd.f32 v1, v7;
	v10 =	vld [tilespmem:$0xFD0]  }
0x747: {  	v34 =	vld [tilespmem:$0x1FF90];
	[tilespmem:$0x1F50] =	vst v39;
	v11 =	vperm.xlane v2, v31;
	v7 =	vsel vm2, v4, v9;
	v20 =	vsel vm2, v6, v8  }
0x748: {  	[tilespmem:$0x1F60] =	vst v28;
	v5 =	vor.u32 v59, v62;
	v7 =	vperm.xlane v7, v22;
	v37 =	vperm.xlane v20, v22  }
0x749: {  	v38 =	vld [tilespmem:$0xFF0];
	[tilespmem:$0x1F70] =	vst v19;
	v4 =	vsel vm2, v9, v4;
	v6 =	vsel vm2, v8, v6;
	v8 =	vperm.xlane v1, v25  }
0x74a: {  	[tilespmem:$0x1F80] =	vst v18;
	v9 =	vmul.f32 v63, v61;
	v4 =	vadd.f32 v7, v4;
	v6 =	vadd.f32 v37, v6  }
0x74b: {  	v54 =	vld [tilespmem:$0x1FFE0];
	[tilespmem:$0x1F90] =	vst v53;
	v1 =	vadd.f32 v1, v8;
	v8 =	vperm.xlane v2, v33;
	v10 =	vmul.f32 v10, v11;
	v11 =	vpop (erf)  }
0x74c: {  	v39 =	vld [tilespmem:$0x1010];
	[tilespmem:$0x1FA0] =	vst v0;
	v2 =	vperm.xlane v2, v34;
	v40 =	vperm.xlane v11, v26;
	v41 =	vsel vm3, v6, v4  }
0x74d: {  	v27 =	vimm.s32 $0x8;
	[tilespmem:$0x2250] =	vst v5;
	v7 =	vld [tilespmem:$0x1000];
	v1 =	vmul.f32 $1.442695020e+00, v1;
	v15 =	vperm.xlane v41, v24  }
0x74e: {  	[tilespmem:$0x1FC0] =	vst v9;
	v9 =	vld [tilespmem:$0x1040];
	v5 =	vmul.f32 v38, v8;
	v8 =	vperm.xlane v11, v27;
	v4 =	vsel vm3, v4, v6  }
0x74f: {  	[tilespmem:$0x1FB0] =	vst v13;
	v45 =	vperm.xlane v11, v29;
	v48 =	vperm.xlane v11, v30;
	v6 =	vld [tilespmem:$0x1030];
	v43 =	vadd.f32 v4, v15  }
0x750: {  	v42 =	vld [tilespmem:$0x1020];
	[tilespmem:$0x21D0] =	vst v14;
	v50 =	vperm.xlane v11, v32;
	(erf) = vpow2.f32 v1  }
0x751: {  	v46 =	vld [tilespmem:$0x1060];
	[tilespmem:$0x1FE0] =	vst v3;
	v58 =	vperm.xlane v11, v34;
	v47 =	vperm.xlane v43, v25  }
0x752: {  	v21 =	vimm.s32 $0x4;
	[tilespmem:$0x1FD0] =	vst v10;
	v10 =	vld [tilespmem:$0x1050];
	v7 =	vmul.f32 v7, v40;
	v44 =	vmul.f32 v39, v8  }
0x753: {  	v8 =	vperm.xlane v11, v21;
	[tilespmem:$0x1FF0] =	vst v5;
	v2 =	vsel vm1, v2, v58;
	v1 =	vadd.f32 v43, v47  }
0x754: {  	v49 =	vmul.f32 v9, v48;
	[tilespmem:$0x21E0] =	vst v2;
	v3 =	vmul.f32 v6, v45  }
0x755: {  	[tilespmem:$0x2000] =	vst v7;
	v7 =	vld [tilespmem:$0x1070];
	v6 =	vperm.xlane v11, v31;
	v1 =	vmul.f32 $1.442695020e+00, v1  }
0x756: {  	v57 =	vld [tilespmem:$0x10A0];
	v55 =	vperm.xlane v17, v54;
	v52 =	vmul.f32 v46, v50;
	[tilespmem:$0x2010] =	vst v44  }
0x757: {  	v0 =	vmul.f32 v42, v8;
	[tilespmem:$0x2040] =	vst v49;
	v51 =	vmul.f32 v10, v6;
	v6 =	vld [tilespmem:$0x1080]  }
0x758: {  	v53 =	vperm.xlane v11, v33;
	v8 =	vld [tilespmem:$0x1090];
	[tilespmem:$0x2060] =	vst v52;
	v4 =	vshll.u32 v55, $0x3  }
0x759: {  	v16 =	vld [tilespmem:$0x10F0];
	v60 =	vor.u32 v59, v4;
	[tilespmem:$0x2020] =	vst v0;
	(erf) = vpow2.f32 v1;
	v1 =	vpop (erf)  }
0x75a: {  	v9 =	vld [tilespmem:$0x10B0];
	[tilespmem:$0x2260] =	vst v60;
	v56 =	vmul.f32 v7, v53;
	v7 =	vperm.xlane v1, v26  }
0x75b: {  	[tilespmem:$0x2030] =	vst v3;
	v10 =	vld [tilespmem:$0x10C0];
	v61 =	vperm.xlane v1, v27;
	v63 =	vperm.xlane v1, v21  }
0x75c: {  	[tilespmem:$0x2050] =	vst v51;
	v13 =	vperm.xlane v1, v29;
	v62 =	vmul.f32 v6, v7;
	v6 =	vld [tilespmem:$0x10D0]  }
0x75d: {  	[tilespmem:$0x2070] =	vst v56;
	v12 =	vmul.f32 v8, v61;
	v14 =	vmul.f32 v57, v63;
	v57 =	vld [tilespmem:$0x1FFF0]  }
0x75e: {  	v15 =	vperm.xlane v1, v30;
	v7 =	vld [tilespmem:$0x10E0];
	[tilespmem:$0x2080] =	vst v62  }
0x75f: {  	v38 =	vperm.xlane v1, v33;
	v18 =	vmul.f32 v9, v13;
	[tilespmem:$0x2090] =	vst v12  }
0x760: {  	v19 =	vperm.xlane v1, v31;
	v35 =	vmul.f32 v10, v15;
	[tilespmem:$0x20A0] =	vst v14  }
0x761: {  	v36 =	vperm.xlane v1, v32;
	v8 =	vld [tilespmem:$0x1100];
	v41 =	vmul.f32 v16, v38;
	[tilespmem:$0x20B0] =	vst v18  }
0x762: {  	v9 =	vld [tilespmem:$0x1110];
	[tilespmem:$0x20C0] =	vst v35;
	v37 =	vmul.f32 v6, v19;
	v58 =	vperm.xlane v17, v57  }
0x763: {  	v10 =	vld [tilespmem:$0x1120];
	v61 =	vperm.xlane v1, v34;
	[tilespmem:$0x20F0] =	vst v41;
	v6 =	vpop (erf);
	v39 =	vmul.f32 v7, v36  }
0x764: {  	v43 =	vld [tilespmem:$0x1140];
	v40 =	vperm.xlane v6, v26;
	v62 =	vperm.xlane v6, v34;
	[tilespmem:$0x20D0] =	vst v37;
	v3 =	vshll.u32 v58, $0x3  }
0x765: {  	v7 =	vld [tilespmem:$0x1130];
	v42 =	vperm.xlane v6, v27;
	[tilespmem:$0x20E0] =	vst v39;
	v63 =	vor.u32 v59, v3  }
0x766: {  	v45 =	vperm.xlane v6, v21;
	v44 =	vmul.f32 v8, v40;
	v8 =	vld [tilespmem:$0x1150];
	v0 =	vsel vm1, v61, v62;
	[tilespmem:$0x2270] =	vst v63  }
0x767: {  	v49 =	vperm.xlane v6, v30;
	v46 =	vmul.f32 v9, v42;
	v9 =	vld [tilespmem:$0x1160];
	[tilespmem:$0x21F0] =	vst v0  }
0x768: {  	v47 =	vperm.xlane v6, v29;
	v48 =	vmul.f32 v10, v45;
	v10 =	vld [tilespmem:$0x1170];
	[tilespmem:$0x2100] =	vst v44  }
0x769: {  	v51 =	vperm.xlane v6, v31;
	v52 =	vmul.f32 v43, v49;
	[tilespmem:$0x2110] =	vst v46  }
0x76a: {  	v53 =	vperm.xlane v6, v32;
	v50 =	vmul.f32 v7, v47;
	[tilespmem:$0x2120] =	vst v48  }
0x76b: {  	v55 =	vperm.xlane v6, v33;
	[tilespmem:$0x2140] =	vst v52;
	v54 =	vmul.f32 v8, v51  }
0x76c: {  	[tilespmem:$0x2130] =	vst v50;
	v56 =	vmul.f32 v9, v53  }
0x76d: {  	v60 =	vmul.f32 v10, v55;
	[tilespmem:$0x2150] =	vst v54  }
0x76e: {  	[tilespmem:$0x2160] =	vst v56  }
0x76f: {  	[tilespmem:$0x2170] =	vst v60  }
0x770: {  	[spmem:s3] =	stream.indirect.scatter.add.f32 [tilespmem:s12], [sflag:$0x3], $0x80, s10, s0, $0xb8;
	[tilespmem:$0x19900] =	vst v63  }
0x771: {  	s11 =	simm.s32 $0x6  }
0x772: {  	[spmem:s4] =	stream.indirect.scatter.add.f32 [tilespmem:s14], [sflag:$0x3], $0x1, s13, s25, $0xb8;
	[tilespmem:$0x19900] =	vst v63  }
0x773: {  	_ =	swait.ge [sflag:s11], $0x800  }
0x774: {  	[sflag:s11] =	ssyncset.done $0x0  }
0x775: {  	[sflag:s11] =	ssyncadd.s32 $0xFFFFF800  }
0x776: {  	_ =	swait.ge [sflag:s11], $0x80  }
0x777: {  	[sflag:s11] =	ssyncset.done $0x0  }
0x778: {  	[sflag:s11] =	ssyncadd.s32 $0xFFFFFF80  }
0x779: {  	_ =	swait.ge [sflag:s16], $0x800  }
0x77a: {  	[sflag:s16] =	ssyncset.done $0x0  }
0x77b: {  	[sflag:s16] =	ssyncadd.s32 $0xFFFFF800  }
0x77c: {  	_ =	swait.ge [sflag:s16], $0x80  }
0x77d: {  	[sflag:s16] =	ssyncset.done $0x0  }
0x77e: {  	[sflag:s16] =	ssyncadd.s32 $0xFFFFFF80  }
0x77f: {  	[bflag:$0x0] =	sbarrier.arrive $0xFFFF  }
0x780: {  	s19 =	rddreg [dreg:$0xe]  }
0x781: {  	s22 =	rddreg [dreg:$0x15]  }
0x782: {  	s17 =	rddreg [dreg:$0x1b]  }
0x783: {  	[hbm:s22], [sflag:s19] =	dma.local [spmem:s17], $0x2800  }
0x784: {  	s17 =	simm.s32 $0x7  }
0x785: {  	_ =	swait.ge [sflag:s17], $0x2800  }
0x786: {  	[sflag:s17] =	ssyncset.done $0x0;
	s23 =	rddreg [dreg:$0x16]  }
0x787: {  	s20 =	rddreg [dreg:$0x1c];
	[sflag:s17] =	ssyncadd.s32 $0xFFFFD800  }
0x788: {  	[hbm:s23], [sflag:s19] =	dma.local [spmem:s20], $0x280  }
0x789: {  	_ =	swait.ge [sflag:s17], $0x280  }
0x78a: {  	s18 =	sadd.s32 $0x1, s18;
	s24 =	rddreg [dreg:$0x17]  }
0x78b: {  	p0 =	sne.s32 s18, s24  }
.Ltmp1:
0x78c: {  	_ = 	snop;
	(pc) =	sbr.rel @p0 .LBB2_1-.Ltmp1, $3  }
0x78d: {  	_ =	sdelay $0x1  }
0x78e: {  	[sflag:s17] =	ssyncset.done $0x0;
	v8 =	vld [tilespmem:$0x1FFA0]  }
0x78f: {  	v9 =	vld [tilespmem:$0x1FFB0];
	[sflag:s17] =	ssyncadd.s32 $0xFFFFFD80  }
0x790: {  	_ =	sfence.sel $0x180000  }
0x791: {  	[bflag:$0x0] =	sbarrier.arrive $0xFFFF  }
0x792: {  	_ =	strace $0x90000047  }
0x793: {  	s0 =	stileid.u32;
	[bflag:$0x2] =	sbarrier.arrive $0xFFFF  }
0x794: {  	p0 =	sne.s32 s0, $0x0;
	s0 =	rddreg [dreg:$0x4]  }
0x795: {  	s0 =	sadd.s32 @!p0 $0x100000, s0  }
0x796: {  	[sflag:s0] =	ssyncadd.tile.s32 @!p0 $0x1;
	_ =	shalt  }
.Lfunc_end2:
_tile_overlayer_lowered:
.L_overlay_start_2:
0x797: {  	(tag) =	ssettag $0x2  }
0x798: {  	s0 =	rddreg [dreg:$0x0];
	s2 =	stileid.u32  }
0x799: {  	s1 =	rddreg [dreg:$0x1];
	p0 =	sne.s32 s2, $0x0  }
0x79a: {  	s3 =	rddreg [dreg:$0x2];
	[bflag:$0x3] =	sbarrier.arrive $0xFFFF;
	s2 =	simm.s32 @!p0 $0x1C07  }
0x79b: {  	[timem:s3], [sflag:s2] =	dma.local @!p0 [hbm:s0], s1  }
0x79c: {  	s0 =	simm.s32 @!p0 $0x7  }
0x79d: {  	_ =	swait.ge @!p0 [sflag:s0], s1  }
0x79e: {  	s1 =	ssub.s32 @!p0 $0x0, s1;
	[sflag:s0] =	ssyncset.done @!p0 $0x0  }
0x79f: {  	[sflag:s0] =	ssyncadd.s32 @!p0 s1  }
0x7a0: {  	[bflag:$0x3] =	sbarrier.arrive $0xFFFF  }
0x7a1: {  	_ =	shalt  }

</sc_bundles>
